<compile_context>
chip_gen: v7x
topology: tpu7x:2x2x1
jax: 0.10.2.dev20260603
libtpu: 0.0.44.dev20260713+nightly
codegen_flags: <defaults>
</compile_context>

<pallas_src>
import functools

import jax
import jax.numpy as jnp
from jax import lax
from jax.experimental import pallas as pl
from jax.experimental.pallas import tpu as pltpu
from jax.experimental.pallas import tpu_sc as plsc

N = 10000
E = 320000
HID = 256
OUT = 128
K_ITERS = 10
ALPHA = 0.1

NC = 2
NT = 16
HC = OUT // NC
EPT = E // NT
CHUNK = 128
NCHUNK = 160
PAD_E = NCHUNK * CHUNK - EPT
NP = 10240
RPT = NP // NT
NRING = 4
NGROUP = NCHUNK // NRING
NSUB = RPT // CHUNK


def _make_prop(K):
    def body(s_init, s0, p9v, rows_h, cols_h, s_out,
             G, A, rbuf, cbuf, gb0, gb1, gb2, gb3, p9t, isem, gsem, ssem):
        c = lax.axis_index("c")
        t = lax.axis_index("s")
        r0 = t * RPT
        plane = c * NP
        gbufs = (gb0, gb1, gb2, gb3)

        pltpu.sync_copy(s_init.at[pl.ds(plane + r0, RPT)],
                        G.at[pl.ds(r0, RPT)])
        pltpu.sync_copy(s_init.at[pl.ds(plane + r0, RPT)],
                        A.at[pl.ds(r0, RPT)])
        pltpu.sync_copy(p9v.at[pl.ds(r0, RPT)], p9t)
        plsc.subcore_barrier()

        def k_body(k, _):
            for b in range(NRING):
                pltpu.async_copy(rows_h.at[t, b], rbuf.at[b], isem.at[b])
                pltpu.async_copy(cols_h.at[t, b], cbuf.at[b, 0], isem.at[b])

            def group(jj, _):
                p = lax.rem(jj, 2)
                for b in range(NRING):
                    @pl.when(jj > 0)
                    def _wait_scat():
                        pltpu.make_async_copy(
                            gbufs[b], A.at[cbuf.at[b, 1 - p]],
                            ssem.at[b]).wait()
                    j = jj * NRING + b
                    pltpu.make_async_copy(
                        rows_h.at[t, j], rbuf.at[b], isem.at[b]).wait()
                    pltpu.make_async_copy(
                        cols_h.at[t, j], cbuf.at[b, p], isem.at[b]).wait()
                    pltpu.async_copy(
                        G.at[rbuf.at[b]], gbufs[b], gsem.at[b])
                for b in range(NRING):
                    j = jj * NRING + b
                    pltpu.make_async_copy(
                        G.at[rbuf.at[b]], gbufs[b], gsem.at[b]).wait()
                    pltpu.async_copy(
                        gbufs[b], A.at[cbuf.at[b, p]], ssem.at[b], add=True)

                    @pl.when(jj < NGROUP - 1)
                    def _prefetch():
                        pltpu.async_copy(
                            rows_h.at[t, j + NRING], rbuf.at[b], isem.at[b])
                        pltpu.async_copy(
                            cols_h.at[t, j + NRING], cbuf.at[b, 1 - p],
                            isem.at[b])
                return 0
            lax.fori_loop(0, NGROUP, group, 0)
            pl_last = lax.rem(NGROUP - 1, 2)
            for b in range(NRING):
                pltpu.make_async_copy(
                    gbufs[b], A.at[cbuf.at[b, pl_last]], ssem.at[b]).wait()
            plsc.subcore_barrier()

            def issue_loads(u):
                pe = u % 2
                pltpu.async_copy(A.at[pl.ds(r0 + u * CHUNK, CHUNK)],
                                 gbufs[2 * pe], gsem.at[pe])
                pltpu.async_copy(
                    s0.at[pl.ds(plane + r0 + u * CHUNK, CHUNK)],
                    gbufs[2 * pe + 1], gsem.at[pe + 2])

            def wait_loads(u):
                pe = u % 2
                pltpu.make_async_copy(A.at[pl.ds(r0 + u * CHUNK, CHUNK)],
                                      gbufs[2 * pe], gsem.at[pe]).wait()
                pltpu.make_async_copy(
                    s0.at[pl.ds(plane + r0 + u * CHUNK, CHUNK)],
                    gbufs[2 * pe + 1], gsem.at[pe + 2]).wait()

            def issue_stores(u):
                pe = u % 2
                pltpu.async_copy(gbufs[2 * pe],
                                 A.at[pl.ds(r0 + u * CHUNK, CHUNK)],
                                 ssem.at[pe])
                pltpu.async_copy(gbufs[2 * pe],
                                 G.at[pl.ds(r0 + u * CHUNK, CHUNK)],
                                 ssem.at[pe])

            def wait_stores(u):
                pe = u % 2
                pltpu.make_async_copy(gbufs[2 * pe],
                                      A.at[pl.ds(r0 + u * CHUNK, CHUNK)],
                                      ssem.at[pe]).wait()
                pltpu.make_async_copy(gbufs[2 * pe],
                                      G.at[pl.ds(r0 + u * CHUNK, CHUNK)],
                                      ssem.at[pe]).wait()

            issue_loads(0)
            for u in range(NSUB):
                pe = u % 2
                ga, gs = gbufs[2 * pe], gbufs[2 * pe + 1]
                if u + 1 < NSUB:
                    if u >= 1:
                        wait_stores(u - 1)
                    issue_loads(u + 1)
                wait_loads(u)

                def row_body(r, _, u=u, ga=ga, gs=gs):
                    pv = p9t[u * CHUNK + r, :]
                    for kk in range(HC // 16):
                        sl = pl.ds(kk * 16, 16)
                        ga[r, sl] = pv * ga[r, sl] + 0.1 * gs[r, sl]
                    return 0
                lax.fori_loop(0, CHUNK, row_body, 0)
                issue_stores(u)
            wait_stores(NSUB - 2)
            wait_stores(NSUB - 1)
            plsc.subcore_barrier()
            return 0

        lax.fori_loop(0, K, k_body, 0)
        pltpu.sync_copy(G.at[pl.ds(r0, RPT)],
                        s_out.at[pl.ds(plane + r0, RPT)])

    return pl.kernel(
        body,
        out_type=jax.ShapeDtypeStruct((NC * NP, HC), jnp.float32),
        mesh=plsc.VectorSubcoreMesh(core_axis_name="c", subcore_axis_name="s"),
        scratch_types=[
            pltpu.VMEM_SHARED((NP, HC), jnp.float32),
            pltpu.VMEM_SHARED((NP, HC), jnp.float32),
            pltpu.VMEM((NRING, CHUNK), jnp.int32),
            pltpu.VMEM((NRING, 2, CHUNK), jnp.int32),
            pltpu.VMEM((CHUNK, HC), jnp.float32),
            pltpu.VMEM((CHUNK, HC), jnp.float32),
            pltpu.VMEM((CHUNK, HC), jnp.float32),
            pltpu.VMEM((CHUNK, HC), jnp.float32),
            pltpu.VMEM((RPT, 16), jnp.float32),
            pltpu.SemaphoreType.DMA((NRING,)),
            pltpu.SemaphoreType.DMA((NRING,)),
            pltpu.SemaphoreType.DMA((NRING,)),
        ],
        compiler_params=pltpu.CompilerParams(use_tc_tiling_on_sc=False),
    )


_prop10 = _make_prop(K_ITERS)
_prop1 = _make_prop(1)


BN = 1000


def _prep_body(x_ref, w1_ref, b1_ref, w2_ref, b2_ref, deg_ref,
               sa_ref, sb_ref, p9_ref, sq_ref):
    h1 = lax.dot_general(x_ref[...], w1_ref[...], (((1,), (1,)), ((), ())),
                         preferred_element_type=jnp.float32)
    h1 = jnp.maximum(h1 + b1_ref[...], 0.0)
    h = lax.dot_general(h1, w2_ref[...], (((1,), (1,)), ((), ())),
                        preferred_element_type=jnp.float32)
    h = h + b2_ref[...]
    deg = deg_ref[...]
    dinv = lax.rsqrt(deg)
    s0 = h * dinv
    sa_ref[...] = s0[:, :HC]
    sb_ref[...] = s0[:, HC:]
    p9_ref[...] = jnp.broadcast_to((1.0 - ALPHA) / deg, (BN, 16))
    sq_ref[...] = deg * dinv


def _prep(x, w1, b1, w2, b2, deg):
    return pl.pallas_call(
        _prep_body,
        grid=(N // BN,),
        in_specs=[
            pl.BlockSpec((BN, OUT), lambda i: (i, 0)),
            pl.BlockSpec((HID, OUT), lambda i: (0, 0)),
            pl.BlockSpec((1, HID), lambda i: (0, 0)),
            pl.BlockSpec((OUT, HID), lambda i: (0, 0)),
            pl.BlockSpec((1, OUT), lambda i: (0, 0)),
            pl.BlockSpec((BN, 1), lambda i: (i, 0)),
        ],
        out_specs=[
            pl.BlockSpec((BN, HC), lambda i: (i, 0)),
            pl.BlockSpec((BN, HC), lambda i: (i, 0)),
            pl.BlockSpec((BN, 16), lambda i: (i, 0)),
            pl.BlockSpec((BN, 1), lambda i: (i, 0)),
        ],
        out_shape=[
            jax.ShapeDtypeStruct((N, HC), jnp.float32),
            jax.ShapeDtypeStruct((N, HC), jnp.float32),
            jax.ShapeDtypeStruct((N, 16), jnp.float32),
            jax.ShapeDtypeStruct((N, 1), jnp.float32),
        ],
    )(x, w1, b1, w2, b2, deg)


def _final_body(fa_ref, fb_ref, sq_ref, out_ref):
    y = jnp.concatenate([fa_ref[...], fb_ref[...]], axis=1) * sq_ref[...]
    m = jnp.max(y, axis=1, keepdims=True)
    e = jnp.exp(y - m)
    lse = jnp.log(jnp.sum(e, axis=1, keepdims=True)) + m
    out_ref[...] = y - lse


def _final(fa, fb, sq):
    return pl.pallas_call(
        _final_body,
        grid=(N // BN,),
        in_specs=[
            pl.BlockSpec((BN, HC), lambda i: (i, 0)),
            pl.BlockSpec((BN, HC), lambda i: (i, 0)),
            pl.BlockSpec((BN, 1), lambda i: (i, 0)),
        ],
        out_specs=pl.BlockSpec((BN, OUT), lambda i: (i, 0)),
        out_shape=jax.ShapeDtypeStruct((N, OUT), jnp.float32),
    )(fa, fb, sq)


def kernel(x, edge_index, W1, b1, W2, b2):
    f32 = jnp.float32
    rows = edge_index[0].astype(jnp.int32).reshape(NT, EPT)
    cols = edge_index[1].astype(jnp.int32).reshape(NT, EPT)
    rows = jnp.pad(rows, ((0, 0), (0, PAD_E))).reshape(NT, NCHUNK, CHUNK)
    cols = jnp.pad(cols, ((0, 0), (0, PAD_E)),
                   constant_values=N).reshape(NT, NCHUNK, CHUNK)

    deg_full = _prop1(jnp.ones((NC * NP, HC), f32),
                      jnp.zeros((NC * NP, HC), f32),
                      jnp.ones((NP, 16), f32), rows, cols)
    deg = deg_full[:N, 0:1]

    sa, sb, p9, sq = _prep(x, W1, b1.reshape(1, HID), W2, b2.reshape(1, OUT),
                           deg)

    pad_rows = ((0, NP - N), (0, 0))
    s0 = jnp.concatenate(
        [jnp.pad(sa, pad_rows), jnp.pad(sb, pad_rows)], axis=0)
    p9v = jnp.pad(p9, pad_rows)

    s = _prop10(s0, s0, p9v, rows, cols)

    return _final(s[:N], s[NP:NP + N], sq)

# --- scband reference (transcript-rebuilt; emitter-appended) ---
"""Pipeline reference for scband-appnpnet-83133386981988 (READ-ONLY COPY).

The authoritative reference and input builder live on the scoring server;
editing this copy changes nothing except your own understanding.
"""

import jax, jax.numpy as jnp
import numpy as np

N = 10000
E = 320000
IN_CH = 128
HID_CH = 256
OUT_CH = 128
K_ITERS = 10
ALPHA = 0.1


def setup_inputs(seed: int = 0) -> dict:
    key = jax.random.key(seed)
    k1, k2, k3, k4 = jax.random.split(key, 4)
    x = jax.random.normal(k1, (N, IN_CH), dtype=jnp.float32)
    edge_index = jax.random.randint(k2, (2, E), 0, N, dtype=jnp.int32)
    W1 = jax.random.normal(k3, (HID_CH, IN_CH), dtype=jnp.float32) * 0.05
    b1 = jnp.zeros((HID_CH,), dtype=jnp.float32)
    W2 = jax.random.normal(k4, (OUT_CH, HID_CH), dtype=jnp.float32) * 0.05
    b2 = jnp.zeros((OUT_CH,), dtype=jnp.float32)
    return {"x": x, "edge_index": edge_index, "W1": W1, "b1": b1, "W2": W2, "b2": b2}


def _gcn_norm(edge_index, num_nodes):
    # PyG gcn_norm: add self-loops, symmetric degree normalization
    row, col = edge_index[0], edge_index[1]
    loop = jnp.arange(num_nodes, dtype=row.dtype)
    row = jnp.concatenate([row, loop])
    col = jnp.concatenate([col, loop])
    w = jnp.ones(row.shape[0], dtype=jnp.float32)
    deg = jax.ops.segment_sum(w, col, num_segments=num_nodes)
    deg_inv_sqrt = jnp.where(deg > 0, 1.0 / jnp.sqrt(deg), 0.0)
    norm = deg_inv_sqrt[row] * w * deg_inv_sqrt[col]
    return row, col, norm


def reference(x, edge_index, W1, b1, W2, b2):
    # eval mode: dropout is identity
    h = jax.nn.relu(x @ W1.T + b1)
    h = h @ W2.T + b2
    num_nodes = x.shape[0]
    row, col, norm = _gcn_norm(edge_index, num_nodes)
    out = h
    for _ in range(K_ITERS):
        msg = norm[:, None] * out[row]
        agg = jax.ops.segment_sum(msg, col, num_segments=num_nodes)
        out = (1.0 - ALPHA) * agg + ALPHA * h
    return jax.nn.log_softmax(out, axis=1)

if __name__ == "__main__":
    import jax
    _d = setup_inputs()
    print(jax.jit(kernel)(*tuple(_d.values())))

</pallas_src>

<mosaic_0001>
#map = affine_map<(d0, d1) -> (0, 0)>
#map1 = affine_map<(d0, d1) -> (0, 0, 0)>
module attributes {stable_mosaic.version = 14 : i64} {
  func.func @body(%arg0: i32, %arg1: i32, %arg2: memref<20480x64xf32, #tpu.memory_space<hbm>>, %arg3: memref<20480x64xf32, #tpu.memory_space<hbm>>, %arg4: memref<10240x16xf32, #tpu.memory_space<hbm>>, %arg5: memref<16x160x128xi32, #tpu.memory_space<hbm>>, %arg6: memref<16x160x128xi32, #tpu.memory_space<hbm>>, %arg7: memref<20480x64xf32, #tpu.memory_space<hbm>>, %arg8: memref<10240x64xf32, #tpu.memory_space<vmem_shared>>, %arg9: memref<10240x64xf32, #tpu.memory_space<vmem_shared>>, %arg10: memref<4x128xi32, #tpu.memory_space<vmem>>, %arg11: memref<4x2x128xi32, #tpu.memory_space<vmem>>, %arg12: memref<128x64xf32, #tpu.memory_space<vmem>>, %arg13: memref<128x64xf32, #tpu.memory_space<vmem>>, %arg14: memref<128x64xf32, #tpu.memory_space<vmem>>, %arg15: memref<128x64xf32, #tpu.memory_space<vmem>>, %arg16: memref<640x16xf32, #tpu.memory_space<vmem>>, %arg17: memref<4x!tpu.dma_semaphore, #tpu.memory_space<semaphore_mem>>, %arg18: memref<4x!tpu.dma_semaphore, #tpu.memory_space<semaphore_mem>>, %arg19: memref<4x!tpu.dma_semaphore, #tpu.memory_space<semaphore_mem>>) attributes {dimension_semantics = [#tpu.dimension_semantics<core_parallel>, #tpu.dimension_semantics<subcore_parallel>], iteration_bounds = array<i64: 2, 16>, scalar_prefetch = 0 : i64, scratch_operands = 12 : i64, tpu.core_type = #tpu.core_type<sc_vector_subcore>, window_params = [{transform_indices = #map}, {transform_indices = #map}, {transform_indices = #map}, {transform_indices = #map1}, {transform_indices = #map1}, {transform_indices = #map}]} {
    %mul3A = arith.constant 640 : i32
    %mul3A_0 = arith.muli %arg1, %mul3A : i32
    %mul3A_1 = arith.constant 10240 : i32
    %mul3A_2 = arith.muli %arg0, %mul3A_1 : i32
    %add3A = arith.addi %mul3A_2, %mul3A_0 : i32
    "tpu.region"() ({
      %run_scoped3A = tpu.sem_alloc : memref<!tpu.dma_semaphore, #tpu.memory_space<semaphore_mem>>
      %dma_start3A_602 = arith.constant 0 : i32
      %dma_start3A_603 = tpu.memref_slice %arg8[%mul3A_0, %dma_start3A_602] : memref<10240x64xf32, #tpu.memory_space<vmem_shared>> -> memref<640x64xf32, #tpu.memory_space<vmem_shared>>
      %dma_start3A_604 = arith.constant 0 : i32
      %dma_start3A_605 = tpu.memref_slice %arg2[%add3A, %dma_start3A_604] : memref<20480x64xf32, #tpu.memory_space<hbm>> -> memref<640x64xf32, #tpu.memory_space<hbm>>
      tpu.enqueue_dma source(%dma_start3A_605 : memref<640x64xf32, #tpu.memory_space<hbm>>) target(%dma_start3A_603 : memref<640x64xf32, #tpu.memory_space<vmem_shared>>) target_semaphore(%run_scoped3A : memref<!tpu.dma_semaphore, #tpu.memory_space<semaphore_mem>>)
      %dma_wait3A_606 = arith.constant 0 : i32
      %dma_wait3A_607 = tpu.memref_slice %arg8[%mul3A_0, %dma_wait3A_606] : memref<10240x64xf32, #tpu.memory_space<vmem_shared>> -> memref<640x64xf32, #tpu.memory_space<vmem_shared>>
      %dma_wait3A_608 = arith.constant 0 : i32
      %dma_wait3A_609 = tpu.memref_slice %arg2[%add3A, %dma_wait3A_608] : memref<20480x64xf32, #tpu.memory_space<hbm>> -> memref<640x64xf32, #tpu.memory_space<hbm>>
      tpu.wait_dma2 semaphore(%run_scoped3A : memref<!tpu.dma_semaphore, #tpu.memory_space<semaphore_mem>>) src(%dma_wait3A_609 : memref<640x64xf32, #tpu.memory_space<hbm>>) dst(%dma_wait3A_607 : memref<640x64xf32, #tpu.memory_space<vmem_shared>>)
      tpu.yield
    }) : () -> ()
    %add3A_3 = arith.addi %mul3A_2, %mul3A_0 : i32
    "tpu.region"() ({
      %run_scoped3A = tpu.sem_alloc : memref<!tpu.dma_semaphore, #tpu.memory_space<semaphore_mem>>
      %dma_start3A_602 = arith.constant 0 : i32
      %dma_start3A_603 = tpu.memref_slice %arg9[%mul3A_0, %dma_start3A_602] : memref<10240x64xf32, #tpu.memory_space<vmem_shared>> -> memref<640x64xf32, #tpu.memory_space<vmem_shared>>
      %dma_start3A_604 = arith.constant 0 : i32
      %dma_start3A_605 = tpu.memref_slice %arg2[%add3A_3, %dma_start3A_604] : memref<20480x64xf32, #tpu.memory_space<hbm>> -> memref<640x64xf32, #tpu.memory_space<hbm>>
      tpu.enqueue_dma source(%dma_start3A_605 : memref<640x64xf32, #tpu.memory_space<hbm>>) target(%dma_start3A_603 : memref<640x64xf32, #tpu.memory_space<vmem_shared>>) target_semaphore(%run_scoped3A : memref<!tpu.dma_semaphore, #tpu.memory_space<semaphore_mem>>)
      %dma_wait3A_606 = arith.constant 0 : i32
      %dma_wait3A_607 = tpu.memref_slice %arg9[%mul3A_0, %dma_wait3A_606] : memref<10240x64xf32, #tpu.memory_space<vmem_shared>> -> memref<640x64xf32, #tpu.memory_space<vmem_shared>>
      %dma_wait3A_608 = arith.constant 0 : i32
      %dma_wait3A_609 = tpu.memref_slice %arg2[%add3A_3, %dma_wait3A_608] : memref<20480x64xf32, #tpu.memory_space<hbm>> -> memref<640x64xf32, #tpu.memory_space<hbm>>
      tpu.wait_dma2 semaphore(%run_scoped3A : memref<!tpu.dma_semaphore, #tpu.memory_space<semaphore_mem>>) src(%dma_wait3A_609 : memref<640x64xf32, #tpu.memory_space<hbm>>) dst(%dma_wait3A_607 : memref<640x64xf32, #tpu.memory_space<vmem_shared>>)
      tpu.yield
    }) : () -> ()
    "tpu.region"() ({
      %run_scoped3A = tpu.sem_alloc : memref<!tpu.dma_semaphore, #tpu.memory_space<semaphore_mem>>
      %dma_start3A_602 = arith.constant 0 : i32
      %dma_start3A_603 = tpu.memref_slice %arg4[%mul3A_0, %dma_start3A_602] : memref<10240x16xf32, #tpu.memory_space<hbm>> -> memref<640x16xf32, #tpu.memory_space<hbm>>
      %dma_start3A_604 = arith.constant 0 : i32
      %dma_start3A_605 = tpu.memref_slice %arg4[%mul3A_0, %dma_start3A_604] : memref<10240x16xf32, #tpu.memory_space<hbm>> -> memref<640x16xf32, #tpu.memory_space<hbm>>
      tpu.enqueue_dma source(%dma_start3A_605 : memref<640x16xf32, #tpu.memory_space<hbm>>) target(%arg16 : memref<640x16xf32, #tpu.memory_space<vmem>>) target_semaphore(%run_scoped3A : memref<!tpu.dma_semaphore, #tpu.memory_space<semaphore_mem>>)
      %dma_wait3A_606 = arith.constant 0 : i32
      %dma_wait3A_607 = tpu.memref_slice %arg4[%mul3A_0, %dma_wait3A_606] : memref<10240x16xf32, #tpu.memory_space<hbm>> -> memref<640x16xf32, #tpu.memory_space<hbm>>
      %dma_wait3A_608 = arith.constant 0 : i32
      %dma_wait3A_609 = tpu.memref_slice %arg4[%mul3A_0, %dma_wait3A_608] : memref<10240x16xf32, #tpu.memory_space<hbm>> -> memref<640x16xf32, #tpu.memory_space<hbm>>
      tpu.wait_dma2 semaphore(%run_scoped3A : memref<!tpu.dma_semaphore, #tpu.memory_space<semaphore_mem>>) src(%dma_wait3A_609 : memref<640x16xf32, #tpu.memory_space<hbm>>) dst(%arg16 : memref<640x16xf32, #tpu.memory_space<vmem>>)
      tpu.yield
    }) : () -> ()
    %barrier3A = arith.constant 0 : index
    tpu.barrier barrier_id(%barrier3A)
    %scan3A = arith.constant 0 : i32
    %scan3A_4 = arith.constant 0 : i32
    %dma_start3A = arith.constant 0 : i32
    %dma_start3A_5 = arith.constant 0 : i32
    %dma_start3A_6 = arith.constant 0 : i32
    %dma_start3A_7 = arith.constant 0 : i32
    %dma_start3A_8 = tpu.memref_slice %arg10[%dma_start3A_5, %dma_start3A_7] : memref<4x128xi32, #tpu.memory_space<vmem>> -> memref<1x128xi32, #tpu.memory_space<vmem>>
    %dma_start3A_9 = tpu.memref_squeeze %dma_start3A_8 : memref<1x128xi32, #tpu.memory_space<vmem>> -> memref<128xi32, #tpu.memory_space<vmem>>
    %dma_start3A_10 = arith.constant 0 : i32
    %dma_start3A_11 = tpu.memref_slice %arg5[%arg1, %dma_start3A, %dma_start3A_10] : memref<16x160x128xi32, #tpu.memory_space<hbm>> -> memref<1x1x128xi32, #tpu.memory_space<hbm>>
    %dma_start3A_12 = tpu.memref_squeeze %dma_start3A_11 : memref<1x1x128xi32, #tpu.memory_space<hbm>> -> memref<128xi32, #tpu.memory_space<hbm>>
    %dma_start3A_13 = tpu.memref_slice %arg17[%dma_start3A_6] : memref<4x!tpu.dma_semaphore, #tpu.memory_space<semaphore_mem>> -> memref<1x!tpu.dma_semaphore, #tpu.memory_space<semaphore_mem>>
    %dma_start3A_14 = tpu.memref_squeeze %dma_start3A_13 : memref<1x!tpu.dma_semaphore, #tpu.memory_space<semaphore_mem>> -> memref<!tpu.dma_semaphore, #tpu.memory_space<semaphore_mem>>
    %dma_start3A_15 = arith.constant 0 : i32
    %dma_start3A_16 = tpu.memref_slice %arg10[%dma_start3A_5, %dma_start3A_15] : memref<4x128xi32, #tpu.memory_space<vmem>> -> memref<1x128xi32, #tpu.memory_space<vmem>>
    %dma_start3A_17 = tpu.memref_squeeze %dma_start3A_16 : memref<1x128xi32, #tpu.memory_space<vmem>> -> memref<128xi32, #tpu.memory_space<vmem>>
    %dma_start3A_18 = arith.constant 0 : i32
    %dma_start3A_19 = tpu.memref_slice %arg5[%arg1, %dma_start3A, %dma_start3A_18] : memref<16x160x128xi32, #tpu.memory_space<hbm>> -> memref<1x1x128xi32, #tpu.memory_space<hbm>>
    %dma_start3A_20 = tpu.memref_squeeze %dma_start3A_19 : memref<1x1x128xi32, #tpu.memory_space<hbm>> -> memref<128xi32, #tpu.memory_space<hbm>>
    tpu.enqueue_dma source(%dma_start3A_20 : memref<128xi32, #tpu.memory_space<hbm>>) target(%dma_start3A_17 : memref<128xi32, #tpu.memory_space<vmem>>) target_semaphore(%dma_start3A_14 : memref<!tpu.dma_semaphore, #tpu.memory_space<semaphore_mem>>)
    %dma_start3A_21 = arith.constant 0 : i32
    %dma_start3A_22 = arith.constant 0 : i32
    %dma_start3A_23 = arith.constant 0 : i32
    %dma_start3A_24 = arith.constant 0 : i32
    %dma_start3A_25 = arith.constant 0 : i32
    %dma_start3A_26 = tpu.memref_slice %arg11[%dma_start3A_22, %dma_start3A_23, %dma_start3A_25] : memref<4x2x128xi32, #tpu.memory_space<vmem>> -> memref<1x1x128xi32, #tpu.memory_space<vmem>>
    %dma_start3A_27 = tpu.memref_squeeze %dma_start3A_26 : memref<1x1x128xi32, #tpu.memory_space<vmem>> -> memref<128xi32, #tpu.memory_space<vmem>>
    %dma_start3A_28 = arith.constant 0 : i32
    %dma_start3A_29 = tpu.memref_slice %arg6[%arg1, %dma_start3A_21, %dma_start3A_28] : memref<16x160x128xi32, #tpu.memory_space<hbm>> -> memref<1x1x128xi32, #tpu.memory_space<hbm>>
    %dma_start3A_30 = tpu.memref_squeeze %dma_start3A_29 : memref<1x1x128xi32, #tpu.memory_space<hbm>> -> memref<128xi32, #tpu.memory_space<hbm>>
    %dma_start3A_31 = tpu.memref_slice %arg17[%dma_start3A_24] : memref<4x!tpu.dma_semaphore, #tpu.memory_space<semaphore_mem>> -> memref<1x!tpu.dma_semaphore, #tpu.memory_space<semaphore_mem>>
    %dma_start3A_32 = tpu.memref_squeeze %dma_start3A_31 : memref<1x!tpu.dma_semaphore, #tpu.memory_space<semaphore_mem>> -> memref<!tpu.dma_semaphore, #tpu.memory_space<semaphore_mem>>
    %dma_start3A_33 = arith.constant 0 : i32
    %dma_start3A_34 = tpu.memref_slice %arg11[%dma_start3A_22, %dma_start3A_23, %dma_start3A_33] : memref<4x2x128xi32, #tpu.memory_space<vmem>> -> memref<1x1x128xi32, #tpu.memory_space<vmem>>
    %dma_start3A_35 = tpu.memref_squeeze %dma_start3A_34 : memref<1x1x128xi32, #tpu.memory_space<vmem>> -> memref<128xi32, #tpu.memory_space<vmem>>
    %dma_start3A_36 = arith.constant 0 : i32
    %dma_start3A_37 = tpu.memref_slice %arg6[%arg1, %dma_start3A_21, %dma_start3A_36] : memref<16x160x128xi32, #tpu.memory_space<hbm>> -> memref<1x1x128xi32, #tpu.memory_space<hbm>>
    %dma_start3A_38 = tpu.memref_squeeze %dma_start3A_37 : memref<1x1x128xi32, #tpu.memory_space<hbm>> -> memref<128xi32, #tpu.memory_space<hbm>>
    tpu.enqueue_dma source(%dma_start3A_38 : memref<128xi32, #tpu.memory_space<hbm>>) target(%dma_start3A_35 : memref<128xi32, #tpu.memory_space<vmem>>) target_semaphore(%dma_start3A_32 : memref<!tpu.dma_semaphore, #tpu.memory_space<semaphore_mem>>)
    %dma_start3A_39 = arith.constant 1 : i32
    %dma_start3A_40 = arith.constant 1 : i32
    %dma_start3A_41 = arith.constant 1 : i32
    %dma_start3A_42 = arith.constant 0 : i32
    %dma_start3A_43 = tpu.memref_slice %arg10[%dma_start3A_40, %dma_start3A_42] : memref<4x128xi32, #tpu.memory_space<vmem>> -> memref<1x128xi32, #tpu.memory_space<vmem>>
    %dma_start3A_44 = tpu.memref_squeeze %dma_start3A_43 : memref<1x128xi32, #tpu.memory_space<vmem>> -> memref<128xi32, #tpu.memory_space<vmem>>
    %dma_start3A_45 = arith.constant 0 : i32
    %dma_start3A_46 = tpu.memref_slice %arg5[%arg1, %dma_start3A_39, %dma_start3A_45] : memref<16x160x128xi32, #tpu.memory_space<hbm>> -> memref<1x1x128xi32, #tpu.memory_space<hbm>>
    %dma_start3A_47 = tpu.memref_squeeze %dma_start3A_46 : memref<1x1x128xi32, #tpu.memory_space<hbm>> -> memref<128xi32, #tpu.memory_space<hbm>>
    %dma_start3A_48 = tpu.memref_slice %arg17[%dma_start3A_41] : memref<4x!tpu.dma_semaphore, #tpu.memory_space<semaphore_mem>> -> memref<1x!tpu.dma_semaphore, #tpu.memory_space<semaphore_mem>>
    %dma_start3A_49 = tpu.memref_squeeze %dma_start3A_48 : memref<1x!tpu.dma_semaphore, #tpu.memory_space<semaphore_mem>> -> memref<!tpu.dma_semaphore, #tpu.memory_space<semaphore_mem>>
    %dma_start3A_50 = arith.constant 0 : i32
    %dma_start3A_51 = tpu.memref_slice %arg10[%dma_start3A_40, %dma_start3A_50] : memref<4x128xi32, #tpu.memory_space<vmem>> -> memref<1x128xi32, #tpu.memory_space<vmem>>
    %dma_start3A_52 = tpu.memref_squeeze %dma_start3A_51 : memref<1x128xi32, #tpu.memory_space<vmem>> -> memref<128xi32, #tpu.memory_space<vmem>>
    %dma_start3A_53 = arith.constant 0 : i32
    %dma_start3A_54 = tpu.memref_slice %arg5[%arg1, %dma_start3A_39, %dma_start3A_53] : memref<16x160x128xi32, #tpu.memory_space<hbm>> -> memref<1x1x128xi32, #tpu.memory_space<hbm>>
    %dma_start3A_55 = tpu.memref_squeeze %dma_start3A_54 : memref<1x1x128xi32, #tpu.memory_space<hbm>> -> memref<128xi32, #tpu.memory_space<hbm>>
    tpu.enqueue_dma source(%dma_start3A_55 : memref<128xi32, #tpu.memory_space<hbm>>) target(%dma_start3A_52 : memref<128xi32, #tpu.memory_space<vmem>>) target_semaphore(%dma_start3A_49 : memref<!tpu.dma_semaphore, #tpu.memory_space<semaphore_mem>>)
    %dma_start3A_56 = arith.constant 1 : i32
    %dma_start3A_57 = arith.constant 1 : i32
    %dma_start3A_58 = arith.constant 0 : i32
    %dma_start3A_59 = arith.constant 1 : i32
    %dma_start3A_60 = arith.constant 0 : i32
    %dma_start3A_61 = tpu.memref_slice %arg11[%dma_start3A_57, %dma_start3A_58, %dma_start3A_60] : memref<4x2x128xi32, #tpu.memory_space<vmem>> -> memref<1x1x128xi32, #tpu.memory_space<vmem>>
    %dma_start3A_62 = tpu.memref_squeeze %dma_start3A_61 : memref<1x1x128xi32, #tpu.memory_space<vmem>> -> memref<128xi32, #tpu.memory_space<vmem>>
    %dma_start3A_63 = arith.constant 0 : i32
    %dma_start3A_64 = tpu.memref_slice %arg6[%arg1, %dma_start3A_56, %dma_start3A_63] : memref<16x160x128xi32, #tpu.memory_space<hbm>> -> memref<1x1x128xi32, #tpu.memory_space<hbm>>
    %dma_start3A_65 = tpu.memref_squeeze %dma_start3A_64 : memref<1x1x128xi32, #tpu.memory_space<hbm>> -> memref<128xi32, #tpu.memory_space<hbm>>
    %dma_start3A_66 = tpu.memref_slice %arg17[%dma_start3A_59] : memref<4x!tpu.dma_semaphore, #tpu.memory_space<semaphore_mem>> -> memref<1x!tpu.dma_semaphore, #tpu.memory_space<semaphore_mem>>
    %dma_start3A_67 = tpu.memref_squeeze %dma_start3A_66 : memref<1x!tpu.dma_semaphore, #tpu.memory_space<semaphore_mem>> -> memref<!tpu.dma_semaphore, #tpu.memory_space<semaphore_mem>>
    %dma_start3A_68 = arith.constant 0 : i32
    %dma_start3A_69 = tpu.memref_slice %arg11[%dma_start3A_57, %dma_start3A_58, %dma_start3A_68] : memref<4x2x128xi32, #tpu.memory_space<vmem>> -> memref<1x1x128xi32, #tpu.memory_space<vmem>>
    %dma_start3A_70 = tpu.memref_squeeze %dma_start3A_69 : memref<1x1x128xi32, #tpu.memory_space<vmem>> -> memref<128xi32, #tpu.memory_space<vmem>>
    %dma_start3A_71 = arith.constant 0 : i32
    %dma_start3A_72 = tpu.memref_slice %arg6[%arg1, %dma_start3A_56, %dma_start3A_71] : memref<16x160x128xi32, #tpu.memory_space<hbm>> -> memref<1x1x128xi32, #tpu.memory_space<hbm>>
    %dma_start3A_73 = tpu.memref_squeeze %dma_start3A_72 : memref<1x1x128xi32, #tpu.memory_space<hbm>> -> memref<128xi32, #tpu.memory_space<hbm>>
    tpu.enqueue_dma source(%dma_start3A_73 : memref<128xi32, #tpu.memory_space<hbm>>) target(%dma_start3A_70 : memref<128xi32, #tpu.memory_space<vmem>>) target_semaphore(%dma_start3A_67 : memref<!tpu.dma_semaphore, #tpu.memory_space<semaphore_mem>>)
    %dma_start3A_74 = arith.constant 2 : i32
    %dma_start3A_75 = arith.constant 2 : i32
    %dma_start3A_76 = arith.constant 2 : i32
    %dma_start3A_77 = arith.constant 0 : i32
    %dma_start3A_78 = tpu.memref_slice %arg10[%dma_start3A_75, %dma_start3A_77] : memref<4x128xi32, #tpu.memory_space<vmem>> -> memref<1x128xi32, #tpu.memory_space<vmem>>
    %dma_start3A_79 = tpu.memref_squeeze %dma_start3A_78 : memref<1x128xi32, #tpu.memory_space<vmem>> -> memref<128xi32, #tpu.memory_space<vmem>>
    %dma_start3A_80 = arith.constant 0 : i32
    %dma_start3A_81 = tpu.memref_slice %arg5[%arg1, %dma_start3A_74, %dma_start3A_80] : memref<16x160x128xi32, #tpu.memory_space<hbm>> -> memref<1x1x128xi32, #tpu.memory_space<hbm>>
    %dma_start3A_82 = tpu.memref_squeeze %dma_start3A_81 : memref<1x1x128xi32, #tpu.memory_space<hbm>> -> memref<128xi32, #tpu.memory_space<hbm>>
    %dma_start3A_83 = tpu.memref_slice %arg17[%dma_start3A_76] : memref<4x!tpu.dma_semaphore, #tpu.memory_space<semaphore_mem>> -> memref<1x!tpu.dma_semaphore, #tpu.memory_space<semaphore_mem>>
    %dma_start3A_84 = tpu.memref_squeeze %dma_start3A_83 : memref<1x!tpu.dma_semaphore, #tpu.memory_space<semaphore_mem>> -> memref<!tpu.dma_semaphore, #tpu.memory_space<semaphore_mem>>
    %dma_start3A_85 = arith.constant 0 : i32
    %dma_start3A_86 = tpu.memref_slice %arg10[%dma_start3A_75, %dma_start3A_85] : memref<4x128xi32, #tpu.memory_space<vmem>> -> memref<1x128xi32, #tpu.memory_space<vmem>>
    %dma_start3A_87 = tpu.memref_squeeze %dma_start3A_86 : memref<1x128xi32, #tpu.memory_space<vmem>> -> memref<128xi32, #tpu.memory_space<vmem>>
    %dma_start3A_88 = arith.constant 0 : i32
    %dma_start3A_89 = tpu.memref_slice %arg5[%arg1, %dma_start3A_74, %dma_start3A_88] : memref<16x160x128xi32, #tpu.memory_space<hbm>> -> memref<1x1x128xi32, #tpu.memory_space<hbm>>
    %dma_start3A_90 = tpu.memref_squeeze %dma_start3A_89 : memref<1x1x128xi32, #tpu.memory_space<hbm>> -> memref<128xi32, #tpu.memory_space<hbm>>
    tpu.enqueue_dma source(%dma_start3A_90 : memref<128xi32, #tpu.memory_space<hbm>>) target(%dma_start3A_87 : memref<128xi32, #tpu.memory_space<vmem>>) target_semaphore(%dma_start3A_84 : memref<!tpu.dma_semaphore, #tpu.memory_space<semaphore_mem>>)
    %dma_start3A_91 = arith.constant 2 : i32
    %dma_start3A_92 = arith.constant 2 : i32
    %dma_start3A_93 = arith.constant 0 : i32
    %dma_start3A_94 = arith.constant 2 : i32
    %dma_start3A_95 = arith.constant 0 : i32
    %dma_start3A_96 = tpu.memref_slice %arg11[%dma_start3A_92, %dma_start3A_93, %dma_start3A_95] : memref<4x2x128xi32, #tpu.memory_space<vmem>> -> memref<1x1x128xi32, #tpu.memory_space<vmem>>
    %dma_start3A_97 = tpu.memref_squeeze %dma_start3A_96 : memref<1x1x128xi32, #tpu.memory_space<vmem>> -> memref<128xi32, #tpu.memory_space<vmem>>
    %dma_start3A_98 = arith.constant 0 : i32
    %dma_start3A_99 = tpu.memref_slice %arg6[%arg1, %dma_start3A_91, %dma_start3A_98] : memref<16x160x128xi32, #tpu.memory_space<hbm>> -> memref<1x1x128xi32, #tpu.memory_space<hbm>>
    %dma_start3A_100 = tpu.memref_squeeze %dma_start3A_99 : memref<1x1x128xi32, #tpu.memory_space<hbm>> -> memref<128xi32, #tpu.memory_space<hbm>>
    %dma_start3A_101 = tpu.memref_slice %arg17[%dma_start3A_94] : memref<4x!tpu.dma_semaphore, #tpu.memory_space<semaphore_mem>> -> memref<1x!tpu.dma_semaphore, #tpu.memory_space<semaphore_mem>>
    %dma_start3A_102 = tpu.memref_squeeze %dma_start3A_101 : memref<1x!tpu.dma_semaphore, #tpu.memory_space<semaphore_mem>> -> memref<!tpu.dma_semaphore, #tpu.memory_space<semaphore_mem>>
    %dma_start3A_103 = arith.constant 0 : i32
    %dma_start3A_104 = tpu.memref_slice %arg11[%dma_start3A_92, %dma_start3A_93, %dma_start3A_103] : memref<4x2x128xi32, #tpu.memory_space<vmem>> -> memref<1x1x128xi32, #tpu.memory_space<vmem>>
    %dma_start3A_105 = tpu.memref_squeeze %dma_start3A_104 : memref<1x1x128xi32, #tpu.memory_space<vmem>> -> memref<128xi32, #tpu.memory_space<vmem>>
    %dma_start3A_106 = arith.constant 0 : i32
    %dma_start3A_107 = tpu.memref_slice %arg6[%arg1, %dma_start3A_91, %dma_start3A_106] : memref<16x160x128xi32, #tpu.memory_space<hbm>> -> memref<1x1x128xi32, #tpu.memory_space<hbm>>
    %dma_start3A_108 = tpu.memref_squeeze %dma_start3A_107 : memref<1x1x128xi32, #tpu.memory_space<hbm>> -> memref<128xi32, #tpu.memory_space<hbm>>
    tpu.enqueue_dma source(%dma_start3A_108 : memref<128xi32, #tpu.memory_space<hbm>>) target(%dma_start3A_105 : memref<128xi32, #tpu.memory_space<vmem>>) target_semaphore(%dma_start3A_102 : memref<!tpu.dma_semaphore, #tpu.memory_space<semaphore_mem>>)
    %dma_start3A_109 = arith.constant 3 : i32
    %dma_start3A_110 = arith.constant 3 : i32
    %dma_start3A_111 = arith.constant 3 : i32
    %dma_start3A_112 = arith.constant 0 : i32
    %dma_start3A_113 = tpu.memref_slice %arg10[%dma_start3A_110, %dma_start3A_112] : memref<4x128xi32, #tpu.memory_space<vmem>> -> memref<1x128xi32, #tpu.memory_space<vmem>>
    %dma_start3A_114 = tpu.memref_squeeze %dma_start3A_113 : memref<1x128xi32, #tpu.memory_space<vmem>> -> memref<128xi32, #tpu.memory_space<vmem>>
    %dma_start3A_115 = arith.constant 0 : i32
    %dma_start3A_116 = tpu.memref_slice %arg5[%arg1, %dma_start3A_109, %dma_start3A_115] : memref<16x160x128xi32, #tpu.memory_space<hbm>> -> memref<1x1x128xi32, #tpu.memory_space<hbm>>
    %dma_start3A_117 = tpu.memref_squeeze %dma_start3A_116 : memref<1x1x128xi32, #tpu.memory_space<hbm>> -> memref<128xi32, #tpu.memory_space<hbm>>
    %dma_start3A_118 = tpu.memref_slice %arg17[%dma_start3A_111] : memref<4x!tpu.dma_semaphore, #tpu.memory_space<semaphore_mem>> -> memref<1x!tpu.dma_semaphore, #tpu.memory_space<semaphore_mem>>
    %dma_start3A_119 = tpu.memref_squeeze %dma_start3A_118 : memref<1x!tpu.dma_semaphore, #tpu.memory_space<semaphore_mem>> -> memref<!tpu.dma_semaphore, #tpu.memory_space<semaphore_mem>>
    %dma_start3A_120 = arith.constant 0 : i32
    %dma_start3A_121 = tpu.memref_slice %arg10[%dma_start3A_110, %dma_start3A_120] : memref<4x128xi32, #tpu.memory_space<vmem>> -> memref<1x128xi32, #tpu.memory_space<vmem>>
    %dma_start3A_122 = tpu.memref_squeeze %dma_start3A_121 : memref<1x128xi32, #tpu.memory_space<vmem>> -> memref<128xi32, #tpu.memory_space<vmem>>
    %dma_start3A_123 = arith.constant 0 : i32
    %dma_start3A_124 = tpu.memref_slice %arg5[%arg1, %dma_start3A_109, %dma_start3A_123] : memref<16x160x128xi32, #tpu.memory_space<hbm>> -> memref<1x1x128xi32, #tpu.memory_space<hbm>>
    %dma_start3A_125 = tpu.memref_squeeze %dma_start3A_124 : memref<1x1x128xi32, #tpu.memory_space<hbm>> -> memref<128xi32, #tpu.memory_space<hbm>>
    tpu.enqueue_dma source(%dma_start3A_125 : memref<128xi32, #tpu.memory_space<hbm>>) target(%dma_start3A_122 : memref<128xi32, #tpu.memory_space<vmem>>) target_semaphore(%dma_start3A_119 : memref<!tpu.dma_semaphore, #tpu.memory_space<semaphore_mem>>)
    %dma_start3A_126 = arith.constant 3 : i32
    %dma_start3A_127 = arith.constant 3 : i32
    %dma_start3A_128 = arith.constant 0 : i32
    %dma_start3A_129 = arith.constant 3 : i32
    %dma_start3A_130 = arith.constant 0 : i32
    %dma_start3A_131 = tpu.memref_slice %arg11[%dma_start3A_127, %dma_start3A_128, %dma_start3A_130] : memref<4x2x128xi32, #tpu.memory_space<vmem>> -> memref<1x1x128xi32, #tpu.memory_space<vmem>>
    %dma_start3A_132 = tpu.memref_squeeze %dma_start3A_131 : memref<1x1x128xi32, #tpu.memory_space<vmem>> -> memref<128xi32, #tpu.memory_space<vmem>>
    %dma_start3A_133 = arith.constant 0 : i32
    %dma_start3A_134 = tpu.memref_slice %arg6[%arg1, %dma_start3A_126, %dma_start3A_133] : memref<16x160x128xi32, #tpu.memory_space<hbm>> -> memref<1x1x128xi32, #tpu.memory_space<hbm>>
    %dma_start3A_135 = tpu.memref_squeeze %dma_start3A_134 : memref<1x1x128xi32, #tpu.memory_space<hbm>> -> memref<128xi32, #tpu.memory_space<hbm>>
    %dma_start3A_136 = tpu.memref_slice %arg17[%dma_start3A_129] : memref<4x!tpu.dma_semaphore, #tpu.memory_space<semaphore_mem>> -> memref<1x!tpu.dma_semaphore, #tpu.memory_space<semaphore_mem>>
    %dma_start3A_137 = tpu.memref_squeeze %dma_start3A_136 : memref<1x!tpu.dma_semaphore, #tpu.memory_space<semaphore_mem>> -> memref<!tpu.dma_semaphore, #tpu.memory_space<semaphore_mem>>
    %dma_start3A_138 = arith.constant 0 : i32
    %dma_start3A_139 = tpu.memref_slice %arg11[%dma_start3A_127, %dma_start3A_128, %dma_start3A_138] : memref<4x2x128xi32, #tpu.memory_space<vmem>> -> memref<1x1x128xi32, #tpu.memory_space<vmem>>
    %dma_start3A_140 = tpu.memref_squeeze %dma_start3A_139 : memref<1x1x128xi32, #tpu.memory_space<vmem>> -> memref<128xi32, #tpu.memory_space<vmem>>
    %dma_start3A_141 = arith.constant 0 : i32
    %dma_start3A_142 = tpu.memref_slice %arg6[%arg1, %dma_start3A_126, %dma_start3A_141] : memref<16x160x128xi32, #tpu.memory_space<hbm>> -> memref<1x1x128xi32, #tpu.memory_space<hbm>>
    %dma_start3A_143 = tpu.memref_squeeze %dma_start3A_142 : memref<1x1x128xi32, #tpu.memory_space<hbm>> -> memref<128xi32, #tpu.memory_space<hbm>>
    tpu.enqueue_dma source(%dma_start3A_143 : memref<128xi32, #tpu.memory_space<hbm>>) target(%dma_start3A_140 : memref<128xi32, #tpu.memory_space<vmem>>) target_semaphore(%dma_start3A_137 : memref<!tpu.dma_semaphore, #tpu.memory_space<semaphore_mem>>)
    %scan3A_144 = arith.constant 0 : i32
    %scan3A_145 = arith.constant 0 : i32
    %scan3A_146 = arith.constant 40 : i32
    %scan3A_147 = arith.addi %scan3A_145, %scan3A_146 : i32
    %scan3A_148 = arith.constant 1 : i32
    %scan3A_149 = scf.for %scan3A_602 = %scan3A_145 to %scan3A_147 step %scan3A_148 iter_args(%scan3A_603 = %scan3A_144) -> (i32)  : i32 {
      %rem3A_604 = arith.constant 2 : i32
      %rem3A_605 = arith.remsi %scan3A_602, %rem3A_604 : i32
      %gt3A = arith.constant 0 : i32
      %gt3A_606 = arith.cmpi sgt, %scan3A_602, %gt3A : i32
      %convert_element_type3A = arith.extui %gt3A_606 : i1 to i32
      %cond3A = arith.constant 0 : i32
      %cond3A_607 = arith.cmpi ne, %convert_element_type3A, %cond3A : i32
      scf.if %cond3A_607 {
        %sub3A = arith.constant 1 : i32
        %sub3A_923 = arith.subi %sub3A, %rem3A_605 : i32
        %dma_wait3A_924 = arith.constant 0 : i32
        %dma_wait3A_925 = arith.constant 0 : i32
        %dma_wait3A_926 = arith.constant 0 : i32
        %dma_wait3A_927 = tpu.memref_slice %arg11[%dma_wait3A_924, %sub3A_923, %dma_wait3A_926] : memref<4x2x128xi32, #tpu.memory_space<vmem>> -> memref<1x1x128xi32, #tpu.memory_space<vmem>>
        %dma_wait3A_928 = tpu.memref_squeeze %dma_wait3A_927 : memref<1x1x128xi32, #tpu.memory_space<vmem>> -> memref<128xi32, #tpu.memory_space<vmem>>
        %dma_wait3A_929 = arith.constant 0 : i32
        %dma_wait3A_930 = arith.constant 0 : i32
        %dma_wait3A_931 = tpu.memref_slice %arg9[%dma_wait3A_929, %dma_wait3A_930] : memref<10240x64xf32, #tpu.memory_space<vmem_shared>> -> memref<10240x64xf32, #tpu.memory_space<vmem_shared>>
        %dma_wait3A_932 = tpu.memref_slice %arg19[%dma_wait3A_925] : memref<4x!tpu.dma_semaphore, #tpu.memory_space<semaphore_mem>> -> memref<1x!tpu.dma_semaphore, #tpu.memory_space<semaphore_mem>>
        %dma_wait3A_933 = tpu.memref_squeeze %dma_wait3A_932 : memref<1x!tpu.dma_semaphore, #tpu.memory_space<semaphore_mem>> -> memref<!tpu.dma_semaphore, #tpu.memory_space<semaphore_mem>>
        tpu.wait_indirect_dma semaphore(%dma_wait3A_933 : memref<!tpu.dma_semaphore, #tpu.memory_space<semaphore_mem>>) src(%arg12 : memref<128x64xf32, #tpu.memory_space<vmem>>) dst(%dma_wait3A_931 : memref<10240x64xf32, #tpu.memory_space<vmem_shared>>)
      } else {
      }
      %mul3A_608 = arith.constant 4 : i32
      %mul3A_609 = arith.muli %scan3A_602, %mul3A_608 : i32
      %add3A_610 = arith.constant 0 : i32
      %add3A_611 = arith.addi %mul3A_609, %add3A_610 : i32
      %dma_wait3A_612 = arith.constant 0 : i32
      %dma_wait3A_613 = arith.constant 0 : i32
      %dma_wait3A_614 = arith.constant 0 : i32
      %dma_wait3A_615 = tpu.memref_slice %arg10[%dma_wait3A_612, %dma_wait3A_614] : memref<4x128xi32, #tpu.memory_space<vmem>> -> memref<1x128xi32, #tpu.memory_space<vmem>>
      %dma_wait3A_616 = tpu.memref_squeeze %dma_wait3A_615 : memref<1x128xi32, #tpu.memory_space<vmem>> -> memref<128xi32, #tpu.memory_space<vmem>>
      %dma_wait3A_617 = arith.constant 0 : i32
      %dma_wait3A_618 = tpu.memref_slice %arg5[%arg1, %add3A_611, %dma_wait3A_617] : memref<16x160x128xi32, #tpu.memory_space<hbm>> -> memref<1x1x128xi32, #tpu.memory_space<hbm>>
      %dma_wait3A_619 = tpu.memref_squeeze %dma_wait3A_618 : memref<1x1x128xi32, #tpu.memory_space<hbm>> -> memref<128xi32, #tpu.memory_space<hbm>>
      %dma_wait3A_620 = tpu.memref_slice %arg17[%dma_wait3A_613] : memref<4x!tpu.dma_semaphore, #tpu.memory_space<semaphore_mem>> -> memref<1x!tpu.dma_semaphore, #tpu.memory_space<semaphore_mem>>
      %dma_wait3A_621 = tpu.memref_squeeze %dma_wait3A_620 : memref<1x!tpu.dma_semaphore, #tpu.memory_space<semaphore_mem>> -> memref<!tpu.dma_semaphore, #tpu.memory_space<semaphore_mem>>
      %dma_wait3A_622 = arith.constant 0 : i32
      %dma_wait3A_623 = tpu.memref_slice %arg10[%dma_wait3A_612, %dma_wait3A_622] : memref<4x128xi32, #tpu.memory_space<vmem>> -> memref<1x128xi32, #tpu.memory_space<vmem>>
      %dma_wait3A_624 = tpu.memref_squeeze %dma_wait3A_623 : memref<1x128xi32, #tpu.memory_space<vmem>> -> memref<128xi32, #tpu.memory_space<vmem>>
      %dma_wait3A_625 = arith.constant 0 : i32
      %dma_wait3A_626 = tpu.memref_slice %arg5[%arg1, %add3A_611, %dma_wait3A_625] : memref<16x160x128xi32, #tpu.memory_space<hbm>> -> memref<1x1x128xi32, #tpu.memory_space<hbm>>
      %dma_wait3A_627 = tpu.memref_squeeze %dma_wait3A_626 : memref<1x1x128xi32, #tpu.memory_space<hbm>> -> memref<128xi32, #tpu.memory_space<hbm>>
      tpu.wait_dma2 semaphore(%dma_wait3A_621 : memref<!tpu.dma_semaphore, #tpu.memory_space<semaphore_mem>>) src(%dma_wait3A_627 : memref<128xi32, #tpu.memory_space<hbm>>) dst(%dma_wait3A_624 : memref<128xi32, #tpu.memory_space<vmem>>)
      %dma_wait3A_628 = arith.constant 0 : i32
      %dma_wait3A_629 = arith.constant 0 : i32
      %dma_wait3A_630 = arith.constant 0 : i32
      %dma_wait3A_631 = tpu.memref_slice %arg11[%dma_wait3A_628, %rem3A_605, %dma_wait3A_630] : memref<4x2x128xi32, #tpu.memory_space<vmem>> -> memref<1x1x128xi32, #tpu.memory_space<vmem>>
      %dma_wait3A_632 = tpu.memref_squeeze %dma_wait3A_631 : memref<1x1x128xi32, #tpu.memory_space<vmem>> -> memref<128xi32, #tpu.memory_space<vmem>>
      %dma_wait3A_633 = arith.constant 0 : i32
      %dma_wait3A_634 = tpu.memref_slice %arg6[%arg1, %add3A_611, %dma_wait3A_633] : memref<16x160x128xi32, #tpu.memory_space<hbm>> -> memref<1x1x128xi32, #tpu.memory_space<hbm>>
      %dma_wait3A_635 = tpu.memref_squeeze %dma_wait3A_634 : memref<1x1x128xi32, #tpu.memory_space<hbm>> -> memref<128xi32, #tpu.memory_space<hbm>>
      %dma_wait3A_636 = tpu.memref_slice %arg17[%dma_wait3A_629] : memref<4x!tpu.dma_semaphore, #tpu.memory_space<semaphore_mem>> -> memref<1x!tpu.dma_semaphore, #tpu.memory_space<semaphore_mem>>
      %dma_wait3A_637 = tpu.memref_squeeze %dma_wait3A_636 : memref<1x!tpu.dma_semaphore, #tpu.memory_space<semaphore_mem>> -> memref<!tpu.dma_semaphore, #tpu.memory_space<semaphore_mem>>
      %dma_wait3A_638 = arith.constant 0 : i32
      %dma_wait3A_639 = tpu.memref_slice %arg11[%dma_wait3A_628, %rem3A_605, %dma_wait3A_638] : memref<4x2x128xi32, #tpu.memory_space<vmem>> -> memref<1x1x128xi32, #tpu.memory_space<vmem>>
      %dma_wait3A_640 = tpu.memref_squeeze %dma_wait3A_639 : memref<1x1x128xi32, #tpu.memory_space<vmem>> -> memref<128xi32, #tpu.memory_space<vmem>>
      %dma_wait3A_641 = arith.constant 0 : i32
      %dma_wait3A_642 = tpu.memref_slice %arg6[%arg1, %add3A_611, %dma_wait3A_641] : memref<16x160x128xi32, #tpu.memory_space<hbm>> -> memref<1x1x128xi32, #tpu.memory_space<hbm>>
      %dma_wait3A_643 = tpu.memref_squeeze %dma_wait3A_642 : memref<1x1x128xi32, #tpu.memory_space<hbm>> -> memref<128xi32, #tpu.memory_space<hbm>>
      tpu.wait_dma2 semaphore(%dma_wait3A_637 : memref<!tpu.dma_semaphore, #tpu.memory_space<semaphore_mem>>) src(%dma_wait3A_643 : memref<128xi32, #tpu.memory_space<hbm>>) dst(%dma_wait3A_640 : memref<128xi32, #tpu.memory_space<vmem>>)
      %dma_start3A_644 = arith.constant 0 : i32
      %dma_start3A_645 = arith.constant 0 : i32
      %dma_start3A_646 = arith.constant 0 : i32
      %dma_start3A_647 = tpu.memref_slice %arg10[%dma_start3A_644, %dma_start3A_646] : memref<4x128xi32, #tpu.memory_space<vmem>> -> memref<1x128xi32, #tpu.memory_space<vmem>>
      %dma_start3A_648 = tpu.memref_squeeze %dma_start3A_647 : memref<1x128xi32, #tpu.memory_space<vmem>> -> memref<128xi32, #tpu.memory_space<vmem>>
      %dma_start3A_649 = arith.constant 0 : i32
      %dma_start3A_650 = arith.constant 0 : i32
      %dma_start3A_651 = tpu.memref_slice %arg8[%dma_start3A_649, %dma_start3A_650] : memref<10240x64xf32, #tpu.memory_space<vmem_shared>> -> memref<10240x64xf32, #tpu.memory_space<vmem_shared>>
      %dma_start3A_652 = tpu.memref_slice %arg18[%dma_start3A_645] : memref<4x!tpu.dma_semaphore, #tpu.memory_space<semaphore_mem>> -> memref<1x!tpu.dma_semaphore, #tpu.memory_space<semaphore_mem>>
      %dma_start3A_653 = tpu.memref_squeeze %dma_start3A_652 : memref<1x!tpu.dma_semaphore, #tpu.memory_space<semaphore_mem>> -> memref<!tpu.dma_semaphore, #tpu.memory_space<semaphore_mem>>
      tpu.enqueue_indirect_dma source(%dma_start3A_651 : memref<10240x64xf32, #tpu.memory_space<vmem_shared>>) target(%arg12 : memref<128x64xf32, #tpu.memory_space<vmem>>) offsets(%dma_start3A_648 : memref<128xi32, #tpu.memory_space<vmem>>) semaphore(%dma_start3A_653 : memref<!tpu.dma_semaphore, #tpu.memory_space<semaphore_mem>>)
      %gt3A_654 = arith.constant 0 : i32
      %gt3A_655 = arith.cmpi sgt, %scan3A_602, %gt3A_654 : i32
      %convert_element_type3A_656 = arith.extui %gt3A_655 : i1 to i32
      %cond3A_657 = arith.constant 0 : i32
      %cond3A_658 = arith.cmpi ne, %convert_element_type3A_656, %cond3A_657 : i32
      scf.if %cond3A_658 {
        %sub3A = arith.constant 1 : i32
        %sub3A_923 = arith.subi %sub3A, %rem3A_605 : i32
        %dma_wait3A_924 = arith.constant 1 : i32
        %dma_wait3A_925 = arith.constant 1 : i32
        %dma_wait3A_926 = arith.constant 0 : i32
        %dma_wait3A_927 = tpu.memref_slice %arg11[%dma_wait3A_924, %sub3A_923, %dma_wait3A_926] : memref<4x2x128xi32, #tpu.memory_space<vmem>> -> memref<1x1x128xi32, #tpu.memory_space<vmem>>
        %dma_wait3A_928 = tpu.memref_squeeze %dma_wait3A_927 : memref<1x1x128xi32, #tpu.memory_space<vmem>> -> memref<128xi32, #tpu.memory_space<vmem>>
        %dma_wait3A_929 = arith.constant 0 : i32
        %dma_wait3A_930 = arith.constant 0 : i32
        %dma_wait3A_931 = tpu.memref_slice %arg9[%dma_wait3A_929, %dma_wait3A_930] : memref<10240x64xf32, #tpu.memory_space<vmem_shared>> -> memref<10240x64xf32, #tpu.memory_space<vmem_shared>>
        %dma_wait3A_932 = tpu.memref_slice %arg19[%dma_wait3A_925] : memref<4x!tpu.dma_semaphore, #tpu.memory_space<semaphore_mem>> -> memref<1x!tpu.dma_semaphore, #tpu.memory_space<semaphore_mem>>
        %dma_wait3A_933 = tpu.memref_squeeze %dma_wait3A_932 : memref<1x!tpu.dma_semaphore, #tpu.memory_space<semaphore_mem>> -> memref<!tpu.dma_semaphore, #tpu.memory_space<semaphore_mem>>
        tpu.wait_indirect_dma semaphore(%dma_wait3A_933 : memref<!tpu.dma_semaphore, #tpu.memory_space<semaphore_mem>>) src(%arg13 : memref<128x64xf32, #tpu.memory_space<vmem>>) dst(%dma_wait3A_931 : memref<10240x64xf32, #tpu.memory_space<vmem_shared>>)
      } else {
      }
      %mul3A_659 = arith.constant 4 : i32
      %mul3A_660 = arith.muli %scan3A_602, %mul3A_659 : i32
      %add3A_661 = arith.constant 1 : i32
      %add3A_662 = arith.addi %mul3A_660, %add3A_661 : i32
      %dma_wait3A_663 = arith.constant 1 : i32
      %dma_wait3A_664 = arith.constant 1 : i32
      %dma_wait3A_665 = arith.constant 0 : i32
      %dma_wait3A_666 = tpu.memref_slice %arg10[%dma_wait3A_663, %dma_wait3A_665] : memref<4x128xi32, #tpu.memory_space<vmem>> -> memref<1x128xi32, #tpu.memory_space<vmem>>
      %dma_wait3A_667 = tpu.memref_squeeze %dma_wait3A_666 : memref<1x128xi32, #tpu.memory_space<vmem>> -> memref<128xi32, #tpu.memory_space<vmem>>
      %dma_wait3A_668 = arith.constant 0 : i32
      %dma_wait3A_669 = tpu.memref_slice %arg5[%arg1, %add3A_662, %dma_wait3A_668] : memref<16x160x128xi32, #tpu.memory_space<hbm>> -> memref<1x1x128xi32, #tpu.memory_space<hbm>>
      %dma_wait3A_670 = tpu.memref_squeeze %dma_wait3A_669 : memref<1x1x128xi32, #tpu.memory_space<hbm>> -> memref<128xi32, #tpu.memory_space<hbm>>
      %dma_wait3A_671 = tpu.memref_slice %arg17[%dma_wait3A_664] : memref<4x!tpu.dma_semaphore, #tpu.memory_space<semaphore_mem>> -> memref<1x!tpu.dma_semaphore, #tpu.memory_space<semaphore_mem>>
      %dma_wait3A_672 = tpu.memref_squeeze %dma_wait3A_671 : memref<1x!tpu.dma_semaphore, #tpu.memory_space<semaphore_mem>> -> memref<!tpu.dma_semaphore, #tpu.memory_space<semaphore_mem>>
      %dma_wait3A_673 = arith.constant 0 : i32
      %dma_wait3A_674 = tpu.memref_slice %arg10[%dma_wait3A_663, %dma_wait3A_673] : memref<4x128xi32, #tpu.memory_space<vmem>> -> memref<1x128xi32, #tpu.memory_space<vmem>>
      %dma_wait3A_675 = tpu.memref_squeeze %dma_wait3A_674 : memref<1x128xi32, #tpu.memory_space<vmem>> -> memref<128xi32, #tpu.memory_space<vmem>>
      %dma_wait3A_676 = arith.constant 0 : i32
      %dma_wait3A_677 = tpu.memref_slice %arg5[%arg1, %add3A_662, %dma_wait3A_676] : memref<16x160x128xi32, #tpu.memory_space<hbm>> -> memref<1x1x128xi32, #tpu.memory_space<hbm>>
      %dma_wait3A_678 = tpu.memref_squeeze %dma_wait3A_677 : memref<1x1x128xi32, #tpu.memory_space<hbm>> -> memref<128xi32, #tpu.memory_space<hbm>>
      tpu.wait_dma2 semaphore(%dma_wait3A_672 : memref<!tpu.dma_semaphore, #tpu.memory_space<semaphore_mem>>) src(%dma_wait3A_678 : memref<128xi32, #tpu.memory_space<hbm>>) dst(%dma_wait3A_675 : memref<128xi32, #tpu.memory_space<vmem>>)
      %dma_wait3A_679 = arith.constant 1 : i32
      %dma_wait3A_680 = arith.constant 1 : i32
      %dma_wait3A_681 = arith.constant 0 : i32
      %dma_wait3A_682 = tpu.memref_slice %arg11[%dma_wait3A_679, %rem3A_605, %dma_wait3A_681] : memref<4x2x128xi32, #tpu.memory_space<vmem>> -> memref<1x1x128xi32, #tpu.memory_space<vmem>>
      %dma_wait3A_683 = tpu.memref_squeeze %dma_wait3A_682 : memref<1x1x128xi32, #tpu.memory_space<vmem>> -> memref<128xi32, #tpu.memory_space<vmem>>
      %dma_wait3A_684 = arith.constant 0 : i32
      %dma_wait3A_685 = tpu.memref_slice %arg6[%arg1, %add3A_662, %dma_wait3A_684] : memref<16x160x128xi32, #tpu.memory_space<hbm>> -> memref<1x1x128xi32, #tpu.memory_space<hbm>>
      %dma_wait3A_686 = tpu.memref_squeeze %dma_wait3A_685 : memref<1x1x128xi32, #tpu.memory_space<hbm>> -> memref<128xi32, #tpu.memory_space<hbm>>
      %dma_wait3A_687 = tpu.memref_slice %arg17[%dma_wait3A_680] : memref<4x!tpu.dma_semaphore, #tpu.memory_space<semaphore_mem>> -> memref<1x!tpu.dma_semaphore, #tpu.memory_space<semaphore_mem>>
      %dma_wait3A_688 = tpu.memref_squeeze %dma_wait3A_687 : memref<1x!tpu.dma_semaphore, #tpu.memory_space<semaphore_mem>> -> memref<!tpu.dma_semaphore, #tpu.memory_space<semaphore_mem>>
      %dma_wait3A_689 = arith.constant 0 : i32
      %dma_wait3A_690 = tpu.memref_slice %arg11[%dma_wait3A_679, %rem3A_605, %dma_wait3A_689] : memref<4x2x128xi32, #tpu.memory_space<vmem>> -> memref<1x1x128xi32, #tpu.memory_space<vmem>>
      %dma_wait3A_691 = tpu.memref_squeeze %dma_wait3A_690 : memref<1x1x128xi32, #tpu.memory_space<vmem>> -> memref<128xi32, #tpu.memory_space<vmem>>
      %dma_wait3A_692 = arith.constant 0 : i32
      %dma_wait3A_693 = tpu.memref_slice %arg6[%arg1, %add3A_662, %dma_wait3A_692] : memref<16x160x128xi32, #tpu.memory_space<hbm>> -> memref<1x1x128xi32, #tpu.memory_space<hbm>>
      %dma_wait3A_694 = tpu.memref_squeeze %dma_wait3A_693 : memref<1x1x128xi32, #tpu.memory_space<hbm>> -> memref<128xi32, #tpu.memory_space<hbm>>
      tpu.wait_dma2 semaphore(%dma_wait3A_688 : memref<!tpu.dma_semaphore, #tpu.memory_space<semaphore_mem>>) src(%dma_wait3A_694 : memref<128xi32, #tpu.memory_space<hbm>>) dst(%dma_wait3A_691 : memref<128xi32, #tpu.memory_space<vmem>>)
      %dma_start3A_695 = arith.constant 1 : i32
      %dma_start3A_696 = arith.constant 1 : i32
      %dma_start3A_697 = arith.constant 0 : i32
      %dma_start3A_698 = tpu.memref_slice %arg10[%dma_start3A_695, %dma_start3A_697] : memref<4x128xi32, #tpu.memory_space<vmem>> -> memref<1x128xi32, #tpu.memory_space<vmem>>
      %dma_start3A_699 = tpu.memref_squeeze %dma_start3A_698 : memref<1x128xi32, #tpu.memory_space<vmem>> -> memref<128xi32, #tpu.memory_space<vmem>>
      %dma_start3A_700 = arith.constant 0 : i32
      %dma_start3A_701 = arith.constant 0 : i32
      %dma_start3A_702 = tpu.memref_slice %arg8[%dma_start3A_700, %dma_start3A_701] : memref<10240x64xf32, #tpu.memory_space<vmem_shared>> -> memref<10240x64xf32, #tpu.memory_space<vmem_shared>>
      %dma_start3A_703 = tpu.memref_slice %arg18[%dma_start3A_696] : memref<4x!tpu.dma_semaphore, #tpu.memory_space<semaphore_mem>> -> memref<1x!tpu.dma_semaphore, #tpu.memory_space<semaphore_mem>>
      %dma_start3A_704 = tpu.memref_squeeze %dma_start3A_703 : memref<1x!tpu.dma_semaphore, #tpu.memory_space<semaphore_mem>> -> memref<!tpu.dma_semaphore, #tpu.memory_space<semaphore_mem>>
      tpu.enqueue_indirect_dma source(%dma_start3A_702 : memref<10240x64xf32, #tpu.memory_space<vmem_shared>>) target(%arg13 : memref<128x64xf32, #tpu.memory_space<vmem>>) offsets(%dma_start3A_699 : memref<128xi32, #tpu.memory_space<vmem>>) semaphore(%dma_start3A_704 : memref<!tpu.dma_semaphore, #tpu.memory_space<semaphore_mem>>)
      %gt3A_705 = arith.constant 0 : i32
      %gt3A_706 = arith.cmpi sgt, %scan3A_602, %gt3A_705 : i32
      %convert_element_type3A_707 = arith.extui %gt3A_706 : i1 to i32
      %cond3A_708 = arith.constant 0 : i32
      %cond3A_709 = arith.cmpi ne, %convert_element_type3A_707, %cond3A_708 : i32
      scf.if %cond3A_709 {
        %sub3A = arith.constant 1 : i32
        %sub3A_923 = arith.subi %sub3A, %rem3A_605 : i32
        %dma_wait3A_924 = arith.constant 2 : i32
        %dma_wait3A_925 = arith.constant 2 : i32
        %dma_wait3A_926 = arith.constant 0 : i32
        %dma_wait3A_927 = tpu.memref_slice %arg11[%dma_wait3A_924, %sub3A_923, %dma_wait3A_926] : memref<4x2x128xi32, #tpu.memory_space<vmem>> -> memref<1x1x128xi32, #tpu.memory_space<vmem>>
        %dma_wait3A_928 = tpu.memref_squeeze %dma_wait3A_927 : memref<1x1x128xi32, #tpu.memory_space<vmem>> -> memref<128xi32, #tpu.memory_space<vmem>>
        %dma_wait3A_929 = arith.constant 0 : i32
        %dma_wait3A_930 = arith.constant 0 : i32
        %dma_wait3A_931 = tpu.memref_slice %arg9[%dma_wait3A_929, %dma_wait3A_930] : memref<10240x64xf32, #tpu.memory_space<vmem_shared>> -> memref<10240x64xf32, #tpu.memory_space<vmem_shared>>
        %dma_wait3A_932 = tpu.memref_slice %arg19[%dma_wait3A_925] : memref<4x!tpu.dma_semaphore, #tpu.memory_space<semaphore_mem>> -> memref<1x!tpu.dma_semaphore, #tpu.memory_space<semaphore_mem>>
        %dma_wait3A_933 = tpu.memref_squeeze %dma_wait3A_932 : memref<1x!tpu.dma_semaphore, #tpu.memory_space<semaphore_mem>> -> memref<!tpu.dma_semaphore, #tpu.memory_space<semaphore_mem>>
        tpu.wait_indirect_dma semaphore(%dma_wait3A_933 : memref<!tpu.dma_semaphore, #tpu.memory_space<semaphore_mem>>) src(%arg14 : memref<128x64xf32, #tpu.memory_space<vmem>>) dst(%dma_wait3A_931 : memref<10240x64xf32, #tpu.memory_space<vmem_shared>>)
      } else {
      }
      %mul3A_710 = arith.constant 4 : i32
      %mul3A_711 = arith.muli %scan3A_602, %mul3A_710 : i32
      %add3A_712 = arith.constant 2 : i32
      %add3A_713 = arith.addi %mul3A_711, %add3A_712 : i32
      %dma_wait3A_714 = arith.constant 2 : i32
      %dma_wait3A_715 = arith.constant 2 : i32
      %dma_wait3A_716 = arith.constant 0 : i32
      %dma_wait3A_717 = tpu.memref_slice %arg10[%dma_wait3A_714, %dma_wait3A_716] : memref<4x128xi32, #tpu.memory_space<vmem>> -> memref<1x128xi32, #tpu.memory_space<vmem>>
      %dma_wait3A_718 = tpu.memref_squeeze %dma_wait3A_717 : memref<1x128xi32, #tpu.memory_space<vmem>> -> memref<128xi32, #tpu.memory_space<vmem>>
      %dma_wait3A_719 = arith.constant 0 : i32
      %dma_wait3A_720 = tpu.memref_slice %arg5[%arg1, %add3A_713, %dma_wait3A_719] : memref<16x160x128xi32, #tpu.memory_space<hbm>> -> memref<1x1x128xi32, #tpu.memory_space<hbm>>
      %dma_wait3A_721 = tpu.memref_squeeze %dma_wait3A_720 : memref<1x1x128xi32, #tpu.memory_space<hbm>> -> memref<128xi32, #tpu.memory_space<hbm>>
      %dma_wait3A_722 = tpu.memref_slice %arg17[%dma_wait3A_715] : memref<4x!tpu.dma_semaphore, #tpu.memory_space<semaphore_mem>> -> memref<1x!tpu.dma_semaphore, #tpu.memory_space<semaphore_mem>>
      %dma_wait3A_723 = tpu.memref_squeeze %dma_wait3A_722 : memref<1x!tpu.dma_semaphore, #tpu.memory_space<semaphore_mem>> -> memref<!tpu.dma_semaphore, #tpu.memory_space<semaphore_mem>>
      %dma_wait3A_724 = arith.constant 0 : i32
      %dma_wait3A_725 = tpu.memref_slice %arg10[%dma_wait3A_714, %dma_wait3A_724] : memref<4x128xi32, #tpu.memory_space<vmem>> -> memref<1x128xi32, #tpu.memory_space<vmem>>
      %dma_wait3A_726 = tpu.memref_squeeze %dma_wait3A_725 : memref<1x128xi32, #tpu.memory_space<vmem>> -> memref<128xi32, #tpu.memory_space<vmem>>
      %dma_wait3A_727 = arith.constant 0 : i32
      %dma_wait3A_728 = tpu.memref_slice %arg5[%arg1, %add3A_713, %dma_wait3A_727] : memref<16x160x128xi32, #tpu.memory_space<hbm>> -> memref<1x1x128xi32, #tpu.memory_space<hbm>>
      %dma_wait3A_729 = tpu.memref_squeeze %dma_wait3A_728 : memref<1x1x128xi32, #tpu.memory_space<hbm>> -> memref<128xi32, #tpu.memory_space<hbm>>
      tpu.wait_dma2 semaphore(%dma_wait3A_723 : memref<!tpu.dma_semaphore, #tpu.memory_space<semaphore_mem>>) src(%dma_wait3A_729 : memref<128xi32, #tpu.memory_space<hbm>>) dst(%dma_wait3A_726 : memref<128xi32, #tpu.memory_space<vmem>>)
      %dma_wait3A_730 = arith.constant 2 : i32
      %dma_wait3A_731 = arith.constant 2 : i32
      %dma_wait3A_732 = arith.constant 0 : i32
      %dma_wait3A_733 = tpu.memref_slice %arg11[%dma_wait3A_730, %rem3A_605, %dma_wait3A_732] : memref<4x2x128xi32, #tpu.memory_space<vmem>> -> memref<1x1x128xi32, #tpu.memory_space<vmem>>
      %dma_wait3A_734 = tpu.memref_squeeze %dma_wait3A_733 : memref<1x1x128xi32, #tpu.memory_space<vmem>> -> memref<128xi32, #tpu.memory_space<vmem>>
      %dma_wait3A_735 = arith.constant 0 : i32
      %dma_wait3A_736 = tpu.memref_slice %arg6[%arg1, %add3A_713, %dma_wait3A_735] : memref<16x160x128xi32, #tpu.memory_space<hbm>> -> memref<1x1x128xi32, #tpu.memory_space<hbm>>
      %dma_wait3A_737 = tpu.memref_squeeze %dma_wait3A_736 : memref<1x1x128xi32, #tpu.memory_space<hbm>> -> memref<128xi32, #tpu.memory_space<hbm>>
      %dma_wait3A_738 = tpu.memref_slice %arg17[%dma_wait3A_731] : memref<4x!tpu.dma_semaphore, #tpu.memory_space<semaphore_mem>> -> memref<1x!tpu.dma_semaphore, #tpu.memory_space<semaphore_mem>>
      %dma_wait3A_739 = tpu.memref_squeeze %dma_wait3A_738 : memref<1x!tpu.dma_semaphore, #tpu.memory_space<semaphore_mem>> -> memref<!tpu.dma_semaphore, #tpu.memory_space<semaphore_mem>>
      %dma_wait3A_740 = arith.constant 0 : i32
      %dma_wait3A_741 = tpu.memref_slice %arg11[%dma_wait3A_730, %rem3A_605, %dma_wait3A_740] : memref<4x2x128xi32, #tpu.memory_space<vmem>> -> memref<1x1x128xi32, #tpu.memory_space<vmem>>
      %dma_wait3A_742 = tpu.memref_squeeze %dma_wait3A_741 : memref<1x1x128xi32, #tpu.memory_space<vmem>> -> memref<128xi32, #tpu.memory_space<vmem>>
      %dma_wait3A_743 = arith.constant 0 : i32
      %dma_wait3A_744 = tpu.memref_slice %arg6[%arg1, %add3A_713, %dma_wait3A_743] : memref<16x160x128xi32, #tpu.memory_space<hbm>> -> memref<1x1x128xi32, #tpu.memory_space<hbm>>
      %dma_wait3A_745 = tpu.memref_squeeze %dma_wait3A_744 : memref<1x1x128xi32, #tpu.memory_space<hbm>> -> memref<128xi32, #tpu.memory_space<hbm>>
      tpu.wait_dma2 semaphore(%dma_wait3A_739 : memref<!tpu.dma_semaphore, #tpu.memory_space<semaphore_mem>>) src(%dma_wait3A_745 : memref<128xi32, #tpu.memory_space<hbm>>) dst(%dma_wait3A_742 : memref<128xi32, #tpu.memory_space<vmem>>)
      %dma_start3A_746 = arith.constant 2 : i32
      %dma_start3A_747 = arith.constant 2 : i32
      %dma_start3A_748 = arith.constant 0 : i32
      %dma_start3A_749 = tpu.memref_slice %arg10[%dma_start3A_746, %dma_start3A_748] : memref<4x128xi32, #tpu.memory_space<vmem>> -> memref<1x128xi32, #tpu.memory_space<vmem>>
      %dma_start3A_750 = tpu.memref_squeeze %dma_start3A_749 : memref<1x128xi32, #tpu.memory_space<vmem>> -> memref<128xi32, #tpu.memory_space<vmem>>
      %dma_start3A_751 = arith.constant 0 : i32
      %dma_start3A_752 = arith.constant 0 : i32
      %dma_start3A_753 = tpu.memref_slice %arg8[%dma_start3A_751, %dma_start3A_752] : memref<10240x64xf32, #tpu.memory_space<vmem_shared>> -> memref<10240x64xf32, #tpu.memory_space<vmem_shared>>
      %dma_start3A_754 = tpu.memref_slice %arg18[%dma_start3A_747] : memref<4x!tpu.dma_semaphore, #tpu.memory_space<semaphore_mem>> -> memref<1x!tpu.dma_semaphore, #tpu.memory_space<semaphore_mem>>
      %dma_start3A_755 = tpu.memref_squeeze %dma_start3A_754 : memref<1x!tpu.dma_semaphore, #tpu.memory_space<semaphore_mem>> -> memref<!tpu.dma_semaphore, #tpu.memory_space<semaphore_mem>>
      tpu.enqueue_indirect_dma source(%dma_start3A_753 : memref<10240x64xf32, #tpu.memory_space<vmem_shared>>) target(%arg14 : memref<128x64xf32, #tpu.memory_space<vmem>>) offsets(%dma_start3A_750 : memref<128xi32, #tpu.memory_space<vmem>>) semaphore(%dma_start3A_755 : memref<!tpu.dma_semaphore, #tpu.memory_space<semaphore_mem>>)
      %gt3A_756 = arith.constant 0 : i32
      %gt3A_757 = arith.cmpi sgt, %scan3A_602, %gt3A_756 : i32
      %convert_element_type3A_758 = arith.extui %gt3A_757 : i1 to i32
      %cond3A_759 = arith.constant 0 : i32
      %cond3A_760 = arith.cmpi ne, %convert_element_type3A_758, %cond3A_759 : i32
      scf.if %cond3A_760 {
        %sub3A = arith.constant 1 : i32
        %sub3A_923 = arith.subi %sub3A, %rem3A_605 : i32
        %dma_wait3A_924 = arith.constant 3 : i32
        %dma_wait3A_925 = arith.constant 3 : i32
        %dma_wait3A_926 = arith.constant 0 : i32
        %dma_wait3A_927 = tpu.memref_slice %arg11[%dma_wait3A_924, %sub3A_923, %dma_wait3A_926] : memref<4x2x128xi32, #tpu.memory_space<vmem>> -> memref<1x1x128xi32, #tpu.memory_space<vmem>>
        %dma_wait3A_928 = tpu.memref_squeeze %dma_wait3A_927 : memref<1x1x128xi32, #tpu.memory_space<vmem>> -> memref<128xi32, #tpu.memory_space<vmem>>
        %dma_wait3A_929 = arith.constant 0 : i32
        %dma_wait3A_930 = arith.constant 0 : i32
        %dma_wait3A_931 = tpu.memref_slice %arg9[%dma_wait3A_929, %dma_wait3A_930] : memref<10240x64xf32, #tpu.memory_space<vmem_shared>> -> memref<10240x64xf32, #tpu.memory_space<vmem_shared>>
        %dma_wait3A_932 = tpu.memref_slice %arg19[%dma_wait3A_925] : memref<4x!tpu.dma_semaphore, #tpu.memory_space<semaphore_mem>> -> memref<1x!tpu.dma_semaphore, #tpu.memory_space<semaphore_mem>>
        %dma_wait3A_933 = tpu.memref_squeeze %dma_wait3A_932 : memref<1x!tpu.dma_semaphore, #tpu.memory_space<semaphore_mem>> -> memref<!tpu.dma_semaphore, #tpu.memory_space<semaphore_mem>>
        tpu.wait_indirect_dma semaphore(%dma_wait3A_933 : memref<!tpu.dma_semaphore, #tpu.memory_space<semaphore_mem>>) src(%arg15 : memref<128x64xf32, #tpu.memory_space<vmem>>) dst(%dma_wait3A_931 : memref<10240x64xf32, #tpu.memory_space<vmem_shared>>)
      } else {
      }
      %mul3A_761 = arith.constant 4 : i32
      %mul3A_762 = arith.muli %scan3A_602, %mul3A_761 : i32
      %add3A_763 = arith.constant 3 : i32
      %add3A_764 = arith.addi %mul3A_762, %add3A_763 : i32
      %dma_wait3A_765 = arith.constant 3 : i32
      %dma_wait3A_766 = arith.constant 3 : i32
      %dma_wait3A_767 = arith.constant 0 : i32
      %dma_wait3A_768 = tpu.memref_slice %arg10[%dma_wait3A_765, %dma_wait3A_767] : memref<4x128xi32, #tpu.memory_space<vmem>> -> memref<1x128xi32, #tpu.memory_space<vmem>>
      %dma_wait3A_769 = tpu.memref_squeeze %dma_wait3A_768 : memref<1x128xi32, #tpu.memory_space<vmem>> -> memref<128xi32, #tpu.memory_space<vmem>>
      %dma_wait3A_770 = arith.constant 0 : i32
      %dma_wait3A_771 = tpu.memref_slice %arg5[%arg1, %add3A_764, %dma_wait3A_770] : memref<16x160x128xi32, #tpu.memory_space<hbm>> -> memref<1x1x128xi32, #tpu.memory_space<hbm>>
      %dma_wait3A_772 = tpu.memref_squeeze %dma_wait3A_771 : memref<1x1x128xi32, #tpu.memory_space<hbm>> -> memref<128xi32, #tpu.memory_space<hbm>>
      %dma_wait3A_773 = tpu.memref_slice %arg17[%dma_wait3A_766] : memref<4x!tpu.dma_semaphore, #tpu.memory_space<semaphore_mem>> -> memref<1x!tpu.dma_semaphore, #tpu.memory_space<semaphore_mem>>
      %dma_wait3A_774 = tpu.memref_squeeze %dma_wait3A_773 : memref<1x!tpu.dma_semaphore, #tpu.memory_space<semaphore_mem>> -> memref<!tpu.dma_semaphore, #tpu.memory_space<semaphore_mem>>
      %dma_wait3A_775 = arith.constant 0 : i32
      %dma_wait3A_776 = tpu.memref_slice %arg10[%dma_wait3A_765, %dma_wait3A_775] : memref<4x128xi32, #tpu.memory_space<vmem>> -> memref<1x128xi32, #tpu.memory_space<vmem>>
      %dma_wait3A_777 = tpu.memref_squeeze %dma_wait3A_776 : memref<1x128xi32, #tpu.memory_space<vmem>> -> memref<128xi32, #tpu.memory_space<vmem>>
      %dma_wait3A_778 = arith.constant 0 : i32
      %dma_wait3A_779 = tpu.memref_slice %arg5[%arg1, %add3A_764, %dma_wait3A_778] : memref<16x160x128xi32, #tpu.memory_space<hbm>> -> memref<1x1x128xi32, #tpu.memory_space<hbm>>
      %dma_wait3A_780 = tpu.memref_squeeze %dma_wait3A_779 : memref<1x1x128xi32, #tpu.memory_space<hbm>> -> memref<128xi32, #tpu.memory_space<hbm>>
      tpu.wait_dma2 semaphore(%dma_wait3A_774 : memref<!tpu.dma_semaphore, #tpu.memory_space<semaphore_mem>>) src(%dma_wait3A_780 : memref<128xi32, #tpu.memory_space<hbm>>) dst(%dma_wait3A_777 : memref<128xi32, #tpu.memory_space<vmem>>)
      %dma_wait3A_781 = arith.constant 3 : i32
      %dma_wait3A_782 = arith.constant 3 : i32
      %dma_wait3A_783 = arith.constant 0 : i32
      %dma_wait3A_784 = tpu.memref_slice %arg11[%dma_wait3A_781, %rem3A_605, %dma_wait3A_783] : memref<4x2x128xi32, #tpu.memory_space<vmem>> -> memref<1x1x128xi32, #tpu.memory_space<vmem>>
      %dma_wait3A_785 = tpu.memref_squeeze %dma_wait3A_784 : memref<1x1x128xi32, #tpu.memory_space<vmem>> -> memref<128xi32, #tpu.memory_space<vmem>>
      %dma_wait3A_786 = arith.constant 0 : i32
      %dma_wait3A_787 = tpu.memref_slice %arg6[%arg1, %add3A_764, %dma_wait3A_786] : memref<16x160x128xi32, #tpu.memory_space<hbm>> -> memref<1x1x128xi32, #tpu.memory_space<hbm>>
      %dma_wait3A_788 = tpu.memref_squeeze %dma_wait3A_787 : memref<1x1x128xi32, #tpu.memory_space<hbm>> -> memref<128xi32, #tpu.memory_space<hbm>>
      %dma_wait3A_789 = tpu.memref_slice %arg17[%dma_wait3A_782] : memref<4x!tpu.dma_semaphore, #tpu.memory_space<semaphore_mem>> -> memref<1x!tpu.dma_semaphore, #tpu.memory_space<semaphore_mem>>
      %dma_wait3A_790 = tpu.memref_squeeze %dma_wait3A_789 : memref<1x!tpu.dma_semaphore, #tpu.memory_space<semaphore_mem>> -> memref<!tpu.dma_semaphore, #tpu.memory_space<semaphore_mem>>
      %dma_wait3A_791 = arith.constant 0 : i32
      %dma_wait3A_792 = tpu.memref_slice %arg11[%dma_wait3A_781, %rem3A_605, %dma_wait3A_791] : memref<4x2x128xi32, #tpu.memory_space<vmem>> -> memref<1x1x128xi32, #tpu.memory_space<vmem>>
      %dma_wait3A_793 = tpu.memref_squeeze %dma_wait3A_792 : memref<1x1x128xi32, #tpu.memory_space<vmem>> -> memref<128xi32, #tpu.memory_space<vmem>>
      %dma_wait3A_794 = arith.constant 0 : i32
      %dma_wait3A_795 = tpu.memref_slice %arg6[%arg1, %add3A_764, %dma_wait3A_794] : memref<16x160x128xi32, #tpu.memory_space<hbm>> -> memref<1x1x128xi32, #tpu.memory_space<hbm>>
      %dma_wait3A_796 = tpu.memref_squeeze %dma_wait3A_795 : memref<1x1x128xi32, #tpu.memory_space<hbm>> -> memref<128xi32, #tpu.memory_space<hbm>>
      tpu.wait_dma2 semaphore(%dma_wait3A_790 : memref<!tpu.dma_semaphore, #tpu.memory_space<semaphore_mem>>) src(%dma_wait3A_796 : memref<128xi32, #tpu.memory_space<hbm>>) dst(%dma_wait3A_793 : memref<128xi32, #tpu.memory_space<vmem>>)
      %dma_start3A_797 = arith.constant 3 : i32
      %dma_start3A_798 = arith.constant 3 : i32
      %dma_start3A_799 = arith.constant 0 : i32
      %dma_start3A_800 = tpu.memref_slice %arg10[%dma_start3A_797, %dma_start3A_799] : memref<4x128xi32, #tpu.memory_space<vmem>> -> memref<1x128xi32, #tpu.memory_space<vmem>>
      %dma_start3A_801 = tpu.memref_squeeze %dma_start3A_800 : memref<1x128xi32, #tpu.memory_space<vmem>> -> memref<128xi32, #tpu.memory_space<vmem>>
      %dma_start3A_802 = arith.constant 0 : i32
      %dma_start3A_803 = arith.constant 0 : i32
      %dma_start3A_804 = tpu.memref_slice %arg8[%dma_start3A_802, %dma_start3A_803] : memref<10240x64xf32, #tpu.memory_space<vmem_shared>> -> memref<10240x64xf32, #tpu.memory_space<vmem_shared>>
      %dma_start3A_805 = tpu.memref_slice %arg18[%dma_start3A_798] : memref<4x!tpu.dma_semaphore, #tpu.memory_space<semaphore_mem>> -> memref<1x!tpu.dma_semaphore, #tpu.memory_space<semaphore_mem>>
      %dma_start3A_806 = tpu.memref_squeeze %dma_start3A_805 : memref<1x!tpu.dma_semaphore, #tpu.memory_space<semaphore_mem>> -> memref<!tpu.dma_semaphore, #tpu.memory_space<semaphore_mem>>
      tpu.enqueue_indirect_dma source(%dma_start3A_804 : memref<10240x64xf32, #tpu.memory_space<vmem_shared>>) target(%arg15 : memref<128x64xf32, #tpu.memory_space<vmem>>) offsets(%dma_start3A_801 : memref<128xi32, #tpu.memory_space<vmem>>) semaphore(%dma_start3A_806 : memref<!tpu.dma_semaphore, #tpu.memory_space<semaphore_mem>>)
      %mul3A_807 = arith.constant 4 : i32
      %mul3A_808 = arith.muli %scan3A_602, %mul3A_807 : i32
      %add3A_809 = arith.constant 0 : i32
      %add3A_810 = arith.addi %mul3A_808, %add3A_809 : i32
      %dma_wait3A_811 = arith.constant 0 : i32
      %dma_wait3A_812 = arith.constant 0 : i32
      %dma_wait3A_813 = arith.constant 0 : i32
      %dma_wait3A_814 = tpu.memref_slice %arg10[%dma_wait3A_811, %dma_wait3A_813] : memref<4x128xi32, #tpu.memory_space<vmem>> -> memref<1x128xi32, #tpu.memory_space<vmem>>
      %dma_wait3A_815 = tpu.memref_squeeze %dma_wait3A_814 : memref<1x128xi32, #tpu.memory_space<vmem>> -> memref<128xi32, #tpu.memory_space<vmem>>
      %dma_wait3A_816 = arith.constant 0 : i32
      %dma_wait3A_817 = arith.constant 0 : i32
      %dma_wait3A_818 = tpu.memref_slice %arg8[%dma_wait3A_816, %dma_wait3A_817] : memref<10240x64xf32, #tpu.memory_space<vmem_shared>> -> memref<10240x64xf32, #tpu.memory_space<vmem_shared>>
      %dma_wait3A_819 = tpu.memref_slice %arg18[%dma_wait3A_812] : memref<4x!tpu.dma_semaphore, #tpu.memory_space<semaphore_mem>> -> memref<1x!tpu.dma_semaphore, #tpu.memory_space<semaphore_mem>>
      %dma_wait3A_820 = tpu.memref_squeeze %dma_wait3A_819 : memref<1x!tpu.dma_semaphore, #tpu.memory_space<semaphore_mem>> -> memref<!tpu.dma_semaphore, #tpu.memory_space<semaphore_mem>>
      tpu.wait_indirect_dma semaphore(%dma_wait3A_820 : memref<!tpu.dma_semaphore, #tpu.memory_space<semaphore_mem>>) src(%dma_wait3A_818 : memref<10240x64xf32, #tpu.memory_space<vmem_shared>>) dst(%arg12 : memref<128x64xf32, #tpu.memory_space<vmem>>)
      %dma_start3A_821 = arith.constant 0 : i32
      %dma_start3A_822 = arith.constant 0 : i32
      %dma_start3A_823 = arith.constant 0 : i32
      %dma_start3A_824 = tpu.memref_slice %arg11[%dma_start3A_821, %rem3A_605, %dma_start3A_823] : memref<4x2x128xi32, #tpu.memory_space<vmem>> -> memref<1x1x128xi32, #tpu.memory_space<vmem>>
      %dma_start3A_825 = tpu.memref_squeeze %dma_start3A_824 : memref<1x1x128xi32, #tpu.memory_space<vmem>> -> memref<128xi32, #tpu.memory_space<vmem>>
      %dma_start3A_826 = arith.constant 0 : i32
      %dma_start3A_827 = arith.constant 0 : i32
      %dma_start3A_828 = tpu.memref_slice %arg9[%dma_start3A_826, %dma_start3A_827] : memref<10240x64xf32, #tpu.memory_space<vmem_shared>> -> memref<10240x64xf32, #tpu.memory_space<vmem_shared>>
      %dma_start3A_829 = tpu.memref_slice %arg19[%dma_start3A_822] : memref<4x!tpu.dma_semaphore, #tpu.memory_space<semaphore_mem>> -> memref<1x!tpu.dma_semaphore, #tpu.memory_space<semaphore_mem>>
      %dma_start3A_830 = tpu.memref_squeeze %dma_start3A_829 : memref<1x!tpu.dma_semaphore, #tpu.memory_space<semaphore_mem>> -> memref<!tpu.dma_semaphore, #tpu.memory_space<semaphore_mem>>
      tpu.enqueue_indirect_dma source(%arg12 : memref<128x64xf32, #tpu.memory_space<vmem>>) target(%dma_start3A_828 : memref<10240x64xf32, #tpu.memory_space<vmem_shared>>) offsets(%dma_start3A_825 : memref<128xi32, #tpu.memory_space<vmem>>) semaphore(%dma_start3A_830 : memref<!tpu.dma_semaphore, #tpu.memory_space<semaphore_mem>>) {add = true}
      %lt3A = arith.constant 39 : i32
      %lt3A_831 = arith.cmpi slt, %scan3A_602, %lt3A : i32
      %convert_element_type3A_832 = arith.extui %lt3A_831 : i1 to i32
      %cond3A_833 = arith.constant 0 : i32
      %cond3A_834 = arith.cmpi ne, %convert_element_type3A_832, %cond3A_833 : i32
      scf.if %cond3A_834 {
        %add3A_923 = arith.constant 4 : i32
        %add3A_924 = arith.addi %add3A_810, %add3A_923 : i32
        %dma_start3A_925 = arith.constant 0 : i32
        %dma_start3A_926 = arith.constant 0 : i32
        %dma_start3A_927 = arith.constant 0 : i32
        %dma_start3A_928 = tpu.memref_slice %arg10[%dma_start3A_925, %dma_start3A_927] : memref<4x128xi32, #tpu.memory_space<vmem>> -> memref<1x128xi32, #tpu.memory_space<vmem>>
        %dma_start3A_929 = tpu.memref_squeeze %dma_start3A_928 : memref<1x128xi32, #tpu.memory_space<vmem>> -> memref<128xi32, #tpu.memory_space<vmem>>
        %dma_start3A_930 = arith.constant 0 : i32
        %dma_start3A_931 = tpu.memref_slice %arg5[%arg1, %add3A_924, %dma_start3A_930] : memref<16x160x128xi32, #tpu.memory_space<hbm>> -> memref<1x1x128xi32, #tpu.memory_space<hbm>>
        %dma_start3A_932 = tpu.memref_squeeze %dma_start3A_931 : memref<1x1x128xi32, #tpu.memory_space<hbm>> -> memref<128xi32, #tpu.memory_space<hbm>>
        %dma_start3A_933 = tpu.memref_slice %arg17[%dma_start3A_926] : memref<4x!tpu.dma_semaphore, #tpu.memory_space<semaphore_mem>> -> memref<1x!tpu.dma_semaphore, #tpu.memory_space<semaphore_mem>>
        %dma_start3A_934 = tpu.memref_squeeze %dma_start3A_933 : memref<1x!tpu.dma_semaphore, #tpu.memory_space<semaphore_mem>> -> memref<!tpu.dma_semaphore, #tpu.memory_space<semaphore_mem>>
        %dma_start3A_935 = arith.constant 0 : i32
        %dma_start3A_936 = tpu.memref_slice %arg10[%dma_start3A_925, %dma_start3A_935] : memref<4x128xi32, #tpu.memory_space<vmem>> -> memref<1x128xi32, #tpu.memory_space<vmem>>
        %dma_start3A_937 = tpu.memref_squeeze %dma_start3A_936 : memref<1x128xi32, #tpu.memory_space<vmem>> -> memref<128xi32, #tpu.memory_space<vmem>>
        %dma_start3A_938 = arith.constant 0 : i32
        %dma_start3A_939 = tpu.memref_slice %arg5[%arg1, %add3A_924, %dma_start3A_938] : memref<16x160x128xi32, #tpu.memory_space<hbm>> -> memref<1x1x128xi32, #tpu.memory_space<hbm>>
        %dma_start3A_940 = tpu.memref_squeeze %dma_start3A_939 : memref<1x1x128xi32, #tpu.memory_space<hbm>> -> memref<128xi32, #tpu.memory_space<hbm>>
        tpu.enqueue_dma source(%dma_start3A_940 : memref<128xi32, #tpu.memory_space<hbm>>) target(%dma_start3A_937 : memref<128xi32, #tpu.memory_space<vmem>>) target_semaphore(%dma_start3A_934 : memref<!tpu.dma_semaphore, #tpu.memory_space<semaphore_mem>>)
        %add3A_941 = arith.constant 4 : i32
        %add3A_942 = arith.addi %add3A_810, %add3A_941 : i32
        %sub3A = arith.constant 1 : i32
        %sub3A_943 = arith.subi %sub3A, %rem3A_605 : i32
        %dma_start3A_944 = arith.constant 0 : i32
        %dma_start3A_945 = arith.constant 0 : i32
        %dma_start3A_946 = arith.constant 0 : i32
        %dma_start3A_947 = tpu.memref_slice %arg11[%dma_start3A_944, %sub3A_943, %dma_start3A_946] : memref<4x2x128xi32, #tpu.memory_space<vmem>> -> memref<1x1x128xi32, #tpu.memory_space<vmem>>
        %dma_start3A_948 = tpu.memref_squeeze %dma_start3A_947 : memref<1x1x128xi32, #tpu.memory_space<vmem>> -> memref<128xi32, #tpu.memory_space<vmem>>
        %dma_start3A_949 = arith.constant 0 : i32
        %dma_start3A_950 = tpu.memref_slice %arg6[%arg1, %add3A_942, %dma_start3A_949] : memref<16x160x128xi32, #tpu.memory_space<hbm>> -> memref<1x1x128xi32, #tpu.memory_space<hbm>>
        %dma_start3A_951 = tpu.memref_squeeze %dma_start3A_950 : memref<1x1x128xi32, #tpu.memory_space<hbm>> -> memref<128xi32, #tpu.memory_space<hbm>>
        %dma_start3A_952 = tpu.memref_slice %arg17[%dma_start3A_945] : memref<4x!tpu.dma_semaphore, #tpu.memory_space<semaphore_mem>> -> memref<1x!tpu.dma_semaphore, #tpu.memory_space<semaphore_mem>>
        %dma_start3A_953 = tpu.memref_squeeze %dma_start3A_952 : memref<1x!tpu.dma_semaphore, #tpu.memory_space<semaphore_mem>> -> memref<!tpu.dma_semaphore, #tpu.memory_space<semaphore_mem>>
        %dma_start3A_954 = arith.constant 0 : i32
        %dma_start3A_955 = tpu.memref_slice %arg11[%dma_start3A_944, %sub3A_943, %dma_start3A_954] : memref<4x2x128xi32, #tpu.memory_space<vmem>> -> memref<1x1x128xi32, #tpu.memory_space<vmem>>
        %dma_start3A_956 = tpu.memref_squeeze %dma_start3A_955 : memref<1x1x128xi32, #tpu.memory_space<vmem>> -> memref<128xi32, #tpu.memory_space<vmem>>
        %dma_start3A_957 = arith.constant 0 : i32
        %dma_start3A_958 = tpu.memref_slice %arg6[%arg1, %add3A_942, %dma_start3A_957] : memref<16x160x128xi32, #tpu.memory_space<hbm>> -> memref<1x1x128xi32, #tpu.memory_space<hbm>>
        %dma_start3A_959 = tpu.memref_squeeze %dma_start3A_958 : memref<1x1x128xi32, #tpu.memory_space<hbm>> -> memref<128xi32, #tpu.memory_space<hbm>>
        tpu.enqueue_dma source(%dma_start3A_959 : memref<128xi32, #tpu.memory_space<hbm>>) target(%dma_start3A_956 : memref<128xi32, #tpu.memory_space<vmem>>) target_semaphore(%dma_start3A_953 : memref<!tpu.dma_semaphore, #tpu.memory_space<semaphore_mem>>)
      } else {
      }
      %mul3A_835 = arith.constant 4 : i32
      %mul3A_836 = arith.muli %scan3A_602, %mul3A_835 : i32
      %add3A_837 = arith.constant 1 : i32
      %add3A_838 = arith.addi %mul3A_836, %add3A_837 : i32
      %dma_wait3A_839 = arith.constant 1 : i32
      %dma_wait3A_840 = arith.constant 1 : i32
      %dma_wait3A_841 = arith.constant 0 : i32
      %dma_wait3A_842 = tpu.memref_slice %arg10[%dma_wait3A_839, %dma_wait3A_841] : memref<4x128xi32, #tpu.memory_space<vmem>> -> memref<1x128xi32, #tpu.memory_space<vmem>>
      %dma_wait3A_843 = tpu.memref_squeeze %dma_wait3A_842 : memref<1x128xi32, #tpu.memory_space<vmem>> -> memref<128xi32, #tpu.memory_space<vmem>>
      %dma_wait3A_844 = arith.constant 0 : i32
      %dma_wait3A_845 = arith.constant 0 : i32
      %dma_wait3A_846 = tpu.memref_slice %arg8[%dma_wait3A_844, %dma_wait3A_845] : memref<10240x64xf32, #tpu.memory_space<vmem_shared>> -> memref<10240x64xf32, #tpu.memory_space<vmem_shared>>
      %dma_wait3A_847 = tpu.memref_slice %arg18[%dma_wait3A_840] : memref<4x!tpu.dma_semaphore, #tpu.memory_space<semaphore_mem>> -> memref<1x!tpu.dma_semaphore, #tpu.memory_space<semaphore_mem>>
      %dma_wait3A_848 = tpu.memref_squeeze %dma_wait3A_847 : memref<1x!tpu.dma_semaphore, #tpu.memory_space<semaphore_mem>> -> memref<!tpu.dma_semaphore, #tpu.memory_space<semaphore_mem>>
      tpu.wait_indirect_dma semaphore(%dma_wait3A_848 : memref<!tpu.dma_semaphore, #tpu.memory_space<semaphore_mem>>) src(%dma_wait3A_846 : memref<10240x64xf32, #tpu.memory_space<vmem_shared>>) dst(%arg13 : memref<128x64xf32, #tpu.memory_space<vmem>>)
      %dma_start3A_849 = arith.constant 1 : i32
      %dma_start3A_850 = arith.constant 1 : i32
      %dma_start3A_851 = arith.constant 0 : i32
      %dma_start3A_852 = tpu.memref_slice %arg11[%dma_start3A_849, %rem3A_605, %dma_start3A_851] : memref<4x2x128xi32, #tpu.memory_space<vmem>> -> memref<1x1x128xi32, #tpu.memory_space<vmem>>
      %dma_start3A_853 = tpu.memref_squeeze %dma_start3A_852 : memref<1x1x128xi32, #tpu.memory_space<vmem>> -> memref<128xi32, #tpu.memory_space<vmem>>
      %dma_start3A_854 = arith.constant 0 : i32
      %dma_start3A_855 = arith.constant 0 : i32
      %dma_start3A_856 = tpu.memref_slice %arg9[%dma_start3A_854, %dma_start3A_855] : memref<10240x64xf32, #tpu.memory_space<vmem_shared>> -> memref<10240x64xf32, #tpu.memory_space<vmem_shared>>
      %dma_start3A_857 = tpu.memref_slice %arg19[%dma_start3A_850] : memref<4x!tpu.dma_semaphore, #tpu.memory_space<semaphore_mem>> -> memref<1x!tpu.dma_semaphore, #tpu.memory_space<semaphore_mem>>
      %dma_start3A_858 = tpu.memref_squeeze %dma_start3A_857 : memref<1x!tpu.dma_semaphore, #tpu.memory_space<semaphore_mem>> -> memref<!tpu.dma_semaphore, #tpu.memory_space<semaphore_mem>>
      tpu.enqueue_indirect_dma source(%arg13 : memref<128x64xf32, #tpu.memory_space<vmem>>) target(%dma_start3A_856 : memref<10240x64xf32, #tpu.memory_space<vmem_shared>>) offsets(%dma_start3A_853 : memref<128xi32, #tpu.memory_space<vmem>>) semaphore(%dma_start3A_858 : memref<!tpu.dma_semaphore, #tpu.memory_space<semaphore_mem>>) {add = true}
      %lt3A_859 = arith.constant 39 : i32
      %lt3A_860 = arith.cmpi slt, %scan3A_602, %lt3A_859 : i32
      %convert_element_type3A_861 = arith.extui %lt3A_860 : i1 to i32
      %cond3A_862 = arith.constant 0 : i32
      %cond3A_863 = arith.cmpi ne, %convert_element_type3A_861, %cond3A_862 : i32
      scf.if %cond3A_863 {
        %add3A_923 = arith.constant 4 : i32
        %add3A_924 = arith.addi %add3A_838, %add3A_923 : i32
        %dma_start3A_925 = arith.constant 1 : i32
        %dma_start3A_926 = arith.constant 1 : i32
        %dma_start3A_927 = arith.constant 0 : i32
        %dma_start3A_928 = tpu.memref_slice %arg10[%dma_start3A_925, %dma_start3A_927] : memref<4x128xi32, #tpu.memory_space<vmem>> -> memref<1x128xi32, #tpu.memory_space<vmem>>
        %dma_start3A_929 = tpu.memref_squeeze %dma_start3A_928 : memref<1x128xi32, #tpu.memory_space<vmem>> -> memref<128xi32, #tpu.memory_space<vmem>>
        %dma_start3A_930 = arith.constant 0 : i32
        %dma_start3A_931 = tpu.memref_slice %arg5[%arg1, %add3A_924, %dma_start3A_930] : memref<16x160x128xi32, #tpu.memory_space<hbm>> -> memref<1x1x128xi32, #tpu.memory_space<hbm>>
        %dma_start3A_932 = tpu.memref_squeeze %dma_start3A_931 : memref<1x1x128xi32, #tpu.memory_space<hbm>> -> memref<128xi32, #tpu.memory_space<hbm>>
        %dma_start3A_933 = tpu.memref_slice %arg17[%dma_start3A_926] : memref<4x!tpu.dma_semaphore, #tpu.memory_space<semaphore_mem>> -> memref<1x!tpu.dma_semaphore, #tpu.memory_space<semaphore_mem>>
        %dma_start3A_934 = tpu.memref_squeeze %dma_start3A_933 : memref<1x!tpu.dma_semaphore, #tpu.memory_space<semaphore_mem>> -> memref<!tpu.dma_semaphore, #tpu.memory_space<semaphore_mem>>
        %dma_start3A_935 = arith.constant 0 : i32
        %dma_start3A_936 = tpu.memref_slice %arg10[%dma_start3A_925, %dma_start3A_935] : memref<4x128xi32, #tpu.memory_space<vmem>> -> memref<1x128xi32, #tpu.memory_space<vmem>>
        %dma_start3A_937 = tpu.memref_squeeze %dma_start3A_936 : memref<1x128xi32, #tpu.memory_space<vmem>> -> memref<128xi32, #tpu.memory_space<vmem>>
        %dma_start3A_938 = arith.constant 0 : i32
        %dma_start3A_939 = tpu.memref_slice %arg5[%arg1, %add3A_924, %dma_start3A_938] : memref<16x160x128xi32, #tpu.memory_space<hbm>> -> memref<1x1x128xi32, #tpu.memory_space<hbm>>
        %dma_start3A_940 = tpu.memref_squeeze %dma_start3A_939 : memref<1x1x128xi32, #tpu.memory_space<hbm>> -> memref<128xi32, #tpu.memory_space<hbm>>
        tpu.enqueue_dma source(%dma_start3A_940 : memref<128xi32, #tpu.memory_space<hbm>>) target(%dma_start3A_937 : memref<128xi32, #tpu.memory_space<vmem>>) target_semaphore(%dma_start3A_934 : memref<!tpu.dma_semaphore, #tpu.memory_space<semaphore_mem>>)
        %add3A_941 = arith.constant 4 : i32
        %add3A_942 = arith.addi %add3A_838, %add3A_941 : i32
        %sub3A = arith.constant 1 : i32
        %sub3A_943 = arith.subi %sub3A, %rem3A_605 : i32
        %dma_start3A_944 = arith.constant 1 : i32
        %dma_start3A_945 = arith.constant 1 : i32
        %dma_start3A_946 = arith.constant 0 : i32
        %dma_start3A_947 = tpu.memref_slice %arg11[%dma_start3A_944, %sub3A_943, %dma_start3A_946] : memref<4x2x128xi32, #tpu.memory_space<vmem>> -> memref<1x1x128xi32, #tpu.memory_space<vmem>>
        %dma_start3A_948 = tpu.memref_squeeze %dma_start3A_947 : memref<1x1x128xi32, #tpu.memory_space<vmem>> -> memref<128xi32, #tpu.memory_space<vmem>>
        %dma_start3A_949 = arith.constant 0 : i32
        %dma_start3A_950 = tpu.memref_slice %arg6[%arg1, %add3A_942, %dma_start3A_949] : memref<16x160x128xi32, #tpu.memory_space<hbm>> -> memref<1x1x128xi32, #tpu.memory_space<hbm>>
        %dma_start3A_951 = tpu.memref_squeeze %dma_start3A_950 : memref<1x1x128xi32, #tpu.memory_space<hbm>> -> memref<128xi32, #tpu.memory_space<hbm>>
        %dma_start3A_952 = tpu.memref_slice %arg17[%dma_start3A_945] : memref<4x!tpu.dma_semaphore, #tpu.memory_space<semaphore_mem>> -> memref<1x!tpu.dma_semaphore, #tpu.memory_space<semaphore_mem>>
        %dma_start3A_953 = tpu.memref_squeeze %dma_start3A_952 : memref<1x!tpu.dma_semaphore, #tpu.memory_space<semaphore_mem>> -> memref<!tpu.dma_semaphore, #tpu.memory_space<semaphore_mem>>
        %dma_start3A_954 = arith.constant 0 : i32
        %dma_start3A_955 = tpu.memref_slice %arg11[%dma_start3A_944, %sub3A_943, %dma_start3A_954] : memref<4x2x128xi32, #tpu.memory_space<vmem>> -> memref<1x1x128xi32, #tpu.memory_space<vmem>>
        %dma_start3A_956 = tpu.memref_squeeze %dma_start3A_955 : memref<1x1x128xi32, #tpu.memory_space<vmem>> -> memref<128xi32, #tpu.memory_space<vmem>>
        %dma_start3A_957 = arith.constant 0 : i32
        %dma_start3A_958 = tpu.memref_slice %arg6[%arg1, %add3A_942, %dma_start3A_957] : memref<16x160x128xi32, #tpu.memory_space<hbm>> -> memref<1x1x128xi32, #tpu.memory_space<hbm>>
        %dma_start3A_959 = tpu.memref_squeeze %dma_start3A_958 : memref<1x1x128xi32, #tpu.memory_space<hbm>> -> memref<128xi32, #tpu.memory_space<hbm>>
        tpu.enqueue_dma source(%dma_start3A_959 : memref<128xi32, #tpu.memory_space<hbm>>) target(%dma_start3A_956 : memref<128xi32, #tpu.memory_space<vmem>>) target_semaphore(%dma_start3A_953 : memref<!tpu.dma_semaphore, #tpu.memory_space<semaphore_mem>>)
      } else {
      }
      %mul3A_864 = arith.constant 4 : i32
      %mul3A_865 = arith.muli %scan3A_602, %mul3A_864 : i32
      %add3A_866 = arith.constant 2 : i32
      %add3A_867 = arith.addi %mul3A_865, %add3A_866 : i32
      %dma_wait3A_868 = arith.constant 2 : i32
      %dma_wait3A_869 = arith.constant 2 : i32
      %dma_wait3A_870 = arith.constant 0 : i32
      %dma_wait3A_871 = tpu.memref_slice %arg10[%dma_wait3A_868, %dma_wait3A_870] : memref<4x128xi32, #tpu.memory_space<vmem>> -> memref<1x128xi32, #tpu.memory_space<vmem>>
      %dma_wait3A_872 = tpu.memref_squeeze %dma_wait3A_871 : memref<1x128xi32, #tpu.memory_space<vmem>> -> memref<128xi32, #tpu.memory_space<vmem>>
      %dma_wait3A_873 = arith.constant 0 : i32
      %dma_wait3A_874 = arith.constant 0 : i32
      %dma_wait3A_875 = tpu.memref_slice %arg8[%dma_wait3A_873, %dma_wait3A_874] : memref<10240x64xf32, #tpu.memory_space<vmem_shared>> -> memref<10240x64xf32, #tpu.memory_space<vmem_shared>>
      %dma_wait3A_876 = tpu.memref_slice %arg18[%dma_wait3A_869] : memref<4x!tpu.dma_semaphore, #tpu.memory_space<semaphore_mem>> -> memref<1x!tpu.dma_semaphore, #tpu.memory_space<semaphore_mem>>
      %dma_wait3A_877 = tpu.memref_squeeze %dma_wait3A_876 : memref<1x!tpu.dma_semaphore, #tpu.memory_space<semaphore_mem>> -> memref<!tpu.dma_semaphore, #tpu.memory_space<semaphore_mem>>
      tpu.wait_indirect_dma semaphore(%dma_wait3A_877 : memref<!tpu.dma_semaphore, #tpu.memory_space<semaphore_mem>>) src(%dma_wait3A_875 : memref<10240x64xf32, #tpu.memory_space<vmem_shared>>) dst(%arg14 : memref<128x64xf32, #tpu.memory_space<vmem>>)
      %dma_start3A_878 = arith.constant 2 : i32
      %dma_start3A_879 = arith.constant 2 : i32
      %dma_start3A_880 = arith.constant 0 : i32
      %dma_start3A_881 = tpu.memref_slice %arg11[%dma_start3A_878, %rem3A_605, %dma_start3A_880] : memref<4x2x128xi32, #tpu.memory_space<vmem>> -> memref<1x1x128xi32, #tpu.memory_space<vmem>>
      %dma_start3A_882 = tpu.memref_squeeze %dma_start3A_881 : memref<1x1x128xi32, #tpu.memory_space<vmem>> -> memref<128xi32, #tpu.memory_space<vmem>>
      %dma_start3A_883 = arith.constant 0 : i32
      %dma_start3A_884 = arith.constant 0 : i32
      %dma_start3A_885 = tpu.memref_slice %arg9[%dma_start3A_883, %dma_start3A_884] : memref<10240x64xf32, #tpu.memory_space<vmem_shared>> -> memref<10240x64xf32, #tpu.memory_space<vmem_shared>>
      %dma_start3A_886 = tpu.memref_slice %arg19[%dma_start3A_879] : memref<4x!tpu.dma_semaphore, #tpu.memory_space<semaphore_mem>> -> memref<1x!tpu.dma_semaphore, #tpu.memory_space<semaphore_mem>>
      %dma_start3A_887 = tpu.memref_squeeze %dma_start3A_886 : memref<1x!tpu.dma_semaphore, #tpu.memory_space<semaphore_mem>> -> memref<!tpu.dma_semaphore, #tpu.memory_space<semaphore_mem>>
      tpu.enqueue_indirect_dma source(%arg14 : memref<128x64xf32, #tpu.memory_space<vmem>>) target(%dma_start3A_885 : memref<10240x64xf32, #tpu.memory_space<vmem_shared>>) offsets(%dma_start3A_882 : memref<128xi32, #tpu.memory_space<vmem>>) semaphore(%dma_start3A_887 : memref<!tpu.dma_semaphore, #tpu.memory_space<semaphore_mem>>) {add = true}
      %lt3A_888 = arith.constant 39 : i32
      %lt3A_889 = arith.cmpi slt, %scan3A_602, %lt3A_888 : i32
      %convert_element_type3A_890 = arith.extui %lt3A_889 : i1 to i32
      %cond3A_891 = arith.constant 0 : i32
      %cond3A_892 = arith.cmpi ne, %convert_element_type3A_890, %cond3A_891 : i32
      scf.if %cond3A_892 {
        %add3A_923 = arith.constant 4 : i32
        %add3A_924 = arith.addi %add3A_867, %add3A_923 : i32
        %dma_start3A_925 = arith.constant 2 : i32
        %dma_start3A_926 = arith.constant 2 : i32
        %dma_start3A_927 = arith.constant 0 : i32
        %dma_start3A_928 = tpu.memref_slice %arg10[%dma_start3A_925, %dma_start3A_927] : memref<4x128xi32, #tpu.memory_space<vmem>> -> memref<1x128xi32, #tpu.memory_space<vmem>>
        %dma_start3A_929 = tpu.memref_squeeze %dma_start3A_928 : memref<1x128xi32, #tpu.memory_space<vmem>> -> memref<128xi32, #tpu.memory_space<vmem>>
        %dma_start3A_930 = arith.constant 0 : i32
        %dma_start3A_931 = tpu.memref_slice %arg5[%arg1, %add3A_924, %dma_start3A_930] : memref<16x160x128xi32, #tpu.memory_space<hbm>> -> memref<1x1x128xi32, #tpu.memory_space<hbm>>
        %dma_start3A_932 = tpu.memref_squeeze %dma_start3A_931 : memref<1x1x128xi32, #tpu.memory_space<hbm>> -> memref<128xi32, #tpu.memory_space<hbm>>
        %dma_start3A_933 = tpu.memref_slice %arg17[%dma_start3A_926] : memref<4x!tpu.dma_semaphore, #tpu.memory_space<semaphore_mem>> -> memref<1x!tpu.dma_semaphore, #tpu.memory_space<semaphore_mem>>
        %dma_start3A_934 = tpu.memref_squeeze %dma_start3A_933 : memref<1x!tpu.dma_semaphore, #tpu.memory_space<semaphore_mem>> -> memref<!tpu.dma_semaphore, #tpu.memory_space<semaphore_mem>>
        %dma_start3A_935 = arith.constant 0 : i32
        %dma_start3A_936 = tpu.memref_slice %arg10[%dma_start3A_925, %dma_start3A_935] : memref<4x128xi32, #tpu.memory_space<vmem>> -> memref<1x128xi32, #tpu.memory_space<vmem>>
        %dma_start3A_937 = tpu.memref_squeeze %dma_start3A_936 : memref<1x128xi32, #tpu.memory_space<vmem>> -> memref<128xi32, #tpu.memory_space<vmem>>
        %dma_start3A_938 = arith.constant 0 : i32
        %dma_start3A_939 = tpu.memref_slice %arg5[%arg1, %add3A_924, %dma_start3A_938] : memref<16x160x128xi32, #tpu.memory_space<hbm>> -> memref<1x1x128xi32, #tpu.memory_space<hbm>>
        %dma_start3A_940 = tpu.memref_squeeze %dma_start3A_939 : memref<1x1x128xi32, #tpu.memory_space<hbm>> -> memref<128xi32, #tpu.memory_space<hbm>>
        tpu.enqueue_dma source(%dma_start3A_940 : memref<128xi32, #tpu.memory_space<hbm>>) target(%dma_start3A_937 : memref<128xi32, #tpu.memory_space<vmem>>) target_semaphore(%dma_start3A_934 : memref<!tpu.dma_semaphore, #tpu.memory_space<semaphore_mem>>)
        %add3A_941 = arith.constant 4 : i32
        %add3A_942 = arith.addi %add3A_867, %add3A_941 : i32
        %sub3A = arith.constant 1 : i32
        %sub3A_943 = arith.subi %sub3A, %rem3A_605 : i32
        %dma_start3A_944 = arith.constant 2 : i32
        %dma_start3A_945 = arith.constant 2 : i32
        %dma_start3A_946 = arith.constant 0 : i32
        %dma_start3A_947 = tpu.memref_slice %arg11[%dma_start3A_944, %sub3A_943, %dma_start3A_946] : memref<4x2x128xi32, #tpu.memory_space<vmem>> -> memref<1x1x128xi32, #tpu.memory_space<vmem>>
        %dma_start3A_948 = tpu.memref_squeeze %dma_start3A_947 : memref<1x1x128xi32, #tpu.memory_space<vmem>> -> memref<128xi32, #tpu.memory_space<vmem>>
        %dma_start3A_949 = arith.constant 0 : i32
        %dma_start3A_950 = tpu.memref_slice %arg6[%arg1, %add3A_942, %dma_start3A_949] : memref<16x160x128xi32, #tpu.memory_space<hbm>> -> memref<1x1x128xi32, #tpu.memory_space<hbm>>
        %dma_start3A_951 = tpu.memref_squeeze %dma_start3A_950 : memref<1x1x128xi32, #tpu.memory_space<hbm>> -> memref<128xi32, #tpu.memory_space<hbm>>
        %dma_start3A_952 = tpu.memref_slice %arg17[%dma_start3A_945] : memref<4x!tpu.dma_semaphore, #tpu.memory_space<semaphore_mem>> -> memref<1x!tpu.dma_semaphore, #tpu.memory_space<semaphore_mem>>
        %dma_start3A_953 = tpu.memref_squeeze %dma_start3A_952 : memref<1x!tpu.dma_semaphore, #tpu.memory_space<semaphore_mem>> -> memref<!tpu.dma_semaphore, #tpu.memory_space<semaphore_mem>>
        %dma_start3A_954 = arith.constant 0 : i32
        %dma_start3A_955 = tpu.memref_slice %arg11[%dma_start3A_944, %sub3A_943, %dma_start3A_954] : memref<4x2x128xi32, #tpu.memory_space<vmem>> -> memref<1x1x128xi32, #tpu.memory_space<vmem>>
        %dma_start3A_956 = tpu.memref_squeeze %dma_start3A_955 : memref<1x1x128xi32, #tpu.memory_space<vmem>> -> memref<128xi32, #tpu.memory_space<vmem>>
        %dma_start3A_957 = arith.constant 0 : i32
        %dma_start3A_958 = tpu.memref_slice %arg6[%arg1, %add3A_942, %dma_start3A_957] : memref<16x160x128xi32, #tpu.memory_space<hbm>> -> memref<1x1x128xi32, #tpu.memory_space<hbm>>
        %dma_start3A_959 = tpu.memref_squeeze %dma_start3A_958 : memref<1x1x128xi32, #tpu.memory_space<hbm>> -> memref<128xi32, #tpu.memory_space<hbm>>
        tpu.enqueue_dma source(%dma_start3A_959 : memref<128xi32, #tpu.memory_space<hbm>>) target(%dma_start3A_956 : memref<128xi32, #tpu.memory_space<vmem>>) target_semaphore(%dma_start3A_953 : memref<!tpu.dma_semaphore, #tpu.memory_space<semaphore_mem>>)
      } else {
      }
      %mul3A_893 = arith.constant 4 : i32
      %mul3A_894 = arith.muli %scan3A_602, %mul3A_893 : i32
      %add3A_895 = arith.constant 3 : i32
      %add3A_896 = arith.addi %mul3A_894, %add3A_895 : i32
      %dma_wait3A_897 = arith.constant 3 : i32
      %dma_wait3A_898 = arith.constant 3 : i32
      %dma_wait3A_899 = arith.constant 0 : i32
      %dma_wait3A_900 = tpu.memref_slice %arg10[%dma_wait3A_897, %dma_wait3A_899] : memref<4x128xi32, #tpu.memory_space<vmem>> -> memref<1x128xi32, #tpu.memory_space<vmem>>
      %dma_wait3A_901 = tpu.memref_squeeze %dma_wait3A_900 : memref<1x128xi32, #tpu.memory_space<vmem>> -> memref<128xi32, #tpu.memory_space<vmem>>
      %dma_wait3A_902 = arith.constant 0 : i32
      %dma_wait3A_903 = arith.constant 0 : i32
      %dma_wait3A_904 = tpu.memref_slice %arg8[%dma_wait3A_902, %dma_wait3A_903] : memref<10240x64xf32, #tpu.memory_space<vmem_shared>> -> memref<10240x64xf32, #tpu.memory_space<vmem_shared>>
      %dma_wait3A_905 = tpu.memref_slice %arg18[%dma_wait3A_898] : memref<4x!tpu.dma_semaphore, #tpu.memory_space<semaphore_mem>> -> memref<1x!tpu.dma_semaphore, #tpu.memory_space<semaphore_mem>>
      %dma_wait3A_906 = tpu.memref_squeeze %dma_wait3A_905 : memref<1x!tpu.dma_semaphore, #tpu.memory_space<semaphore_mem>> -> memref<!tpu.dma_semaphore, #tpu.memory_space<semaphore_mem>>
      tpu.wait_indirect_dma semaphore(%dma_wait3A_906 : memref<!tpu.dma_semaphore, #tpu.memory_space<semaphore_mem>>) src(%dma_wait3A_904 : memref<10240x64xf32, #tpu.memory_space<vmem_shared>>) dst(%arg15 : memref<128x64xf32, #tpu.memory_space<vmem>>)
      %dma_start3A_907 = arith.constant 3 : i32
      %dma_start3A_908 = arith.constant 3 : i32
      %dma_start3A_909 = arith.constant 0 : i32
      %dma_start3A_910 = tpu.memref_slice %arg11[%dma_start3A_907, %rem3A_605, %dma_start3A_909] : memref<4x2x128xi32, #tpu.memory_space<vmem>> -> memref<1x1x128xi32, #tpu.memory_space<vmem>>
      %dma_start3A_911 = tpu.memref_squeeze %dma_start3A_910 : memref<1x1x128xi32, #tpu.memory_space<vmem>> -> memref<128xi32, #tpu.memory_space<vmem>>
      %dma_start3A_912 = arith.constant 0 : i32
      %dma_start3A_913 = arith.constant 0 : i32
      %dma_start3A_914 = tpu.memref_slice %arg9[%dma_start3A_912, %dma_start3A_913] : memref<10240x64xf32, #tpu.memory_space<vmem_shared>> -> memref<10240x64xf32, #tpu.memory_space<vmem_shared>>
      %dma_start3A_915 = tpu.memref_slice %arg19[%dma_start3A_908] : memref<4x!tpu.dma_semaphore, #tpu.memory_space<semaphore_mem>> -> memref<1x!tpu.dma_semaphore, #tpu.memory_space<semaphore_mem>>
      %dma_start3A_916 = tpu.memref_squeeze %dma_start3A_915 : memref<1x!tpu.dma_semaphore, #tpu.memory_space<semaphore_mem>> -> memref<!tpu.dma_semaphore, #tpu.memory_space<semaphore_mem>>
      tpu.enqueue_indirect_dma source(%arg15 : memref<128x64xf32, #tpu.memory_space<vmem>>) target(%dma_start3A_914 : memref<10240x64xf32, #tpu.memory_space<vmem_shared>>) offsets(%dma_start3A_911 : memref<128xi32, #tpu.memory_space<vmem>>) semaphore(%dma_start3A_916 : memref<!tpu.dma_semaphore, #tpu.memory_space<semaphore_mem>>) {add = true}
      %lt3A_917 = arith.constant 39 : i32
      %lt3A_918 = arith.cmpi slt, %scan3A_602, %lt3A_917 : i32
      %convert_element_type3A_919 = arith.extui %lt3A_918 : i1 to i32
      %cond3A_920 = arith.constant 0 : i32
      %cond3A_921 = arith.cmpi ne, %convert_element_type3A_919, %cond3A_920 : i32
      scf.if %cond3A_921 {
        %add3A_923 = arith.constant 4 : i32
        %add3A_924 = arith.addi %add3A_896, %add3A_923 : i32
        %dma_start3A_925 = arith.constant 3 : i32
        %dma_start3A_926 = arith.constant 3 : i32
        %dma_start3A_927 = arith.constant 0 : i32
        %dma_start3A_928 = tpu.memref_slice %arg10[%dma_start3A_925, %dma_start3A_927] : memref<4x128xi32, #tpu.memory_space<vmem>> -> memref<1x128xi32, #tpu.memory_space<vmem>>
        %dma_start3A_929 = tpu.memref_squeeze %dma_start3A_928 : memref<1x128xi32, #tpu.memory_space<vmem>> -> memref<128xi32, #tpu.memory_space<vmem>>
        %dma_start3A_930 = arith.constant 0 : i32
        %dma_start3A_931 = tpu.memref_slice %arg5[%arg1, %add3A_924, %dma_start3A_930] : memref<16x160x128xi32, #tpu.memory_space<hbm>> -> memref<1x1x128xi32, #tpu.memory_space<hbm>>
        %dma_start3A_932 = tpu.memref_squeeze %dma_start3A_931 : memref<1x1x128xi32, #tpu.memory_space<hbm>> -> memref<128xi32, #tpu.memory_space<hbm>>
        %dma_start3A_933 = tpu.memref_slice %arg17[%dma_start3A_926] : memref<4x!tpu.dma_semaphore, #tpu.memory_space<semaphore_mem>> -> memref<1x!tpu.dma_semaphore, #tpu.memory_space<semaphore_mem>>
        %dma_start3A_934 = tpu.memref_squeeze %dma_start3A_933 : memref<1x!tpu.dma_semaphore, #tpu.memory_space<semaphore_mem>> -> memref<!tpu.dma_semaphore, #tpu.memory_space<semaphore_mem>>
        %dma_start3A_935 = arith.constant 0 : i32
        %dma_start3A_936 = tpu.memref_slice %arg10[%dma_start3A_925, %dma_start3A_935] : memref<4x128xi32, #tpu.memory_space<vmem>> -> memref<1x128xi32, #tpu.memory_space<vmem>>
        %dma_start3A_937 = tpu.memref_squeeze %dma_start3A_936 : memref<1x128xi32, #tpu.memory_space<vmem>> -> memref<128xi32, #tpu.memory_space<vmem>>
        %dma_start3A_938 = arith.constant 0 : i32
        %dma_start3A_939 = tpu.memref_slice %arg5[%arg1, %add3A_924, %dma_start3A_938] : memref<16x160x128xi32, #tpu.memory_space<hbm>> -> memref<1x1x128xi32, #tpu.memory_space<hbm>>
        %dma_start3A_940 = tpu.memref_squeeze %dma_start3A_939 : memref<1x1x128xi32, #tpu.memory_space<hbm>> -> memref<128xi32, #tpu.memory_space<hbm>>
        tpu.enqueue_dma source(%dma_start3A_940 : memref<128xi32, #tpu.memory_space<hbm>>) target(%dma_start3A_937 : memref<128xi32, #tpu.memory_space<vmem>>) target_semaphore(%dma_start3A_934 : memref<!tpu.dma_semaphore, #tpu.memory_space<semaphore_mem>>)
        %add3A_941 = arith.constant 4 : i32
        %add3A_942 = arith.addi %add3A_896, %add3A_941 : i32
        %sub3A = arith.constant 1 : i32
        %sub3A_943 = arith.subi %sub3A, %rem3A_605 : i32
        %dma_start3A_944 = arith.constant 3 : i32
        %dma_start3A_945 = arith.constant 3 : i32
        %dma_start3A_946 = arith.constant 0 : i32
        %dma_start3A_947 = tpu.memref_slice %arg11[%dma_start3A_944, %sub3A_943, %dma_start3A_946] : memref<4x2x128xi32, #tpu.memory_space<vmem>> -> memref<1x1x128xi32, #tpu.memory_space<vmem>>
        %dma_start3A_948 = tpu.memref_squeeze %dma_start3A_947 : memref<1x1x128xi32, #tpu.memory_space<vmem>> -> memref<128xi32, #tpu.memory_space<vmem>>
        %dma_start3A_949 = arith.constant 0 : i32
        %dma_start3A_950 = tpu.memref_slice %arg6[%arg1, %add3A_942, %dma_start3A_949] : memref<16x160x128xi32, #tpu.memory_space<hbm>> -> memref<1x1x128xi32, #tpu.memory_space<hbm>>
        %dma_start3A_951 = tpu.memref_squeeze %dma_start3A_950 : memref<1x1x128xi32, #tpu.memory_space<hbm>> -> memref<128xi32, #tpu.memory_space<hbm>>
        %dma_start3A_952 = tpu.memref_slice %arg17[%dma_start3A_945] : memref<4x!tpu.dma_semaphore, #tpu.memory_space<semaphore_mem>> -> memref<1x!tpu.dma_semaphore, #tpu.memory_space<semaphore_mem>>
        %dma_start3A_953 = tpu.memref_squeeze %dma_start3A_952 : memref<1x!tpu.dma_semaphore, #tpu.memory_space<semaphore_mem>> -> memref<!tpu.dma_semaphore, #tpu.memory_space<semaphore_mem>>
        %dma_start3A_954 = arith.constant 0 : i32
        %dma_start3A_955 = tpu.memref_slice %arg11[%dma_start3A_944, %sub3A_943, %dma_start3A_954] : memref<4x2x128xi32, #tpu.memory_space<vmem>> -> memref<1x1x128xi32, #tpu.memory_space<vmem>>
        %dma_start3A_956 = tpu.memref_squeeze %dma_start3A_955 : memref<1x1x128xi32, #tpu.memory_space<vmem>> -> memref<128xi32, #tpu.memory_space<vmem>>
        %dma_start3A_957 = arith.constant 0 : i32
        %dma_start3A_958 = tpu.memref_slice %arg6[%arg1, %add3A_942, %dma_start3A_957] : memref<16x160x128xi32, #tpu.memory_space<hbm>> -> memref<1x1x128xi32, #tpu.memory_space<hbm>>
        %dma_start3A_959 = tpu.memref_squeeze %dma_start3A_958 : memref<1x1x128xi32, #tpu.memory_space<hbm>> -> memref<128xi32, #tpu.memory_space<hbm>>
        tpu.enqueue_dma source(%dma_start3A_959 : memref<128xi32, #tpu.memory_space<hbm>>) target(%dma_start3A_956 : memref<128xi32, #tpu.memory_space<vmem>>) target_semaphore(%dma_start3A_953 : memref<!tpu.dma_semaphore, #tpu.memory_space<semaphore_mem>>)
      } else {
      }
      %scan3A_922 = arith.constant 0 : i32
      scf.yield %scan3A_922 : i32
    }
    %scan3A_150 = arith.constant 40 : i32
    %rem3A = arith.constant 39 : i32
    %rem3A_151 = arith.constant 2 : i32
    %rem3A_152 = arith.remsi %rem3A, %rem3A_151 : i32
    %dma_wait3A = arith.constant 0 : i32
    %dma_wait3A_153 = arith.constant 0 : i32
    %dma_wait3A_154 = arith.constant 0 : i32
    %dma_wait3A_155 = tpu.memref_slice %arg11[%dma_wait3A, %rem3A_152, %dma_wait3A_154] : memref<4x2x128xi32, #tpu.memory_space<vmem>> -> memref<1x1x128xi32, #tpu.memory_space<vmem>>
    %dma_wait3A_156 = tpu.memref_squeeze %dma_wait3A_155 : memref<1x1x128xi32, #tpu.memory_space<vmem>> -> memref<128xi32, #tpu.memory_space<vmem>>
    %dma_wait3A_157 = arith.constant 0 : i32
    %dma_wait3A_158 = arith.constant 0 : i32
    %dma_wait3A_159 = tpu.memref_slice %arg9[%dma_wait3A_157, %dma_wait3A_158] : memref<10240x64xf32, #tpu.memory_space<vmem_shared>> -> memref<10240x64xf32, #tpu.memory_space<vmem_shared>>
    %dma_wait3A_160 = tpu.memref_slice %arg19[%dma_wait3A_153] : memref<4x!tpu.dma_semaphore, #tpu.memory_space<semaphore_mem>> -> memref<1x!tpu.dma_semaphore, #tpu.memory_space<semaphore_mem>>
    %dma_wait3A_161 = tpu.memref_squeeze %dma_wait3A_160 : memref<1x!tpu.dma_semaphore, #tpu.memory_space<semaphore_mem>> -> memref<!tpu.dma_semaphore, #tpu.memory_space<semaphore_mem>>
    tpu.wait_indirect_dma semaphore(%dma_wait3A_161 : memref<!tpu.dma_semaphore, #tpu.memory_space<semaphore_mem>>) src(%arg12 : memref<128x64xf32, #tpu.memory_space<vmem>>) dst(%dma_wait3A_159 : memref<10240x64xf32, #tpu.memory_space<vmem_shared>>)
    %dma_wait3A_162 = arith.constant 1 : i32
    %dma_wait3A_163 = arith.constant 1 : i32
    %dma_wait3A_164 = arith.constant 0 : i32
    %dma_wait3A_165 = tpu.memref_slice %arg11[%dma_wait3A_162, %rem3A_152, %dma_wait3A_164] : memref<4x2x128xi32, #tpu.memory_space<vmem>> -> memref<1x1x128xi32, #tpu.memory_space<vmem>>
    %dma_wait3A_166 = tpu.memref_squeeze %dma_wait3A_165 : memref<1x1x128xi32, #tpu.memory_space<vmem>> -> memref<128xi32, #tpu.memory_space<vmem>>
    %dma_wait3A_167 = arith.constant 0 : i32
    %dma_wait3A_168 = arith.constant 0 : i32
    %dma_wait3A_169 = tpu.memref_slice %arg9[%dma_wait3A_167, %dma_wait3A_168] : memref<10240x64xf32, #tpu.memory_space<vmem_shared>> -> memref<10240x64xf32, #tpu.memory_space<vmem_shared>>
    %dma_wait3A_170 = tpu.memref_slice %arg19[%dma_wait3A_163] : memref<4x!tpu.dma_semaphore, #tpu.memory_space<semaphore_mem>> -> memref<1x!tpu.dma_semaphore, #tpu.memory_space<semaphore_mem>>
    %dma_wait3A_171 = tpu.memref_squeeze %dma_wait3A_170 : memref<1x!tpu.dma_semaphore, #tpu.memory_space<semaphore_mem>> -> memref<!tpu.dma_semaphore, #tpu.memory_space<semaphore_mem>>
    tpu.wait_indirect_dma semaphore(%dma_wait3A_171 : memref<!tpu.dma_semaphore, #tpu.memory_space<semaphore_mem>>) src(%arg13 : memref<128x64xf32, #tpu.memory_space<vmem>>) dst(%dma_wait3A_169 : memref<10240x64xf32, #tpu.memory_space<vmem_shared>>)
    %dma_wait3A_172 = arith.constant 2 : i32
    %dma_wait3A_173 = arith.constant 2 : i32
    %dma_wait3A_174 = arith.constant 0 : i32
    %dma_wait3A_175 = tpu.memref_slice %arg11[%dma_wait3A_172, %rem3A_152, %dma_wait3A_174] : memref<4x2x128xi32, #tpu.memory_space<vmem>> -> memref<1x1x128xi32, #tpu.memory_space<vmem>>
    %dma_wait3A_176 = tpu.memref_squeeze %dma_wait3A_175 : memref<1x1x128xi32, #tpu.memory_space<vmem>> -> memref<128xi32, #tpu.memory_space<vmem>>
    %dma_wait3A_177 = arith.constant 0 : i32
    %dma_wait3A_178 = arith.constant 0 : i32
    %dma_wait3A_179 = tpu.memref_slice %arg9[%dma_wait3A_177, %dma_wait3A_178] : memref<10240x64xf32, #tpu.memory_space<vmem_shared>> -> memref<10240x64xf32, #tpu.memory_space<vmem_shared>>
    %dma_wait3A_180 = tpu.memref_slice %arg19[%dma_wait3A_173] : memref<4x!tpu.dma_semaphore, #tpu.memory_space<semaphore_mem>> -> memref<1x!tpu.dma_semaphore, #tpu.memory_space<semaphore_mem>>
    %dma_wait3A_181 = tpu.memref_squeeze %dma_wait3A_180 : memref<1x!tpu.dma_semaphore, #tpu.memory_space<semaphore_mem>> -> memref<!tpu.dma_semaphore, #tpu.memory_space<semaphore_mem>>
    tpu.wait_indirect_dma semaphore(%dma_wait3A_181 : memref<!tpu.dma_semaphore, #tpu.memory_space<semaphore_mem>>) src(%arg14 : memref<128x64xf32, #tpu.memory_space<vmem>>) dst(%dma_wait3A_179 : memref<10240x64xf32, #tpu.memory_space<vmem_shared>>)
    %dma_wait3A_182 = arith.constant 3 : i32
    %dma_wait3A_183 = arith.constant 3 : i32
    %dma_wait3A_184 = arith.constant 0 : i32
    %dma_wait3A_185 = tpu.memref_slice %arg11[%dma_wait3A_182, %rem3A_152, %dma_wait3A_184] : memref<4x2x128xi32, #tpu.memory_space<vmem>> -> memref<1x1x128xi32, #tpu.memory_space<vmem>>
    %dma_wait3A_186 = tpu.memref_squeeze %dma_wait3A_185 : memref<1x1x128xi32, #tpu.memory_space<vmem>> -> memref<128xi32, #tpu.memory_space<vmem>>
    %dma_wait3A_187 = arith.constant 0 : i32
    %dma_wait3A_188 = arith.constant 0 : i32
    %dma_wait3A_189 = tpu.memref_slice %arg9[%dma_wait3A_187, %dma_wait3A_188] : memref<10240x64xf32, #tpu.memory_space<vmem_shared>> -> memref<10240x64xf32, #tpu.memory_space<vmem_shared>>
    %dma_wait3A_190 = tpu.memref_slice %arg19[%dma_wait3A_183] : memref<4x!tpu.dma_semaphore, #tpu.memory_space<semaphore_mem>> -> memref<1x!tpu.dma_semaphore, #tpu.memory_space<semaphore_mem>>
    %dma_wait3A_191 = tpu.memref_squeeze %dma_wait3A_190 : memref<1x!tpu.dma_semaphore, #tpu.memory_space<semaphore_mem>> -> memref<!tpu.dma_semaphore, #tpu.memory_space<semaphore_mem>>
    tpu.wait_indirect_dma semaphore(%dma_wait3A_191 : memref<!tpu.dma_semaphore, #tpu.memory_space<semaphore_mem>>) src(%arg15 : memref<128x64xf32, #tpu.memory_space<vmem>>) dst(%dma_wait3A_189 : memref<10240x64xf32, #tpu.memory_space<vmem_shared>>)
    %barrier3A_192 = arith.constant 0 : index
    tpu.barrier barrier_id(%barrier3A_192)
    %add3A_193 = arith.constant 0 : i32
    %add3A_194 = arith.addi %mul3A_0, %add3A_193 : i32
    %dma_start3A_195 = arith.constant 0 : i32
    %dma_start3A_196 = arith.constant 0 : i32
    %dma_start3A_197 = tpu.memref_slice %arg9[%add3A_194, %dma_start3A_196] : memref<10240x64xf32, #tpu.memory_space<vmem_shared>> -> memref<128x64xf32, #tpu.memory_space<vmem_shared>>
    %dma_start3A_198 = tpu.memref_slice %arg18[%dma_start3A_195] : memref<4x!tpu.dma_semaphore, #tpu.memory_space<semaphore_mem>> -> memref<1x!tpu.dma_semaphore, #tpu.memory_space<semaphore_mem>>
    %dma_start3A_199 = tpu.memref_squeeze %dma_start3A_198 : memref<1x!tpu.dma_semaphore, #tpu.memory_space<semaphore_mem>> -> memref<!tpu.dma_semaphore, #tpu.memory_space<semaphore_mem>>
    %dma_start3A_200 = arith.constant 0 : i32
    %dma_start3A_201 = tpu.memref_slice %arg9[%add3A_194, %dma_start3A_200] : memref<10240x64xf32, #tpu.memory_space<vmem_shared>> -> memref<128x64xf32, #tpu.memory_space<vmem_shared>>
    tpu.enqueue_dma source(%dma_start3A_201 : memref<128x64xf32, #tpu.memory_space<vmem_shared>>) target(%arg12 : memref<128x64xf32, #tpu.memory_space<vmem>>) target_semaphore(%dma_start3A_199 : memref<!tpu.dma_semaphore, #tpu.memory_space<semaphore_mem>>)
    %add3A_202 = arith.addi %mul3A_2, %mul3A_0 : i32
    %add3A_203 = arith.constant 0 : i32
    %add3A_204 = arith.addi %add3A_202, %add3A_203 : i32
    %dma_start3A_205 = arith.constant 2 : i32
    %dma_start3A_206 = arith.constant 0 : i32
    %dma_start3A_207 = tpu.memref_slice %arg3[%add3A_204, %dma_start3A_206] : memref<20480x64xf32, #tpu.memory_space<hbm>> -> memref<128x64xf32, #tpu.memory_space<hbm>>
    %dma_start3A_208 = tpu.memref_slice %arg18[%dma_start3A_205] : memref<4x!tpu.dma_semaphore, #tpu.memory_space<semaphore_mem>> -> memref<1x!tpu.dma_semaphore, #tpu.memory_space<semaphore_mem>>
    %dma_start3A_209 = tpu.memref_squeeze %dma_start3A_208 : memref<1x!tpu.dma_semaphore, #tpu.memory_space<semaphore_mem>> -> memref<!tpu.dma_semaphore, #tpu.memory_space<semaphore_mem>>
    %dma_start3A_210 = arith.constant 0 : i32
    %dma_start3A_211 = tpu.memref_slice %arg3[%add3A_204, %dma_start3A_210] : memref<20480x64xf32, #tpu.memory_space<hbm>> -> memref<128x64xf32, #tpu.memory_space<hbm>>
    tpu.enqueue_dma source(%dma_start3A_211 : memref<128x64xf32, #tpu.memory_space<hbm>>) target(%arg13 : memref<128x64xf32, #tpu.memory_space<vmem>>) target_semaphore(%dma_start3A_209 : memref<!tpu.dma_semaphore, #tpu.memory_space<semaphore_mem>>)
    %add3A_212 = arith.constant 128 : i32
    %add3A_213 = arith.addi %mul3A_0, %add3A_212 : i32
    %dma_start3A_214 = arith.constant 1 : i32
    %dma_start3A_215 = arith.constant 0 : i32
    %dma_start3A_216 = tpu.memref_slice %arg9[%add3A_213, %dma_start3A_215] : memref<10240x64xf32, #tpu.memory_space<vmem_shared>> -> memref<128x64xf32, #tpu.memory_space<vmem_shared>>
    %dma_start3A_217 = tpu.memref_slice %arg18[%dma_start3A_214] : memref<4x!tpu.dma_semaphore, #tpu.memory_space<semaphore_mem>> -> memref<1x!tpu.dma_semaphore, #tpu.memory_space<semaphore_mem>>
    %dma_start3A_218 = tpu.memref_squeeze %dma_start3A_217 : memref<1x!tpu.dma_semaphore, #tpu.memory_space<semaphore_mem>> -> memref<!tpu.dma_semaphore, #tpu.memory_space<semaphore_mem>>
    %dma_start3A_219 = arith.constant 0 : i32
    %dma_start3A_220 = tpu.memref_slice %arg9[%add3A_213, %dma_start3A_219] : memref<10240x64xf32, #tpu.memory_space<vmem_shared>> -> memref<128x64xf32, #tpu.memory_space<vmem_shared>>
    tpu.enqueue_dma source(%dma_start3A_220 : memref<128x64xf32, #tpu.memory_space<vmem_shared>>) target(%arg14 : memref<128x64xf32, #tpu.memory_space<vmem>>) target_semaphore(%dma_start3A_218 : memref<!tpu.dma_semaphore, #tpu.memory_space<semaphore_mem>>)
    %add3A_221 = arith.addi %mul3A_2, %mul3A_0 : i32
    %add3A_222 = arith.constant 128 : i32
    %add3A_223 = arith.addi %add3A_221, %add3A_222 : i32
    %dma_start3A_224 = arith.constant 3 : i32
    %dma_start3A_225 = arith.constant 0 : i32
    %dma_start3A_226 = tpu.memref_slice %arg3[%add3A_223, %dma_start3A_225] : memref<20480x64xf32, #tpu.memory_space<hbm>> -> memref<128x64xf32, #tpu.memory_space<hbm>>
    %dma_start3A_227 = tpu.memref_slice %arg18[%dma_start3A_224] : memref<4x!tpu.dma_semaphore, #tpu.memory_space<semaphore_mem>> -> memref<1x!tpu.dma_semaphore, #tpu.memory_space<semaphore_mem>>
    %dma_start3A_228 = tpu.memref_squeeze %dma_start3A_227 : memref<1x!tpu.dma_semaphore, #tpu.memory_space<semaphore_mem>> -> memref<!tpu.dma_semaphore, #tpu.memory_space<semaphore_mem>>
    %dma_start3A_229 = arith.constant 0 : i32
    %dma_start3A_230 = tpu.memref_slice %arg3[%add3A_223, %dma_start3A_229] : memref<20480x64xf32, #tpu.memory_space<hbm>> -> memref<128x64xf32, #tpu.memory_space<hbm>>
    tpu.enqueue_dma source(%dma_start3A_230 : memref<128x64xf32, #tpu.memory_space<hbm>>) target(%arg15 : memref<128x64xf32, #tpu.memory_space<vmem>>) target_semaphore(%dma_start3A_228 : memref<!tpu.dma_semaphore, #tpu.memory_space<semaphore_mem>>)
    %add3A_231 = arith.constant 0 : i32
    %add3A_232 = arith.addi %mul3A_0, %add3A_231 : i32
    %dma_wait3A_233 = arith.constant 0 : i32
    %dma_wait3A_234 = arith.constant 0 : i32
    %dma_wait3A_235 = tpu.memref_slice %arg9[%add3A_232, %dma_wait3A_234] : memref<10240x64xf32, #tpu.memory_space<vmem_shared>> -> memref<128x64xf32, #tpu.memory_space<vmem_shared>>
    %dma_wait3A_236 = tpu.memref_slice %arg18[%dma_wait3A_233] : memref<4x!tpu.dma_semaphore, #tpu.memory_space<semaphore_mem>> -> memref<1x!tpu.dma_semaphore, #tpu.memory_space<semaphore_mem>>
    %dma_wait3A_237 = tpu.memref_squeeze %dma_wait3A_236 : memref<1x!tpu.dma_semaphore, #tpu.memory_space<semaphore_mem>> -> memref<!tpu.dma_semaphore, #tpu.memory_space<semaphore_mem>>
    %dma_wait3A_238 = arith.constant 0 : i32
    %dma_wait3A_239 = tpu.memref_slice %arg9[%add3A_232, %dma_wait3A_238] : memref<10240x64xf32, #tpu.memory_space<vmem_shared>> -> memref<128x64xf32, #tpu.memory_space<vmem_shared>>
    tpu.wait_dma2 semaphore(%dma_wait3A_237 : memref<!tpu.dma_semaphore, #tpu.memory_space<semaphore_mem>>) src(%dma_wait3A_239 : memref<128x64xf32, #tpu.memory_space<vmem_shared>>) dst(%arg12 : memref<128x64xf32, #tpu.memory_space<vmem>>)
    %add3A_240 = arith.addi %mul3A_2, %mul3A_0 : i32
    %add3A_241 = arith.constant 0 : i32
    %add3A_242 = arith.addi %add3A_240, %add3A_241 : i32
    %dma_wait3A_243 = arith.constant 2 : i32
    %dma_wait3A_244 = arith.constant 0 : i32
    %dma_wait3A_245 = tpu.memref_slice %arg3[%add3A_242, %dma_wait3A_244] : memref<20480x64xf32, #tpu.memory_space<hbm>> -> memref<128x64xf32, #tpu.memory_space<hbm>>
    %dma_wait3A_246 = tpu.memref_slice %arg18[%dma_wait3A_243] : memref<4x!tpu.dma_semaphore, #tpu.memory_space<semaphore_mem>> -> memref<1x!tpu.dma_semaphore, #tpu.memory_space<semaphore_mem>>
    %dma_wait3A_247 = tpu.memref_squeeze %dma_wait3A_246 : memref<1x!tpu.dma_semaphore, #tpu.memory_space<semaphore_mem>> -> memref<!tpu.dma_semaphore, #tpu.memory_space<semaphore_mem>>
    %dma_wait3A_248 = arith.constant 0 : i32
    %dma_wait3A_249 = tpu.memref_slice %arg3[%add3A_242, %dma_wait3A_248] : memref<20480x64xf32, #tpu.memory_space<hbm>> -> memref<128x64xf32, #tpu.memory_space<hbm>>
    tpu.wait_dma2 semaphore(%dma_wait3A_247 : memref<!tpu.dma_semaphore, #tpu.memory_space<semaphore_mem>>) src(%dma_wait3A_249 : memref<128x64xf32, #tpu.memory_space<hbm>>) dst(%arg13 : memref<128x64xf32, #tpu.memory_space<vmem>>)
    %scan3A_250 = arith.constant 0 : i32
    %scan3A_251 = arith.constant 0 : i32
    %scan3A_252 = arith.constant 128 : i32
    %scan3A_253 = arith.addi %scan3A_251, %scan3A_252 : i32
    %scan3A_254 = arith.constant 1 : i32
    %scan3A_255 = scf.for %scan3A_602 = %scan3A_251 to %scan3A_253 step %scan3A_254 iter_args(%scan3A_603 = %scan3A_250) -> (i32)  : i32 {
      %add3A_604 = arith.constant 0 : i32
      %add3A_605 = arith.addi %add3A_604, %scan3A_602 : i32
      %get3A = arith.index_cast %add3A_605 : i32 to index
      %get3A_606 = arith.constant 0 : index
      %get3A_607 = tpu.vector_load %arg16[%get3A, %get3A_606] {strides = array<i32>} : memref<640x16xf32, #tpu.memory_space<vmem>>, vector<1x16xf32>,
      %get3A_608 = vector.shape_cast %get3A_607 : vector<1x16xf32> to vector<16xf32>
      %get3A_609 = arith.index_cast %scan3A_602 : i32 to index
      %get3A_610 = arith.constant 0 : index
      %get3A_611 = tpu.vector_load %arg12[%get3A_609, %get3A_610] {strides = array<i32>} : memref<128x64xf32, #tpu.memory_space<vmem>>, vector<1x16xf32>,
      %get3A_612 = vector.shape_cast %get3A_611 : vector<1x16xf32> to vector<16xf32>
      %mul3A_613 = arith.mulf %get3A_608, %get3A_612 : vector<16xf32>
      %get3A_614 = arith.index_cast %scan3A_602 : i32 to index
      %get3A_615 = arith.constant 0 : index
      %get3A_616 = tpu.vector_load %arg13[%get3A_614, %get3A_615] {strides = array<i32>} : memref<128x64xf32, #tpu.memory_space<vmem>>, vector<1x16xf32>,
      %get3A_617 = vector.shape_cast %get3A_616 : vector<1x16xf32> to vector<16xf32>
      %mul3A_618 = arith.constant 1.000000e-01 : f32
      %mul3A_619 = vector.broadcast %mul3A_618 : f32 to vector<16xf32>
      %mul3A_620 = arith.mulf %mul3A_619, %get3A_617 : vector<16xf32>
      %add3A_621 = arith.addf %mul3A_613, %mul3A_620 : vector<16xf32>
      %swap3A = arith.index_cast %scan3A_602 : i32 to index
      %swap3A_622 = arith.constant 0 : index
      %swap3A_623 = tpu.vector_load %arg12[%swap3A, %swap3A_622] {strides = array<i32>} : memref<128x64xf32, #tpu.memory_space<vmem>>, vector<1x16xf32>,
      %swap3A_624 = vector.shape_cast %swap3A_623 : vector<1x16xf32> to vector<16xf32>
      %swap3A_625 = vector.shape_cast %add3A_621 : vector<16xf32> to vector<1x16xf32>
      tpu.vector_store %arg12[%swap3A, %swap3A_622], %swap3A_625 {strides = array<i32>} : memref<128x64xf32, #tpu.memory_space<vmem>>, vector<1x16xf32>,
      %get3A_626 = arith.index_cast %scan3A_602 : i32 to index
      %get3A_627 = arith.constant 16 : index
      %get3A_628 = tpu.vector_load %arg12[%get3A_626, %get3A_627] {strides = array<i32>} : memref<128x64xf32, #tpu.memory_space<vmem>>, vector<1x16xf32>,
      %get3A_629 = vector.shape_cast %get3A_628 : vector<1x16xf32> to vector<16xf32>
      %mul3A_630 = arith.mulf %get3A_608, %get3A_629 : vector<16xf32>
      %get3A_631 = arith.index_cast %scan3A_602 : i32 to index
      %get3A_632 = arith.constant 16 : index
      %get3A_633 = tpu.vector_load %arg13[%get3A_631, %get3A_632] {strides = array<i32>} : memref<128x64xf32, #tpu.memory_space<vmem>>, vector<1x16xf32>,
      %get3A_634 = vector.shape_cast %get3A_633 : vector<1x16xf32> to vector<16xf32>
      %mul3A_635 = arith.constant 1.000000e-01 : f32
      %mul3A_636 = vector.broadcast %mul3A_635 : f32 to vector<16xf32>
      %mul3A_637 = arith.mulf %mul3A_636, %get3A_634 : vector<16xf32>
      %add3A_638 = arith.addf %mul3A_630, %mul3A_637 : vector<16xf32>
      %swap3A_639 = arith.index_cast %scan3A_602 : i32 to index
      %swap3A_640 = arith.constant 16 : index
      %swap3A_641 = tpu.vector_load %arg12[%swap3A_639, %swap3A_640] {strides = array<i32>} : memref<128x64xf32, #tpu.memory_space<vmem>>, vector<1x16xf32>,
      %swap3A_642 = vector.shape_cast %swap3A_641 : vector<1x16xf32> to vector<16xf32>
      %swap3A_643 = vector.shape_cast %add3A_638 : vector<16xf32> to vector<1x16xf32>
      tpu.vector_store %arg12[%swap3A_639, %swap3A_640], %swap3A_643 {strides = array<i32>} : memref<128x64xf32, #tpu.memory_space<vmem>>, vector<1x16xf32>,
      %get3A_644 = arith.index_cast %scan3A_602 : i32 to index
      %get3A_645 = arith.constant 32 : index
      %get3A_646 = tpu.vector_load %arg12[%get3A_644, %get3A_645] {strides = array<i32>} : memref<128x64xf32, #tpu.memory_space<vmem>>, vector<1x16xf32>,
      %get3A_647 = vector.shape_cast %get3A_646 : vector<1x16xf32> to vector<16xf32>
      %mul3A_648 = arith.mulf %get3A_608, %get3A_647 : vector<16xf32>
      %get3A_649 = arith.index_cast %scan3A_602 : i32 to index
      %get3A_650 = arith.constant 32 : index
      %get3A_651 = tpu.vector_load %arg13[%get3A_649, %get3A_650] {strides = array<i32>} : memref<128x64xf32, #tpu.memory_space<vmem>>, vector<1x16xf32>,
      %get3A_652 = vector.shape_cast %get3A_651 : vector<1x16xf32> to vector<16xf32>
      %mul3A_653 = arith.constant 1.000000e-01 : f32
      %mul3A_654 = vector.broadcast %mul3A_653 : f32 to vector<16xf32>
      %mul3A_655 = arith.mulf %mul3A_654, %get3A_652 : vector<16xf32>
      %add3A_656 = arith.addf %mul3A_648, %mul3A_655 : vector<16xf32>
      %swap3A_657 = arith.index_cast %scan3A_602 : i32 to index
      %swap3A_658 = arith.constant 32 : index
      %swap3A_659 = tpu.vector_load %arg12[%swap3A_657, %swap3A_658] {strides = array<i32>} : memref<128x64xf32, #tpu.memory_space<vmem>>, vector<1x16xf32>,
      %swap3A_660 = vector.shape_cast %swap3A_659 : vector<1x16xf32> to vector<16xf32>
      %swap3A_661 = vector.shape_cast %add3A_656 : vector<16xf32> to vector<1x16xf32>
      tpu.vector_store %arg12[%swap3A_657, %swap3A_658], %swap3A_661 {strides = array<i32>} : memref<128x64xf32, #tpu.memory_space<vmem>>, vector<1x16xf32>,
      %get3A_662 = arith.index_cast %scan3A_602 : i32 to index
      %get3A_663 = arith.constant 48 : index
      %get3A_664 = tpu.vector_load %arg12[%get3A_662, %get3A_663] {strides = array<i32>} : memref<128x64xf32, #tpu.memory_space<vmem>>, vector<1x16xf32>,
      %get3A_665 = vector.shape_cast %get3A_664 : vector<1x16xf32> to vector<16xf32>
      %mul3A_666 = arith.mulf %get3A_608, %get3A_665 : vector<16xf32>
      %get3A_667 = arith.index_cast %scan3A_602 : i32 to index
      %get3A_668 = arith.constant 48 : index
      %get3A_669 = tpu.vector_load %arg13[%get3A_667, %get3A_668] {strides = array<i32>} : memref<128x64xf32, #tpu.memory_space<vmem>>, vector<1x16xf32>,
      %get3A_670 = vector.shape_cast %get3A_669 : vector<1x16xf32> to vector<16xf32>
      %mul3A_671 = arith.constant 1.000000e-01 : f32
      %mul3A_672 = vector.broadcast %mul3A_671 : f32 to vector<16xf32>
      %mul3A_673 = arith.mulf %mul3A_672, %get3A_670 : vector<16xf32>
      %add3A_674 = arith.addf %mul3A_666, %mul3A_673 : vector<16xf32>
      %swap3A_675 = arith.index_cast %scan3A_602 : i32 to index
      %swap3A_676 = arith.constant 48 : index
      %swap3A_677 = tpu.vector_load %arg12[%swap3A_675, %swap3A_676] {strides = array<i32>} : memref<128x64xf32, #tpu.memory_space<vmem>>, vector<1x16xf32>,
      %swap3A_678 = vector.shape_cast %swap3A_677 : vector<1x16xf32> to vector<16xf32>
      %swap3A_679 = vector.shape_cast %add3A_674 : vector<16xf32> to vector<1x16xf32>
      tpu.vector_store %arg12[%swap3A_675, %swap3A_676], %swap3A_679 {strides = array<i32>} : memref<128x64xf32, #tpu.memory_space<vmem>>, vector<1x16xf32>,
      %scan3A_680 = arith.constant 0 : i32
      scf.yield %scan3A_680 : i32
    }
    %scan3A_256 = arith.constant 128 : i32
    %add3A_257 = arith.constant 0 : i32
    %add3A_258 = arith.addi %mul3A_0, %add3A_257 : i32
    %dma_start3A_259 = arith.constant 0 : i32
    %dma_start3A_260 = arith.constant 0 : i32
    %dma_start3A_261 = tpu.memref_slice %arg9[%add3A_258, %dma_start3A_260] : memref<10240x64xf32, #tpu.memory_space<vmem_shared>> -> memref<128x64xf32, #tpu.memory_space<vmem_shared>>
    %dma_start3A_262 = tpu.memref_slice %arg19[%dma_start3A_259] : memref<4x!tpu.dma_semaphore, #tpu.memory_space<semaphore_mem>> -> memref<1x!tpu.dma_semaphore, #tpu.memory_space<semaphore_mem>>
    %dma_start3A_263 = tpu.memref_squeeze %dma_start3A_262 : memref<1x!tpu.dma_semaphore, #tpu.memory_space<semaphore_mem>> -> memref<!tpu.dma_semaphore, #tpu.memory_space<semaphore_mem>>
    %dma_start3A_264 = arith.constant 0 : i32
    %dma_start3A_265 = tpu.memref_slice %arg9[%add3A_258, %dma_start3A_264] : memref<10240x64xf32, #tpu.memory_space<vmem_shared>> -> memref<128x64xf32, #tpu.memory_space<vmem_shared>>
    tpu.enqueue_dma source(%arg12 : memref<128x64xf32, #tpu.memory_space<vmem>>) target(%dma_start3A_265 : memref<128x64xf32, #tpu.memory_space<vmem_shared>>) target_semaphore(%dma_start3A_263 : memref<!tpu.dma_semaphore, #tpu.memory_space<semaphore_mem>>)
    %add3A_266 = arith.constant 0 : i32
    %add3A_267 = arith.addi %mul3A_0, %add3A_266 : i32
    %dma_start3A_268 = arith.constant 0 : i32
    %dma_start3A_269 = arith.constant 0 : i32
    %dma_start3A_270 = tpu.memref_slice %arg8[%add3A_267, %dma_start3A_269] : memref<10240x64xf32, #tpu.memory_space<vmem_shared>> -> memref<128x64xf32, #tpu.memory_space<vmem_shared>>
    %dma_start3A_271 = tpu.memref_slice %arg19[%dma_start3A_268] : memref<4x!tpu.dma_semaphore, #tpu.memory_space<semaphore_mem>> -> memref<1x!tpu.dma_semaphore, #tpu.memory_space<semaphore_mem>>
    %dma_start3A_272 = tpu.memref_squeeze %dma_start3A_271 : memref<1x!tpu.dma_semaphore, #tpu.memory_space<semaphore_mem>> -> memref<!tpu.dma_semaphore, #tpu.memory_space<semaphore_mem>>
    %dma_start3A_273 = arith.constant 0 : i32
    %dma_start3A_274 = tpu.memref_slice %arg8[%add3A_267, %dma_start3A_273] : memref<10240x64xf32, #tpu.memory_space<vmem_shared>> -> memref<128x64xf32, #tpu.memory_space<vmem_shared>>
    tpu.enqueue_dma source(%arg12 : memref<128x64xf32, #tpu.memory_space<vmem>>) target(%dma_start3A_274 : memref<128x64xf32, #tpu.memory_space<vmem_shared>>) target_semaphore(%dma_start3A_272 : memref<!tpu.dma_semaphore, #tpu.memory_space<semaphore_mem>>)
    %add3A_275 = arith.constant 0 : i32
    %add3A_276 = arith.addi %mul3A_0, %add3A_275 : i32
    %dma_wait3A_277 = arith.constant 0 : i32
    %dma_wait3A_278 = arith.constant 0 : i32
    %dma_wait3A_279 = tpu.memref_slice %arg9[%add3A_276, %dma_wait3A_278] : memref<10240x64xf32, #tpu.memory_space<vmem_shared>> -> memref<128x64xf32, #tpu.memory_space<vmem_shared>>
    %dma_wait3A_280 = tpu.memref_slice %arg19[%dma_wait3A_277] : memref<4x!tpu.dma_semaphore, #tpu.memory_space<semaphore_mem>> -> memref<1x!tpu.dma_semaphore, #tpu.memory_space<semaphore_mem>>
    %dma_wait3A_281 = tpu.memref_squeeze %dma_wait3A_280 : memref<1x!tpu.dma_semaphore, #tpu.memory_space<semaphore_mem>> -> memref<!tpu.dma_semaphore, #tpu.memory_space<semaphore_mem>>
    %dma_wait3A_282 = arith.constant 0 : i32
    %dma_wait3A_283 = tpu.memref_slice %arg9[%add3A_276, %dma_wait3A_282] : memref<10240x64xf32, #tpu.memory_space<vmem_shared>> -> memref<128x64xf32, #tpu.memory_space<vmem_shared>>
    tpu.wait_dma2 semaphore(%dma_wait3A_281 : memref<!tpu.dma_semaphore, #tpu.memory_space<semaphore_mem>>) src(%arg12 : memref<128x64xf32, #tpu.memory_space<vmem>>) dst(%dma_wait3A_283 : memref<128x64xf32, #tpu.memory_space<vmem_shared>>)
    %add3A_284 = arith.constant 0 : i32
    %add3A_285 = arith.addi %mul3A_0, %add3A_284 : i32
    %dma_wait3A_286 = arith.constant 0 : i32
    %dma_wait3A_287 = arith.constant 0 : i32
    %dma_wait3A_288 = tpu.memref_slice %arg8[%add3A_285, %dma_wait3A_287] : memref<10240x64xf32, #tpu.memory_space<vmem_shared>> -> memref<128x64xf32, #tpu.memory_space<vmem_shared>>
    %dma_wait3A_289 = tpu.memref_slice %arg19[%dma_wait3A_286] : memref<4x!tpu.dma_semaphore, #tpu.memory_space<semaphore_mem>> -> memref<1x!tpu.dma_semaphore, #tpu.memory_space<semaphore_mem>>
    %dma_wait3A_290 = tpu.memref_squeeze %dma_wait3A_289 : memref<1x!tpu.dma_semaphore, #tpu.memory_space<semaphore_mem>> -> memref<!tpu.dma_semaphore, #tpu.memory_space<semaphore_mem>>
    %dma_wait3A_291 = arith.constant 0 : i32
    %dma_wait3A_292 = tpu.memref_slice %arg8[%add3A_285, %dma_wait3A_291] : memref<10240x64xf32, #tpu.memory_space<vmem_shared>> -> memref<128x64xf32, #tpu.memory_space<vmem_shared>>
    tpu.wait_dma2 semaphore(%dma_wait3A_290 : memref<!tpu.dma_semaphore, #tpu.memory_space<semaphore_mem>>) src(%arg12 : memref<128x64xf32, #tpu.memory_space<vmem>>) dst(%dma_wait3A_292 : memref<128x64xf32, #tpu.memory_space<vmem_shared>>)
    %add3A_293 = arith.constant 256 : i32
    %add3A_294 = arith.addi %mul3A_0, %add3A_293 : i32
    %dma_start3A_295 = arith.constant 0 : i32
    %dma_start3A_296 = arith.constant 0 : i32
    %dma_start3A_297 = tpu.memref_slice %arg9[%add3A_294, %dma_start3A_296] : memref<10240x64xf32, #tpu.memory_space<vmem_shared>> -> memref<128x64xf32, #tpu.memory_space<vmem_shared>>
    %dma_start3A_298 = tpu.memref_slice %arg18[%dma_start3A_295] : memref<4x!tpu.dma_semaphore, #tpu.memory_space<semaphore_mem>> -> memref<1x!tpu.dma_semaphore, #tpu.memory_space<semaphore_mem>>
    %dma_start3A_299 = tpu.memref_squeeze %dma_start3A_298 : memref<1x!tpu.dma_semaphore, #tpu.memory_space<semaphore_mem>> -> memref<!tpu.dma_semaphore, #tpu.memory_space<semaphore_mem>>
    %dma_start3A_300 = arith.constant 0 : i32
    %dma_start3A_301 = tpu.memref_slice %arg9[%add3A_294, %dma_start3A_300] : memref<10240x64xf32, #tpu.memory_space<vmem_shared>> -> memref<128x64xf32, #tpu.memory_space<vmem_shared>>
    tpu.enqueue_dma source(%dma_start3A_301 : memref<128x64xf32, #tpu.memory_space<vmem_shared>>) target(%arg12 : memref<128x64xf32, #tpu.memory_space<vmem>>) target_semaphore(%dma_start3A_299 : memref<!tpu.dma_semaphore, #tpu.memory_space<semaphore_mem>>)
    %add3A_302 = arith.addi %mul3A_2, %mul3A_0 : i32
    %add3A_303 = arith.constant 256 : i32
    %add3A_304 = arith.addi %add3A_302, %add3A_303 : i32
    %dma_start3A_305 = arith.constant 2 : i32
    %dma_start3A_306 = arith.constant 0 : i32
    %dma_start3A_307 = tpu.memref_slice %arg3[%add3A_304, %dma_start3A_306] : memref<20480x64xf32, #tpu.memory_space<hbm>> -> memref<128x64xf32, #tpu.memory_space<hbm>>
    %dma_start3A_308 = tpu.memref_slice %arg18[%dma_start3A_305] : memref<4x!tpu.dma_semaphore, #tpu.memory_space<semaphore_mem>> -> memref<1x!tpu.dma_semaphore, #tpu.memory_space<semaphore_mem>>
    %dma_start3A_309 = tpu.memref_squeeze %dma_start3A_308 : memref<1x!tpu.dma_semaphore, #tpu.memory_space<semaphore_mem>> -> memref<!tpu.dma_semaphore, #tpu.memory_space<semaphore_mem>>
    %dma_start3A_310 = arith.constant 0 : i32
    %dma_start3A_311 = tpu.memref_slice %arg3[%add3A_304, %dma_start3A_310] : memref<20480x64xf32, #tpu.memory_space<hbm>> -> memref<128x64xf32, #tpu.memory_space<hbm>>
    tpu.enqueue_dma source(%dma_start3A_311 : memref<128x64xf32, #tpu.memory_space<hbm>>) target(%arg13 : memref<128x64xf32, #tpu.memory_space<vmem>>) target_semaphore(%dma_start3A_309 : memref<!tpu.dma_semaphore, #tpu.memory_space<semaphore_mem>>)
    %add3A_312 = arith.constant 128 : i32
    %add3A_313 = arith.addi %mul3A_0, %add3A_312 : i32
    %dma_wait3A_314 = arith.constant 1 : i32
    %dma_wait3A_315 = arith.constant 0 : i32
    %dma_wait3A_316 = tpu.memref_slice %arg9[%add3A_313, %dma_wait3A_315] : memref<10240x64xf32, #tpu.memory_space<vmem_shared>> -> memref<128x64xf32, #tpu.memory_space<vmem_shared>>
    %dma_wait3A_317 = tpu.memref_slice %arg18[%dma_wait3A_314] : memref<4x!tpu.dma_semaphore, #tpu.memory_space<semaphore_mem>> -> memref<1x!tpu.dma_semaphore, #tpu.memory_space<semaphore_mem>>
    %dma_wait3A_318 = tpu.memref_squeeze %dma_wait3A_317 : memref<1x!tpu.dma_semaphore, #tpu.memory_space<semaphore_mem>> -> memref<!tpu.dma_semaphore, #tpu.memory_space<semaphore_mem>>
    %dma_wait3A_319 = arith.constant 0 : i32
    %dma_wait3A_320 = tpu.memref_slice %arg9[%add3A_313, %dma_wait3A_319] : memref<10240x64xf32, #tpu.memory_space<vmem_shared>> -> memref<128x64xf32, #tpu.memory_space<vmem_shared>>
    tpu.wait_dma2 semaphore(%dma_wait3A_318 : memref<!tpu.dma_semaphore, #tpu.memory_space<semaphore_mem>>) src(%dma_wait3A_320 : memref<128x64xf32, #tpu.memory_space<vmem_shared>>) dst(%arg14 : memref<128x64xf32, #tpu.memory_space<vmem>>)
    %add3A_321 = arith.addi %mul3A_2, %mul3A_0 : i32
    %add3A_322 = arith.constant 128 : i32
    %add3A_323 = arith.addi %add3A_321, %add3A_322 : i32
    %dma_wait3A_324 = arith.constant 3 : i32
    %dma_wait3A_325 = arith.constant 0 : i32
    %dma_wait3A_326 = tpu.memref_slice %arg3[%add3A_323, %dma_wait3A_325] : memref<20480x64xf32, #tpu.memory_space<hbm>> -> memref<128x64xf32, #tpu.memory_space<hbm>>
    %dma_wait3A_327 = tpu.memref_slice %arg18[%dma_wait3A_324] : memref<4x!tpu.dma_semaphore, #tpu.memory_space<semaphore_mem>> -> memref<1x!tpu.dma_semaphore, #tpu.memory_space<semaphore_mem>>
    %dma_wait3A_328 = tpu.memref_squeeze %dma_wait3A_327 : memref<1x!tpu.dma_semaphore, #tpu.memory_space<semaphore_mem>> -> memref<!tpu.dma_semaphore, #tpu.memory_space<semaphore_mem>>
    %dma_wait3A_329 = arith.constant 0 : i32
    %dma_wait3A_330 = tpu.memref_slice %arg3[%add3A_323, %dma_wait3A_329] : memref<20480x64xf32, #tpu.memory_space<hbm>> -> memref<128x64xf32, #tpu.memory_space<hbm>>
    tpu.wait_dma2 semaphore(%dma_wait3A_328 : memref<!tpu.dma_semaphore, #tpu.memory_space<semaphore_mem>>) src(%dma_wait3A_330 : memref<128x64xf32, #tpu.memory_space<hbm>>) dst(%arg15 : memref<128x64xf32, #tpu.memory_space<vmem>>)
    %scan3A_331 = arith.constant 0 : i32
    %scan3A_332 = arith.constant 0 : i32
    %scan3A_333 = arith.constant 128 : i32
    %scan3A_334 = arith.addi %scan3A_332, %scan3A_333 : i32
    %scan3A_335 = arith.constant 1 : i32
    %scan3A_336 = scf.for %scan3A_602 = %scan3A_332 to %scan3A_334 step %scan3A_335 iter_args(%scan3A_603 = %scan3A_331) -> (i32)  : i32 {
      %add3A_604 = arith.constant 128 : i32
      %add3A_605 = arith.addi %add3A_604, %scan3A_602 : i32
      %get3A = arith.index_cast %add3A_605 : i32 to index
      %get3A_606 = arith.constant 0 : index
      %get3A_607 = tpu.vector_load %arg16[%get3A, %get3A_606] {strides = array<i32>} : memref<640x16xf32, #tpu.memory_space<vmem>>, vector<1x16xf32>,
      %get3A_608 = vector.shape_cast %get3A_607 : vector<1x16xf32> to vector<16xf32>
      %get3A_609 = arith.index_cast %scan3A_602 : i32 to index
      %get3A_610 = arith.constant 0 : index
      %get3A_611 = tpu.vector_load %arg14[%get3A_609, %get3A_610] {strides = array<i32>} : memref<128x64xf32, #tpu.memory_space<vmem>>, vector<1x16xf32>,
      %get3A_612 = vector.shape_cast %get3A_611 : vector<1x16xf32> to vector<16xf32>
      %mul3A_613 = arith.mulf %get3A_608, %get3A_612 : vector<16xf32>
      %get3A_614 = arith.index_cast %scan3A_602 : i32 to index
      %get3A_615 = arith.constant 0 : index
      %get3A_616 = tpu.vector_load %arg15[%get3A_614, %get3A_615] {strides = array<i32>} : memref<128x64xf32, #tpu.memory_space<vmem>>, vector<1x16xf32>,
      %get3A_617 = vector.shape_cast %get3A_616 : vector<1x16xf32> to vector<16xf32>
      %mul3A_618 = arith.constant 1.000000e-01 : f32
      %mul3A_619 = vector.broadcast %mul3A_618 : f32 to vector<16xf32>
      %mul3A_620 = arith.mulf %mul3A_619, %get3A_617 : vector<16xf32>
      %add3A_621 = arith.addf %mul3A_613, %mul3A_620 : vector<16xf32>
      %swap3A = arith.index_cast %scan3A_602 : i32 to index
      %swap3A_622 = arith.constant 0 : index
      %swap3A_623 = tpu.vector_load %arg14[%swap3A, %swap3A_622] {strides = array<i32>} : memref<128x64xf32, #tpu.memory_space<vmem>>, vector<1x16xf32>,
      %swap3A_624 = vector.shape_cast %swap3A_623 : vector<1x16xf32> to vector<16xf32>
      %swap3A_625 = vector.shape_cast %add3A_621 : vector<16xf32> to vector<1x16xf32>
      tpu.vector_store %arg14[%swap3A, %swap3A_622], %swap3A_625 {strides = array<i32>} : memref<128x64xf32, #tpu.memory_space<vmem>>, vector<1x16xf32>,
      %get3A_626 = arith.index_cast %scan3A_602 : i32 to index
      %get3A_627 = arith.constant 16 : index
      %get3A_628 = tpu.vector_load %arg14[%get3A_626, %get3A_627] {strides = array<i32>} : memref<128x64xf32, #tpu.memory_space<vmem>>, vector<1x16xf32>,
      %get3A_629 = vector.shape_cast %get3A_628 : vector<1x16xf32> to vector<16xf32>
      %mul3A_630 = arith.mulf %get3A_608, %get3A_629 : vector<16xf32>
      %get3A_631 = arith.index_cast %scan3A_602 : i32 to index
      %get3A_632 = arith.constant 16 : index
      %get3A_633 = tpu.vector_load %arg15[%get3A_631, %get3A_632] {strides = array<i32>} : memref<128x64xf32, #tpu.memory_space<vmem>>, vector<1x16xf32>,
      %get3A_634 = vector.shape_cast %get3A_633 : vector<1x16xf32> to vector<16xf32>
      %mul3A_635 = arith.constant 1.000000e-01 : f32
      %mul3A_636 = vector.broadcast %mul3A_635 : f32 to vector<16xf32>
      %mul3A_637 = arith.mulf %mul3A_636, %get3A_634 : vector<16xf32>
      %add3A_638 = arith.addf %mul3A_630, %mul3A_637 : vector<16xf32>
      %swap3A_639 = arith.index_cast %scan3A_602 : i32 to index
      %swap3A_640 = arith.constant 16 : index
      %swap3A_641 = tpu.vector_load %arg14[%swap3A_639, %swap3A_640] {strides = array<i32>} : memref<128x64xf32, #tpu.memory_space<vmem>>, vector<1x16xf32>,
      %swap3A_642 = vector.shape_cast %swap3A_641 : vector<1x16xf32> to vector<16xf32>
      %swap3A_643 = vector.shape_cast %add3A_638 : vector<16xf32> to vector<1x16xf32>
      tpu.vector_store %arg14[%swap3A_639, %swap3A_640], %swap3A_643 {strides = array<i32>} : memref<128x64xf32, #tpu.memory_space<vmem>>, vector<1x16xf32>,
      %get3A_644 = arith.index_cast %scan3A_602 : i32 to index
      %get3A_645 = arith.constant 32 : index
      %get3A_646 = tpu.vector_load %arg14[%get3A_644, %get3A_645] {strides = array<i32>} : memref<128x64xf32, #tpu.memory_space<vmem>>, vector<1x16xf32>,
      %get3A_647 = vector.shape_cast %get3A_646 : vector<1x16xf32> to vector<16xf32>
      %mul3A_648 = arith.mulf %get3A_608, %get3A_647 : vector<16xf32>
      %get3A_649 = arith.index_cast %scan3A_602 : i32 to index
      %get3A_650 = arith.constant 32 : index
      %get3A_651 = tpu.vector_load %arg15[%get3A_649, %get3A_650] {strides = array<i32>} : memref<128x64xf32, #tpu.memory_space<vmem>>, vector<1x16xf32>,
      %get3A_652 = vector.shape_cast %get3A_651 : vector<1x16xf32> to vector<16xf32>
      %mul3A_653 = arith.constant 1.000000e-01 : f32
      %mul3A_654 = vector.broadcast %mul3A_653 : f32 to vector<16xf32>
      %mul3A_655 = arith.mulf %mul3A_654, %get3A_652 : vector<16xf32>
      %add3A_656 = arith.addf %mul3A_648, %mul3A_655 : vector<16xf32>
      %swap3A_657 = arith.index_cast %scan3A_602 : i32 to index
      %swap3A_658 = arith.constant 32 : index
      %swap3A_659 = tpu.vector_load %arg14[%swap3A_657, %swap3A_658] {strides = array<i32>} : memref<128x64xf32, #tpu.memory_space<vmem>>, vector<1x16xf32>,
      %swap3A_660 = vector.shape_cast %swap3A_659 : vector<1x16xf32> to vector<16xf32>
      %swap3A_661 = vector.shape_cast %add3A_656 : vector<16xf32> to vector<1x16xf32>
      tpu.vector_store %arg14[%swap3A_657, %swap3A_658], %swap3A_661 {strides = array<i32>} : memref<128x64xf32, #tpu.memory_space<vmem>>, vector<1x16xf32>,
      %get3A_662 = arith.index_cast %scan3A_602 : i32 to index
      %get3A_663 = arith.constant 48 : index
      %get3A_664 = tpu.vector_load %arg14[%get3A_662, %get3A_663] {strides = array<i32>} : memref<128x64xf32, #tpu.memory_space<vmem>>, vector<1x16xf32>,
      %get3A_665 = vector.shape_cast %get3A_664 : vector<1x16xf32> to vector<16xf32>
      %mul3A_666 = arith.mulf %get3A_608, %get3A_665 : vector<16xf32>
      %get3A_667 = arith.index_cast %scan3A_602 : i32 to index
      %get3A_668 = arith.constant 48 : index
      %get3A_669 = tpu.vector_load %arg15[%get3A_667, %get3A_668] {strides = array<i32>} : memref<128x64xf32, #tpu.memory_space<vmem>>, vector<1x16xf32>,
      %get3A_670 = vector.shape_cast %get3A_669 : vector<1x16xf32> to vector<16xf32>
      %mul3A_671 = arith.constant 1.000000e-01 : f32
      %mul3A_672 = vector.broadcast %mul3A_671 : f32 to vector<16xf32>
      %mul3A_673 = arith.mulf %mul3A_672, %get3A_670 : vector<16xf32>
      %add3A_674 = arith.addf %mul3A_666, %mul3A_673 : vector<16xf32>
      %swap3A_675 = arith.index_cast %scan3A_602 : i32 to index
      %swap3A_676 = arith.constant 48 : index
      %swap3A_677 = tpu.vector_load %arg14[%swap3A_675, %swap3A_676] {strides = array<i32>} : memref<128x64xf32, #tpu.memory_space<vmem>>, vector<1x16xf32>,
      %swap3A_678 = vector.shape_cast %swap3A_677 : vector<1x16xf32> to vector<16xf32>
      %swap3A_679 = vector.shape_cast %add3A_674 : vector<16xf32> to vector<1x16xf32>
      tpu.vector_store %arg14[%swap3A_675, %swap3A_676], %swap3A_679 {strides = array<i32>} : memref<128x64xf32, #tpu.memory_space<vmem>>, vector<1x16xf32>,
      %scan3A_680 = arith.constant 0 : i32
      scf.yield %scan3A_680 : i32
    }
    %scan3A_337 = arith.constant 128 : i32
    %add3A_338 = arith.constant 128 : i32
    %add3A_339 = arith.addi %mul3A_0, %add3A_338 : i32
    %dma_start3A_340 = arith.constant 1 : i32
    %dma_start3A_341 = arith.constant 0 : i32
    %dma_start3A_342 = tpu.memref_slice %arg9[%add3A_339, %dma_start3A_341] : memref<10240x64xf32, #tpu.memory_space<vmem_shared>> -> memref<128x64xf32, #tpu.memory_space<vmem_shared>>
    %dma_start3A_343 = tpu.memref_slice %arg19[%dma_start3A_340] : memref<4x!tpu.dma_semaphore, #tpu.memory_space<semaphore_mem>> -> memref<1x!tpu.dma_semaphore, #tpu.memory_space<semaphore_mem>>
    %dma_start3A_344 = tpu.memref_squeeze %dma_start3A_343 : memref<1x!tpu.dma_semaphore, #tpu.memory_space<semaphore_mem>> -> memref<!tpu.dma_semaphore, #tpu.memory_space<semaphore_mem>>
    %dma_start3A_345 = arith.constant 0 : i32
    %dma_start3A_346 = tpu.memref_slice %arg9[%add3A_339, %dma_start3A_345] : memref<10240x64xf32, #tpu.memory_space<vmem_shared>> -> memref<128x64xf32, #tpu.memory_space<vmem_shared>>
    tpu.enqueue_dma source(%arg14 : memref<128x64xf32, #tpu.memory_space<vmem>>) target(%dma_start3A_346 : memref<128x64xf32, #tpu.memory_space<vmem_shared>>) target_semaphore(%dma_start3A_344 : memref<!tpu.dma_semaphore, #tpu.memory_space<semaphore_mem>>)
    %add3A_347 = arith.constant 128 : i32
    %add3A_348 = arith.addi %mul3A_0, %add3A_347 : i32
    %dma_start3A_349 = arith.constant 1 : i32
    %dma_start3A_350 = arith.constant 0 : i32
    %dma_start3A_351 = tpu.memref_slice %arg8[%add3A_348, %dma_start3A_350] : memref<10240x64xf32, #tpu.memory_space<vmem_shared>> -> memref<128x64xf32, #tpu.memory_space<vmem_shared>>
    %dma_start3A_352 = tpu.memref_slice %arg19[%dma_start3A_349] : memref<4x!tpu.dma_semaphore, #tpu.memory_space<semaphore_mem>> -> memref<1x!tpu.dma_semaphore, #tpu.memory_space<semaphore_mem>>
    %dma_start3A_353 = tpu.memref_squeeze %dma_start3A_352 : memref<1x!tpu.dma_semaphore, #tpu.memory_space<semaphore_mem>> -> memref<!tpu.dma_semaphore, #tpu.memory_space<semaphore_mem>>
    %dma_start3A_354 = arith.constant 0 : i32
    %dma_start3A_355 = tpu.memref_slice %arg8[%add3A_348, %dma_start3A_354] : memref<10240x64xf32, #tpu.memory_space<vmem_shared>> -> memref<128x64xf32, #tpu.memory_space<vmem_shared>>
    tpu.enqueue_dma source(%arg14 : memref<128x64xf32, #tpu.memory_space<vmem>>) target(%dma_start3A_355 : memref<128x64xf32, #tpu.memory_space<vmem_shared>>) target_semaphore(%dma_start3A_353 : memref<!tpu.dma_semaphore, #tpu.memory_space<semaphore_mem>>)
    %add3A_356 = arith.constant 128 : i32
    %add3A_357 = arith.addi %mul3A_0, %add3A_356 : i32
    %dma_wait3A_358 = arith.constant 1 : i32
    %dma_wait3A_359 = arith.constant 0 : i32
    %dma_wait3A_360 = tpu.memref_slice %arg9[%add3A_357, %dma_wait3A_359] : memref<10240x64xf32, #tpu.memory_space<vmem_shared>> -> memref<128x64xf32, #tpu.memory_space<vmem_shared>>
    %dma_wait3A_361 = tpu.memref_slice %arg19[%dma_wait3A_358] : memref<4x!tpu.dma_semaphore, #tpu.memory_space<semaphore_mem>> -> memref<1x!tpu.dma_semaphore, #tpu.memory_space<semaphore_mem>>
    %dma_wait3A_362 = tpu.memref_squeeze %dma_wait3A_361 : memref<1x!tpu.dma_semaphore, #tpu.memory_space<semaphore_mem>> -> memref<!tpu.dma_semaphore, #tpu.memory_space<semaphore_mem>>
    %dma_wait3A_363 = arith.constant 0 : i32
    %dma_wait3A_364 = tpu.memref_slice %arg9[%add3A_357, %dma_wait3A_363] : memref<10240x64xf32, #tpu.memory_space<vmem_shared>> -> memref<128x64xf32, #tpu.memory_space<vmem_shared>>
    tpu.wait_dma2 semaphore(%dma_wait3A_362 : memref<!tpu.dma_semaphore, #tpu.memory_space<semaphore_mem>>) src(%arg14 : memref<128x64xf32, #tpu.memory_space<vmem>>) dst(%dma_wait3A_364 : memref<128x64xf32, #tpu.memory_space<vmem_shared>>)
    %add3A_365 = arith.constant 128 : i32
    %add3A_366 = arith.addi %mul3A_0, %add3A_365 : i32
    %dma_wait3A_367 = arith.constant 1 : i32
    %dma_wait3A_368 = arith.constant 0 : i32
    %dma_wait3A_369 = tpu.memref_slice %arg8[%add3A_366, %dma_wait3A_368] : memref<10240x64xf32, #tpu.memory_space<vmem_shared>> -> memref<128x64xf32, #tpu.memory_space<vmem_shared>>
    %dma_wait3A_370 = tpu.memref_slice %arg19[%dma_wait3A_367] : memref<4x!tpu.dma_semaphore, #tpu.memory_space<semaphore_mem>> -> memref<1x!tpu.dma_semaphore, #tpu.memory_space<semaphore_mem>>
    %dma_wait3A_371 = tpu.memref_squeeze %dma_wait3A_370 : memref<1x!tpu.dma_semaphore, #tpu.memory_space<semaphore_mem>> -> memref<!tpu.dma_semaphore, #tpu.memory_space<semaphore_mem>>
    %dma_wait3A_372 = arith.constant 0 : i32
    %dma_wait3A_373 = tpu.memref_slice %arg8[%add3A_366, %dma_wait3A_372] : memref<10240x64xf32, #tpu.memory_space<vmem_shared>> -> memref<128x64xf32, #tpu.memory_space<vmem_shared>>
    tpu.wait_dma2 semaphore(%dma_wait3A_371 : memref<!tpu.dma_semaphore, #tpu.memory_space<semaphore_mem>>) src(%arg14 : memref<128x64xf32, #tpu.memory_space<vmem>>) dst(%dma_wait3A_373 : memref<128x64xf32, #tpu.memory_space<vmem_shared>>)
    %add3A_374 = arith.constant 384 : i32
    %add3A_375 = arith.addi %mul3A_0, %add3A_374 : i32
    %dma_start3A_376 = arith.constant 1 : i32
    %dma_start3A_377 = arith.constant 0 : i32
    %dma_start3A_378 = tpu.memref_slice %arg9[%add3A_375, %dma_start3A_377] : memref<10240x64xf32, #tpu.memory_space<vmem_shared>> -> memref<128x64xf32, #tpu.memory_space<vmem_shared>>
    %dma_start3A_379 = tpu.memref_slice %arg18[%dma_start3A_376] : memref<4x!tpu.dma_semaphore, #tpu.memory_space<semaphore_mem>> -> memref<1x!tpu.dma_semaphore, #tpu.memory_space<semaphore_mem>>
    %dma_start3A_380 = tpu.memref_squeeze %dma_start3A_379 : memref<1x!tpu.dma_semaphore, #tpu.memory_space<semaphore_mem>> -> memref<!tpu.dma_semaphore, #tpu.memory_space<semaphore_mem>>
    %dma_start3A_381 = arith.constant 0 : i32
    %dma_start3A_382 = tpu.memref_slice %arg9[%add3A_375, %dma_start3A_381] : memref<10240x64xf32, #tpu.memory_space<vmem_shared>> -> memref<128x64xf32, #tpu.memory_space<vmem_shared>>
    tpu.enqueue_dma source(%dma_start3A_382 : memref<128x64xf32, #tpu.memory_space<vmem_shared>>) target(%arg14 : memref<128x64xf32, #tpu.memory_space<vmem>>) target_semaphore(%dma_start3A_380 : memref<!tpu.dma_semaphore, #tpu.memory_space<semaphore_mem>>)
    %add3A_383 = arith.addi %mul3A_2, %mul3A_0 : i32
    %add3A_384 = arith.constant 384 : i32
    %add3A_385 = arith.addi %add3A_383, %add3A_384 : i32
    %dma_start3A_386 = arith.constant 3 : i32
    %dma_start3A_387 = arith.constant 0 : i32
    %dma_start3A_388 = tpu.memref_slice %arg3[%add3A_385, %dma_start3A_387] : memref<20480x64xf32, #tpu.memory_space<hbm>> -> memref<128x64xf32, #tpu.memory_space<hbm>>
    %dma_start3A_389 = tpu.memref_slice %arg18[%dma_start3A_386] : memref<4x!tpu.dma_semaphore, #tpu.memory_space<semaphore_mem>> -> memref<1x!tpu.dma_semaphore, #tpu.memory_space<semaphore_mem>>
    %dma_start3A_390 = tpu.memref_squeeze %dma_start3A_389 : memref<1x!tpu.dma_semaphore, #tpu.memory_space<semaphore_mem>> -> memref<!tpu.dma_semaphore, #tpu.memory_space<semaphore_mem>>
    %dma_start3A_391 = arith.constant 0 : i32
    %dma_start3A_392 = tpu.memref_slice %arg3[%add3A_385, %dma_start3A_391] : memref<20480x64xf32, #tpu.memory_space<hbm>> -> memref<128x64xf32, #tpu.memory_space<hbm>>
    tpu.enqueue_dma source(%dma_start3A_392 : memref<128x64xf32, #tpu.memory_space<hbm>>) target(%arg15 : memref<128x64xf32, #tpu.memory_space<vmem>>) target_semaphore(%dma_start3A_390 : memref<!tpu.dma_semaphore, #tpu.memory_space<semaphore_mem>>)
    %add3A_393 = arith.constant 256 : i32
    %add3A_394 = arith.addi %mul3A_0, %add3A_393 : i32
    %dma_wait3A_395 = arith.constant 0 : i32
    %dma_wait3A_396 = arith.constant 0 : i32
    %dma_wait3A_397 = tpu.memref_slice %arg9[%add3A_394, %dma_wait3A_396] : memref<10240x64xf32, #tpu.memory_space<vmem_shared>> -> memref<128x64xf32, #tpu.memory_space<vmem_shared>>
    %dma_wait3A_398 = tpu.memref_slice %arg18[%dma_wait3A_395] : memref<4x!tpu.dma_semaphore, #tpu.memory_space<semaphore_mem>> -> memref<1x!tpu.dma_semaphore, #tpu.memory_space<semaphore_mem>>
    %dma_wait3A_399 = tpu.memref_squeeze %dma_wait3A_398 : memref<1x!tpu.dma_semaphore, #tpu.memory_space<semaphore_mem>> -> memref<!tpu.dma_semaphore, #tpu.memory_space<semaphore_mem>>
    %dma_wait3A_400 = arith.constant 0 : i32
    %dma_wait3A_401 = tpu.memref_slice %arg9[%add3A_394, %dma_wait3A_400] : memref<10240x64xf32, #tpu.memory_space<vmem_shared>> -> memref<128x64xf32, #tpu.memory_space<vmem_shared>>
    tpu.wait_dma2 semaphore(%dma_wait3A_399 : memref<!tpu.dma_semaphore, #tpu.memory_space<semaphore_mem>>) src(%dma_wait3A_401 : memref<128x64xf32, #tpu.memory_space<vmem_shared>>) dst(%arg12 : memref<128x64xf32, #tpu.memory_space<vmem>>)
    %add3A_402 = arith.addi %mul3A_2, %mul3A_0 : i32
    %add3A_403 = arith.constant 256 : i32
    %add3A_404 = arith.addi %add3A_402, %add3A_403 : i32
    %dma_wait3A_405 = arith.constant 2 : i32
    %dma_wait3A_406 = arith.constant 0 : i32
    %dma_wait3A_407 = tpu.memref_slice %arg3[%add3A_404, %dma_wait3A_406] : memref<20480x64xf32, #tpu.memory_space<hbm>> -> memref<128x64xf32, #tpu.memory_space<hbm>>
    %dma_wait3A_408 = tpu.memref_slice %arg18[%dma_wait3A_405] : memref<4x!tpu.dma_semaphore, #tpu.memory_space<semaphore_mem>> -> memref<1x!tpu.dma_semaphore, #tpu.memory_space<semaphore_mem>>
    %dma_wait3A_409 = tpu.memref_squeeze %dma_wait3A_408 : memref<1x!tpu.dma_semaphore, #tpu.memory_space<semaphore_mem>> -> memref<!tpu.dma_semaphore, #tpu.memory_space<semaphore_mem>>
    %dma_wait3A_410 = arith.constant 0 : i32
    %dma_wait3A_411 = tpu.memref_slice %arg3[%add3A_404, %dma_wait3A_410] : memref<20480x64xf32, #tpu.memory_space<hbm>> -> memref<128x64xf32, #tpu.memory_space<hbm>>
    tpu.wait_dma2 semaphore(%dma_wait3A_409 : memref<!tpu.dma_semaphore, #tpu.memory_space<semaphore_mem>>) src(%dma_wait3A_411 : memref<128x64xf32, #tpu.memory_space<hbm>>) dst(%arg13 : memref<128x64xf32, #tpu.memory_space<vmem>>)
    %scan3A_412 = arith.constant 0 : i32
    %scan3A_413 = arith.constant 0 : i32
    %scan3A_414 = arith.constant 128 : i32
    %scan3A_415 = arith.addi %scan3A_413, %scan3A_414 : i32
    %scan3A_416 = arith.constant 1 : i32
    %scan3A_417 = scf.for %scan3A_602 = %scan3A_413 to %scan3A_415 step %scan3A_416 iter_args(%scan3A_603 = %scan3A_412) -> (i32)  : i32 {
      %add3A_604 = arith.constant 256 : i32
      %add3A_605 = arith.addi %add3A_604, %scan3A_602 : i32
      %get3A = arith.index_cast %add3A_605 : i32 to index
      %get3A_606 = arith.constant 0 : index
      %get3A_607 = tpu.vector_load %arg16[%get3A, %get3A_606] {strides = array<i32>} : memref<640x16xf32, #tpu.memory_space<vmem>>, vector<1x16xf32>,
      %get3A_608 = vector.shape_cast %get3A_607 : vector<1x16xf32> to vector<16xf32>
      %get3A_609 = arith.index_cast %scan3A_602 : i32 to index
      %get3A_610 = arith.constant 0 : index
      %get3A_611 = tpu.vector_load %arg12[%get3A_609, %get3A_610] {strides = array<i32>} : memref<128x64xf32, #tpu.memory_space<vmem>>, vector<1x16xf32>,
      %get3A_612 = vector.shape_cast %get3A_611 : vector<1x16xf32> to vector<16xf32>
      %mul3A_613 = arith.mulf %get3A_608, %get3A_612 : vector<16xf32>
      %get3A_614 = arith.index_cast %scan3A_602 : i32 to index
      %get3A_615 = arith.constant 0 : index
      %get3A_616 = tpu.vector_load %arg13[%get3A_614, %get3A_615] {strides = array<i32>} : memref<128x64xf32, #tpu.memory_space<vmem>>, vector<1x16xf32>,
      %get3A_617 = vector.shape_cast %get3A_616 : vector<1x16xf32> to vector<16xf32>
      %mul3A_618 = arith.constant 1.000000e-01 : f32
      %mul3A_619 = vector.broadcast %mul3A_618 : f32 to vector<16xf32>
      %mul3A_620 = arith.mulf %mul3A_619, %get3A_617 : vector<16xf32>
      %add3A_621 = arith.addf %mul3A_613, %mul3A_620 : vector<16xf32>
      %swap3A = arith.index_cast %scan3A_602 : i32 to index
      %swap3A_622 = arith.constant 0 : index
      %swap3A_623 = tpu.vector_load %arg12[%swap3A, %swap3A_622] {strides = array<i32>} : memref<128x64xf32, #tpu.memory_space<vmem>>, vector<1x16xf32>,
      %swap3A_624 = vector.shape_cast %swap3A_623 : vector<1x16xf32> to vector<16xf32>
      %swap3A_625 = vector.shape_cast %add3A_621 : vector<16xf32> to vector<1x16xf32>
      tpu.vector_store %arg12[%swap3A, %swap3A_622], %swap3A_625 {strides = array<i32>} : memref<128x64xf32, #tpu.memory_space<vmem>>, vector<1x16xf32>,
      %get3A_626 = arith.index_cast %scan3A_602 : i32 to index
      %get3A_627 = arith.constant 16 : index
      %get3A_628 = tpu.vector_load %arg12[%get3A_626, %get3A_627] {strides = array<i32>} : memref<128x64xf32, #tpu.memory_space<vmem>>, vector<1x16xf32>,
      %get3A_629 = vector.shape_cast %get3A_628 : vector<1x16xf32> to vector<16xf32>
      %mul3A_630 = arith.mulf %get3A_608, %get3A_629 : vector<16xf32>
      %get3A_631 = arith.index_cast %scan3A_602 : i32 to index
      %get3A_632 = arith.constant 16 : index
      %get3A_633 = tpu.vector_load %arg13[%get3A_631, %get3A_632] {strides = array<i32>} : memref<128x64xf32, #tpu.memory_space<vmem>>, vector<1x16xf32>,
      %get3A_634 = vector.shape_cast %get3A_633 : vector<1x16xf32> to vector<16xf32>
      %mul3A_635 = arith.constant 1.000000e-01 : f32
      %mul3A_636 = vector.broadcast %mul3A_635 : f32 to vector<16xf32>
      %mul3A_637 = arith.mulf %mul3A_636, %get3A_634 : vector<16xf32>
      %add3A_638 = arith.addf %mul3A_630, %mul3A_637 : vector<16xf32>
      %swap3A_639 = arith.index_cast %scan3A_602 : i32 to index
      %swap3A_640 = arith.constant 16 : index
      %swap3A_641 = tpu.vector_load %arg12[%swap3A_639, %swap3A_640] {strides = array<i32>} : memref<128x64xf32, #tpu.memory_space<vmem>>, vector<1x16xf32>,
      %swap3A_642 = vector.shape_cast %swap3A_641 : vector<1x16xf32> to vector<16xf32>
      %swap3A_643 = vector.shape_cast %add3A_638 : vector<16xf32> to vector<1x16xf32>
      tpu.vector_store %arg12[%swap3A_639, %swap3A_640], %swap3A_643 {strides = array<i32>} : memref<128x64xf32, #tpu.memory_space<vmem>>, vector<1x16xf32>,
      %get3A_644 = arith.index_cast %scan3A_602 : i32 to index
      %get3A_645 = arith.constant 32 : index
      %get3A_646 = tpu.vector_load %arg12[%get3A_644, %get3A_645] {strides = array<i32>} : memref<128x64xf32, #tpu.memory_space<vmem>>, vector<1x16xf32>,
      %get3A_647 = vector.shape_cast %get3A_646 : vector<1x16xf32> to vector<16xf32>
      %mul3A_648 = arith.mulf %get3A_608, %get3A_647 : vector<16xf32>
      %get3A_649 = arith.index_cast %scan3A_602 : i32 to index
      %get3A_650 = arith.constant 32 : index
      %get3A_651 = tpu.vector_load %arg13[%get3A_649, %get3A_650] {strides = array<i32>} : memref<128x64xf32, #tpu.memory_space<vmem>>, vector<1x16xf32>,
      %get3A_652 = vector.shape_cast %get3A_651 : vector<1x16xf32> to vector<16xf32>
      %mul3A_653 = arith.constant 1.000000e-01 : f32
      %mul3A_654 = vector.broadcast %mul3A_653 : f32 to vector<16xf32>
      %mul3A_655 = arith.mulf %mul3A_654, %get3A_652 : vector<16xf32>
      %add3A_656 = arith.addf %mul3A_648, %mul3A_655 : vector<16xf32>
      %swap3A_657 = arith.index_cast %scan3A_602 : i32 to index
      %swap3A_658 = arith.constant 32 : index
      %swap3A_659 = tpu.vector_load %arg12[%swap3A_657, %swap3A_658] {strides = array<i32>} : memref<128x64xf32, #tpu.memory_space<vmem>>, vector<1x16xf32>,
      %swap3A_660 = vector.shape_cast %swap3A_659 : vector<1x16xf32> to vector<16xf32>
      %swap3A_661 = vector.shape_cast %add3A_656 : vector<16xf32> to vector<1x16xf32>
      tpu.vector_store %arg12[%swap3A_657, %swap3A_658], %swap3A_661 {strides = array<i32>} : memref<128x64xf32, #tpu.memory_space<vmem>>, vector<1x16xf32>,
      %get3A_662 = arith.index_cast %scan3A_602 : i32 to index
      %get3A_663 = arith.constant 48 : index
      %get3A_664 = tpu.vector_load %arg12[%get3A_662, %get3A_663] {strides = array<i32>} : memref<128x64xf32, #tpu.memory_space<vmem>>, vector<1x16xf32>,
      %get3A_665 = vector.shape_cast %get3A_664 : vector<1x16xf32> to vector<16xf32>
      %mul3A_666 = arith.mulf %get3A_608, %get3A_665 : vector<16xf32>
      %get3A_667 = arith.index_cast %scan3A_602 : i32 to index
      %get3A_668 = arith.constant 48 : index
      %get3A_669 = tpu.vector_load %arg13[%get3A_667, %get3A_668] {strides = array<i32>} : memref<128x64xf32, #tpu.memory_space<vmem>>, vector<1x16xf32>,
      %get3A_670 = vector.shape_cast %get3A_669 : vector<1x16xf32> to vector<16xf32>
      %mul3A_671 = arith.constant 1.000000e-01 : f32
      %mul3A_672 = vector.broadcast %mul3A_671 : f32 to vector<16xf32>
      %mul3A_673 = arith.mulf %mul3A_672, %get3A_670 : vector<16xf32>
      %add3A_674 = arith.addf %mul3A_666, %mul3A_673 : vector<16xf32>
      %swap3A_675 = arith.index_cast %scan3A_602 : i32 to index
      %swap3A_676 = arith.constant 48 : index
      %swap3A_677 = tpu.vector_load %arg12[%swap3A_675, %swap3A_676] {strides = array<i32>} : memref<128x64xf32, #tpu.memory_space<vmem>>, vector<1x16xf32>,
      %swap3A_678 = vector.shape_cast %swap3A_677 : vector<1x16xf32> to vector<16xf32>
      %swap3A_679 = vector.shape_cast %add3A_674 : vector<16xf32> to vector<1x16xf32>
      tpu.vector_store %arg12[%swap3A_675, %swap3A_676], %swap3A_679 {strides = array<i32>} : memref<128x64xf32, #tpu.memory_space<vmem>>, vector<1x16xf32>,
      %scan3A_680 = arith.constant 0 : i32
      scf.yield %scan3A_680 : i32
    }
    %scan3A_418 = arith.constant 128 : i32
    %add3A_419 = arith.constant 256 : i32
    %add3A_420 = arith.addi %mul3A_0, %add3A_419 : i32
    %dma_start3A_421 = arith.constant 0 : i32
    %dma_start3A_422 = arith.constant 0 : i32
    %dma_start3A_423 = tpu.memref_slice %arg9[%add3A_420, %dma_start3A_422] : memref<10240x64xf32, #tpu.memory_space<vmem_shared>> -> memref<128x64xf32, #tpu.memory_space<vmem_shared>>
    %dma_start3A_424 = tpu.memref_slice %arg19[%dma_start3A_421] : memref<4x!tpu.dma_semaphore, #tpu.memory_space<semaphore_mem>> -> memref<1x!tpu.dma_semaphore, #tpu.memory_space<semaphore_mem>>
    %dma_start3A_425 = tpu.memref_squeeze %dma_start3A_424 : memref<1x!tpu.dma_semaphore, #tpu.memory_space<semaphore_mem>> -> memref<!tpu.dma_semaphore, #tpu.memory_space<semaphore_mem>>
    %dma_start3A_426 = arith.constant 0 : i32
    %dma_start3A_427 = tpu.memref_slice %arg9[%add3A_420, %dma_start3A_426] : memref<10240x64xf32, #tpu.memory_space<vmem_shared>> -> memref<128x64xf32, #tpu.memory_space<vmem_shared>>
    tpu.enqueue_dma source(%arg12 : memref<128x64xf32, #tpu.memory_space<vmem>>) target(%dma_start3A_427 : memref<128x64xf32, #tpu.memory_space<vmem_shared>>) target_semaphore(%dma_start3A_425 : memref<!tpu.dma_semaphore, #tpu.memory_space<semaphore_mem>>)
    %add3A_428 = arith.constant 256 : i32
    %add3A_429 = arith.addi %mul3A_0, %add3A_428 : i32
    %dma_start3A_430 = arith.constant 0 : i32
    %dma_start3A_431 = arith.constant 0 : i32
    %dma_start3A_432 = tpu.memref_slice %arg8[%add3A_429, %dma_start3A_431] : memref<10240x64xf32, #tpu.memory_space<vmem_shared>> -> memref<128x64xf32, #tpu.memory_space<vmem_shared>>
    %dma_start3A_433 = tpu.memref_slice %arg19[%dma_start3A_430] : memref<4x!tpu.dma_semaphore, #tpu.memory_space<semaphore_mem>> -> memref<1x!tpu.dma_semaphore, #tpu.memory_space<semaphore_mem>>
    %dma_start3A_434 = tpu.memref_squeeze %dma_start3A_433 : memref<1x!tpu.dma_semaphore, #tpu.memory_space<semaphore_mem>> -> memref<!tpu.dma_semaphore, #tpu.memory_space<semaphore_mem>>
    %dma_start3A_435 = arith.constant 0 : i32
    %dma_start3A_436 = tpu.memref_slice %arg8[%add3A_429, %dma_start3A_435] : memref<10240x64xf32, #tpu.memory_space<vmem_shared>> -> memref<128x64xf32, #tpu.memory_space<vmem_shared>>
    tpu.enqueue_dma source(%arg12 : memref<128x64xf32, #tpu.memory_space<vmem>>) target(%dma_start3A_436 : memref<128x64xf32, #tpu.memory_space<vmem_shared>>) target_semaphore(%dma_start3A_434 : memref<!tpu.dma_semaphore, #tpu.memory_space<semaphore_mem>>)
    %add3A_437 = arith.constant 256 : i32
    %add3A_438 = arith.addi %mul3A_0, %add3A_437 : i32
    %dma_wait3A_439 = arith.constant 0 : i32
    %dma_wait3A_440 = arith.constant 0 : i32
    %dma_wait3A_441 = tpu.memref_slice %arg9[%add3A_438, %dma_wait3A_440] : memref<10240x64xf32, #tpu.memory_space<vmem_shared>> -> memref<128x64xf32, #tpu.memory_space<vmem_shared>>
    %dma_wait3A_442 = tpu.memref_slice %arg19[%dma_wait3A_439] : memref<4x!tpu.dma_semaphore, #tpu.memory_space<semaphore_mem>> -> memref<1x!tpu.dma_semaphore, #tpu.memory_space<semaphore_mem>>
    %dma_wait3A_443 = tpu.memref_squeeze %dma_wait3A_442 : memref<1x!tpu.dma_semaphore, #tpu.memory_space<semaphore_mem>> -> memref<!tpu.dma_semaphore, #tpu.memory_space<semaphore_mem>>
    %dma_wait3A_444 = arith.constant 0 : i32
    %dma_wait3A_445 = tpu.memref_slice %arg9[%add3A_438, %dma_wait3A_444] : memref<10240x64xf32, #tpu.memory_space<vmem_shared>> -> memref<128x64xf32, #tpu.memory_space<vmem_shared>>
    tpu.wait_dma2 semaphore(%dma_wait3A_443 : memref<!tpu.dma_semaphore, #tpu.memory_space<semaphore_mem>>) src(%arg12 : memref<128x64xf32, #tpu.memory_space<vmem>>) dst(%dma_wait3A_445 : memref<128x64xf32, #tpu.memory_space<vmem_shared>>)
    %add3A_446 = arith.constant 256 : i32
    %add3A_447 = arith.addi %mul3A_0, %add3A_446 : i32
    %dma_wait3A_448 = arith.constant 0 : i32
    %dma_wait3A_449 = arith.constant 0 : i32
    %dma_wait3A_450 = tpu.memref_slice %arg8[%add3A_447, %dma_wait3A_449] : memref<10240x64xf32, #tpu.memory_space<vmem_shared>> -> memref<128x64xf32, #tpu.memory_space<vmem_shared>>
    %dma_wait3A_451 = tpu.memref_slice %arg19[%dma_wait3A_448] : memref<4x!tpu.dma_semaphore, #tpu.memory_space<semaphore_mem>> -> memref<1x!tpu.dma_semaphore, #tpu.memory_space<semaphore_mem>>
    %dma_wait3A_452 = tpu.memref_squeeze %dma_wait3A_451 : memref<1x!tpu.dma_semaphore, #tpu.memory_space<semaphore_mem>> -> memref<!tpu.dma_semaphore, #tpu.memory_space<semaphore_mem>>
    %dma_wait3A_453 = arith.constant 0 : i32
    %dma_wait3A_454 = tpu.memref_slice %arg8[%add3A_447, %dma_wait3A_453] : memref<10240x64xf32, #tpu.memory_space<vmem_shared>> -> memref<128x64xf32, #tpu.memory_space<vmem_shared>>
    tpu.wait_dma2 semaphore(%dma_wait3A_452 : memref<!tpu.dma_semaphore, #tpu.memory_space<semaphore_mem>>) src(%arg12 : memref<128x64xf32, #tpu.memory_space<vmem>>) dst(%dma_wait3A_454 : memref<128x64xf32, #tpu.memory_space<vmem_shared>>)
    %add3A_455 = arith.constant 512 : i32
    %add3A_456 = arith.addi %mul3A_0, %add3A_455 : i32
    %dma_start3A_457 = arith.constant 0 : i32
    %dma_start3A_458 = arith.constant 0 : i32
    %dma_start3A_459 = tpu.memref_slice %arg9[%add3A_456, %dma_start3A_458] : memref<10240x64xf32, #tpu.memory_space<vmem_shared>> -> memref<128x64xf32, #tpu.memory_space<vmem_shared>>
    %dma_start3A_460 = tpu.memref_slice %arg18[%dma_start3A_457] : memref<4x!tpu.dma_semaphore, #tpu.memory_space<semaphore_mem>> -> memref<1x!tpu.dma_semaphore, #tpu.memory_space<semaphore_mem>>
    %dma_start3A_461 = tpu.memref_squeeze %dma_start3A_460 : memref<1x!tpu.dma_semaphore, #tpu.memory_space<semaphore_mem>> -> memref<!tpu.dma_semaphore, #tpu.memory_space<semaphore_mem>>
    %dma_start3A_462 = arith.constant 0 : i32
    %dma_start3A_463 = tpu.memref_slice %arg9[%add3A_456, %dma_start3A_462] : memref<10240x64xf32, #tpu.memory_space<vmem_shared>> -> memref<128x64xf32, #tpu.memory_space<vmem_shared>>
    tpu.enqueue_dma source(%dma_start3A_463 : memref<128x64xf32, #tpu.memory_space<vmem_shared>>) target(%arg12 : memref<128x64xf32, #tpu.memory_space<vmem>>) target_semaphore(%dma_start3A_461 : memref<!tpu.dma_semaphore, #tpu.memory_space<semaphore_mem>>)
    %add3A_464 = arith.addi %mul3A_2, %mul3A_0 : i32
    %add3A_465 = arith.constant 512 : i32
    %add3A_466 = arith.addi %add3A_464, %add3A_465 : i32
    %dma_start3A_467 = arith.constant 2 : i32
    %dma_start3A_468 = arith.constant 0 : i32
    %dma_start3A_469 = tpu.memref_slice %arg3[%add3A_466, %dma_start3A_468] : memref<20480x64xf32, #tpu.memory_space<hbm>> -> memref<128x64xf32, #tpu.memory_space<hbm>>
    %dma_start3A_470 = tpu.memref_slice %arg18[%dma_start3A_467] : memref<4x!tpu.dma_semaphore, #tpu.memory_space<semaphore_mem>> -> memref<1x!tpu.dma_semaphore, #tpu.memory_space<semaphore_mem>>
    %dma_start3A_471 = tpu.memref_squeeze %dma_start3A_470 : memref<1x!tpu.dma_semaphore, #tpu.memory_space<semaphore_mem>> -> memref<!tpu.dma_semaphore, #tpu.memory_space<semaphore_mem>>
    %dma_start3A_472 = arith.constant 0 : i32
    %dma_start3A_473 = tpu.memref_slice %arg3[%add3A_466, %dma_start3A_472] : memref<20480x64xf32, #tpu.memory_space<hbm>> -> memref<128x64xf32, #tpu.memory_space<hbm>>
    tpu.enqueue_dma source(%dma_start3A_473 : memref<128x64xf32, #tpu.memory_space<hbm>>) target(%arg13 : memref<128x64xf32, #tpu.memory_space<vmem>>) target_semaphore(%dma_start3A_471 : memref<!tpu.dma_semaphore, #tpu.memory_space<semaphore_mem>>)
    %add3A_474 = arith.constant 384 : i32
    %add3A_475 = arith.addi %mul3A_0, %add3A_474 : i32
    %dma_wait3A_476 = arith.constant 1 : i32
    %dma_wait3A_477 = arith.constant 0 : i32
    %dma_wait3A_478 = tpu.memref_slice %arg9[%add3A_475, %dma_wait3A_477] : memref<10240x64xf32, #tpu.memory_space<vmem_shared>> -> memref<128x64xf32, #tpu.memory_space<vmem_shared>>
    %dma_wait3A_479 = tpu.memref_slice %arg18[%dma_wait3A_476] : memref<4x!tpu.dma_semaphore, #tpu.memory_space<semaphore_mem>> -> memref<1x!tpu.dma_semaphore, #tpu.memory_space<semaphore_mem>>
    %dma_wait3A_480 = tpu.memref_squeeze %dma_wait3A_479 : memref<1x!tpu.dma_semaphore, #tpu.memory_space<semaphore_mem>> -> memref<!tpu.dma_semaphore, #tpu.memory_space<semaphore_mem>>
    %dma_wait3A_481 = arith.constant 0 : i32
    %dma_wait3A_482 = tpu.memref_slice %arg9[%add3A_475, %dma_wait3A_481] : memref<10240x64xf32, #tpu.memory_space<vmem_shared>> -> memref<128x64xf32, #tpu.memory_space<vmem_shared>>
    tpu.wait_dma2 semaphore(%dma_wait3A_480 : memref<!tpu.dma_semaphore, #tpu.memory_space<semaphore_mem>>) src(%dma_wait3A_482 : memref<128x64xf32, #tpu.memory_space<vmem_shared>>) dst(%arg14 : memref<128x64xf32, #tpu.memory_space<vmem>>)
    %add3A_483 = arith.addi %mul3A_2, %mul3A_0 : i32
    %add3A_484 = arith.constant 384 : i32
    %add3A_485 = arith.addi %add3A_483, %add3A_484 : i32
    %dma_wait3A_486 = arith.constant 3 : i32
    %dma_wait3A_487 = arith.constant 0 : i32
    %dma_wait3A_488 = tpu.memref_slice %arg3[%add3A_485, %dma_wait3A_487] : memref<20480x64xf32, #tpu.memory_space<hbm>> -> memref<128x64xf32, #tpu.memory_space<hbm>>
    %dma_wait3A_489 = tpu.memref_slice %arg18[%dma_wait3A_486] : memref<4x!tpu.dma_semaphore, #tpu.memory_space<semaphore_mem>> -> memref<1x!tpu.dma_semaphore, #tpu.memory_space<semaphore_mem>>
    %dma_wait3A_490 = tpu.memref_squeeze %dma_wait3A_489 : memref<1x!tpu.dma_semaphore, #tpu.memory_space<semaphore_mem>> -> memref<!tpu.dma_semaphore, #tpu.memory_space<semaphore_mem>>
    %dma_wait3A_491 = arith.constant 0 : i32
    %dma_wait3A_492 = tpu.memref_slice %arg3[%add3A_485, %dma_wait3A_491] : memref<20480x64xf32, #tpu.memory_space<hbm>> -> memref<128x64xf32, #tpu.memory_space<hbm>>
    tpu.wait_dma2 semaphore(%dma_wait3A_490 : memref<!tpu.dma_semaphore, #tpu.memory_space<semaphore_mem>>) src(%dma_wait3A_492 : memref<128x64xf32, #tpu.memory_space<hbm>>) dst(%arg15 : memref<128x64xf32, #tpu.memory_space<vmem>>)
    %scan3A_493 = arith.constant 0 : i32
    %scan3A_494 = arith.constant 0 : i32
    %scan3A_495 = arith.constant 128 : i32
    %scan3A_496 = arith.addi %scan3A_494, %scan3A_495 : i32
    %scan3A_497 = arith.constant 1 : i32
    %scan3A_498 = scf.for %scan3A_602 = %scan3A_494 to %scan3A_496 step %scan3A_497 iter_args(%scan3A_603 = %scan3A_493) -> (i32)  : i32 {
      %add3A_604 = arith.constant 384 : i32
      %add3A_605 = arith.addi %add3A_604, %scan3A_602 : i32
      %get3A = arith.index_cast %add3A_605 : i32 to index
      %get3A_606 = arith.constant 0 : index
      %get3A_607 = tpu.vector_load %arg16[%get3A, %get3A_606] {strides = array<i32>} : memref<640x16xf32, #tpu.memory_space<vmem>>, vector<1x16xf32>,
      %get3A_608 = vector.shape_cast %get3A_607 : vector<1x16xf32> to vector<16xf32>
      %get3A_609 = arith.index_cast %scan3A_602 : i32 to index
      %get3A_610 = arith.constant 0 : index
      %get3A_611 = tpu.vector_load %arg14[%get3A_609, %get3A_610] {strides = array<i32>} : memref<128x64xf32, #tpu.memory_space<vmem>>, vector<1x16xf32>,
      %get3A_612 = vector.shape_cast %get3A_611 : vector<1x16xf32> to vector<16xf32>
      %mul3A_613 = arith.mulf %get3A_608, %get3A_612 : vector<16xf32>
      %get3A_614 = arith.index_cast %scan3A_602 : i32 to index
      %get3A_615 = arith.constant 0 : index
      %get3A_616 = tpu.vector_load %arg15[%get3A_614, %get3A_615] {strides = array<i32>} : memref<128x64xf32, #tpu.memory_space<vmem>>, vector<1x16xf32>,
      %get3A_617 = vector.shape_cast %get3A_616 : vector<1x16xf32> to vector<16xf32>
      %mul3A_618 = arith.constant 1.000000e-01 : f32
      %mul3A_619 = vector.broadcast %mul3A_618 : f32 to vector<16xf32>
      %mul3A_620 = arith.mulf %mul3A_619, %get3A_617 : vector<16xf32>
      %add3A_621 = arith.addf %mul3A_613, %mul3A_620 : vector<16xf32>
      %swap3A = arith.index_cast %scan3A_602 : i32 to index
      %swap3A_622 = arith.constant 0 : index
      %swap3A_623 = tpu.vector_load %arg14[%swap3A, %swap3A_622] {strides = array<i32>} : memref<128x64xf32, #tpu.memory_space<vmem>>, vector<1x16xf32>,
      %swap3A_624 = vector.shape_cast %swap3A_623 : vector<1x16xf32> to vector<16xf32>
      %swap3A_625 = vector.shape_cast %add3A_621 : vector<16xf32> to vector<1x16xf32>
      tpu.vector_store %arg14[%swap3A, %swap3A_622], %swap3A_625 {strides = array<i32>} : memref<128x64xf32, #tpu.memory_space<vmem>>, vector<1x16xf32>,
      %get3A_626 = arith.index_cast %scan3A_602 : i32 to index
      %get3A_627 = arith.constant 16 : index
      %get3A_628 = tpu.vector_load %arg14[%get3A_626, %get3A_627] {strides = array<i32>} : memref<128x64xf32, #tpu.memory_space<vmem>>, vector<1x16xf32>,
      %get3A_629 = vector.shape_cast %get3A_628 : vector<1x16xf32> to vector<16xf32>
      %mul3A_630 = arith.mulf %get3A_608, %get3A_629 : vector<16xf32>
      %get3A_631 = arith.index_cast %scan3A_602 : i32 to index
      %get3A_632 = arith.constant 16 : index
      %get3A_633 = tpu.vector_load %arg15[%get3A_631, %get3A_632] {strides = array<i32>} : memref<128x64xf32, #tpu.memory_space<vmem>>, vector<1x16xf32>,
      %get3A_634 = vector.shape_cast %get3A_633 : vector<1x16xf32> to vector<16xf32>
      %mul3A_635 = arith.constant 1.000000e-01 : f32
      %mul3A_636 = vector.broadcast %mul3A_635 : f32 to vector<16xf32>
      %mul3A_637 = arith.mulf %mul3A_636, %get3A_634 : vector<16xf32>
      %add3A_638 = arith.addf %mul3A_630, %mul3A_637 : vector<16xf32>
      %swap3A_639 = arith.index_cast %scan3A_602 : i32 to index
      %swap3A_640 = arith.constant 16 : index
      %swap3A_641 = tpu.vector_load %arg14[%swap3A_639, %swap3A_640] {strides = array<i32>} : memref<128x64xf32, #tpu.memory_space<vmem>>, vector<1x16xf32>,
      %swap3A_642 = vector.shape_cast %swap3A_641 : vector<1x16xf32> to vector<16xf32>
      %swap3A_643 = vector.shape_cast %add3A_638 : vector<16xf32> to vector<1x16xf32>
      tpu.vector_store %arg14[%swap3A_639, %swap3A_640], %swap3A_643 {strides = array<i32>} : memref<128x64xf32, #tpu.memory_space<vmem>>, vector<1x16xf32>,
      %get3A_644 = arith.index_cast %scan3A_602 : i32 to index
      %get3A_645 = arith.constant 32 : index
      %get3A_646 = tpu.vector_load %arg14[%get3A_644, %get3A_645] {strides = array<i32>} : memref<128x64xf32, #tpu.memory_space<vmem>>, vector<1x16xf32>,
      %get3A_647 = vector.shape_cast %get3A_646 : vector<1x16xf32> to vector<16xf32>
      %mul3A_648 = arith.mulf %get3A_608, %get3A_647 : vector<16xf32>
      %get3A_649 = arith.index_cast %scan3A_602 : i32 to index
      %get3A_650 = arith.constant 32 : index
      %get3A_651 = tpu.vector_load %arg15[%get3A_649, %get3A_650] {strides = array<i32>} : memref<128x64xf32, #tpu.memory_space<vmem>>, vector<1x16xf32>,
      %get3A_652 = vector.shape_cast %get3A_651 : vector<1x16xf32> to vector<16xf32>
      %mul3A_653 = arith.constant 1.000000e-01 : f32
      %mul3A_654 = vector.broadcast %mul3A_653 : f32 to vector<16xf32>
      %mul3A_655 = arith.mulf %mul3A_654, %get3A_652 : vector<16xf32>
      %add3A_656 = arith.addf %mul3A_648, %mul3A_655 : vector<16xf32>
      %swap3A_657 = arith.index_cast %scan3A_602 : i32 to index
      %swap3A_658 = arith.constant 32 : index
      %swap3A_659 = tpu.vector_load %arg14[%swap3A_657, %swap3A_658] {strides = array<i32>} : memref<128x64xf32, #tpu.memory_space<vmem>>, vector<1x16xf32>,
      %swap3A_660 = vector.shape_cast %swap3A_659 : vector<1x16xf32> to vector<16xf32>
      %swap3A_661 = vector.shape_cast %add3A_656 : vector<16xf32> to vector<1x16xf32>
      tpu.vector_store %arg14[%swap3A_657, %swap3A_658], %swap3A_661 {strides = array<i32>} : memref<128x64xf32, #tpu.memory_space<vmem>>, vector<1x16xf32>,
      %get3A_662 = arith.index_cast %scan3A_602 : i32 to index
      %get3A_663 = arith.constant 48 : index
      %get3A_664 = tpu.vector_load %arg14[%get3A_662, %get3A_663] {strides = array<i32>} : memref<128x64xf32, #tpu.memory_space<vmem>>, vector<1x16xf32>,
      %get3A_665 = vector.shape_cast %get3A_664 : vector<1x16xf32> to vector<16xf32>
      %mul3A_666 = arith.mulf %get3A_608, %get3A_665 : vector<16xf32>
      %get3A_667 = arith.index_cast %scan3A_602 : i32 to index
      %get3A_668 = arith.constant 48 : index
      %get3A_669 = tpu.vector_load %arg15[%get3A_667, %get3A_668] {strides = array<i32>} : memref<128x64xf32, #tpu.memory_space<vmem>>, vector<1x16xf32>,
      %get3A_670 = vector.shape_cast %get3A_669 : vector<1x16xf32> to vector<16xf32>
      %mul3A_671 = arith.constant 1.000000e-01 : f32
      %mul3A_672 = vector.broadcast %mul3A_671 : f32 to vector<16xf32>
      %mul3A_673 = arith.mulf %mul3A_672, %get3A_670 : vector<16xf32>
      %add3A_674 = arith.addf %mul3A_666, %mul3A_673 : vector<16xf32>
      %swap3A_675 = arith.index_cast %scan3A_602 : i32 to index
      %swap3A_676 = arith.constant 48 : index
      %swap3A_677 = tpu.vector_load %arg14[%swap3A_675, %swap3A_676] {strides = array<i32>} : memref<128x64xf32, #tpu.memory_space<vmem>>, vector<1x16xf32>,
      %swap3A_678 = vector.shape_cast %swap3A_677 : vector<1x16xf32> to vector<16xf32>
      %swap3A_679 = vector.shape_cast %add3A_674 : vector<16xf32> to vector<1x16xf32>
      tpu.vector_store %arg14[%swap3A_675, %swap3A_676], %swap3A_679 {strides = array<i32>} : memref<128x64xf32, #tpu.memory_space<vmem>>, vector<1x16xf32>,
      %scan3A_680 = arith.constant 0 : i32
      scf.yield %scan3A_680 : i32
    }
    %scan3A_499 = arith.constant 128 : i32
    %add3A_500 = arith.constant 384 : i32
    %add3A_501 = arith.addi %mul3A_0, %add3A_500 : i32
    %dma_start3A_502 = arith.constant 1 : i32
    %dma_start3A_503 = arith.constant 0 : i32
    %dma_start3A_504 = tpu.memref_slice %arg9[%add3A_501, %dma_start3A_503] : memref<10240x64xf32, #tpu.memory_space<vmem_shared>> -> memref<128x64xf32, #tpu.memory_space<vmem_shared>>
    %dma_start3A_505 = tpu.memref_slice %arg19[%dma_start3A_502] : memref<4x!tpu.dma_semaphore, #tpu.memory_space<semaphore_mem>> -> memref<1x!tpu.dma_semaphore, #tpu.memory_space<semaphore_mem>>
    %dma_start3A_506 = tpu.memref_squeeze %dma_start3A_505 : memref<1x!tpu.dma_semaphore, #tpu.memory_space<semaphore_mem>> -> memref<!tpu.dma_semaphore, #tpu.memory_space<semaphore_mem>>
    %dma_start3A_507 = arith.constant 0 : i32
    %dma_start3A_508 = tpu.memref_slice %arg9[%add3A_501, %dma_start3A_507] : memref<10240x64xf32, #tpu.memory_space<vmem_shared>> -> memref<128x64xf32, #tpu.memory_space<vmem_shared>>
    tpu.enqueue_dma source(%arg14 : memref<128x64xf32, #tpu.memory_space<vmem>>) target(%dma_start3A_508 : memref<128x64xf32, #tpu.memory_space<vmem_shared>>) target_semaphore(%dma_start3A_506 : memref<!tpu.dma_semaphore, #tpu.memory_space<semaphore_mem>>)
    %add3A_509 = arith.constant 384 : i32
    %add3A_510 = arith.addi %mul3A_0, %add3A_509 : i32
    %dma_start3A_511 = arith.constant 1 : i32
    %dma_start3A_512 = arith.constant 0 : i32
    %dma_start3A_513 = tpu.memref_slice %arg8[%add3A_510, %dma_start3A_512] : memref<10240x64xf32, #tpu.memory_space<vmem_shared>> -> memref<128x64xf32, #tpu.memory_space<vmem_shared>>
    %dma_start3A_514 = tpu.memref_slice %arg19[%dma_start3A_511] : memref<4x!tpu.dma_semaphore, #tpu.memory_space<semaphore_mem>> -> memref<1x!tpu.dma_semaphore, #tpu.memory_space<semaphore_mem>>
    %dma_start3A_515 = tpu.memref_squeeze %dma_start3A_514 : memref<1x!tpu.dma_semaphore, #tpu.memory_space<semaphore_mem>> -> memref<!tpu.dma_semaphore, #tpu.memory_space<semaphore_mem>>
    %dma_start3A_516 = arith.constant 0 : i32
    %dma_start3A_517 = tpu.memref_slice %arg8[%add3A_510, %dma_start3A_516] : memref<10240x64xf32, #tpu.memory_space<vmem_shared>> -> memref<128x64xf32, #tpu.memory_space<vmem_shared>>
    tpu.enqueue_dma source(%arg14 : memref<128x64xf32, #tpu.memory_space<vmem>>) target(%dma_start3A_517 : memref<128x64xf32, #tpu.memory_space<vmem_shared>>) target_semaphore(%dma_start3A_515 : memref<!tpu.dma_semaphore, #tpu.memory_space<semaphore_mem>>)
    %add3A_518 = arith.constant 512 : i32
    %add3A_519 = arith.addi %mul3A_0, %add3A_518 : i32
    %dma_wait3A_520 = arith.constant 0 : i32
    %dma_wait3A_521 = arith.constant 0 : i32
    %dma_wait3A_522 = tpu.memref_slice %arg9[%add3A_519, %dma_wait3A_521] : memref<10240x64xf32, #tpu.memory_space<vmem_shared>> -> memref<128x64xf32, #tpu.memory_space<vmem_shared>>
    %dma_wait3A_523 = tpu.memref_slice %arg18[%dma_wait3A_520] : memref<4x!tpu.dma_semaphore, #tpu.memory_space<semaphore_mem>> -> memref<1x!tpu.dma_semaphore, #tpu.memory_space<semaphore_mem>>
    %dma_wait3A_524 = tpu.memref_squeeze %dma_wait3A_523 : memref<1x!tpu.dma_semaphore, #tpu.memory_space<semaphore_mem>> -> memref<!tpu.dma_semaphore, #tpu.memory_space<semaphore_mem>>
    %dma_wait3A_525 = arith.constant 0 : i32
    %dma_wait3A_526 = tpu.memref_slice %arg9[%add3A_519, %dma_wait3A_525] : memref<10240x64xf32, #tpu.memory_space<vmem_shared>> -> memref<128x64xf32, #tpu.memory_space<vmem_shared>>
    tpu.wait_dma2 semaphore(%dma_wait3A_524 : memref<!tpu.dma_semaphore, #tpu.memory_space<semaphore_mem>>) src(%dma_wait3A_526 : memref<128x64xf32, #tpu.memory_space<vmem_shared>>) dst(%arg12 : memref<128x64xf32, #tpu.memory_space<vmem>>)
    %add3A_527 = arith.addi %mul3A_2, %mul3A_0 : i32
    %add3A_528 = arith.constant 512 : i32
    %add3A_529 = arith.addi %add3A_527, %add3A_528 : i32
    %dma_wait3A_530 = arith.constant 2 : i32
    %dma_wait3A_531 = arith.constant 0 : i32
    %dma_wait3A_532 = tpu.memref_slice %arg3[%add3A_529, %dma_wait3A_531] : memref<20480x64xf32, #tpu.memory_space<hbm>> -> memref<128x64xf32, #tpu.memory_space<hbm>>
    %dma_wait3A_533 = tpu.memref_slice %arg18[%dma_wait3A_530] : memref<4x!tpu.dma_semaphore, #tpu.memory_space<semaphore_mem>> -> memref<1x!tpu.dma_semaphore, #tpu.memory_space<semaphore_mem>>
    %dma_wait3A_534 = tpu.memref_squeeze %dma_wait3A_533 : memref<1x!tpu.dma_semaphore, #tpu.memory_space<semaphore_mem>> -> memref<!tpu.dma_semaphore, #tpu.memory_space<semaphore_mem>>
    %dma_wait3A_535 = arith.constant 0 : i32
    %dma_wait3A_536 = tpu.memref_slice %arg3[%add3A_529, %dma_wait3A_535] : memref<20480x64xf32, #tpu.memory_space<hbm>> -> memref<128x64xf32, #tpu.memory_space<hbm>>
    tpu.wait_dma2 semaphore(%dma_wait3A_534 : memref<!tpu.dma_semaphore, #tpu.memory_space<semaphore_mem>>) src(%dma_wait3A_536 : memref<128x64xf32, #tpu.memory_space<hbm>>) dst(%arg13 : memref<128x64xf32, #tpu.memory_space<vmem>>)
    %scan3A_537 = arith.constant 0 : i32
    %scan3A_538 = arith.constant 0 : i32
    %scan3A_539 = arith.constant 128 : i32
    %scan3A_540 = arith.addi %scan3A_538, %scan3A_539 : i32
    %scan3A_541 = arith.constant 1 : i32
    %scan3A_542 = scf.for %scan3A_602 = %scan3A_538 to %scan3A_540 step %scan3A_541 iter_args(%scan3A_603 = %scan3A_537) -> (i32)  : i32 {
      %add3A_604 = arith.constant 512 : i32
      %add3A_605 = arith.addi %add3A_604, %scan3A_602 : i32
      %get3A = arith.index_cast %add3A_605 : i32 to index
      %get3A_606 = arith.constant 0 : index
      %get3A_607 = tpu.vector_load %arg16[%get3A, %get3A_606] {strides = array<i32>} : memref<640x16xf32, #tpu.memory_space<vmem>>, vector<1x16xf32>,
      %get3A_608 = vector.shape_cast %get3A_607 : vector<1x16xf32> to vector<16xf32>
      %get3A_609 = arith.index_cast %scan3A_602 : i32 to index
      %get3A_610 = arith.constant 0 : index
      %get3A_611 = tpu.vector_load %arg12[%get3A_609, %get3A_610] {strides = array<i32>} : memref<128x64xf32, #tpu.memory_space<vmem>>, vector<1x16xf32>,
      %get3A_612 = vector.shape_cast %get3A_611 : vector<1x16xf32> to vector<16xf32>
      %mul3A_613 = arith.mulf %get3A_608, %get3A_612 : vector<16xf32>
      %get3A_614 = arith.index_cast %scan3A_602 : i32 to index
      %get3A_615 = arith.constant 0 : index
      %get3A_616 = tpu.vector_load %arg13[%get3A_614, %get3A_615] {strides = array<i32>} : memref<128x64xf32, #tpu.memory_space<vmem>>, vector<1x16xf32>,
      %get3A_617 = vector.shape_cast %get3A_616 : vector<1x16xf32> to vector<16xf32>
      %mul3A_618 = arith.constant 1.000000e-01 : f32
      %mul3A_619 = vector.broadcast %mul3A_618 : f32 to vector<16xf32>
      %mul3A_620 = arith.mulf %mul3A_619, %get3A_617 : vector<16xf32>
      %add3A_621 = arith.addf %mul3A_613, %mul3A_620 : vector<16xf32>
      %swap3A = arith.index_cast %scan3A_602 : i32 to index
      %swap3A_622 = arith.constant 0 : index
      %swap3A_623 = tpu.vector_load %arg12[%swap3A, %swap3A_622] {strides = array<i32>} : memref<128x64xf32, #tpu.memory_space<vmem>>, vector<1x16xf32>,
      %swap3A_624 = vector.shape_cast %swap3A_623 : vector<1x16xf32> to vector<16xf32>
      %swap3A_625 = vector.shape_cast %add3A_621 : vector<16xf32> to vector<1x16xf32>
      tpu.vector_store %arg12[%swap3A, %swap3A_622], %swap3A_625 {strides = array<i32>} : memref<128x64xf32, #tpu.memory_space<vmem>>, vector<1x16xf32>,
      %get3A_626 = arith.index_cast %scan3A_602 : i32 to index
      %get3A_627 = arith.constant 16 : index
      %get3A_628 = tpu.vector_load %arg12[%get3A_626, %get3A_627] {strides = array<i32>} : memref<128x64xf32, #tpu.memory_space<vmem>>, vector<1x16xf32>,
      %get3A_629 = vector.shape_cast %get3A_628 : vector<1x16xf32> to vector<16xf32>
      %mul3A_630 = arith.mulf %get3A_608, %get3A_629 : vector<16xf32>
      %get3A_631 = arith.index_cast %scan3A_602 : i32 to index
      %get3A_632 = arith.constant 16 : index
      %get3A_633 = tpu.vector_load %arg13[%get3A_631, %get3A_632] {strides = array<i32>} : memref<128x64xf32, #tpu.memory_space<vmem>>, vector<1x16xf32>,
      %get3A_634 = vector.shape_cast %get3A_633 : vector<1x16xf32> to vector<16xf32>
      %mul3A_635 = arith.constant 1.000000e-01 : f32
      %mul3A_636 = vector.broadcast %mul3A_635 : f32 to vector<16xf32>
      %mul3A_637 = arith.mulf %mul3A_636, %get3A_634 : vector<16xf32>
      %add3A_638 = arith.addf %mul3A_630, %mul3A_637 : vector<16xf32>
      %swap3A_639 = arith.index_cast %scan3A_602 : i32 to index
      %swap3A_640 = arith.constant 16 : index
      %swap3A_641 = tpu.vector_load %arg12[%swap3A_639, %swap3A_640] {strides = array<i32>} : memref<128x64xf32, #tpu.memory_space<vmem>>, vector<1x16xf32>,
      %swap3A_642 = vector.shape_cast %swap3A_641 : vector<1x16xf32> to vector<16xf32>
      %swap3A_643 = vector.shape_cast %add3A_638 : vector<16xf32> to vector<1x16xf32>
      tpu.vector_store %arg12[%swap3A_639, %swap3A_640], %swap3A_643 {strides = array<i32>} : memref<128x64xf32, #tpu.memory_space<vmem>>, vector<1x16xf32>,
      %get3A_644 = arith.index_cast %scan3A_602 : i32 to index
      %get3A_645 = arith.constant 32 : index
      %get3A_646 = tpu.vector_load %arg12[%get3A_644, %get3A_645] {strides = array<i32>} : memref<128x64xf32, #tpu.memory_space<vmem>>, vector<1x16xf32>,
      %get3A_647 = vector.shape_cast %get3A_646 : vector<1x16xf32> to vector<16xf32>
      %mul3A_648 = arith.mulf %get3A_608, %get3A_647 : vector<16xf32>
      %get3A_649 = arith.index_cast %scan3A_602 : i32 to index
      %get3A_650 = arith.constant 32 : index
      %get3A_651 = tpu.vector_load %arg13[%get3A_649, %get3A_650] {strides = array<i32>} : memref<128x64xf32, #tpu.memory_space<vmem>>, vector<1x16xf32>,
      %get3A_652 = vector.shape_cast %get3A_651 : vector<1x16xf32> to vector<16xf32>
      %mul3A_653 = arith.constant 1.000000e-01 : f32
      %mul3A_654 = vector.broadcast %mul3A_653 : f32 to vector<16xf32>
      %mul3A_655 = arith.mulf %mul3A_654, %get3A_652 : vector<16xf32>
      %add3A_656 = arith.addf %mul3A_648, %mul3A_655 : vector<16xf32>
      %swap3A_657 = arith.index_cast %scan3A_602 : i32 to index
      %swap3A_658 = arith.constant 32 : index
      %swap3A_659 = tpu.vector_load %arg12[%swap3A_657, %swap3A_658] {strides = array<i32>} : memref<128x64xf32, #tpu.memory_space<vmem>>, vector<1x16xf32>,
      %swap3A_660 = vector.shape_cast %swap3A_659 : vector<1x16xf32> to vector<16xf32>
      %swap3A_661 = vector.shape_cast %add3A_656 : vector<16xf32> to vector<1x16xf32>
      tpu.vector_store %arg12[%swap3A_657, %swap3A_658], %swap3A_661 {strides = array<i32>} : memref<128x64xf32, #tpu.memory_space<vmem>>, vector<1x16xf32>,
      %get3A_662 = arith.index_cast %scan3A_602 : i32 to index
      %get3A_663 = arith.constant 48 : index
      %get3A_664 = tpu.vector_load %arg12[%get3A_662, %get3A_663] {strides = array<i32>} : memref<128x64xf32, #tpu.memory_space<vmem>>, vector<1x16xf32>,
      %get3A_665 = vector.shape_cast %get3A_664 : vector<1x16xf32> to vector<16xf32>
      %mul3A_666 = arith.mulf %get3A_608, %get3A_665 : vector<16xf32>
      %get3A_667 = arith.index_cast %scan3A_602 : i32 to index
      %get3A_668 = arith.constant 48 : index
      %get3A_669 = tpu.vector_load %arg13[%get3A_667, %get3A_668] {strides = array<i32>} : memref<128x64xf32, #tpu.memory_space<vmem>>, vector<1x16xf32>,
      %get3A_670 = vector.shape_cast %get3A_669 : vector<1x16xf32> to vector<16xf32>
      %mul3A_671 = arith.constant 1.000000e-01 : f32
      %mul3A_672 = vector.broadcast %mul3A_671 : f32 to vector<16xf32>
      %mul3A_673 = arith.mulf %mul3A_672, %get3A_670 : vector<16xf32>
      %add3A_674 = arith.addf %mul3A_666, %mul3A_673 : vector<16xf32>
      %swap3A_675 = arith.index_cast %scan3A_602 : i32 to index
      %swap3A_676 = arith.constant 48 : index
      %swap3A_677 = tpu.vector_load %arg12[%swap3A_675, %swap3A_676] {strides = array<i32>} : memref<128x64xf32, #tpu.memory_space<vmem>>, vector<1x16xf32>,
      %swap3A_678 = vector.shape_cast %swap3A_677 : vector<1x16xf32> to vector<16xf32>
      %swap3A_679 = vector.shape_cast %add3A_674 : vector<16xf32> to vector<1x16xf32>
      tpu.vector_store %arg12[%swap3A_675, %swap3A_676], %swap3A_679 {strides = array<i32>} : memref<128x64xf32, #tpu.memory_space<vmem>>, vector<1x16xf32>,
      %scan3A_680 = arith.constant 0 : i32
      scf.yield %scan3A_680 : i32
    }
    %scan3A_543 = arith.constant 128 : i32
    %add3A_544 = arith.constant 512 : i32
    %add3A_545 = arith.addi %mul3A_0, %add3A_544 : i32
    %dma_start3A_546 = arith.constant 0 : i32
    %dma_start3A_547 = arith.constant 0 : i32
    %dma_start3A_548 = tpu.memref_slice %arg9[%add3A_545, %dma_start3A_547] : memref<10240x64xf32, #tpu.memory_space<vmem_shared>> -> memref<128x64xf32, #tpu.memory_space<vmem_shared>>
    %dma_start3A_549 = tpu.memref_slice %arg19[%dma_start3A_546] : memref<4x!tpu.dma_semaphore, #tpu.memory_space<semaphore_mem>> -> memref<1x!tpu.dma_semaphore, #tpu.memory_space<semaphore_mem>>
    %dma_start3A_550 = tpu.memref_squeeze %dma_start3A_549 : memref<1x!tpu.dma_semaphore, #tpu.memory_space<semaphore_mem>> -> memref<!tpu.dma_semaphore, #tpu.memory_space<semaphore_mem>>
    %dma_start3A_551 = arith.constant 0 : i32
    %dma_start3A_552 = tpu.memref_slice %arg9[%add3A_545, %dma_start3A_551] : memref<10240x64xf32, #tpu.memory_space<vmem_shared>> -> memref<128x64xf32, #tpu.memory_space<vmem_shared>>
    tpu.enqueue_dma source(%arg12 : memref<128x64xf32, #tpu.memory_space<vmem>>) target(%dma_start3A_552 : memref<128x64xf32, #tpu.memory_space<vmem_shared>>) target_semaphore(%dma_start3A_550 : memref<!tpu.dma_semaphore, #tpu.memory_space<semaphore_mem>>)
    %add3A_553 = arith.constant 512 : i32
    %add3A_554 = arith.addi %mul3A_0, %add3A_553 : i32
    %dma_start3A_555 = arith.constant 0 : i32
    %dma_start3A_556 = arith.constant 0 : i32
    %dma_start3A_557 = tpu.memref_slice %arg8[%add3A_554, %dma_start3A_556] : memref<10240x64xf32, #tpu.memory_space<vmem_shared>> -> memref<128x64xf32, #tpu.memory_space<vmem_shared>>
    %dma_start3A_558 = tpu.memref_slice %arg19[%dma_start3A_555] : memref<4x!tpu.dma_semaphore, #tpu.memory_space<semaphore_mem>> -> memref<1x!tpu.dma_semaphore, #tpu.memory_space<semaphore_mem>>
    %dma_start3A_559 = tpu.memref_squeeze %dma_start3A_558 : memref<1x!tpu.dma_semaphore, #tpu.memory_space<semaphore_mem>> -> memref<!tpu.dma_semaphore, #tpu.memory_space<semaphore_mem>>
    %dma_start3A_560 = arith.constant 0 : i32
    %dma_start3A_561 = tpu.memref_slice %arg8[%add3A_554, %dma_start3A_560] : memref<10240x64xf32, #tpu.memory_space<vmem_shared>> -> memref<128x64xf32, #tpu.memory_space<vmem_shared>>
    tpu.enqueue_dma source(%arg12 : memref<128x64xf32, #tpu.memory_space<vmem>>) target(%dma_start3A_561 : memref<128x64xf32, #tpu.memory_space<vmem_shared>>) target_semaphore(%dma_start3A_559 : memref<!tpu.dma_semaphore, #tpu.memory_space<semaphore_mem>>)
    %add3A_562 = arith.constant 384 : i32
    %add3A_563 = arith.addi %mul3A_0, %add3A_562 : i32
    %dma_wait3A_564 = arith.constant 1 : i32
    %dma_wait3A_565 = arith.constant 0 : i32
    %dma_wait3A_566 = tpu.memref_slice %arg9[%add3A_563, %dma_wait3A_565] : memref<10240x64xf32, #tpu.memory_space<vmem_shared>> -> memref<128x64xf32, #tpu.memory_space<vmem_shared>>
    %dma_wait3A_567 = tpu.memref_slice %arg19[%dma_wait3A_564] : memref<4x!tpu.dma_semaphore, #tpu.memory_space<semaphore_mem>> -> memref<1x!tpu.dma_semaphore, #tpu.memory_space<semaphore_mem>>
    %dma_wait3A_568 = tpu.memref_squeeze %dma_wait3A_567 : memref<1x!tpu.dma_semaphore, #tpu.memory_space<semaphore_mem>> -> memref<!tpu.dma_semaphore, #tpu.memory_space<semaphore_mem>>
    %dma_wait3A_569 = arith.constant 0 : i32
    %dma_wait3A_570 = tpu.memref_slice %arg9[%add3A_563, %dma_wait3A_569] : memref<10240x64xf32, #tpu.memory_space<vmem_shared>> -> memref<128x64xf32, #tpu.memory_space<vmem_shared>>
    tpu.wait_dma2 semaphore(%dma_wait3A_568 : memref<!tpu.dma_semaphore, #tpu.memory_space<semaphore_mem>>) src(%arg14 : memref<128x64xf32, #tpu.memory_space<vmem>>) dst(%dma_wait3A_570 : memref<128x64xf32, #tpu.memory_space<vmem_shared>>)
    %add3A_571 = arith.constant 384 : i32
    %add3A_572 = arith.addi %mul3A_0, %add3A_571 : i32
    %dma_wait3A_573 = arith.constant 1 : i32
    %dma_wait3A_574 = arith.constant 0 : i32
    %dma_wait3A_575 = tpu.memref_slice %arg8[%add3A_572, %dma_wait3A_574] : memref<10240x64xf32, #tpu.memory_space<vmem_shared>> -> memref<128x64xf32, #tpu.memory_space<vmem_shared>>
    %dma_wait3A_576 = tpu.memref_slice %arg19[%dma_wait3A_573] : memref<4x!tpu.dma_semaphore, #tpu.memory_space<semaphore_mem>> -> memref<1x!tpu.dma_semaphore, #tpu.memory_space<semaphore_mem>>
    %dma_wait3A_577 = tpu.memref_squeeze %dma_wait3A_576 : memref<1x!tpu.dma_semaphore, #tpu.memory_space<semaphore_mem>> -> memref<!tpu.dma_semaphore, #tpu.memory_space<semaphore_mem>>
    %dma_wait3A_578 = arith.constant 0 : i32
    %dma_wait3A_579 = tpu.memref_slice %arg8[%add3A_572, %dma_wait3A_578] : memref<10240x64xf32, #tpu.memory_space<vmem_shared>> -> memref<128x64xf32, #tpu.memory_space<vmem_shared>>
    tpu.wait_dma2 semaphore(%dma_wait3A_577 : memref<!tpu.dma_semaphore, #tpu.memory_space<semaphore_mem>>) src(%arg14 : memref<128x64xf32, #tpu.memory_space<vmem>>) dst(%dma_wait3A_579 : memref<128x64xf32, #tpu.memory_space<vmem_shared>>)
    %add3A_580 = arith.constant 512 : i32
    %add3A_581 = arith.addi %mul3A_0, %add3A_580 : i32
    %dma_wait3A_582 = arith.constant 0 : i32
    %dma_wait3A_583 = arith.constant 0 : i32
    %dma_wait3A_584 = tpu.memref_slice %arg9[%add3A_581, %dma_wait3A_583] : memref<10240x64xf32, #tpu.memory_space<vmem_shared>> -> memref<128x64xf32, #tpu.memory_space<vmem_shared>>
    %dma_wait3A_585 = tpu.memref_slice %arg19[%dma_wait3A_582] : memref<4x!tpu.dma_semaphore, #tpu.memory_space<semaphore_mem>> -> memref<1x!tpu.dma_semaphore, #tpu.memory_space<semaphore_mem>>
    %dma_wait3A_586 = tpu.memref_squeeze %dma_wait3A_585 : memref<1x!tpu.dma_semaphore, #tpu.memory_space<semaphore_mem>> -> memref<!tpu.dma_semaphore, #tpu.memory_space<semaphore_mem>>
    %dma_wait3A_587 = arith.constant 0 : i32
    %dma_wait3A_588 = tpu.memref_slice %arg9[%add3A_581, %dma_wait3A_587] : memref<10240x64xf32, #tpu.memory_space<vmem_shared>> -> memref<128x64xf32, #tpu.memory_space<vmem_shared>>
    tpu.wait_dma2 semaphore(%dma_wait3A_586 : memref<!tpu.dma_semaphore, #tpu.memory_space<semaphore_mem>>) src(%arg12 : memref<128x64xf32, #tpu.memory_space<vmem>>) dst(%dma_wait3A_588 : memref<128x64xf32, #tpu.memory_space<vmem_shared>>)
    %add3A_589 = arith.constant 512 : i32
    %add3A_590 = arith.addi %mul3A_0, %add3A_589 : i32
    %dma_wait3A_591 = arith.constant 0 : i32
    %dma_wait3A_592 = arith.constant 0 : i32
    %dma_wait3A_593 = tpu.memref_slice %arg8[%add3A_590, %dma_wait3A_592] : memref<10240x64xf32, #tpu.memory_space<vmem_shared>> -> memref<128x64xf32, #tpu.memory_space<vmem_shared>>
    %dma_wait3A_594 = tpu.memref_slice %arg19[%dma_wait3A_591] : memref<4x!tpu.dma_semaphore, #tpu.memory_space<semaphore_mem>> -> memref<1x!tpu.dma_semaphore, #tpu.memory_space<semaphore_mem>>
    %dma_wait3A_595 = tpu.memref_squeeze %dma_wait3A_594 : memref<1x!tpu.dma_semaphore, #tpu.memory_space<semaphore_mem>> -> memref<!tpu.dma_semaphore, #tpu.memory_space<semaphore_mem>>
    %dma_wait3A_596 = arith.constant 0 : i32
    %dma_wait3A_597 = tpu.memref_slice %arg8[%add3A_590, %dma_wait3A_596] : memref<10240x64xf32, #tpu.memory_space<vmem_shared>> -> memref<128x64xf32, #tpu.memory_space<vmem_shared>>
    tpu.wait_dma2 semaphore(%dma_wait3A_595 : memref<!tpu.dma_semaphore, #tpu.memory_space<semaphore_mem>>) src(%arg12 : memref<128x64xf32, #tpu.memory_space<vmem>>) dst(%dma_wait3A_597 : memref<128x64xf32, #tpu.memory_space<vmem_shared>>)
    %barrier3A_598 = arith.constant 0 : index
    tpu.barrier barrier_id(%barrier3A_598)
    %scan3A_599 = arith.constant 0 : i32
    %scan3A_600 = arith.constant 1 : i32
    %add3A_601 = arith.addi %mul3A_2, %mul3A_0 : i32
    "tpu.region"() ({
      %run_scoped3A = tpu.sem_alloc : memref<!tpu.dma_semaphore, #tpu.memory_space<semaphore_mem>>
      %dma_start3A_602 = arith.constant 0 : i32
      %dma_start3A_603 = tpu.memref_slice %arg7[%add3A_601, %dma_start3A_602] : memref<20480x64xf32, #tpu.memory_space<hbm>> -> memref<640x64xf32, #tpu.memory_space<hbm>>
      %dma_start3A_604 = arith.constant 0 : i32
      %dma_start3A_605 = tpu.memref_slice %arg8[%mul3A_0, %dma_start3A_604] : memref<10240x64xf32, #tpu.memory_space<vmem_shared>> -> memref<640x64xf32, #tpu.memory_space<vmem_shared>>
      tpu.enqueue_dma source(%dma_start3A_605 : memref<640x64xf32, #tpu.memory_space<vmem_shared>>) target(%dma_start3A_603 : memref<640x64xf32, #tpu.memory_space<hbm>>) target_semaphore(%run_scoped3A : memref<!tpu.dma_semaphore, #tpu.memory_space<semaphore_mem>>)
      %dma_wait3A_606 = arith.constant 0 : i32
      %dma_wait3A_607 = tpu.memref_slice %arg7[%add3A_601, %dma_wait3A_606] : memref<20480x64xf32, #tpu.memory_space<hbm>> -> memref<640x64xf32, #tpu.memory_space<hbm>>
      %dma_wait3A_608 = arith.constant 0 : i32
      %dma_wait3A_609 = tpu.memref_slice %arg8[%mul3A_0, %dma_wait3A_608] : memref<10240x64xf32, #tpu.memory_space<vmem_shared>> -> memref<640x64xf32, #tpu.memory_space<vmem_shared>>
      tpu.wait_dma2 semaphore(%run_scoped3A : memref<!tpu.dma_semaphore, #tpu.memory_space<semaphore_mem>>) src(%dma_wait3A_609 : memref<640x64xf32, #tpu.memory_space<vmem_shared>>) dst(%dma_wait3A_607 : memref<640x64xf32, #tpu.memory_space<hbm>>)
      tpu.yield
    }) : () -> ()
    return
  }
}

#map = affine_map<(d0, d1) -> (0, 0)>
#map1 = affine_map<(d0, d1) -> (0, 0, 0)>
module attributes {stable_mosaic.version = 14 : i64} {
  func.func @body(%arg0: i32, %arg1: i32, %arg2: memref<20480x64xf32, #tpu.memory_space<hbm>>, %arg3: memref<20480x64xf32, #tpu.memory_space<hbm>>, %arg4: memref<10240x16xf32, #tpu.memory_space<hbm>>, %arg5: memref<16x160x128xi32, #tpu.memory_space<hbm>>, %arg6: memref<16x160x128xi32, #tpu.memory_space<hbm>>, %arg7: memref<20480x64xf32, #tpu.memory_space<hbm>>, %arg8: memref<10240x64xf32, #tpu.memory_space<vmem_shared>>, %arg9: memref<10240x64xf32, #tpu.memory_space<vmem_shared>>, %arg10: memref<4x128xi32, #tpu.memory_space<vmem>>, %arg11: memref<4x2x128xi32, #tpu.memory_space<vmem>>, %arg12: memref<128x64xf32, #tpu.memory_space<vmem>>, %arg13: memref<128x64xf32, #tpu.memory_space<vmem>>, %arg14: memref<128x64xf32, #tpu.memory_space<vmem>>, %arg15: memref<128x64xf32, #tpu.memory_space<vmem>>, %arg16: memref<640x16xf32, #tpu.memory_space<vmem>>, %arg17: memref<4x!tpu.dma_semaphore, #tpu.memory_space<semaphore_mem>>, %arg18: memref<4x!tpu.dma_semaphore, #tpu.memory_space<semaphore_mem>>, %arg19: memref<4x!tpu.dma_semaphore, #tpu.memory_space<semaphore_mem>>) attributes {dimension_semantics = [#tpu.dimension_semantics<core_parallel>, #tpu.dimension_semantics<subcore_parallel>], iteration_bounds = array<i64: 2, 16>, scalar_prefetch = 0 : i64, scratch_operands = 12 : i64, tpu.core_type = #tpu.core_type<sc_vector_subcore>, window_params = [{transform_indices = #map}, {transform_indices = #map}, {transform_indices = #map}, {transform_indices = #map1}, {transform_indices = #map1}, {transform_indices = #map}]} {
    %mul3A = arith.constant 640 : i32
    %mul3A_0 = arith.muli %arg1, %mul3A : i32
    %mul3A_1 = arith.constant 10240 : i32
    %mul3A_2 = arith.muli %arg0, %mul3A_1 : i32
    %add3A = arith.addi %mul3A_2, %mul3A_0 : i32
    "tpu.region"() ({
      %run_scoped3A = tpu.sem_alloc : memref<!tpu.dma_semaphore, #tpu.memory_space<semaphore_mem>>
      %dma_start3A = arith.constant 0 : i32
      %dma_start3A_11 = tpu.memref_slice %arg8[%mul3A_0, %dma_start3A] : memref<10240x64xf32, #tpu.memory_space<vmem_shared>> -> memref<640x64xf32, #tpu.memory_space<vmem_shared>>
      %dma_start3A_12 = arith.constant 0 : i32
      %dma_start3A_13 = tpu.memref_slice %arg2[%add3A, %dma_start3A_12] : memref<20480x64xf32, #tpu.memory_space<hbm>> -> memref<640x64xf32, #tpu.memory_space<hbm>>
      tpu.enqueue_dma source(%dma_start3A_13 : memref<640x64xf32, #tpu.memory_space<hbm>>) target(%dma_start3A_11 : memref<640x64xf32, #tpu.memory_space<vmem_shared>>) target_semaphore(%run_scoped3A : memref<!tpu.dma_semaphore, #tpu.memory_space<semaphore_mem>>)
      %dma_wait3A = arith.constant 0 : i32
      %dma_wait3A_14 = tpu.memref_slice %arg8[%mul3A_0, %dma_wait3A] : memref<10240x64xf32, #tpu.memory_space<vmem_shared>> -> memref<640x64xf32, #tpu.memory_space<vmem_shared>>
      %dma_wait3A_15 = arith.constant 0 : i32
      %dma_wait3A_16 = tpu.memref_slice %arg2[%add3A, %dma_wait3A_15] : memref<20480x64xf32, #tpu.memory_space<hbm>> -> memref<640x64xf32, #tpu.memory_space<hbm>>
      tpu.wait_dma2 semaphore(%run_scoped3A : memref<!tpu.dma_semaphore, #tpu.memory_space<semaphore_mem>>) src(%dma_wait3A_16 : memref<640x64xf32, #tpu.memory_space<hbm>>) dst(%dma_wait3A_14 : memref<640x64xf32, #tpu.memory_space<vmem_shared>>)
      tpu.yield
    }) : () -> ()
    %add3A_3 = arith.addi %mul3A_2, %mul3A_0 : i32
    "tpu.region"() ({
      %run_scoped3A = tpu.sem_alloc : memref<!tpu.dma_semaphore, #tpu.memory_space<semaphore_mem>>
      %dma_start3A = arith.constant 0 : i32
      %dma_start3A_11 = tpu.memref_slice %arg9[%mul3A_0, %dma_start3A] : memref<10240x64xf32, #tpu.memory_space<vmem_shared>> -> memref<640x64xf32, #tpu.memory_space<vmem_shared>>
      %dma_start3A_12 = arith.constant 0 : i32
      %dma_start3A_13 = tpu.memref_slice %arg2[%add3A_3, %dma_start3A_12] : memref<20480x64xf32, #tpu.memory_space<hbm>> -> memref<640x64xf32, #tpu.memory_space<hbm>>
      tpu.enqueue_dma source(%dma_start3A_13 : memref<640x64xf32, #tpu.memory_space<hbm>>) target(%dma_start3A_11 : memref<640x64xf32, #tpu.memory_space<vmem_shared>>) target_semaphore(%run_scoped3A : memref<!tpu.dma_semaphore, #tpu.memory_space<semaphore_mem>>)
      %dma_wait3A = arith.constant 0 : i32
      %dma_wait3A_14 = tpu.memref_slice %arg9[%mul3A_0, %dma_wait3A] : memref<10240x64xf32, #tpu.memory_space<vmem_shared>> -> memref<640x64xf32, #tpu.memory_space<vmem_shared>>
      %dma_wait3A_15 = arith.constant 0 : i32
      %dma_wait3A_16 = tpu.memref_slice %arg2[%add3A_3, %dma_wait3A_15] : memref<20480x64xf32, #tpu.memory_space<hbm>> -> memref<640x64xf32, #tpu.memory_space<hbm>>
      tpu.wait_dma2 semaphore(%run_scoped3A : memref<!tpu.dma_semaphore, #tpu.memory_space<semaphore_mem>>) src(%dma_wait3A_16 : memref<640x64xf32, #tpu.memory_space<hbm>>) dst(%dma_wait3A_14 : memref<640x64xf32, #tpu.memory_space<vmem_shared>>)
      tpu.yield
    }) : () -> ()
    "tpu.region"() ({
      %run_scoped3A = tpu.sem_alloc : memref<!tpu.dma_semaphore, #tpu.memory_space<semaphore_mem>>
      %dma_start3A = arith.constant 0 : i32
      %dma_start3A_11 = tpu.memref_slice %arg4[%mul3A_0, %dma_start3A] : memref<10240x16xf32, #tpu.memory_space<hbm>> -> memref<640x16xf32, #tpu.memory_space<hbm>>
      %dma_start3A_12 = arith.constant 0 : i32
      %dma_start3A_13 = tpu.memref_slice %arg4[%mul3A_0, %dma_start3A_12] : memref<10240x16xf32, #tpu.memory_space<hbm>> -> memref<640x16xf32, #tpu.memory_space<hbm>>
      tpu.enqueue_dma source(%dma_start3A_13 : memref<640x16xf32, #tpu.memory_space<hbm>>) target(%arg16 : memref<640x16xf32, #tpu.memory_space<vmem>>) target_semaphore(%run_scoped3A : memref<!tpu.dma_semaphore, #tpu.memory_space<semaphore_mem>>)
      %dma_wait3A = arith.constant 0 : i32
      %dma_wait3A_14 = tpu.memref_slice %arg4[%mul3A_0, %dma_wait3A] : memref<10240x16xf32, #tpu.memory_space<hbm>> -> memref<640x16xf32, #tpu.memory_space<hbm>>
      %dma_wait3A_15 = arith.constant 0 : i32
      %dma_wait3A_16 = tpu.memref_slice %arg4[%mul3A_0, %dma_wait3A_15] : memref<10240x16xf32, #tpu.memory_space<hbm>> -> memref<640x16xf32, #tpu.memory_space<hbm>>
      tpu.wait_dma2 semaphore(%run_scoped3A : memref<!tpu.dma_semaphore, #tpu.memory_space<semaphore_mem>>) src(%dma_wait3A_16 : memref<640x16xf32, #tpu.memory_space<hbm>>) dst(%arg16 : memref<640x16xf32, #tpu.memory_space<vmem>>)
      tpu.yield
    }) : () -> ()
    %barrier3A = arith.constant 0 : index
    tpu.barrier barrier_id(%barrier3A)
    %scan3A = arith.constant 0 : i32
    %scan3A_4 = arith.constant 0 : i32
    %scan3A_5 = arith.constant 10 : i32
    %scan3A_6 = arith.addi %scan3A_4, %scan3A_5 : i32
    %scan3A_7 = arith.constant 1 : i32
    %scan3A_8 = scf.for %scan3A_11 = %scan3A_4 to %scan3A_6 step %scan3A_7 iter_args(%scan3A_12 = %scan3A) -> (i32)  : i32 {
      %dma_start3A = arith.constant 0 : i32
      %dma_start3A_13 = arith.constant 0 : i32
      %dma_start3A_14 = arith.constant 0 : i32
      %dma_start3A_15 = arith.constant 0 : i32
      %dma_start3A_16 = tpu.memref_slice %arg10[%dma_start3A_13, %dma_start3A_15] : memref<4x128xi32, #tpu.memory_space<vmem>> -> memref<1x128xi32, #tpu.memory_space<vmem>>
      %dma_start3A_17 = tpu.memref_squeeze %dma_start3A_16 : memref<1x128xi32, #tpu.memory_space<vmem>> -> memref<128xi32, #tpu.memory_space<vmem>>
      %dma_start3A_18 = arith.constant 0 : i32
      %dma_start3A_19 = tpu.memref_slice %arg5[%arg1, %dma_start3A, %dma_start3A_18] : memref<16x160x128xi32, #tpu.memory_space<hbm>> -> memref<1x1x128xi32, #tpu.memory_space<hbm>>
      %dma_start3A_20 = tpu.memref_squeeze %dma_start3A_19 : memref<1x1x128xi32, #tpu.memory_space<hbm>> -> memref<128xi32, #tpu.memory_space<hbm>>
      %dma_start3A_21 = tpu.memref_slice %arg17[%dma_start3A_14] : memref<4x!tpu.dma_semaphore, #tpu.memory_space<semaphore_mem>> -> memref<1x!tpu.dma_semaphore, #tpu.memory_space<semaphore_mem>>
      %dma_start3A_22 = tpu.memref_squeeze %dma_start3A_21 : memref<1x!tpu.dma_semaphore, #tpu.memory_space<semaphore_mem>> -> memref<!tpu.dma_semaphore, #tpu.memory_space<semaphore_mem>>
      %dma_start3A_23 = arith.constant 0 : i32
      %dma_start3A_24 = tpu.memref_slice %arg10[%dma_start3A_13, %dma_start3A_23] : memref<4x128xi32, #tpu.memory_space<vmem>> -> memref<1x128xi32, #tpu.memory_space<vmem>>
      %dma_start3A_25 = tpu.memref_squeeze %dma_start3A_24 : memref<1x128xi32, #tpu.memory_space<vmem>> -> memref<128xi32, #tpu.memory_space<vmem>>
      %dma_start3A_26 = arith.constant 0 : i32
      %dma_start3A_27 = tpu.memref_slice %arg5[%arg1, %dma_start3A, %dma_start3A_26] : memref<16x160x128xi32, #tpu.memory_space<hbm>> -> memref<1x1x128xi32, #tpu.memory_space<hbm>>
      %dma_start3A_28 = tpu.memref_squeeze %dma_start3A_27 : memref<1x1x128xi32, #tpu.memory_space<hbm>> -> memref<128xi32, #tpu.memory_space<hbm>>
      tpu.enqueue_dma source(%dma_start3A_28 : memref<128xi32, #tpu.memory_space<hbm>>) target(%dma_start3A_25 : memref<128xi32, #tpu.memory_space<vmem>>) target_semaphore(%dma_start3A_22 : memref<!tpu.dma_semaphore, #tpu.memory_space<semaphore_mem>>)
      %dma_start3A_29 = arith.constant 0 : i32
      %dma_start3A_30 = arith.constant 0 : i32
      %dma_start3A_31 = arith.constant 0 : i32
      %dma_start3A_32 = arith.constant 0 : i32
      %dma_start3A_33 = arith.constant 0 : i32
      %dma_start3A_34 = tpu.memref_slice %arg11[%dma_start3A_30, %dma_start3A_31, %dma_start3A_33] : memref<4x2x128xi32, #tpu.memory_space<vmem>> -> memref<1x1x128xi32, #tpu.memory_space<vmem>>
      %dma_start3A_35 = tpu.memref_squeeze %dma_start3A_34 : memref<1x1x128xi32, #tpu.memory_space<vmem>> -> memref<128xi32, #tpu.memory_space<vmem>>
      %dma_start3A_36 = arith.constant 0 : i32
      %dma_start3A_37 = tpu.memref_slice %arg6[%arg1, %dma_start3A_29, %dma_start3A_36] : memref<16x160x128xi32, #tpu.memory_space<hbm>> -> memref<1x1x128xi32, #tpu.memory_space<hbm>>
      %dma_start3A_38 = tpu.memref_squeeze %dma_start3A_37 : memref<1x1x128xi32, #tpu.memory_space<hbm>> -> memref<128xi32, #tpu.memory_space<hbm>>
      %dma_start3A_39 = tpu.memref_slice %arg17[%dma_start3A_32] : memref<4x!tpu.dma_semaphore, #tpu.memory_space<semaphore_mem>> -> memref<1x!tpu.dma_semaphore, #tpu.memory_space<semaphore_mem>>
      %dma_start3A_40 = tpu.memref_squeeze %dma_start3A_39 : memref<1x!tpu.dma_semaphore, #tpu.memory_space<semaphore_mem>> -> memref<!tpu.dma_semaphore, #tpu.memory_space<semaphore_mem>>
      %dma_start3A_41 = arith.constant 0 : i32
      %dma_start3A_42 = tpu.memref_slice %arg11[%dma_start3A_30, %dma_start3A_31, %dma_start3A_41] : memref<4x2x128xi32, #tpu.memory_space<vmem>> -> memref<1x1x128xi32, #tpu.memory_space<vmem>>
      %dma_start3A_43 = tpu.memref_squeeze %dma_start3A_42 : memref<1x1x128xi32, #tpu.memory_space<vmem>> -> memref<128xi32, #tpu.memory_space<vmem>>
      %dma_start3A_44 = arith.constant 0 : i32
      %dma_start3A_45 = tpu.memref_slice %arg6[%arg1, %dma_start3A_29, %dma_start3A_44] : memref<16x160x128xi32, #tpu.memory_space<hbm>> -> memref<1x1x128xi32, #tpu.memory_space<hbm>>
      %dma_start3A_46 = tpu.memref_squeeze %dma_start3A_45 : memref<1x1x128xi32, #tpu.memory_space<hbm>> -> memref<128xi32, #tpu.memory_space<hbm>>
      tpu.enqueue_dma source(%dma_start3A_46 : memref<128xi32, #tpu.memory_space<hbm>>) target(%dma_start3A_43 : memref<128xi32, #tpu.memory_space<vmem>>) target_semaphore(%dma_start3A_40 : memref<!tpu.dma_semaphore, #tpu.memory_space<semaphore_mem>>)
      %dma_start3A_47 = arith.constant 1 : i32
      %dma_start3A_48 = arith.constant 1 : i32
      %dma_start3A_49 = arith.constant 1 : i32
      %dma_start3A_50 = arith.constant 0 : i32
      %dma_start3A_51 = tpu.memref_slice %arg10[%dma_start3A_48, %dma_start3A_50] : memref<4x128xi32, #tpu.memory_space<vmem>> -> memref<1x128xi32, #tpu.memory_space<vmem>>
      %dma_start3A_52 = tpu.memref_squeeze %dma_start3A_51 : memref<1x128xi32, #tpu.memory_space<vmem>> -> memref<128xi32, #tpu.memory_space<vmem>>
      %dma_start3A_53 = arith.constant 0 : i32
      %dma_start3A_54 = tpu.memref_slice %arg5[%arg1, %dma_start3A_47, %dma_start3A_53] : memref<16x160x128xi32, #tpu.memory_space<hbm>> -> memref<1x1x128xi32, #tpu.memory_space<hbm>>
      %dma_start3A_55 = tpu.memref_squeeze %dma_start3A_54 : memref<1x1x128xi32, #tpu.memory_space<hbm>> -> memref<128xi32, #tpu.memory_space<hbm>>
      %dma_start3A_56 = tpu.memref_slice %arg17[%dma_start3A_49] : memref<4x!tpu.dma_semaphore, #tpu.memory_space<semaphore_mem>> -> memref<1x!tpu.dma_semaphore, #tpu.memory_space<semaphore_mem>>
      %dma_start3A_57 = tpu.memref_squeeze %dma_start3A_56 : memref<1x!tpu.dma_semaphore, #tpu.memory_space<semaphore_mem>> -> memref<!tpu.dma_semaphore, #tpu.memory_space<semaphore_mem>>
      %dma_start3A_58 = arith.constant 0 : i32
      %dma_start3A_59 = tpu.memref_slice %arg10[%dma_start3A_48, %dma_start3A_58] : memref<4x128xi32, #tpu.memory_space<vmem>> -> memref<1x128xi32, #tpu.memory_space<vmem>>
      %dma_start3A_60 = tpu.memref_squeeze %dma_start3A_59 : memref<1x128xi32, #tpu.memory_space<vmem>> -> memref<128xi32, #tpu.memory_space<vmem>>
      %dma_start3A_61 = arith.constant 0 : i32
      %dma_start3A_62 = tpu.memref_slice %arg5[%arg1, %dma_start3A_47, %dma_start3A_61] : memref<16x160x128xi32, #tpu.memory_space<hbm>> -> memref<1x1x128xi32, #tpu.memory_space<hbm>>
      %dma_start3A_63 = tpu.memref_squeeze %dma_start3A_62 : memref<1x1x128xi32, #tpu.memory_space<hbm>> -> memref<128xi32, #tpu.memory_space<hbm>>
      tpu.enqueue_dma source(%dma_start3A_63 : memref<128xi32, #tpu.memory_space<hbm>>) target(%dma_start3A_60 : memref<128xi32, #tpu.memory_space<vmem>>) target_semaphore(%dma_start3A_57 : memref<!tpu.dma_semaphore, #tpu.memory_space<semaphore_mem>>)
      %dma_start3A_64 = arith.constant 1 : i32
      %dma_start3A_65 = arith.constant 1 : i32
      %dma_start3A_66 = arith.constant 0 : i32
      %dma_start3A_67 = arith.constant 1 : i32
      %dma_start3A_68 = arith.constant 0 : i32
      %dma_start3A_69 = tpu.memref_slice %arg11[%dma_start3A_65, %dma_start3A_66, %dma_start3A_68] : memref<4x2x128xi32, #tpu.memory_space<vmem>> -> memref<1x1x128xi32, #tpu.memory_space<vmem>>
      %dma_start3A_70 = tpu.memref_squeeze %dma_start3A_69 : memref<1x1x128xi32, #tpu.memory_space<vmem>> -> memref<128xi32, #tpu.memory_space<vmem>>
      %dma_start3A_71 = arith.constant 0 : i32
      %dma_start3A_72 = tpu.memref_slice %arg6[%arg1, %dma_start3A_64, %dma_start3A_71] : memref<16x160x128xi32, #tpu.memory_space<hbm>> -> memref<1x1x128xi32, #tpu.memory_space<hbm>>
      %dma_start3A_73 = tpu.memref_squeeze %dma_start3A_72 : memref<1x1x128xi32, #tpu.memory_space<hbm>> -> memref<128xi32, #tpu.memory_space<hbm>>
      %dma_start3A_74 = tpu.memref_slice %arg17[%dma_start3A_67] : memref<4x!tpu.dma_semaphore, #tpu.memory_space<semaphore_mem>> -> memref<1x!tpu.dma_semaphore, #tpu.memory_space<semaphore_mem>>
      %dma_start3A_75 = tpu.memref_squeeze %dma_start3A_74 : memref<1x!tpu.dma_semaphore, #tpu.memory_space<semaphore_mem>> -> memref<!tpu.dma_semaphore, #tpu.memory_space<semaphore_mem>>
      %dma_start3A_76 = arith.constant 0 : i32
      %dma_start3A_77 = tpu.memref_slice %arg11[%dma_start3A_65, %dma_start3A_66, %dma_start3A_76] : memref<4x2x128xi32, #tpu.memory_space<vmem>> -> memref<1x1x128xi32, #tpu.memory_space<vmem>>
      %dma_start3A_78 = tpu.memref_squeeze %dma_start3A_77 : memref<1x1x128xi32, #tpu.memory_space<vmem>> -> memref<128xi32, #tpu.memory_space<vmem>>
      %dma_start3A_79 = arith.constant 0 : i32
      %dma_start3A_80 = tpu.memref_slice %arg6[%arg1, %dma_start3A_64, %dma_start3A_79] : memref<16x160x128xi32, #tpu.memory_space<hbm>> -> memref<1x1x128xi32, #tpu.memory_space<hbm>>
      %dma_start3A_81 = tpu.memref_squeeze %dma_start3A_80 : memref<1x1x128xi32, #tpu.memory_space<hbm>> -> memref<128xi32, #tpu.memory_space<hbm>>
      tpu.enqueue_dma source(%dma_start3A_81 : memref<128xi32, #tpu.memory_space<hbm>>) target(%dma_start3A_78 : memref<128xi32, #tpu.memory_space<vmem>>) target_semaphore(%dma_start3A_75 : memref<!tpu.dma_semaphore, #tpu.memory_space<semaphore_mem>>)
      %dma_start3A_82 = arith.constant 2 : i32
      %dma_start3A_83 = arith.constant 2 : i32
      %dma_start3A_84 = arith.constant 2 : i32
      %dma_start3A_85 = arith.constant 0 : i32
      %dma_start3A_86 = tpu.memref_slice %arg10[%dma_start3A_83, %dma_start3A_85] : memref<4x128xi32, #tpu.memory_space<vmem>> -> memref<1x128xi32, #tpu.memory_space<vmem>>
      %dma_start3A_87 = tpu.memref_squeeze %dma_start3A_86 : memref<1x128xi32, #tpu.memory_space<vmem>> -> memref<128xi32, #tpu.memory_space<vmem>>
      %dma_start3A_88 = arith.constant 0 : i32
      %dma_start3A_89 = tpu.memref_slice %arg5[%arg1, %dma_start3A_82, %dma_start3A_88] : memref<16x160x128xi32, #tpu.memory_space<hbm>> -> memref<1x1x128xi32, #tpu.memory_space<hbm>>
      %dma_start3A_90 = tpu.memref_squeeze %dma_start3A_89 : memref<1x1x128xi32, #tpu.memory_space<hbm>> -> memref<128xi32, #tpu.memory_space<hbm>>
      %dma_start3A_91 = tpu.memref_slice %arg17[%dma_start3A_84] : memref<4x!tpu.dma_semaphore, #tpu.memory_space<semaphore_mem>> -> memref<1x!tpu.dma_semaphore, #tpu.memory_space<semaphore_mem>>
      %dma_start3A_92 = tpu.memref_squeeze %dma_start3A_91 : memref<1x!tpu.dma_semaphore, #tpu.memory_space<semaphore_mem>> -> memref<!tpu.dma_semaphore, #tpu.memory_space<semaphore_mem>>
      %dma_start3A_93 = arith.constant 0 : i32
      %dma_start3A_94 = tpu.memref_slice %arg10[%dma_start3A_83, %dma_start3A_93] : memref<4x128xi32, #tpu.memory_space<vmem>> -> memref<1x128xi32, #tpu.memory_space<vmem>>
      %dma_start3A_95 = tpu.memref_squeeze %dma_start3A_94 : memref<1x128xi32, #tpu.memory_space<vmem>> -> memref<128xi32, #tpu.memory_space<vmem>>
      %dma_start3A_96 = arith.constant 0 : i32
      %dma_start3A_97 = tpu.memref_slice %arg5[%arg1, %dma_start3A_82, %dma_start3A_96] : memref<16x160x128xi32, #tpu.memory_space<hbm>> -> memref<1x1x128xi32, #tpu.memory_space<hbm>>
      %dma_start3A_98 = tpu.memref_squeeze %dma_start3A_97 : memref<1x1x128xi32, #tpu.memory_space<hbm>> -> memref<128xi32, #tpu.memory_space<hbm>>
      tpu.enqueue_dma source(%dma_start3A_98 : memref<128xi32, #tpu.memory_space<hbm>>) target(%dma_start3A_95 : memref<128xi32, #tpu.memory_space<vmem>>) target_semaphore(%dma_start3A_92 : memref<!tpu.dma_semaphore, #tpu.memory_space<semaphore_mem>>)
      %dma_start3A_99 = arith.constant 2 : i32
      %dma_start3A_100 = arith.constant 2 : i32
      %dma_start3A_101 = arith.constant 0 : i32
      %dma_start3A_102 = arith.constant 2 : i32
      %dma_start3A_103 = arith.constant 0 : i32
      %dma_start3A_104 = tpu.memref_slice %arg11[%dma_start3A_100, %dma_start3A_101, %dma_start3A_103] : memref<4x2x128xi32, #tpu.memory_space<vmem>> -> memref<1x1x128xi32, #tpu.memory_space<vmem>>
      %dma_start3A_105 = tpu.memref_squeeze %dma_start3A_104 : memref<1x1x128xi32, #tpu.memory_space<vmem>> -> memref<128xi32, #tpu.memory_space<vmem>>
      %dma_start3A_106 = arith.constant 0 : i32
      %dma_start3A_107 = tpu.memref_slice %arg6[%arg1, %dma_start3A_99, %dma_start3A_106] : memref<16x160x128xi32, #tpu.memory_space<hbm>> -> memref<1x1x128xi32, #tpu.memory_space<hbm>>
      %dma_start3A_108 = tpu.memref_squeeze %dma_start3A_107 : memref<1x1x128xi32, #tpu.memory_space<hbm>> -> memref<128xi32, #tpu.memory_space<hbm>>
      %dma_start3A_109 = tpu.memref_slice %arg17[%dma_start3A_102] : memref<4x!tpu.dma_semaphore, #tpu.memory_space<semaphore_mem>> -> memref<1x!tpu.dma_semaphore, #tpu.memory_space<semaphore_mem>>
      %dma_start3A_110 = tpu.memref_squeeze %dma_start3A_109 : memref<1x!tpu.dma_semaphore, #tpu.memory_space<semaphore_mem>> -> memref<!tpu.dma_semaphore, #tpu.memory_space<semaphore_mem>>
      %dma_start3A_111 = arith.constant 0 : i32
      %dma_start3A_112 = tpu.memref_slice %arg11[%dma_start3A_100, %dma_start3A_101, %dma_start3A_111] : memref<4x2x128xi32, #tpu.memory_space<vmem>> -> memref<1x1x128xi32, #tpu.memory_space<vmem>>
      %dma_start3A_113 = tpu.memref_squeeze %dma_start3A_112 : memref<1x1x128xi32, #tpu.memory_space<vmem>> -> memref<128xi32, #tpu.memory_space<vmem>>
      %dma_start3A_114 = arith.constant 0 : i32
      %dma_start3A_115 = tpu.memref_slice %arg6[%arg1, %dma_start3A_99, %dma_start3A_114] : memref<16x160x128xi32, #tpu.memory_space<hbm>> -> memref<1x1x128xi32, #tpu.memory_space<hbm>>
      %dma_start3A_116 = tpu.memref_squeeze %dma_start3A_115 : memref<1x1x128xi32, #tpu.memory_space<hbm>> -> memref<128xi32, #tpu.memory_space<hbm>>
      tpu.enqueue_dma source(%dma_start3A_116 : memref<128xi32, #tpu.memory_space<hbm>>) target(%dma_start3A_113 : memref<128xi32, #tpu.memory_space<vmem>>) target_semaphore(%dma_start3A_110 : memref<!tpu.dma_semaphore, #tpu.memory_space<semaphore_mem>>)
      %dma_start3A_117 = arith.constant 3 : i32
      %dma_start3A_118 = arith.constant 3 : i32
      %dma_start3A_119 = arith.constant 3 : i32
      %dma_start3A_120 = arith.constant 0 : i32
      %dma_start3A_121 = tpu.memref_slice %arg10[%dma_start3A_118, %dma_start3A_120] : memref<4x128xi32, #tpu.memory_space<vmem>> -> memref<1x128xi32, #tpu.memory_space<vmem>>
      %dma_start3A_122 = tpu.memref_squeeze %dma_start3A_121 : memref<1x128xi32, #tpu.memory_space<vmem>> -> memref<128xi32, #tpu.memory_space<vmem>>
      %dma_start3A_123 = arith.constant 0 : i32
      %dma_start3A_124 = tpu.memref_slice %arg5[%arg1, %dma_start3A_117, %dma_start3A_123] : memref<16x160x128xi32, #tpu.memory_space<hbm>> -> memref<1x1x128xi32, #tpu.memory_space<hbm>>
      %dma_start3A_125 = tpu.memref_squeeze %dma_start3A_124 : memref<1x1x128xi32, #tpu.memory_space<hbm>> -> memref<128xi32, #tpu.memory_space<hbm>>
      %dma_start3A_126 = tpu.memref_slice %arg17[%dma_start3A_119] : memref<4x!tpu.dma_semaphore, #tpu.memory_space<semaphore_mem>> -> memref<1x!tpu.dma_semaphore, #tpu.memory_space<semaphore_mem>>
      %dma_start3A_127 = tpu.memref_squeeze %dma_start3A_126 : memref<1x!tpu.dma_semaphore, #tpu.memory_space<semaphore_mem>> -> memref<!tpu.dma_semaphore, #tpu.memory_space<semaphore_mem>>
      %dma_start3A_128 = arith.constant 0 : i32
      %dma_start3A_129 = tpu.memref_slice %arg10[%dma_start3A_118, %dma_start3A_128] : memref<4x128xi32, #tpu.memory_space<vmem>> -> memref<1x128xi32, #tpu.memory_space<vmem>>
      %dma_start3A_130 = tpu.memref_squeeze %dma_start3A_129 : memref<1x128xi32, #tpu.memory_space<vmem>> -> memref<128xi32, #tpu.memory_space<vmem>>
      %dma_start3A_131 = arith.constant 0 : i32
      %dma_start3A_132 = tpu.memref_slice %arg5[%arg1, %dma_start3A_117, %dma_start3A_131] : memref<16x160x128xi32, #tpu.memory_space<hbm>> -> memref<1x1x128xi32, #tpu.memory_space<hbm>>
      %dma_start3A_133 = tpu.memref_squeeze %dma_start3A_132 : memref<1x1x128xi32, #tpu.memory_space<hbm>> -> memref<128xi32, #tpu.memory_space<hbm>>
      tpu.enqueue_dma source(%dma_start3A_133 : memref<128xi32, #tpu.memory_space<hbm>>) target(%dma_start3A_130 : memref<128xi32, #tpu.memory_space<vmem>>) target_semaphore(%dma_start3A_127 : memref<!tpu.dma_semaphore, #tpu.memory_space<semaphore_mem>>)
      %dma_start3A_134 = arith.constant 3 : i32
      %dma_start3A_135 = arith.constant 3 : i32
      %dma_start3A_136 = arith.constant 0 : i32
      %dma_start3A_137 = arith.constant 3 : i32
      %dma_start3A_138 = arith.constant 0 : i32
      %dma_start3A_139 = tpu.memref_slice %arg11[%dma_start3A_135, %dma_start3A_136, %dma_start3A_138] : memref<4x2x128xi32, #tpu.memory_space<vmem>> -> memref<1x1x128xi32, #tpu.memory_space<vmem>>
      %dma_start3A_140 = tpu.memref_squeeze %dma_start3A_139 : memref<1x1x128xi32, #tpu.memory_space<vmem>> -> memref<128xi32, #tpu.memory_space<vmem>>
      %dma_start3A_141 = arith.constant 0 : i32
      %dma_start3A_142 = tpu.memref_slice %arg6[%arg1, %dma_start3A_134, %dma_start3A_141] : memref<16x160x128xi32, #tpu.memory_space<hbm>> -> memref<1x1x128xi32, #tpu.memory_space<hbm>>
      %dma_start3A_143 = tpu.memref_squeeze %dma_start3A_142 : memref<1x1x128xi32, #tpu.memory_space<hbm>> -> memref<128xi32, #tpu.memory_space<hbm>>
      %dma_start3A_144 = tpu.memref_slice %arg17[%dma_start3A_137] : memref<4x!tpu.dma_semaphore, #tpu.memory_space<semaphore_mem>> -> memref<1x!tpu.dma_semaphore, #tpu.memory_space<semaphore_mem>>
      %dma_start3A_145 = tpu.memref_squeeze %dma_start3A_144 : memref<1x!tpu.dma_semaphore, #tpu.memory_space<semaphore_mem>> -> memref<!tpu.dma_semaphore, #tpu.memory_space<semaphore_mem>>
      %dma_start3A_146 = arith.constant 0 : i32
      %dma_start3A_147 = tpu.memref_slice %arg11[%dma_start3A_135, %dma_start3A_136, %dma_start3A_146] : memref<4x2x128xi32, #tpu.memory_space<vmem>> -> memref<1x1x128xi32, #tpu.memory_space<vmem>>
      %dma_start3A_148 = tpu.memref_squeeze %dma_start3A_147 : memref<1x1x128xi32, #tpu.memory_space<vmem>> -> memref<128xi32, #tpu.memory_space<vmem>>
      %dma_start3A_149 = arith.constant 0 : i32
      %dma_start3A_150 = tpu.memref_slice %arg6[%arg1, %dma_start3A_134, %dma_start3A_149] : memref<16x160x128xi32, #tpu.memory_space<hbm>> -> memref<1x1x128xi32, #tpu.memory_space<hbm>>
      %dma_start3A_151 = tpu.memref_squeeze %dma_start3A_150 : memref<1x1x128xi32, #tpu.memory_space<hbm>> -> memref<128xi32, #tpu.memory_space<hbm>>
      tpu.enqueue_dma source(%dma_start3A_151 : memref<128xi32, #tpu.memory_space<hbm>>) target(%dma_start3A_148 : memref<128xi32, #tpu.memory_space<vmem>>) target_semaphore(%dma_start3A_145 : memref<!tpu.dma_semaphore, #tpu.memory_space<semaphore_mem>>)
      %scan3A_152 = arith.constant 0 : i32
      %scan3A_153 = arith.constant 0 : i32
      %scan3A_154 = arith.constant 40 : i32
      %scan3A_155 = arith.addi %scan3A_153, %scan3A_154 : i32
      %scan3A_156 = arith.constant 1 : i32
      %scan3A_157 = scf.for %scan3A_608 = %scan3A_153 to %scan3A_155 step %scan3A_156 iter_args(%scan3A_609 = %scan3A_152) -> (i32)  : i32 {
        %rem3A_610 = arith.constant 2 : i32
        %rem3A_611 = arith.remsi %scan3A_608, %rem3A_610 : i32
        %gt3A = arith.constant 0 : i32
        %gt3A_612 = arith.cmpi sgt, %scan3A_608, %gt3A : i32
        %convert_element_type3A = arith.extui %gt3A_612 : i1 to i32
        %cond3A = arith.constant 0 : i32
        %cond3A_613 = arith.cmpi ne, %convert_element_type3A, %cond3A : i32
        scf.if %cond3A_613 {
          %sub3A = arith.constant 1 : i32
          %sub3A_929 = arith.subi %sub3A, %rem3A_611 : i32
          %dma_wait3A_930 = arith.constant 0 : i32
          %dma_wait3A_931 = arith.constant 0 : i32
          %dma_wait3A_932 = arith.constant 0 : i32
          %dma_wait3A_933 = tpu.memref_slice %arg11[%dma_wait3A_930, %sub3A_929, %dma_wait3A_932] : memref<4x2x128xi32, #tpu.memory_space<vmem>> -> memref<1x1x128xi32, #tpu.memory_space<vmem>>
          %dma_wait3A_934 = tpu.memref_squeeze %dma_wait3A_933 : memref<1x1x128xi32, #tpu.memory_space<vmem>> -> memref<128xi32, #tpu.memory_space<vmem>>
          %dma_wait3A_935 = arith.constant 0 : i32
          %dma_wait3A_936 = arith.constant 0 : i32
          %dma_wait3A_937 = tpu.memref_slice %arg9[%dma_wait3A_935, %dma_wait3A_936] : memref<10240x64xf32, #tpu.memory_space<vmem_shared>> -> memref<10240x64xf32, #tpu.memory_space<vmem_shared>>
          %dma_wait3A_938 = tpu.memref_slice %arg19[%dma_wait3A_931] : memref<4x!tpu.dma_semaphore, #tpu.memory_space<semaphore_mem>> -> memref<1x!tpu.dma_semaphore, #tpu.memory_space<semaphore_mem>>
          %dma_wait3A_939 = tpu.memref_squeeze %dma_wait3A_938 : memref<1x!tpu.dma_semaphore, #tpu.memory_space<semaphore_mem>> -> memref<!tpu.dma_semaphore, #tpu.memory_space<semaphore_mem>>
          tpu.wait_indirect_dma semaphore(%dma_wait3A_939 : memref<!tpu.dma_semaphore, #tpu.memory_space<semaphore_mem>>) src(%arg12 : memref<128x64xf32, #tpu.memory_space<vmem>>) dst(%dma_wait3A_937 : memref<10240x64xf32, #tpu.memory_space<vmem_shared>>)
        } else {
        }
        %mul3A_614 = arith.constant 4 : i32
        %mul3A_615 = arith.muli %scan3A_608, %mul3A_614 : i32
        %add3A_616 = arith.constant 0 : i32
        %add3A_617 = arith.addi %mul3A_615, %add3A_616 : i32
        %dma_wait3A_618 = arith.constant 0 : i32
        %dma_wait3A_619 = arith.constant 0 : i32
        %dma_wait3A_620 = arith.constant 0 : i32
        %dma_wait3A_621 = tpu.memref_slice %arg10[%dma_wait3A_618, %dma_wait3A_620] : memref<4x128xi32, #tpu.memory_space<vmem>> -> memref<1x128xi32, #tpu.memory_space<vmem>>
        %dma_wait3A_622 = tpu.memref_squeeze %dma_wait3A_621 : memref<1x128xi32, #tpu.memory_space<vmem>> -> memref<128xi32, #tpu.memory_space<vmem>>
        %dma_wait3A_623 = arith.constant 0 : i32
        %dma_wait3A_624 = tpu.memref_slice %arg5[%arg1, %add3A_617, %dma_wait3A_623] : memref<16x160x128xi32, #tpu.memory_space<hbm>> -> memref<1x1x128xi32, #tpu.memory_space<hbm>>
        %dma_wait3A_625 = tpu.memref_squeeze %dma_wait3A_624 : memref<1x1x128xi32, #tpu.memory_space<hbm>> -> memref<128xi32, #tpu.memory_space<hbm>>
        %dma_wait3A_626 = tpu.memref_slice %arg17[%dma_wait3A_619] : memref<4x!tpu.dma_semaphore, #tpu.memory_space<semaphore_mem>> -> memref<1x!tpu.dma_semaphore, #tpu.memory_space<semaphore_mem>>
        %dma_wait3A_627 = tpu.memref_squeeze %dma_wait3A_626 : memref<1x!tpu.dma_semaphore, #tpu.memory_space<semaphore_mem>> -> memref<!tpu.dma_semaphore, #tpu.memory_space<semaphore_mem>>
        %dma_wait3A_628 = arith.constant 0 : i32
        %dma_wait3A_629 = tpu.memref_slice %arg10[%dma_wait3A_618, %dma_wait3A_628] : memref<4x128xi32, #tpu.memory_space<vmem>> -> memref<1x128xi32, #tpu.memory_space<vmem>>
        %dma_wait3A_630 = tpu.memref_squeeze %dma_wait3A_629 : memref<1x128xi32, #tpu.memory_space<vmem>> -> memref<128xi32, #tpu.memory_space<vmem>>
        %dma_wait3A_631 = arith.constant 0 : i32
        %dma_wait3A_632 = tpu.memref_slice %arg5[%arg1, %add3A_617, %dma_wait3A_631] : memref<16x160x128xi32, #tpu.memory_space<hbm>> -> memref<1x1x128xi32, #tpu.memory_space<hbm>>
        %dma_wait3A_633 = tpu.memref_squeeze %dma_wait3A_632 : memref<1x1x128xi32, #tpu.memory_space<hbm>> -> memref<128xi32, #tpu.memory_space<hbm>>
        tpu.wait_dma2 semaphore(%dma_wait3A_627 : memref<!tpu.dma_semaphore, #tpu.memory_space<semaphore_mem>>) src(%dma_wait3A_633 : memref<128xi32, #tpu.memory_space<hbm>>) dst(%dma_wait3A_630 : memref<128xi32, #tpu.memory_space<vmem>>)
        %dma_wait3A_634 = arith.constant 0 : i32
        %dma_wait3A_635 = arith.constant 0 : i32
        %dma_wait3A_636 = arith.constant 0 : i32
        %dma_wait3A_637 = tpu.memref_slice %arg11[%dma_wait3A_634, %rem3A_611, %dma_wait3A_636] : memref<4x2x128xi32, #tpu.memory_space<vmem>> -> memref<1x1x128xi32, #tpu.memory_space<vmem>>
        %dma_wait3A_638 = tpu.memref_squeeze %dma_wait3A_637 : memref<1x1x128xi32, #tpu.memory_space<vmem>> -> memref<128xi32, #tpu.memory_space<vmem>>
        %dma_wait3A_639 = arith.constant 0 : i32
        %dma_wait3A_640 = tpu.memref_slice %arg6[%arg1, %add3A_617, %dma_wait3A_639] : memref<16x160x128xi32, #tpu.memory_space<hbm>> -> memref<1x1x128xi32, #tpu.memory_space<hbm>>
        %dma_wait3A_641 = tpu.memref_squeeze %dma_wait3A_640 : memref<1x1x128xi32, #tpu.memory_space<hbm>> -> memref<128xi32, #tpu.memory_space<hbm>>
        %dma_wait3A_642 = tpu.memref_slice %arg17[%dma_wait3A_635] : memref<4x!tpu.dma_semaphore, #tpu.memory_space<semaphore_mem>> -> memref<1x!tpu.dma_semaphore, #tpu.memory_space<semaphore_mem>>
        %dma_wait3A_643 = tpu.memref_squeeze %dma_wait3A_642 : memref<1x!tpu.dma_semaphore, #tpu.memory_space<semaphore_mem>> -> memref<!tpu.dma_semaphore, #tpu.memory_space<semaphore_mem>>
        %dma_wait3A_644 = arith.constant 0 : i32
        %dma_wait3A_645 = tpu.memref_slice %arg11[%dma_wait3A_634, %rem3A_611, %dma_wait3A_644] : memref<4x2x128xi32, #tpu.memory_space<vmem>> -> memref<1x1x128xi32, #tpu.memory_space<vmem>>
        %dma_wait3A_646 = tpu.memref_squeeze %dma_wait3A_645 : memref<1x1x128xi32, #tpu.memory_space<vmem>> -> memref<128xi32, #tpu.memory_space<vmem>>
        %dma_wait3A_647 = arith.constant 0 : i32
        %dma_wait3A_648 = tpu.memref_slice %arg6[%arg1, %add3A_617, %dma_wait3A_647] : memref<16x160x128xi32, #tpu.memory_space<hbm>> -> memref<1x1x128xi32, #tpu.memory_space<hbm>>
        %dma_wait3A_649 = tpu.memref_squeeze %dma_wait3A_648 : memref<1x1x128xi32, #tpu.memory_space<hbm>> -> memref<128xi32, #tpu.memory_space<hbm>>
        tpu.wait_dma2 semaphore(%dma_wait3A_643 : memref<!tpu.dma_semaphore, #tpu.memory_space<semaphore_mem>>) src(%dma_wait3A_649 : memref<128xi32, #tpu.memory_space<hbm>>) dst(%dma_wait3A_646 : memref<128xi32, #tpu.memory_space<vmem>>)
        %dma_start3A_650 = arith.constant 0 : i32
        %dma_start3A_651 = arith.constant 0 : i32
        %dma_start3A_652 = arith.constant 0 : i32
        %dma_start3A_653 = tpu.memref_slice %arg10[%dma_start3A_650, %dma_start3A_652] : memref<4x128xi32, #tpu.memory_space<vmem>> -> memref<1x128xi32, #tpu.memory_space<vmem>>
        %dma_start3A_654 = tpu.memref_squeeze %dma_start3A_653 : memref<1x128xi32, #tpu.memory_space<vmem>> -> memref<128xi32, #tpu.memory_space<vmem>>
        %dma_start3A_655 = arith.constant 0 : i32
        %dma_start3A_656 = arith.constant 0 : i32
        %dma_start3A_657 = tpu.memref_slice %arg8[%dma_start3A_655, %dma_start3A_656] : memref<10240x64xf32, #tpu.memory_space<vmem_shared>> -> memref<10240x64xf32, #tpu.memory_space<vmem_shared>>
        %dma_start3A_658 = tpu.memref_slice %arg18[%dma_start3A_651] : memref<4x!tpu.dma_semaphore, #tpu.memory_space<semaphore_mem>> -> memref<1x!tpu.dma_semaphore, #tpu.memory_space<semaphore_mem>>
        %dma_start3A_659 = tpu.memref_squeeze %dma_start3A_658 : memref<1x!tpu.dma_semaphore, #tpu.memory_space<semaphore_mem>> -> memref<!tpu.dma_semaphore, #tpu.memory_space<semaphore_mem>>
        tpu.enqueue_indirect_dma source(%dma_start3A_657 : memref<10240x64xf32, #tpu.memory_space<vmem_shared>>) target(%arg12 : memref<128x64xf32, #tpu.memory_space<vmem>>) offsets(%dma_start3A_654 : memref<128xi32, #tpu.memory_space<vmem>>) semaphore(%dma_start3A_659 : memref<!tpu.dma_semaphore, #tpu.memory_space<semaphore_mem>>)
        %gt3A_660 = arith.constant 0 : i32
        %gt3A_661 = arith.cmpi sgt, %scan3A_608, %gt3A_660 : i32
        %convert_element_type3A_662 = arith.extui %gt3A_661 : i1 to i32
        %cond3A_663 = arith.constant 0 : i32
        %cond3A_664 = arith.cmpi ne, %convert_element_type3A_662, %cond3A_663 : i32
        scf.if %cond3A_664 {
          %sub3A = arith.constant 1 : i32
          %sub3A_929 = arith.subi %sub3A, %rem3A_611 : i32
          %dma_wait3A_930 = arith.constant 1 : i32
          %dma_wait3A_931 = arith.constant 1 : i32
          %dma_wait3A_932 = arith.constant 0 : i32
          %dma_wait3A_933 = tpu.memref_slice %arg11[%dma_wait3A_930, %sub3A_929, %dma_wait3A_932] : memref<4x2x128xi32, #tpu.memory_space<vmem>> -> memref<1x1x128xi32, #tpu.memory_space<vmem>>
          %dma_wait3A_934 = tpu.memref_squeeze %dma_wait3A_933 : memref<1x1x128xi32, #tpu.memory_space<vmem>> -> memref<128xi32, #tpu.memory_space<vmem>>
          %dma_wait3A_935 = arith.constant 0 : i32
          %dma_wait3A_936 = arith.constant 0 : i32
          %dma_wait3A_937 = tpu.memref_slice %arg9[%dma_wait3A_935, %dma_wait3A_936] : memref<10240x64xf32, #tpu.memory_space<vmem_shared>> -> memref<10240x64xf32, #tpu.memory_space<vmem_shared>>
          %dma_wait3A_938 = tpu.memref_slice %arg19[%dma_wait3A_931] : memref<4x!tpu.dma_semaphore, #tpu.memory_space<semaphore_mem>> -> memref<1x!tpu.dma_semaphore, #tpu.memory_space<semaphore_mem>>
          %dma_wait3A_939 = tpu.memref_squeeze %dma_wait3A_938 : memref<1x!tpu.dma_semaphore, #tpu.memory_space<semaphore_mem>> -> memref<!tpu.dma_semaphore, #tpu.memory_space<semaphore_mem>>
          tpu.wait_indirect_dma semaphore(%dma_wait3A_939 : memref<!tpu.dma_semaphore, #tpu.memory_space<semaphore_mem>>) src(%arg13 : memref<128x64xf32, #tpu.memory_space<vmem>>) dst(%dma_wait3A_937 : memref<10240x64xf32, #tpu.memory_space<vmem_shared>>)
        } else {
        }
        %mul3A_665 = arith.constant 4 : i32
        %mul3A_666 = arith.muli %scan3A_608, %mul3A_665 : i32
        %add3A_667 = arith.constant 1 : i32
        %add3A_668 = arith.addi %mul3A_666, %add3A_667 : i32
        %dma_wait3A_669 = arith.constant 1 : i32
        %dma_wait3A_670 = arith.constant 1 : i32
        %dma_wait3A_671 = arith.constant 0 : i32
        %dma_wait3A_672 = tpu.memref_slice %arg10[%dma_wait3A_669, %dma_wait3A_671] : memref<4x128xi32, #tpu.memory_space<vmem>> -> memref<1x128xi32, #tpu.memory_space<vmem>>
        %dma_wait3A_673 = tpu.memref_squeeze %dma_wait3A_672 : memref<1x128xi32, #tpu.memory_space<vmem>> -> memref<128xi32, #tpu.memory_space<vmem>>
        %dma_wait3A_674 = arith.constant 0 : i32
        %dma_wait3A_675 = tpu.memref_slice %arg5[%arg1, %add3A_668, %dma_wait3A_674] : memref<16x160x128xi32, #tpu.memory_space<hbm>> -> memref<1x1x128xi32, #tpu.memory_space<hbm>>
        %dma_wait3A_676 = tpu.memref_squeeze %dma_wait3A_675 : memref<1x1x128xi32, #tpu.memory_space<hbm>> -> memref<128xi32, #tpu.memory_space<hbm>>
        %dma_wait3A_677 = tpu.memref_slice %arg17[%dma_wait3A_670] : memref<4x!tpu.dma_semaphore, #tpu.memory_space<semaphore_mem>> -> memref<1x!tpu.dma_semaphore, #tpu.memory_space<semaphore_mem>>
        %dma_wait3A_678 = tpu.memref_squeeze %dma_wait3A_677 : memref<1x!tpu.dma_semaphore, #tpu.memory_space<semaphore_mem>> -> memref<!tpu.dma_semaphore, #tpu.memory_space<semaphore_mem>>
        %dma_wait3A_679 = arith.constant 0 : i32
        %dma_wait3A_680 = tpu.memref_slice %arg10[%dma_wait3A_669, %dma_wait3A_679] : memref<4x128xi32, #tpu.memory_space<vmem>> -> memref<1x128xi32, #tpu.memory_space<vmem>>
        %dma_wait3A_681 = tpu.memref_squeeze %dma_wait3A_680 : memref<1x128xi32, #tpu.memory_space<vmem>> -> memref<128xi32, #tpu.memory_space<vmem>>
        %dma_wait3A_682 = arith.constant 0 : i32
        %dma_wait3A_683 = tpu.memref_slice %arg5[%arg1, %add3A_668, %dma_wait3A_682] : memref<16x160x128xi32, #tpu.memory_space<hbm>> -> memref<1x1x128xi32, #tpu.memory_space<hbm>>
        %dma_wait3A_684 = tpu.memref_squeeze %dma_wait3A_683 : memref<1x1x128xi32, #tpu.memory_space<hbm>> -> memref<128xi32, #tpu.memory_space<hbm>>
        tpu.wait_dma2 semaphore(%dma_wait3A_678 : memref<!tpu.dma_semaphore, #tpu.memory_space<semaphore_mem>>) src(%dma_wait3A_684 : memref<128xi32, #tpu.memory_space<hbm>>) dst(%dma_wait3A_681 : memref<128xi32, #tpu.memory_space<vmem>>)
        %dma_wait3A_685 = arith.constant 1 : i32
        %dma_wait3A_686 = arith.constant 1 : i32
        %dma_wait3A_687 = arith.constant 0 : i32
        %dma_wait3A_688 = tpu.memref_slice %arg11[%dma_wait3A_685, %rem3A_611, %dma_wait3A_687] : memref<4x2x128xi32, #tpu.memory_space<vmem>> -> memref<1x1x128xi32, #tpu.memory_space<vmem>>
        %dma_wait3A_689 = tpu.memref_squeeze %dma_wait3A_688 : memref<1x1x128xi32, #tpu.memory_space<vmem>> -> memref<128xi32, #tpu.memory_space<vmem>>
        %dma_wait3A_690 = arith.constant 0 : i32
        %dma_wait3A_691 = tpu.memref_slice %arg6[%arg1, %add3A_668, %dma_wait3A_690] : memref<16x160x128xi32, #tpu.memory_space<hbm>> -> memref<1x1x128xi32, #tpu.memory_space<hbm>>
        %dma_wait3A_692 = tpu.memref_squeeze %dma_wait3A_691 : memref<1x1x128xi32, #tpu.memory_space<hbm>> -> memref<128xi32, #tpu.memory_space<hbm>>
        %dma_wait3A_693 = tpu.memref_slice %arg17[%dma_wait3A_686] : memref<4x!tpu.dma_semaphore, #tpu.memory_space<semaphore_mem>> -> memref<1x!tpu.dma_semaphore, #tpu.memory_space<semaphore_mem>>
        %dma_wait3A_694 = tpu.memref_squeeze %dma_wait3A_693 : memref<1x!tpu.dma_semaphore, #tpu.memory_space<semaphore_mem>> -> memref<!tpu.dma_semaphore, #tpu.memory_space<semaphore_mem>>
        %dma_wait3A_695 = arith.constant 0 : i32
        %dma_wait3A_696 = tpu.memref_slice %arg11[%dma_wait3A_685, %rem3A_611, %dma_wait3A_695] : memref<4x2x128xi32, #tpu.memory_space<vmem>> -> memref<1x1x128xi32, #tpu.memory_space<vmem>>
        %dma_wait3A_697 = tpu.memref_squeeze %dma_wait3A_696 : memref<1x1x128xi32, #tpu.memory_space<vmem>> -> memref<128xi32, #tpu.memory_space<vmem>>
        %dma_wait3A_698 = arith.constant 0 : i32
        %dma_wait3A_699 = tpu.memref_slice %arg6[%arg1, %add3A_668, %dma_wait3A_698] : memref<16x160x128xi32, #tpu.memory_space<hbm>> -> memref<1x1x128xi32, #tpu.memory_space<hbm>>
        %dma_wait3A_700 = tpu.memref_squeeze %dma_wait3A_699 : memref<1x1x128xi32, #tpu.memory_space<hbm>> -> memref<128xi32, #tpu.memory_space<hbm>>
        tpu.wait_dma2 semaphore(%dma_wait3A_694 : memref<!tpu.dma_semaphore, #tpu.memory_space<semaphore_mem>>) src(%dma_wait3A_700 : memref<128xi32, #tpu.memory_space<hbm>>) dst(%dma_wait3A_697 : memref<128xi32, #tpu.memory_space<vmem>>)
        %dma_start3A_701 = arith.constant 1 : i32
        %dma_start3A_702 = arith.constant 1 : i32
        %dma_start3A_703 = arith.constant 0 : i32
        %dma_start3A_704 = tpu.memref_slice %arg10[%dma_start3A_701, %dma_start3A_703] : memref<4x128xi32, #tpu.memory_space<vmem>> -> memref<1x128xi32, #tpu.memory_space<vmem>>
        %dma_start3A_705 = tpu.memref_squeeze %dma_start3A_704 : memref<1x128xi32, #tpu.memory_space<vmem>> -> memref<128xi32, #tpu.memory_space<vmem>>
        %dma_start3A_706 = arith.constant 0 : i32
        %dma_start3A_707 = arith.constant 0 : i32
        %dma_start3A_708 = tpu.memref_slice %arg8[%dma_start3A_706, %dma_start3A_707] : memref<10240x64xf32, #tpu.memory_space<vmem_shared>> -> memref<10240x64xf32, #tpu.memory_space<vmem_shared>>
        %dma_start3A_709 = tpu.memref_slice %arg18[%dma_start3A_702] : memref<4x!tpu.dma_semaphore, #tpu.memory_space<semaphore_mem>> -> memref<1x!tpu.dma_semaphore, #tpu.memory_space<semaphore_mem>>
        %dma_start3A_710 = tpu.memref_squeeze %dma_start3A_709 : memref<1x!tpu.dma_semaphore, #tpu.memory_space<semaphore_mem>> -> memref<!tpu.dma_semaphore, #tpu.memory_space<semaphore_mem>>
        tpu.enqueue_indirect_dma source(%dma_start3A_708 : memref<10240x64xf32, #tpu.memory_space<vmem_shared>>) target(%arg13 : memref<128x64xf32, #tpu.memory_space<vmem>>) offsets(%dma_start3A_705 : memref<128xi32, #tpu.memory_space<vmem>>) semaphore(%dma_start3A_710 : memref<!tpu.dma_semaphore, #tpu.memory_space<semaphore_mem>>)
        %gt3A_711 = arith.constant 0 : i32
        %gt3A_712 = arith.cmpi sgt, %scan3A_608, %gt3A_711 : i32
        %convert_element_type3A_713 = arith.extui %gt3A_712 : i1 to i32
        %cond3A_714 = arith.constant 0 : i32
        %cond3A_715 = arith.cmpi ne, %convert_element_type3A_713, %cond3A_714 : i32
        scf.if %cond3A_715 {
          %sub3A = arith.constant 1 : i32
          %sub3A_929 = arith.subi %sub3A, %rem3A_611 : i32
          %dma_wait3A_930 = arith.constant 2 : i32
          %dma_wait3A_931 = arith.constant 2 : i32
          %dma_wait3A_932 = arith.constant 0 : i32
          %dma_wait3A_933 = tpu.memref_slice %arg11[%dma_wait3A_930, %sub3A_929, %dma_wait3A_932] : memref<4x2x128xi32, #tpu.memory_space<vmem>> -> memref<1x1x128xi32, #tpu.memory_space<vmem>>
          %dma_wait3A_934 = tpu.memref_squeeze %dma_wait3A_933 : memref<1x1x128xi32, #tpu.memory_space<vmem>> -> memref<128xi32, #tpu.memory_space<vmem>>
          %dma_wait3A_935 = arith.constant 0 : i32
          %dma_wait3A_936 = arith.constant 0 : i32
          %dma_wait3A_937 = tpu.memref_slice %arg9[%dma_wait3A_935, %dma_wait3A_936] : memref<10240x64xf32, #tpu.memory_space<vmem_shared>> -> memref<10240x64xf32, #tpu.memory_space<vmem_shared>>
          %dma_wait3A_938 = tpu.memref_slice %arg19[%dma_wait3A_931] : memref<4x!tpu.dma_semaphore, #tpu.memory_space<semaphore_mem>> -> memref<1x!tpu.dma_semaphore, #tpu.memory_space<semaphore_mem>>
          %dma_wait3A_939 = tpu.memref_squeeze %dma_wait3A_938 : memref<1x!tpu.dma_semaphore, #tpu.memory_space<semaphore_mem>> -> memref<!tpu.dma_semaphore, #tpu.memory_space<semaphore_mem>>
          tpu.wait_indirect_dma semaphore(%dma_wait3A_939 : memref<!tpu.dma_semaphore, #tpu.memory_space<semaphore_mem>>) src(%arg14 : memref<128x64xf32, #tpu.memory_space<vmem>>) dst(%dma_wait3A_937 : memref<10240x64xf32, #tpu.memory_space<vmem_shared>>)
        } else {
        }
        %mul3A_716 = arith.constant 4 : i32
        %mul3A_717 = arith.muli %scan3A_608, %mul3A_716 : i32
        %add3A_718 = arith.constant 2 : i32
        %add3A_719 = arith.addi %mul3A_717, %add3A_718 : i32
        %dma_wait3A_720 = arith.constant 2 : i32
        %dma_wait3A_721 = arith.constant 2 : i32
        %dma_wait3A_722 = arith.constant 0 : i32
        %dma_wait3A_723 = tpu.memref_slice %arg10[%dma_wait3A_720, %dma_wait3A_722] : memref<4x128xi32, #tpu.memory_space<vmem>> -> memref<1x128xi32, #tpu.memory_space<vmem>>
        %dma_wait3A_724 = tpu.memref_squeeze %dma_wait3A_723 : memref<1x128xi32, #tpu.memory_space<vmem>> -> memref<128xi32, #tpu.memory_space<vmem>>
        %dma_wait3A_725 = arith.constant 0 : i32
        %dma_wait3A_726 = tpu.memref_slice %arg5[%arg1, %add3A_719, %dma_wait3A_725] : memref<16x160x128xi32, #tpu.memory_space<hbm>> -> memref<1x1x128xi32, #tpu.memory_space<hbm>>
        %dma_wait3A_727 = tpu.memref_squeeze %dma_wait3A_726 : memref<1x1x128xi32, #tpu.memory_space<hbm>> -> memref<128xi32, #tpu.memory_space<hbm>>
        %dma_wait3A_728 = tpu.memref_slice %arg17[%dma_wait3A_721] : memref<4x!tpu.dma_semaphore, #tpu.memory_space<semaphore_mem>> -> memref<1x!tpu.dma_semaphore, #tpu.memory_space<semaphore_mem>>
        %dma_wait3A_729 = tpu.memref_squeeze %dma_wait3A_728 : memref<1x!tpu.dma_semaphore, #tpu.memory_space<semaphore_mem>> -> memref<!tpu.dma_semaphore, #tpu.memory_space<semaphore_mem>>
        %dma_wait3A_730 = arith.constant 0 : i32
        %dma_wait3A_731 = tpu.memref_slice %arg10[%dma_wait3A_720, %dma_wait3A_730] : memref<4x128xi32, #tpu.memory_space<vmem>> -> memref<1x128xi32, #tpu.memory_space<vmem>>
        %dma_wait3A_732 = tpu.memref_squeeze %dma_wait3A_731 : memref<1x128xi32, #tpu.memory_space<vmem>> -> memref<128xi32, #tpu.memory_space<vmem>>
        %dma_wait3A_733 = arith.constant 0 : i32
        %dma_wait3A_734 = tpu.memref_slice %arg5[%arg1, %add3A_719, %dma_wait3A_733] : memref<16x160x128xi32, #tpu.memory_space<hbm>> -> memref<1x1x128xi32, #tpu.memory_space<hbm>>
        %dma_wait3A_735 = tpu.memref_squeeze %dma_wait3A_734 : memref<1x1x128xi32, #tpu.memory_space<hbm>> -> memref<128xi32, #tpu.memory_space<hbm>>
        tpu.wait_dma2 semaphore(%dma_wait3A_729 : memref<!tpu.dma_semaphore, #tpu.memory_space<semaphore_mem>>) src(%dma_wait3A_735 : memref<128xi32, #tpu.memory_space<hbm>>) dst(%dma_wait3A_732 : memref<128xi32, #tpu.memory_space<vmem>>)
        %dma_wait3A_736 = arith.constant 2 : i32
        %dma_wait3A_737 = arith.constant 2 : i32
        %dma_wait3A_738 = arith.constant 0 : i32
        %dma_wait3A_739 = tpu.memref_slice %arg11[%dma_wait3A_736, %rem3A_611, %dma_wait3A_738] : memref<4x2x128xi32, #tpu.memory_space<vmem>> -> memref<1x1x128xi32, #tpu.memory_space<vmem>>
        %dma_wait3A_740 = tpu.memref_squeeze %dma_wait3A_739 : memref<1x1x128xi32, #tpu.memory_space<vmem>> -> memref<128xi32, #tpu.memory_space<vmem>>
        %dma_wait3A_741 = arith.constant 0 : i32
        %dma_wait3A_742 = tpu.memref_slice %arg6[%arg1, %add3A_719, %dma_wait3A_741] : memref<16x160x128xi32, #tpu.memory_space<hbm>> -> memref<1x1x128xi32, #tpu.memory_space<hbm>>
        %dma_wait3A_743 = tpu.memref_squeeze %dma_wait3A_742 : memref<1x1x128xi32, #tpu.memory_space<hbm>> -> memref<128xi32, #tpu.memory_space<hbm>>
        %dma_wait3A_744 = tpu.memref_slice %arg17[%dma_wait3A_737] : memref<4x!tpu.dma_semaphore, #tpu.memory_space<semaphore_mem>> -> memref<1x!tpu.dma_semaphore, #tpu.memory_space<semaphore_mem>>
        %dma_wait3A_745 = tpu.memref_squeeze %dma_wait3A_744 : memref<1x!tpu.dma_semaphore, #tpu.memory_space<semaphore_mem>> -> memref<!tpu.dma_semaphore, #tpu.memory_space<semaphore_mem>>
        %dma_wait3A_746 = arith.constant 0 : i32
        %dma_wait3A_747 = tpu.memref_slice %arg11[%dma_wait3A_736, %rem3A_611, %dma_wait3A_746] : memref<4x2x128xi32, #tpu.memory_space<vmem>> -> memref<1x1x128xi32, #tpu.memory_space<vmem>>
        %dma_wait3A_748 = tpu.memref_squeeze %dma_wait3A_747 : memref<1x1x128xi32, #tpu.memory_space<vmem>> -> memref<128xi32, #tpu.memory_space<vmem>>
        %dma_wait3A_749 = arith.constant 0 : i32
        %dma_wait3A_750 = tpu.memref_slice %arg6[%arg1, %add3A_719, %dma_wait3A_749] : memref<16x160x128xi32, #tpu.memory_space<hbm>> -> memref<1x1x128xi32, #tpu.memory_space<hbm>>
        %dma_wait3A_751 = tpu.memref_squeeze %dma_wait3A_750 : memref<1x1x128xi32, #tpu.memory_space<hbm>> -> memref<128xi32, #tpu.memory_space<hbm>>
        tpu.wait_dma2 semaphore(%dma_wait3A_745 : memref<!tpu.dma_semaphore, #tpu.memory_space<semaphore_mem>>) src(%dma_wait3A_751 : memref<128xi32, #tpu.memory_space<hbm>>) dst(%dma_wait3A_748 : memref<128xi32, #tpu.memory_space<vmem>>)
        %dma_start3A_752 = arith.constant 2 : i32
        %dma_start3A_753 = arith.constant 2 : i32
        %dma_start3A_754 = arith.constant 0 : i32
        %dma_start3A_755 = tpu.memref_slice %arg10[%dma_start3A_752, %dma_start3A_754] : memref<4x128xi32, #tpu.memory_space<vmem>> -> memref<1x128xi32, #tpu.memory_space<vmem>>
        %dma_start3A_756 = tpu.memref_squeeze %dma_start3A_755 : memref<1x128xi32, #tpu.memory_space<vmem>> -> memref<128xi32, #tpu.memory_space<vmem>>
        %dma_start3A_757 = arith.constant 0 : i32
        %dma_start3A_758 = arith.constant 0 : i32
        %dma_start3A_759 = tpu.memref_slice %arg8[%dma_start3A_757, %dma_start3A_758] : memref<10240x64xf32, #tpu.memory_space<vmem_shared>> -> memref<10240x64xf32, #tpu.memory_space<vmem_shared>>
        %dma_start3A_760 = tpu.memref_slice %arg18[%dma_start3A_753] : memref<4x!tpu.dma_semaphore, #tpu.memory_space<semaphore_mem>> -> memref<1x!tpu.dma_semaphore, #tpu.memory_space<semaphore_mem>>
        %dma_start3A_761 = tpu.memref_squeeze %dma_start3A_760 : memref<1x!tpu.dma_semaphore, #tpu.memory_space<semaphore_mem>> -> memref<!tpu.dma_semaphore, #tpu.memory_space<semaphore_mem>>
        tpu.enqueue_indirect_dma source(%dma_start3A_759 : memref<10240x64xf32, #tpu.memory_space<vmem_shared>>) target(%arg14 : memref<128x64xf32, #tpu.memory_space<vmem>>) offsets(%dma_start3A_756 : memref<128xi32, #tpu.memory_space<vmem>>) semaphore(%dma_start3A_761 : memref<!tpu.dma_semaphore, #tpu.memory_space<semaphore_mem>>)
        %gt3A_762 = arith.constant 0 : i32
        %gt3A_763 = arith.cmpi sgt, %scan3A_608, %gt3A_762 : i32
        %convert_element_type3A_764 = arith.extui %gt3A_763 : i1 to i32
        %cond3A_765 = arith.constant 0 : i32
        %cond3A_766 = arith.cmpi ne, %convert_element_type3A_764, %cond3A_765 : i32
        scf.if %cond3A_766 {
          %sub3A = arith.constant 1 : i32
          %sub3A_929 = arith.subi %sub3A, %rem3A_611 : i32
          %dma_wait3A_930 = arith.constant 3 : i32
          %dma_wait3A_931 = arith.constant 3 : i32
          %dma_wait3A_932 = arith.constant 0 : i32
          %dma_wait3A_933 = tpu.memref_slice %arg11[%dma_wait3A_930, %sub3A_929, %dma_wait3A_932] : memref<4x2x128xi32, #tpu.memory_space<vmem>> -> memref<1x1x128xi32, #tpu.memory_space<vmem>>
          %dma_wait3A_934 = tpu.memref_squeeze %dma_wait3A_933 : memref<1x1x128xi32, #tpu.memory_space<vmem>> -> memref<128xi32, #tpu.memory_space<vmem>>
          %dma_wait3A_935 = arith.constant 0 : i32
          %dma_wait3A_936 = arith.constant 0 : i32
          %dma_wait3A_937 = tpu.memref_slice %arg9[%dma_wait3A_935, %dma_wait3A_936] : memref<10240x64xf32, #tpu.memory_space<vmem_shared>> -> memref<10240x64xf32, #tpu.memory_space<vmem_shared>>
          %dma_wait3A_938 = tpu.memref_slice %arg19[%dma_wait3A_931] : memref<4x!tpu.dma_semaphore, #tpu.memory_space<semaphore_mem>> -> memref<1x!tpu.dma_semaphore, #tpu.memory_space<semaphore_mem>>
          %dma_wait3A_939 = tpu.memref_squeeze %dma_wait3A_938 : memref<1x!tpu.dma_semaphore, #tpu.memory_space<semaphore_mem>> -> memref<!tpu.dma_semaphore, #tpu.memory_space<semaphore_mem>>
          tpu.wait_indirect_dma semaphore(%dma_wait3A_939 : memref<!tpu.dma_semaphore, #tpu.memory_space<semaphore_mem>>) src(%arg15 : memref<128x64xf32, #tpu.memory_space<vmem>>) dst(%dma_wait3A_937 : memref<10240x64xf32, #tpu.memory_space<vmem_shared>>)
        } else {
        }
        %mul3A_767 = arith.constant 4 : i32
        %mul3A_768 = arith.muli %scan3A_608, %mul3A_767 : i32
        %add3A_769 = arith.constant 3 : i32
        %add3A_770 = arith.addi %mul3A_768, %add3A_769 : i32
        %dma_wait3A_771 = arith.constant 3 : i32
        %dma_wait3A_772 = arith.constant 3 : i32
        %dma_wait3A_773 = arith.constant 0 : i32
        %dma_wait3A_774 = tpu.memref_slice %arg10[%dma_wait3A_771, %dma_wait3A_773] : memref<4x128xi32, #tpu.memory_space<vmem>> -> memref<1x128xi32, #tpu.memory_space<vmem>>
        %dma_wait3A_775 = tpu.memref_squeeze %dma_wait3A_774 : memref<1x128xi32, #tpu.memory_space<vmem>> -> memref<128xi32, #tpu.memory_space<vmem>>
        %dma_wait3A_776 = arith.constant 0 : i32
        %dma_wait3A_777 = tpu.memref_slice %arg5[%arg1, %add3A_770, %dma_wait3A_776] : memref<16x160x128xi32, #tpu.memory_space<hbm>> -> memref<1x1x128xi32, #tpu.memory_space<hbm>>
        %dma_wait3A_778 = tpu.memref_squeeze %dma_wait3A_777 : memref<1x1x128xi32, #tpu.memory_space<hbm>> -> memref<128xi32, #tpu.memory_space<hbm>>
        %dma_wait3A_779 = tpu.memref_slice %arg17[%dma_wait3A_772] : memref<4x!tpu.dma_semaphore, #tpu.memory_space<semaphore_mem>> -> memref<1x!tpu.dma_semaphore, #tpu.memory_space<semaphore_mem>>
        %dma_wait3A_780 = tpu.memref_squeeze %dma_wait3A_779 : memref<1x!tpu.dma_semaphore, #tpu.memory_space<semaphore_mem>> -> memref<!tpu.dma_semaphore, #tpu.memory_space<semaphore_mem>>
        %dma_wait3A_781 = arith.constant 0 : i32
        %dma_wait3A_782 = tpu.memref_slice %arg10[%dma_wait3A_771, %dma_wait3A_781] : memref<4x128xi32, #tpu.memory_space<vmem>> -> memref<1x128xi32, #tpu.memory_space<vmem>>
        %dma_wait3A_783 = tpu.memref_squeeze %dma_wait3A_782 : memref<1x128xi32, #tpu.memory_space<vmem>> -> memref<128xi32, #tpu.memory_space<vmem>>
        %dma_wait3A_784 = arith.constant 0 : i32
        %dma_wait3A_785 = tpu.memref_slice %arg5[%arg1, %add3A_770, %dma_wait3A_784] : memref<16x160x128xi32, #tpu.memory_space<hbm>> -> memref<1x1x128xi32, #tpu.memory_space<hbm>>
        %dma_wait3A_786 = tpu.memref_squeeze %dma_wait3A_785 : memref<1x1x128xi32, #tpu.memory_space<hbm>> -> memref<128xi32, #tpu.memory_space<hbm>>
        tpu.wait_dma2 semaphore(%dma_wait3A_780 : memref<!tpu.dma_semaphore, #tpu.memory_space<semaphore_mem>>) src(%dma_wait3A_786 : memref<128xi32, #tpu.memory_space<hbm>>) dst(%dma_wait3A_783 : memref<128xi32, #tpu.memory_space<vmem>>)
        %dma_wait3A_787 = arith.constant 3 : i32
        %dma_wait3A_788 = arith.constant 3 : i32
        %dma_wait3A_789 = arith.constant 0 : i32
        %dma_wait3A_790 = tpu.memref_slice %arg11[%dma_wait3A_787, %rem3A_611, %dma_wait3A_789] : memref<4x2x128xi32, #tpu.memory_space<vmem>> -> memref<1x1x128xi32, #tpu.memory_space<vmem>>
        %dma_wait3A_791 = tpu.memref_squeeze %dma_wait3A_790 : memref<1x1x128xi32, #tpu.memory_space<vmem>> -> memref<128xi32, #tpu.memory_space<vmem>>
        %dma_wait3A_792 = arith.constant 0 : i32
        %dma_wait3A_793 = tpu.memref_slice %arg6[%arg1, %add3A_770, %dma_wait3A_792] : memref<16x160x128xi32, #tpu.memory_space<hbm>> -> memref<1x1x128xi32, #tpu.memory_space<hbm>>
        %dma_wait3A_794 = tpu.memref_squeeze %dma_wait3A_793 : memref<1x1x128xi32, #tpu.memory_space<hbm>> -> memref<128xi32, #tpu.memory_space<hbm>>
        %dma_wait3A_795 = tpu.memref_slice %arg17[%dma_wait3A_788] : memref<4x!tpu.dma_semaphore, #tpu.memory_space<semaphore_mem>> -> memref<1x!tpu.dma_semaphore, #tpu.memory_space<semaphore_mem>>
        %dma_wait3A_796 = tpu.memref_squeeze %dma_wait3A_795 : memref<1x!tpu.dma_semaphore, #tpu.memory_space<semaphore_mem>> -> memref<!tpu.dma_semaphore, #tpu.memory_space<semaphore_mem>>
        %dma_wait3A_797 = arith.constant 0 : i32
        %dma_wait3A_798 = tpu.memref_slice %arg11[%dma_wait3A_787, %rem3A_611, %dma_wait3A_797] : memref<4x2x128xi32, #tpu.memory_space<vmem>> -> memref<1x1x128xi32, #tpu.memory_space<vmem>>
        %dma_wait3A_799 = tpu.memref_squeeze %dma_wait3A_798 : memref<1x1x128xi32, #tpu.memory_space<vmem>> -> memref<128xi32, #tpu.memory_space<vmem>>
        %dma_wait3A_800 = arith.constant 0 : i32
        %dma_wait3A_801 = tpu.memref_slice %arg6[%arg1, %add3A_770, %dma_wait3A_800] : memref<16x160x128xi32, #tpu.memory_space<hbm>> -> memref<1x1x128xi32, #tpu.memory_space<hbm>>
        %dma_wait3A_802 = tpu.memref_squeeze %dma_wait3A_801 : memref<1x1x128xi32, #tpu.memory_space<hbm>> -> memref<128xi32, #tpu.memory_space<hbm>>
        tpu.wait_dma2 semaphore(%dma_wait3A_796 : memref<!tpu.dma_semaphore, #tpu.memory_space<semaphore_mem>>) src(%dma_wait3A_802 : memref<128xi32, #tpu.memory_space<hbm>>) dst(%dma_wait3A_799 : memref<128xi32, #tpu.memory_space<vmem>>)
        %dma_start3A_803 = arith.constant 3 : i32
        %dma_start3A_804 = arith.constant 3 : i32
        %dma_start3A_805 = arith.constant 0 : i32
        %dma_start3A_806 = tpu.memref_slice %arg10[%dma_start3A_803, %dma_start3A_805] : memref<4x128xi32, #tpu.memory_space<vmem>> -> memref<1x128xi32, #tpu.memory_space<vmem>>
        %dma_start3A_807 = tpu.memref_squeeze %dma_start3A_806 : memref<1x128xi32, #tpu.memory_space<vmem>> -> memref<128xi32, #tpu.memory_space<vmem>>
        %dma_start3A_808 = arith.constant 0 : i32
        %dma_start3A_809 = arith.constant 0 : i32
        %dma_start3A_810 = tpu.memref_slice %arg8[%dma_start3A_808, %dma_start3A_809] : memref<10240x64xf32, #tpu.memory_space<vmem_shared>> -> memref<10240x64xf32, #tpu.memory_space<vmem_shared>>
        %dma_start3A_811 = tpu.memref_slice %arg18[%dma_start3A_804] : memref<4x!tpu.dma_semaphore, #tpu.memory_space<semaphore_mem>> -> memref<1x!tpu.dma_semaphore, #tpu.memory_space<semaphore_mem>>
        %dma_start3A_812 = tpu.memref_squeeze %dma_start3A_811 : memref<1x!tpu.dma_semaphore, #tpu.memory_space<semaphore_mem>> -> memref<!tpu.dma_semaphore, #tpu.memory_space<semaphore_mem>>
        tpu.enqueue_indirect_dma source(%dma_start3A_810 : memref<10240x64xf32, #tpu.memory_space<vmem_shared>>) target(%arg15 : memref<128x64xf32, #tpu.memory_space<vmem>>) offsets(%dma_start3A_807 : memref<128xi32, #tpu.memory_space<vmem>>) semaphore(%dma_start3A_812 : memref<!tpu.dma_semaphore, #tpu.memory_space<semaphore_mem>>)
        %mul3A_813 = arith.constant 4 : i32
        %mul3A_814 = arith.muli %scan3A_608, %mul3A_813 : i32
        %add3A_815 = arith.constant 0 : i32
        %add3A_816 = arith.addi %mul3A_814, %add3A_815 : i32
        %dma_wait3A_817 = arith.constant 0 : i32
        %dma_wait3A_818 = arith.constant 0 : i32
        %dma_wait3A_819 = arith.constant 0 : i32
        %dma_wait3A_820 = tpu.memref_slice %arg10[%dma_wait3A_817, %dma_wait3A_819] : memref<4x128xi32, #tpu.memory_space<vmem>> -> memref<1x128xi32, #tpu.memory_space<vmem>>
        %dma_wait3A_821 = tpu.memref_squeeze %dma_wait3A_820 : memref<1x128xi32, #tpu.memory_space<vmem>> -> memref<128xi32, #tpu.memory_space<vmem>>
        %dma_wait3A_822 = arith.constant 0 : i32
        %dma_wait3A_823 = arith.constant 0 : i32
        %dma_wait3A_824 = tpu.memref_slice %arg8[%dma_wait3A_822, %dma_wait3A_823] : memref<10240x64xf32, #tpu.memory_space<vmem_shared>> -> memref<10240x64xf32, #tpu.memory_space<vmem_shared>>
        %dma_wait3A_825 = tpu.memref_slice %arg18[%dma_wait3A_818] : memref<4x!tpu.dma_semaphore, #tpu.memory_space<semaphore_mem>> -> memref<1x!tpu.dma_semaphore, #tpu.memory_space<semaphore_mem>>
        %dma_wait3A_826 = tpu.memref_squeeze %dma_wait3A_825 : memref<1x!tpu.dma_semaphore, #tpu.memory_space<semaphore_mem>> -> memref<!tpu.dma_semaphore, #tpu.memory_space<semaphore_mem>>
        tpu.wait_indirect_dma semaphore(%dma_wait3A_826 : memref<!tpu.dma_semaphore, #tpu.memory_space<semaphore_mem>>) src(%dma_wait3A_824 : memref<10240x64xf32, #tpu.memory_space<vmem_shared>>) dst(%arg12 : memref<128x64xf32, #tpu.memory_space<vmem>>)
        %dma_start3A_827 = arith.constant 0 : i32
        %dma_start3A_828 = arith.constant 0 : i32
        %dma_start3A_829 = arith.constant 0 : i32
        %dma_start3A_830 = tpu.memref_slice %arg11[%dma_start3A_827, %rem3A_611, %dma_start3A_829] : memref<4x2x128xi32, #tpu.memory_space<vmem>> -> memref<1x1x128xi32, #tpu.memory_space<vmem>>
        %dma_start3A_831 = tpu.memref_squeeze %dma_start3A_830 : memref<1x1x128xi32, #tpu.memory_space<vmem>> -> memref<128xi32, #tpu.memory_space<vmem>>
        %dma_start3A_832 = arith.constant 0 : i32
        %dma_start3A_833 = arith.constant 0 : i32
        %dma_start3A_834 = tpu.memref_slice %arg9[%dma_start3A_832, %dma_start3A_833] : memref<10240x64xf32, #tpu.memory_space<vmem_shared>> -> memref<10240x64xf32, #tpu.memory_space<vmem_shared>>
        %dma_start3A_835 = tpu.memref_slice %arg19[%dma_start3A_828] : memref<4x!tpu.dma_semaphore, #tpu.memory_space<semaphore_mem>> -> memref<1x!tpu.dma_semaphore, #tpu.memory_space<semaphore_mem>>
        %dma_start3A_836 = tpu.memref_squeeze %dma_start3A_835 : memref<1x!tpu.dma_semaphore, #tpu.memory_space<semaphore_mem>> -> memref<!tpu.dma_semaphore, #tpu.memory_space<semaphore_mem>>
        tpu.enqueue_indirect_dma source(%arg12 : memref<128x64xf32, #tpu.memory_space<vmem>>) target(%dma_start3A_834 : memref<10240x64xf32, #tpu.memory_space<vmem_shared>>) offsets(%dma_start3A_831 : memref<128xi32, #tpu.memory_space<vmem>>) semaphore(%dma_start3A_836 : memref<!tpu.dma_semaphore, #tpu.memory_space<semaphore_mem>>) {add = true}
        %lt3A = arith.constant 39 : i32
        %lt3A_837 = arith.cmpi slt, %scan3A_608, %lt3A : i32
        %convert_element_type3A_838 = arith.extui %lt3A_837 : i1 to i32
        %cond3A_839 = arith.constant 0 : i32
        %cond3A_840 = arith.cmpi ne, %convert_element_type3A_838, %cond3A_839 : i32
        scf.if %cond3A_840 {
          %add3A_929 = arith.constant 4 : i32
          %add3A_930 = arith.addi %add3A_816, %add3A_929 : i32
          %dma_start3A_931 = arith.constant 0 : i32
          %dma_start3A_932 = arith.constant 0 : i32
          %dma_start3A_933 = arith.constant 0 : i32
          %dma_start3A_934 = tpu.memref_slice %arg10[%dma_start3A_931, %dma_start3A_933] : memref<4x128xi32, #tpu.memory_space<vmem>> -> memref<1x128xi32, #tpu.memory_space<vmem>>
          %dma_start3A_935 = tpu.memref_squeeze %dma_start3A_934 : memref<1x128xi32, #tpu.memory_space<vmem>> -> memref<128xi32, #tpu.memory_space<vmem>>
          %dma_start3A_936 = arith.constant 0 : i32
          %dma_start3A_937 = tpu.memref_slice %arg5[%arg1, %add3A_930, %dma_start3A_936] : memref<16x160x128xi32, #tpu.memory_space<hbm>> -> memref<1x1x128xi32, #tpu.memory_space<hbm>>
          %dma_start3A_938 = tpu.memref_squeeze %dma_start3A_937 : memref<1x1x128xi32, #tpu.memory_space<hbm>> -> memref<128xi32, #tpu.memory_space<hbm>>
          %dma_start3A_939 = tpu.memref_slice %arg17[%dma_start3A_932] : memref<4x!tpu.dma_semaphore, #tpu.memory_space<semaphore_mem>> -> memref<1x!tpu.dma_semaphore, #tpu.memory_space<semaphore_mem>>
          %dma_start3A_940 = tpu.memref_squeeze %dma_start3A_939 : memref<1x!tpu.dma_semaphore, #tpu.memory_space<semaphore_mem>> -> memref<!tpu.dma_semaphore, #tpu.memory_space<semaphore_mem>>
          %dma_start3A_941 = arith.constant 0 : i32
          %dma_start3A_942 = tpu.memref_slice %arg10[%dma_start3A_931, %dma_start3A_941] : memref<4x128xi32, #tpu.memory_space<vmem>> -> memref<1x128xi32, #tpu.memory_space<vmem>>
          %dma_start3A_943 = tpu.memref_squeeze %dma_start3A_942 : memref<1x128xi32, #tpu.memory_space<vmem>> -> memref<128xi32, #tpu.memory_space<vmem>>
          %dma_start3A_944 = arith.constant 0 : i32
          %dma_start3A_945 = tpu.memref_slice %arg5[%arg1, %add3A_930, %dma_start3A_944] : memref<16x160x128xi32, #tpu.memory_space<hbm>> -> memref<1x1x128xi32, #tpu.memory_space<hbm>>
          %dma_start3A_946 = tpu.memref_squeeze %dma_start3A_945 : memref<1x1x128xi32, #tpu.memory_space<hbm>> -> memref<128xi32, #tpu.memory_space<hbm>>
          tpu.enqueue_dma source(%dma_start3A_946 : memref<128xi32, #tpu.memory_space<hbm>>) target(%dma_start3A_943 : memref<128xi32, #tpu.memory_space<vmem>>) target_semaphore(%dma_start3A_940 : memref<!tpu.dma_semaphore, #tpu.memory_space<semaphore_mem>>)
          %add3A_947 = arith.constant 4 : i32
          %add3A_948 = arith.addi %add3A_816, %add3A_947 : i32
          %sub3A = arith.constant 1 : i32
          %sub3A_949 = arith.subi %sub3A, %rem3A_611 : i32
          %dma_start3A_950 = arith.constant 0 : i32
          %dma_start3A_951 = arith.constant 0 : i32
          %dma_start3A_952 = arith.constant 0 : i32
          %dma_start3A_953 = tpu.memref_slice %arg11[%dma_start3A_950, %sub3A_949, %dma_start3A_952] : memref<4x2x128xi32, #tpu.memory_space<vmem>> -> memref<1x1x128xi32, #tpu.memory_space<vmem>>
          %dma_start3A_954 = tpu.memref_squeeze %dma_start3A_953 : memref<1x1x128xi32, #tpu.memory_space<vmem>> -> memref<128xi32, #tpu.memory_space<vmem>>
          %dma_start3A_955 = arith.constant 0 : i32
          %dma_start3A_956 = tpu.memref_slice %arg6[%arg1, %add3A_948, %dma_start3A_955] : memref<16x160x128xi32, #tpu.memory_space<hbm>> -> memref<1x1x128xi32, #tpu.memory_space<hbm>>
          %dma_start3A_957 = tpu.memref_squeeze %dma_start3A_956 : memref<1x1x128xi32, #tpu.memory_space<hbm>> -> memref<128xi32, #tpu.memory_space<hbm>>
          %dma_start3A_958 = tpu.memref_slice %arg17[%dma_start3A_951] : memref<4x!tpu.dma_semaphore, #tpu.memory_space<semaphore_mem>> -> memref<1x!tpu.dma_semaphore, #tpu.memory_space<semaphore_mem>>
          %dma_start3A_959 = tpu.memref_squeeze %dma_start3A_958 : memref<1x!tpu.dma_semaphore, #tpu.memory_space<semaphore_mem>> -> memref<!tpu.dma_semaphore, #tpu.memory_space<semaphore_mem>>
          %dma_start3A_960 = arith.constant 0 : i32
          %dma_start3A_961 = tpu.memref_slice %arg11[%dma_start3A_950, %sub3A_949, %dma_start3A_960] : memref<4x2x128xi32, #tpu.memory_space<vmem>> -> memref<1x1x128xi32, #tpu.memory_space<vmem>>
          %dma_start3A_962 = tpu.memref_squeeze %dma_start3A_961 : memref<1x1x128xi32, #tpu.memory_space<vmem>> -> memref<128xi32, #tpu.memory_space<vmem>>
          %dma_start3A_963 = arith.constant 0 : i32
          %dma_start3A_964 = tpu.memref_slice %arg6[%arg1, %add3A_948, %dma_start3A_963] : memref<16x160x128xi32, #tpu.memory_space<hbm>> -> memref<1x1x128xi32, #tpu.memory_space<hbm>>
          %dma_start3A_965 = tpu.memref_squeeze %dma_start3A_964 : memref<1x1x128xi32, #tpu.memory_space<hbm>> -> memref<128xi32, #tpu.memory_space<hbm>>
          tpu.enqueue_dma source(%dma_start3A_965 : memref<128xi32, #tpu.memory_space<hbm>>) target(%dma_start3A_962 : memref<128xi32, #tpu.memory_space<vmem>>) target_semaphore(%dma_start3A_959 : memref<!tpu.dma_semaphore, #tpu.memory_space<semaphore_mem>>)
        } else {
        }
        %mul3A_841 = arith.constant 4 : i32
        %mul3A_842 = arith.muli %scan3A_608, %mul3A_841 : i32
        %add3A_843 = arith.constant 1 : i32
        %add3A_844 = arith.addi %mul3A_842, %add3A_843 : i32
        %dma_wait3A_845 = arith.constant 1 : i32
        %dma_wait3A_846 = arith.constant 1 : i32
        %dma_wait3A_847 = arith.constant 0 : i32
        %dma_wait3A_848 = tpu.memref_slice %arg10[%dma_wait3A_845, %dma_wait3A_847] : memref<4x128xi32, #tpu.memory_space<vmem>> -> memref<1x128xi32, #tpu.memory_space<vmem>>
        %dma_wait3A_849 = tpu.memref_squeeze %dma_wait3A_848 : memref<1x128xi32, #tpu.memory_space<vmem>> -> memref<128xi32, #tpu.memory_space<vmem>>
        %dma_wait3A_850 = arith.constant 0 : i32
        %dma_wait3A_851 = arith.constant 0 : i32
        %dma_wait3A_852 = tpu.memref_slice %arg8[%dma_wait3A_850, %dma_wait3A_851] : memref<10240x64xf32, #tpu.memory_space<vmem_shared>> -> memref<10240x64xf32, #tpu.memory_space<vmem_shared>>
        %dma_wait3A_853 = tpu.memref_slice %arg18[%dma_wait3A_846] : memref<4x!tpu.dma_semaphore, #tpu.memory_space<semaphore_mem>> -> memref<1x!tpu.dma_semaphore, #tpu.memory_space<semaphore_mem>>
        %dma_wait3A_854 = tpu.memref_squeeze %dma_wait3A_853 : memref<1x!tpu.dma_semaphore, #tpu.memory_space<semaphore_mem>> -> memref<!tpu.dma_semaphore, #tpu.memory_space<semaphore_mem>>
        tpu.wait_indirect_dma semaphore(%dma_wait3A_854 : memref<!tpu.dma_semaphore, #tpu.memory_space<semaphore_mem>>) src(%dma_wait3A_852 : memref<10240x64xf32, #tpu.memory_space<vmem_shared>>) dst(%arg13 : memref<128x64xf32, #tpu.memory_space<vmem>>)
        %dma_start3A_855 = arith.constant 1 : i32
        %dma_start3A_856 = arith.constant 1 : i32
        %dma_start3A_857 = arith.constant 0 : i32
        %dma_start3A_858 = tpu.memref_slice %arg11[%dma_start3A_855, %rem3A_611, %dma_start3A_857] : memref<4x2x128xi32, #tpu.memory_space<vmem>> -> memref<1x1x128xi32, #tpu.memory_space<vmem>>
        %dma_start3A_859 = tpu.memref_squeeze %dma_start3A_858 : memref<1x1x128xi32, #tpu.memory_space<vmem>> -> memref<128xi32, #tpu.memory_space<vmem>>
        %dma_start3A_860 = arith.constant 0 : i32
        %dma_start3A_861 = arith.constant 0 : i32
        %dma_start3A_862 = tpu.memref_slice %arg9[%dma_start3A_860, %dma_start3A_861] : memref<10240x64xf32, #tpu.memory_space<vmem_shared>> -> memref<10240x64xf32, #tpu.memory_space<vmem_shared>>
        %dma_start3A_863 = tpu.memref_slice %arg19[%dma_start3A_856] : memref<4x!tpu.dma_semaphore, #tpu.memory_space<semaphore_mem>> -> memref<1x!tpu.dma_semaphore, #tpu.memory_space<semaphore_mem>>
        %dma_start3A_864 = tpu.memref_squeeze %dma_start3A_863 : memref<1x!tpu.dma_semaphore, #tpu.memory_space<semaphore_mem>> -> memref<!tpu.dma_semaphore, #tpu.memory_space<semaphore_mem>>
        tpu.enqueue_indirect_dma source(%arg13 : memref<128x64xf32, #tpu.memory_space<vmem>>) target(%dma_start3A_862 : memref<10240x64xf32, #tpu.memory_space<vmem_shared>>) offsets(%dma_start3A_859 : memref<128xi32, #tpu.memory_space<vmem>>) semaphore(%dma_start3A_864 : memref<!tpu.dma_semaphore, #tpu.memory_space<semaphore_mem>>) {add = true}
        %lt3A_865 = arith.constant 39 : i32
        %lt3A_866 = arith.cmpi slt, %scan3A_608, %lt3A_865 : i32
        %convert_element_type3A_867 = arith.extui %lt3A_866 : i1 to i32
        %cond3A_868 = arith.constant 0 : i32
        %cond3A_869 = arith.cmpi ne, %convert_element_type3A_867, %cond3A_868 : i32
        scf.if %cond3A_869 {
          %add3A_929 = arith.constant 4 : i32
          %add3A_930 = arith.addi %add3A_844, %add3A_929 : i32
          %dma_start3A_931 = arith.constant 1 : i32
          %dma_start3A_932 = arith.constant 1 : i32
          %dma_start3A_933 = arith.constant 0 : i32
          %dma_start3A_934 = tpu.memref_slice %arg10[%dma_start3A_931, %dma_start3A_933] : memref<4x128xi32, #tpu.memory_space<vmem>> -> memref<1x128xi32, #tpu.memory_space<vmem>>
          %dma_start3A_935 = tpu.memref_squeeze %dma_start3A_934 : memref<1x128xi32, #tpu.memory_space<vmem>> -> memref<128xi32, #tpu.memory_space<vmem>>
          %dma_start3A_936 = arith.constant 0 : i32
          %dma_start3A_937 = tpu.memref_slice %arg5[%arg1, %add3A_930, %dma_start3A_936] : memref<16x160x128xi32, #tpu.memory_space<hbm>> -> memref<1x1x128xi32, #tpu.memory_space<hbm>>
          %dma_start3A_938 = tpu.memref_squeeze %dma_start3A_937 : memref<1x1x128xi32, #tpu.memory_space<hbm>> -> memref<128xi32, #tpu.memory_space<hbm>>
          %dma_start3A_939 = tpu.memref_slice %arg17[%dma_start3A_932] : memref<4x!tpu.dma_semaphore, #tpu.memory_space<semaphore_mem>> -> memref<1x!tpu.dma_semaphore, #tpu.memory_space<semaphore_mem>>
          %dma_start3A_940 = tpu.memref_squeeze %dma_start3A_939 : memref<1x!tpu.dma_semaphore, #tpu.memory_space<semaphore_mem>> -> memref<!tpu.dma_semaphore, #tpu.memory_space<semaphore_mem>>
          %dma_start3A_941 = arith.constant 0 : i32
          %dma_start3A_942 = tpu.memref_slice %arg10[%dma_start3A_931, %dma_start3A_941] : memref<4x128xi32, #tpu.memory_space<vmem>> -> memref<1x128xi32, #tpu.memory_space<vmem>>
          %dma_start3A_943 = tpu.memref_squeeze %dma_start3A_942 : memref<1x128xi32, #tpu.memory_space<vmem>> -> memref<128xi32, #tpu.memory_space<vmem>>
          %dma_start3A_944 = arith.constant 0 : i32
          %dma_start3A_945 = tpu.memref_slice %arg5[%arg1, %add3A_930, %dma_start3A_944] : memref<16x160x128xi32, #tpu.memory_space<hbm>> -> memref<1x1x128xi32, #tpu.memory_space<hbm>>
          %dma_start3A_946 = tpu.memref_squeeze %dma_start3A_945 : memref<1x1x128xi32, #tpu.memory_space<hbm>> -> memref<128xi32, #tpu.memory_space<hbm>>
          tpu.enqueue_dma source(%dma_start3A_946 : memref<128xi32, #tpu.memory_space<hbm>>) target(%dma_start3A_943 : memref<128xi32, #tpu.memory_space<vmem>>) target_semaphore(%dma_start3A_940 : memref<!tpu.dma_semaphore, #tpu.memory_space<semaphore_mem>>)
          %add3A_947 = arith.constant 4 : i32
          %add3A_948 = arith.addi %add3A_844, %add3A_947 : i32
          %sub3A = arith.constant 1 : i32
          %sub3A_949 = arith.subi %sub3A, %rem3A_611 : i32
          %dma_start3A_950 = arith.constant 1 : i32
          %dma_start3A_951 = arith.constant 1 : i32
          %dma_start3A_952 = arith.constant 0 : i32
          %dma_start3A_953 = tpu.memref_slice %arg11[%dma_start3A_950, %sub3A_949, %dma_start3A_952] : memref<4x2x128xi32, #tpu.memory_space<vmem>> -> memref<1x1x128xi32, #tpu.memory_space<vmem>>
          %dma_start3A_954 = tpu.memref_squeeze %dma_start3A_953 : memref<1x1x128xi32, #tpu.memory_space<vmem>> -> memref<128xi32, #tpu.memory_space<vmem>>
          %dma_start3A_955 = arith.constant 0 : i32
          %dma_start3A_956 = tpu.memref_slice %arg6[%arg1, %add3A_948, %dma_start3A_955] : memref<16x160x128xi32, #tpu.memory_space<hbm>> -> memref<1x1x128xi32, #tpu.memory_space<hbm>>
          %dma_start3A_957 = tpu.memref_squeeze %dma_start3A_956 : memref<1x1x128xi32, #tpu.memory_space<hbm>> -> memref<128xi32, #tpu.memory_space<hbm>>
          %dma_start3A_958 = tpu.memref_slice %arg17[%dma_start3A_951] : memref<4x!tpu.dma_semaphore, #tpu.memory_space<semaphore_mem>> -> memref<1x!tpu.dma_semaphore, #tpu.memory_space<semaphore_mem>>
          %dma_start3A_959 = tpu.memref_squeeze %dma_start3A_958 : memref<1x!tpu.dma_semaphore, #tpu.memory_space<semaphore_mem>> -> memref<!tpu.dma_semaphore, #tpu.memory_space<semaphore_mem>>
          %dma_start3A_960 = arith.constant 0 : i32
          %dma_start3A_961 = tpu.memref_slice %arg11[%dma_start3A_950, %sub3A_949, %dma_start3A_960] : memref<4x2x128xi32, #tpu.memory_space<vmem>> -> memref<1x1x128xi32, #tpu.memory_space<vmem>>
          %dma_start3A_962 = tpu.memref_squeeze %dma_start3A_961 : memref<1x1x128xi32, #tpu.memory_space<vmem>> -> memref<128xi32, #tpu.memory_space<vmem>>
          %dma_start3A_963 = arith.constant 0 : i32
          %dma_start3A_964 = tpu.memref_slice %arg6[%arg1, %add3A_948, %dma_start3A_963] : memref<16x160x128xi32, #tpu.memory_space<hbm>> -> memref<1x1x128xi32, #tpu.memory_space<hbm>>
          %dma_start3A_965 = tpu.memref_squeeze %dma_start3A_964 : memref<1x1x128xi32, #tpu.memory_space<hbm>> -> memref<128xi32, #tpu.memory_space<hbm>>
          tpu.enqueue_dma source(%dma_start3A_965 : memref<128xi32, #tpu.memory_space<hbm>>) target(%dma_start3A_962 : memref<128xi32, #tpu.memory_space<vmem>>) target_semaphore(%dma_start3A_959 : memref<!tpu.dma_semaphore, #tpu.memory_space<semaphore_mem>>)
        } else {
        }
        %mul3A_870 = arith.constant 4 : i32
        %mul3A_871 = arith.muli %scan3A_608, %mul3A_870 : i32
        %add3A_872 = arith.constant 2 : i32
        %add3A_873 = arith.addi %mul3A_871, %add3A_872 : i32
        %dma_wait3A_874 = arith.constant 2 : i32
        %dma_wait3A_875 = arith.constant 2 : i32
        %dma_wait3A_876 = arith.constant 0 : i32
        %dma_wait3A_877 = tpu.memref_slice %arg10[%dma_wait3A_874, %dma_wait3A_876] : memref<4x128xi32, #tpu.memory_space<vmem>> -> memref<1x128xi32, #tpu.memory_space<vmem>>
        %dma_wait3A_878 = tpu.memref_squeeze %dma_wait3A_877 : memref<1x128xi32, #tpu.memory_space<vmem>> -> memref<128xi32, #tpu.memory_space<vmem>>
        %dma_wait3A_879 = arith.constant 0 : i32
        %dma_wait3A_880 = arith.constant 0 : i32
        %dma_wait3A_881 = tpu.memref_slice %arg8[%dma_wait3A_879, %dma_wait3A_880] : memref<10240x64xf32, #tpu.memory_space<vmem_shared>> -> memref<10240x64xf32, #tpu.memory_space<vmem_shared>>
        %dma_wait3A_882 = tpu.memref_slice %arg18[%dma_wait3A_875] : memref<4x!tpu.dma_semaphore, #tpu.memory_space<semaphore_mem>> -> memref<1x!tpu.dma_semaphore, #tpu.memory_space<semaphore_mem>>
        %dma_wait3A_883 = tpu.memref_squeeze %dma_wait3A_882 : memref<1x!tpu.dma_semaphore, #tpu.memory_space<semaphore_mem>> -> memref<!tpu.dma_semaphore, #tpu.memory_space<semaphore_mem>>
        tpu.wait_indirect_dma semaphore(%dma_wait3A_883 : memref<!tpu.dma_semaphore, #tpu.memory_space<semaphore_mem>>) src(%dma_wait3A_881 : memref<10240x64xf32, #tpu.memory_space<vmem_shared>>) dst(%arg14 : memref<128x64xf32, #tpu.memory_space<vmem>>)
        %dma_start3A_884 = arith.constant 2 : i32
        %dma_start3A_885 = arith.constant 2 : i32
        %dma_start3A_886 = arith.constant 0 : i32
        %dma_start3A_887 = tpu.memref_slice %arg11[%dma_start3A_884, %rem3A_611, %dma_start3A_886] : memref<4x2x128xi32, #tpu.memory_space<vmem>> -> memref<1x1x128xi32, #tpu.memory_space<vmem>>
        %dma_start3A_888 = tpu.memref_squeeze %dma_start3A_887 : memref<1x1x128xi32, #tpu.memory_space<vmem>> -> memref<128xi32, #tpu.memory_space<vmem>>
        %dma_start3A_889 = arith.constant 0 : i32
        %dma_start3A_890 = arith.constant 0 : i32
        %dma_start3A_891 = tpu.memref_slice %arg9[%dma_start3A_889, %dma_start3A_890] : memref<10240x64xf32, #tpu.memory_space<vmem_shared>> -> memref<10240x64xf32, #tpu.memory_space<vmem_shared>>
        %dma_start3A_892 = tpu.memref_slice %arg19[%dma_start3A_885] : memref<4x!tpu.dma_semaphore, #tpu.memory_space<semaphore_mem>> -> memref<1x!tpu.dma_semaphore, #tpu.memory_space<semaphore_mem>>
        %dma_start3A_893 = tpu.memref_squeeze %dma_start3A_892 : memref<1x!tpu.dma_semaphore, #tpu.memory_space<semaphore_mem>> -> memref<!tpu.dma_semaphore, #tpu.memory_space<semaphore_mem>>
        tpu.enqueue_indirect_dma source(%arg14 : memref<128x64xf32, #tpu.memory_space<vmem>>) target(%dma_start3A_891 : memref<10240x64xf32, #tpu.memory_space<vmem_shared>>) offsets(%dma_start3A_888 : memref<128xi32, #tpu.memory_space<vmem>>) semaphore(%dma_start3A_893 : memref<!tpu.dma_semaphore, #tpu.memory_space<semaphore_mem>>) {add = true}
        %lt3A_894 = arith.constant 39 : i32
        %lt3A_895 = arith.cmpi slt, %scan3A_608, %lt3A_894 : i32
        %convert_element_type3A_896 = arith.extui %lt3A_895 : i1 to i32
        %cond3A_897 = arith.constant 0 : i32
        %cond3A_898 = arith.cmpi ne, %convert_element_type3A_896, %cond3A_897 : i32
        scf.if %cond3A_898 {
          %add3A_929 = arith.constant 4 : i32
          %add3A_930 = arith.addi %add3A_873, %add3A_929 : i32
          %dma_start3A_931 = arith.constant 2 : i32
          %dma_start3A_932 = arith.constant 2 : i32
          %dma_start3A_933 = arith.constant 0 : i32
          %dma_start3A_934 = tpu.memref_slice %arg10[%dma_start3A_931, %dma_start3A_933] : memref<4x128xi32, #tpu.memory_space<vmem>> -> memref<1x128xi32, #tpu.memory_space<vmem>>
          %dma_start3A_935 = tpu.memref_squeeze %dma_start3A_934 : memref<1x128xi32, #tpu.memory_space<vmem>> -> memref<128xi32, #tpu.memory_space<vmem>>
          %dma_start3A_936 = arith.constant 0 : i32
          %dma_start3A_937 = tpu.memref_slice %arg5[%arg1, %add3A_930, %dma_start3A_936] : memref<16x160x128xi32, #tpu.memory_space<hbm>> -> memref<1x1x128xi32, #tpu.memory_space<hbm>>
          %dma_start3A_938 = tpu.memref_squeeze %dma_start3A_937 : memref<1x1x128xi32, #tpu.memory_space<hbm>> -> memref<128xi32, #tpu.memory_space<hbm>>
          %dma_start3A_939 = tpu.memref_slice %arg17[%dma_start3A_932] : memref<4x!tpu.dma_semaphore, #tpu.memory_space<semaphore_mem>> -> memref<1x!tpu.dma_semaphore, #tpu.memory_space<semaphore_mem>>
          %dma_start3A_940 = tpu.memref_squeeze %dma_start3A_939 : memref<1x!tpu.dma_semaphore, #tpu.memory_space<semaphore_mem>> -> memref<!tpu.dma_semaphore, #tpu.memory_space<semaphore_mem>>
          %dma_start3A_941 = arith.constant 0 : i32
          %dma_start3A_942 = tpu.memref_slice %arg10[%dma_start3A_931, %dma_start3A_941] : memref<4x128xi32, #tpu.memory_space<vmem>> -> memref<1x128xi32, #tpu.memory_space<vmem>>
          %dma_start3A_943 = tpu.memref_squeeze %dma_start3A_942 : memref<1x128xi32, #tpu.memory_space<vmem>> -> memref<128xi32, #tpu.memory_space<vmem>>
          %dma_start3A_944 = arith.constant 0 : i32
          %dma_start3A_945 = tpu.memref_slice %arg5[%arg1, %add3A_930, %dma_start3A_944] : memref<16x160x128xi32, #tpu.memory_space<hbm>> -> memref<1x1x128xi32, #tpu.memory_space<hbm>>
          %dma_start3A_946 = tpu.memref_squeeze %dma_start3A_945 : memref<1x1x128xi32, #tpu.memory_space<hbm>> -> memref<128xi32, #tpu.memory_space<hbm>>
          tpu.enqueue_dma source(%dma_start3A_946 : memref<128xi32, #tpu.memory_space<hbm>>) target(%dma_start3A_943 : memref<128xi32, #tpu.memory_space<vmem>>) target_semaphore(%dma_start3A_940 : memref<!tpu.dma_semaphore, #tpu.memory_space<semaphore_mem>>)
          %add3A_947 = arith.constant 4 : i32
          %add3A_948 = arith.addi %add3A_873, %add3A_947 : i32
          %sub3A = arith.constant 1 : i32
          %sub3A_949 = arith.subi %sub3A, %rem3A_611 : i32
          %dma_start3A_950 = arith.constant 2 : i32
          %dma_start3A_951 = arith.constant 2 : i32
          %dma_start3A_952 = arith.constant 0 : i32
          %dma_start3A_953 = tpu.memref_slice %arg11[%dma_start3A_950, %sub3A_949, %dma_start3A_952] : memref<4x2x128xi32, #tpu.memory_space<vmem>> -> memref<1x1x128xi32, #tpu.memory_space<vmem>>
          %dma_start3A_954 = tpu.memref_squeeze %dma_start3A_953 : memref<1x1x128xi32, #tpu.memory_space<vmem>> -> memref<128xi32, #tpu.memory_space<vmem>>
          %dma_start3A_955 = arith.constant 0 : i32
          %dma_start3A_956 = tpu.memref_slice %arg6[%arg1, %add3A_948, %dma_start3A_955] : memref<16x160x128xi32, #tpu.memory_space<hbm>> -> memref<1x1x128xi32, #tpu.memory_space<hbm>>
          %dma_start3A_957 = tpu.memref_squeeze %dma_start3A_956 : memref<1x1x128xi32, #tpu.memory_space<hbm>> -> memref<128xi32, #tpu.memory_space<hbm>>
          %dma_start3A_958 = tpu.memref_slice %arg17[%dma_start3A_951] : memref<4x!tpu.dma_semaphore, #tpu.memory_space<semaphore_mem>> -> memref<1x!tpu.dma_semaphore, #tpu.memory_space<semaphore_mem>>
          %dma_start3A_959 = tpu.memref_squeeze %dma_start3A_958 : memref<1x!tpu.dma_semaphore, #tpu.memory_space<semaphore_mem>> -> memref<!tpu.dma_semaphore, #tpu.memory_space<semaphore_mem>>
          %dma_start3A_960 = arith.constant 0 : i32
          %dma_start3A_961 = tpu.memref_slice %arg11[%dma_start3A_950, %sub3A_949, %dma_start3A_960] : memref<4x2x128xi32, #tpu.memory_space<vmem>> -> memref<1x1x128xi32, #tpu.memory_space<vmem>>
          %dma_start3A_962 = tpu.memref_squeeze %dma_start3A_961 : memref<1x1x128xi32, #tpu.memory_space<vmem>> -> memref<128xi32, #tpu.memory_space<vmem>>
          %dma_start3A_963 = arith.constant 0 : i32
          %dma_start3A_964 = tpu.memref_slice %arg6[%arg1, %add3A_948, %dma_start3A_963] : memref<16x160x128xi32, #tpu.memory_space<hbm>> -> memref<1x1x128xi32, #tpu.memory_space<hbm>>
          %dma_start3A_965 = tpu.memref_squeeze %dma_start3A_964 : memref<1x1x128xi32, #tpu.memory_space<hbm>> -> memref<128xi32, #tpu.memory_space<hbm>>
          tpu.enqueue_dma source(%dma_start3A_965 : memref<128xi32, #tpu.memory_space<hbm>>) target(%dma_start3A_962 : memref<128xi32, #tpu.memory_space<vmem>>) target_semaphore(%dma_start3A_959 : memref<!tpu.dma_semaphore, #tpu.memory_space<semaphore_mem>>)
        } else {
        }
        %mul3A_899 = arith.constant 4 : i32
        %mul3A_900 = arith.muli %scan3A_608, %mul3A_899 : i32
        %add3A_901 = arith.constant 3 : i32
        %add3A_902 = arith.addi %mul3A_900, %add3A_901 : i32
        %dma_wait3A_903 = arith.constant 3 : i32
        %dma_wait3A_904 = arith.constant 3 : i32
        %dma_wait3A_905 = arith.constant 0 : i32
        %dma_wait3A_906 = tpu.memref_slice %arg10[%dma_wait3A_903, %dma_wait3A_905] : memref<4x128xi32, #tpu.memory_space<vmem>> -> memref<1x128xi32, #tpu.memory_space<vmem>>
        %dma_wait3A_907 = tpu.memref_squeeze %dma_wait3A_906 : memref<1x128xi32, #tpu.memory_space<vmem>> -> memref<128xi32, #tpu.memory_space<vmem>>
        %dma_wait3A_908 = arith.constant 0 : i32
        %dma_wait3A_909 = arith.constant 0 : i32
        %dma_wait3A_910 = tpu.memref_slice %arg8[%dma_wait3A_908, %dma_wait3A_909] : memref<10240x64xf32, #tpu.memory_space<vmem_shared>> -> memref<10240x64xf32, #tpu.memory_space<vmem_shared>>
        %dma_wait3A_911 = tpu.memref_slice %arg18[%dma_wait3A_904] : memref<4x!tpu.dma_semaphore, #tpu.memory_space<semaphore_mem>> -> memref<1x!tpu.dma_semaphore, #tpu.memory_space<semaphore_mem>>
        %dma_wait3A_912 = tpu.memref_squeeze %dma_wait3A_911 : memref<1x!tpu.dma_semaphore, #tpu.memory_space<semaphore_mem>> -> memref<!tpu.dma_semaphore, #tpu.memory_space<semaphore_mem>>
        tpu.wait_indirect_dma semaphore(%dma_wait3A_912 : memref<!tpu.dma_semaphore, #tpu.memory_space<semaphore_mem>>) src(%dma_wait3A_910 : memref<10240x64xf32, #tpu.memory_space<vmem_shared>>) dst(%arg15 : memref<128x64xf32, #tpu.memory_space<vmem>>)
        %dma_start3A_913 = arith.constant 3 : i32
        %dma_start3A_914 = arith.constant 3 : i32
        %dma_start3A_915 = arith.constant 0 : i32
        %dma_start3A_916 = tpu.memref_slice %arg11[%dma_start3A_913, %rem3A_611, %dma_start3A_915] : memref<4x2x128xi32, #tpu.memory_space<vmem>> -> memref<1x1x128xi32, #tpu.memory_space<vmem>>
        %dma_start3A_917 = tpu.memref_squeeze %dma_start3A_916 : memref<1x1x128xi32, #tpu.memory_space<vmem>> -> memref<128xi32, #tpu.memory_space<vmem>>
        %dma_start3A_918 = arith.constant 0 : i32
        %dma_start3A_919 = arith.constant 0 : i32
        %dma_start3A_920 = tpu.memref_slice %arg9[%dma_start3A_918, %dma_start3A_919] : memref<10240x64xf32, #tpu.memory_space<vmem_shared>> -> memref<10240x64xf32, #tpu.memory_space<vmem_shared>>
        %dma_start3A_921 = tpu.memref_slice %arg19[%dma_start3A_914] : memref<4x!tpu.dma_semaphore, #tpu.memory_space<semaphore_mem>> -> memref<1x!tpu.dma_semaphore, #tpu.memory_space<semaphore_mem>>
        %dma_start3A_922 = tpu.memref_squeeze %dma_start3A_921 : memref<1x!tpu.dma_semaphore, #tpu.memory_space<semaphore_mem>> -> memref<!tpu.dma_semaphore, #tpu.memory_space<semaphore_mem>>
        tpu.enqueue_indirect_dma source(%arg15 : memref<128x64xf32, #tpu.memory_space<vmem>>) target(%dma_start3A_920 : memref<10240x64xf32, #tpu.memory_space<vmem_shared>>) offsets(%dma_start3A_917 : memref<128xi32, #tpu.memory_space<vmem>>) semaphore(%dma_start3A_922 : memref<!tpu.dma_semaphore, #tpu.memory_space<semaphore_mem>>) {add = true}
        %lt3A_923 = arith.constant 39 : i32
        %lt3A_924 = arith.cmpi slt, %scan3A_608, %lt3A_923 : i32
        %convert_element_type3A_925 = arith.extui %lt3A_924 : i1 to i32
        %cond3A_926 = arith.constant 0 : i32
        %cond3A_927 = arith.cmpi ne, %convert_element_type3A_925, %cond3A_926 : i32
        scf.if %cond3A_927 {
          %add3A_929 = arith.constant 4 : i32
          %add3A_930 = arith.addi %add3A_902, %add3A_929 : i32
          %dma_start3A_931 = arith.constant 3 : i32
          %dma_start3A_932 = arith.constant 3 : i32
          %dma_start3A_933 = arith.constant 0 : i32
          %dma_start3A_934 = tpu.memref_slice %arg10[%dma_start3A_931, %dma_start3A_933] : memref<4x128xi32, #tpu.memory_space<vmem>> -> memref<1x128xi32, #tpu.memory_space<vmem>>
          %dma_start3A_935 = tpu.memref_squeeze %dma_start3A_934 : memref<1x128xi32, #tpu.memory_space<vmem>> -> memref<128xi32, #tpu.memory_space<vmem>>
          %dma_start3A_936 = arith.constant 0 : i32
          %dma_start3A_937 = tpu.memref_slice %arg5[%arg1, %add3A_930, %dma_start3A_936] : memref<16x160x128xi32, #tpu.memory_space<hbm>> -> memref<1x1x128xi32, #tpu.memory_space<hbm>>
          %dma_start3A_938 = tpu.memref_squeeze %dma_start3A_937 : memref<1x1x128xi32, #tpu.memory_space<hbm>> -> memref<128xi32, #tpu.memory_space<hbm>>
          %dma_start3A_939 = tpu.memref_slice %arg17[%dma_start3A_932] : memref<4x!tpu.dma_semaphore, #tpu.memory_space<semaphore_mem>> -> memref<1x!tpu.dma_semaphore, #tpu.memory_space<semaphore_mem>>
          %dma_start3A_940 = tpu.memref_squeeze %dma_start3A_939 : memref<1x!tpu.dma_semaphore, #tpu.memory_space<semaphore_mem>> -> memref<!tpu.dma_semaphore, #tpu.memory_space<semaphore_mem>>
          %dma_start3A_941 = arith.constant 0 : i32
          %dma_start3A_942 = tpu.memref_slice %arg10[%dma_start3A_931, %dma_start3A_941] : memref<4x128xi32, #tpu.memory_space<vmem>> -> memref<1x128xi32, #tpu.memory_space<vmem>>
          %dma_start3A_943 = tpu.memref_squeeze %dma_start3A_942 : memref<1x128xi32, #tpu.memory_space<vmem>> -> memref<128xi32, #tpu.memory_space<vmem>>
          %dma_start3A_944 = arith.constant 0 : i32
          %dma_start3A_945 = tpu.memref_slice %arg5[%arg1, %add3A_930, %dma_start3A_944] : memref<16x160x128xi32, #tpu.memory_space<hbm>> -> memref<1x1x128xi32, #tpu.memory_space<hbm>>
          %dma_start3A_946 = tpu.memref_squeeze %dma_start3A_945 : memref<1x1x128xi32, #tpu.memory_space<hbm>> -> memref<128xi32, #tpu.memory_space<hbm>>
          tpu.enqueue_dma source(%dma_start3A_946 : memref<128xi32, #tpu.memory_space<hbm>>) target(%dma_start3A_943 : memref<128xi32, #tpu.memory_space<vmem>>) target_semaphore(%dma_start3A_940 : memref<!tpu.dma_semaphore, #tpu.memory_space<semaphore_mem>>)
          %add3A_947 = arith.constant 4 : i32
          %add3A_948 = arith.addi %add3A_902, %add3A_947 : i32
          %sub3A = arith.constant 1 : i32
          %sub3A_949 = arith.subi %sub3A, %rem3A_611 : i32
          %dma_start3A_950 = arith.constant 3 : i32
          %dma_start3A_951 = arith.constant 3 : i32
          %dma_start3A_952 = arith.constant 0 : i32
          %dma_start3A_953 = tpu.memref_slice %arg11[%dma_start3A_950, %sub3A_949, %dma_start3A_952] : memref<4x2x128xi32, #tpu.memory_space<vmem>> -> memref<1x1x128xi32, #tpu.memory_space<vmem>>
          %dma_start3A_954 = tpu.memref_squeeze %dma_start3A_953 : memref<1x1x128xi32, #tpu.memory_space<vmem>> -> memref<128xi32, #tpu.memory_space<vmem>>
          %dma_start3A_955 = arith.constant 0 : i32
          %dma_start3A_956 = tpu.memref_slice %arg6[%arg1, %add3A_948, %dma_start3A_955] : memref<16x160x128xi32, #tpu.memory_space<hbm>> -> memref<1x1x128xi32, #tpu.memory_space<hbm>>
          %dma_start3A_957 = tpu.memref_squeeze %dma_start3A_956 : memref<1x1x128xi32, #tpu.memory_space<hbm>> -> memref<128xi32, #tpu.memory_space<hbm>>
          %dma_start3A_958 = tpu.memref_slice %arg17[%dma_start3A_951] : memref<4x!tpu.dma_semaphore, #tpu.memory_space<semaphore_mem>> -> memref<1x!tpu.dma_semaphore, #tpu.memory_space<semaphore_mem>>
          %dma_start3A_959 = tpu.memref_squeeze %dma_start3A_958 : memref<1x!tpu.dma_semaphore, #tpu.memory_space<semaphore_mem>> -> memref<!tpu.dma_semaphore, #tpu.memory_space<semaphore_mem>>
          %dma_start3A_960 = arith.constant 0 : i32
          %dma_start3A_961 = tpu.memref_slice %arg11[%dma_start3A_950, %sub3A_949, %dma_start3A_960] : memref<4x2x128xi32, #tpu.memory_space<vmem>> -> memref<1x1x128xi32, #tpu.memory_space<vmem>>
          %dma_start3A_962 = tpu.memref_squeeze %dma_start3A_961 : memref<1x1x128xi32, #tpu.memory_space<vmem>> -> memref<128xi32, #tpu.memory_space<vmem>>
          %dma_start3A_963 = arith.constant 0 : i32
          %dma_start3A_964 = tpu.memref_slice %arg6[%arg1, %add3A_948, %dma_start3A_963] : memref<16x160x128xi32, #tpu.memory_space<hbm>> -> memref<1x1x128xi32, #tpu.memory_space<hbm>>
          %dma_start3A_965 = tpu.memref_squeeze %dma_start3A_964 : memref<1x1x128xi32, #tpu.memory_space<hbm>> -> memref<128xi32, #tpu.memory_space<hbm>>
          tpu.enqueue_dma source(%dma_start3A_965 : memref<128xi32, #tpu.memory_space<hbm>>) target(%dma_start3A_962 : memref<128xi32, #tpu.memory_space<vmem>>) target_semaphore(%dma_start3A_959 : memref<!tpu.dma_semaphore, #tpu.memory_space<semaphore_mem>>)
        } else {
        }
        %scan3A_928 = arith.constant 0 : i32
        scf.yield %scan3A_928 : i32
      }
      %scan3A_158 = arith.constant 40 : i32
      %rem3A = arith.constant 39 : i32
      %rem3A_159 = arith.constant 2 : i32
      %rem3A_160 = arith.remsi %rem3A, %rem3A_159 : i32
      %dma_wait3A = arith.constant 0 : i32
      %dma_wait3A_161 = arith.constant 0 : i32
      %dma_wait3A_162 = arith.constant 0 : i32
      %dma_wait3A_163 = tpu.memref_slice %arg11[%dma_wait3A, %rem3A_160, %dma_wait3A_162] : memref<4x2x128xi32, #tpu.memory_space<vmem>> -> memref<1x1x128xi32, #tpu.memory_space<vmem>>
      %dma_wait3A_164 = tpu.memref_squeeze %dma_wait3A_163 : memref<1x1x128xi32, #tpu.memory_space<vmem>> -> memref<128xi32, #tpu.memory_space<vmem>>
      %dma_wait3A_165 = arith.constant 0 : i32
      %dma_wait3A_166 = arith.constant 0 : i32
      %dma_wait3A_167 = tpu.memref_slice %arg9[%dma_wait3A_165, %dma_wait3A_166] : memref<10240x64xf32, #tpu.memory_space<vmem_shared>> -> memref<10240x64xf32, #tpu.memory_space<vmem_shared>>
      %dma_wait3A_168 = tpu.memref_slice %arg19[%dma_wait3A_161] : memref<4x!tpu.dma_semaphore, #tpu.memory_space<semaphore_mem>> -> memref<1x!tpu.dma_semaphore, #tpu.memory_space<semaphore_mem>>
      %dma_wait3A_169 = tpu.memref_squeeze %dma_wait3A_168 : memref<1x!tpu.dma_semaphore, #tpu.memory_space<semaphore_mem>> -> memref<!tpu.dma_semaphore, #tpu.memory_space<semaphore_mem>>
      tpu.wait_indirect_dma semaphore(%dma_wait3A_169 : memref<!tpu.dma_semaphore, #tpu.memory_space<semaphore_mem>>) src(%arg12 : memref<128x64xf32, #tpu.memory_space<vmem>>) dst(%dma_wait3A_167 : memref<10240x64xf32, #tpu.memory_space<vmem_shared>>)
      %dma_wait3A_170 = arith.constant 1 : i32
      %dma_wait3A_171 = arith.constant 1 : i32
      %dma_wait3A_172 = arith.constant 0 : i32
      %dma_wait3A_173 = tpu.memref_slice %arg11[%dma_wait3A_170, %rem3A_160, %dma_wait3A_172] : memref<4x2x128xi32, #tpu.memory_space<vmem>> -> memref<1x1x128xi32, #tpu.memory_space<vmem>>
      %dma_wait3A_174 = tpu.memref_squeeze %dma_wait3A_173 : memref<1x1x128xi32, #tpu.memory_space<vmem>> -> memref<128xi32, #tpu.memory_space<vmem>>
      %dma_wait3A_175 = arith.constant 0 : i32
      %dma_wait3A_176 = arith.constant 0 : i32
      %dma_wait3A_177 = tpu.memref_slice %arg9[%dma_wait3A_175, %dma_wait3A_176] : memref<10240x64xf32, #tpu.memory_space<vmem_shared>> -> memref<10240x64xf32, #tpu.memory_space<vmem_shared>>
      %dma_wait3A_178 = tpu.memref_slice %arg19[%dma_wait3A_171] : memref<4x!tpu.dma_semaphore, #tpu.memory_space<semaphore_mem>> -> memref<1x!tpu.dma_semaphore, #tpu.memory_space<semaphore_mem>>
      %dma_wait3A_179 = tpu.memref_squeeze %dma_wait3A_178 : memref<1x!tpu.dma_semaphore, #tpu.memory_space<semaphore_mem>> -> memref<!tpu.dma_semaphore, #tpu.memory_space<semaphore_mem>>
      tpu.wait_indirect_dma semaphore(%dma_wait3A_179 : memref<!tpu.dma_semaphore, #tpu.memory_space<semaphore_mem>>) src(%arg13 : memref<128x64xf32, #tpu.memory_space<vmem>>) dst(%dma_wait3A_177 : memref<10240x64xf32, #tpu.memory_space<vmem_shared>>)
      %dma_wait3A_180 = arith.constant 2 : i32
      %dma_wait3A_181 = arith.constant 2 : i32
      %dma_wait3A_182 = arith.constant 0 : i32
      %dma_wait3A_183 = tpu.memref_slice %arg11[%dma_wait3A_180, %rem3A_160, %dma_wait3A_182] : memref<4x2x128xi32, #tpu.memory_space<vmem>> -> memref<1x1x128xi32, #tpu.memory_space<vmem>>
      %dma_wait3A_184 = tpu.memref_squeeze %dma_wait3A_183 : memref<1x1x128xi32, #tpu.memory_space<vmem>> -> memref<128xi32, #tpu.memory_space<vmem>>
      %dma_wait3A_185 = arith.constant 0 : i32
      %dma_wait3A_186 = arith.constant 0 : i32
      %dma_wait3A_187 = tpu.memref_slice %arg9[%dma_wait3A_185, %dma_wait3A_186] : memref<10240x64xf32, #tpu.memory_space<vmem_shared>> -> memref<10240x64xf32, #tpu.memory_space<vmem_shared>>
      %dma_wait3A_188 = tpu.memref_slice %arg19[%dma_wait3A_181] : memref<4x!tpu.dma_semaphore, #tpu.memory_space<semaphore_mem>> -> memref<1x!tpu.dma_semaphore, #tpu.memory_space<semaphore_mem>>
      %dma_wait3A_189 = tpu.memref_squeeze %dma_wait3A_188 : memref<1x!tpu.dma_semaphore, #tpu.memory_space<semaphore_mem>> -> memref<!tpu.dma_semaphore, #tpu.memory_space<semaphore_mem>>
      tpu.wait_indirect_dma semaphore(%dma_wait3A_189 : memref<!tpu.dma_semaphore, #tpu.memory_space<semaphore_mem>>) src(%arg14 : memref<128x64xf32, #tpu.memory_space<vmem>>) dst(%dma_wait3A_187 : memref<10240x64xf32, #tpu.memory_space<vmem_shared>>)
      %dma_wait3A_190 = arith.constant 3 : i32
      %dma_wait3A_191 = arith.constant 3 : i32
      %dma_wait3A_192 = arith.constant 0 : i32
      %dma_wait3A_193 = tpu.memref_slice %arg11[%dma_wait3A_190, %rem3A_160, %dma_wait3A_192] : memref<4x2x128xi32, #tpu.memory_space<vmem>> -> memref<1x1x128xi32, #tpu.memory_space<vmem>>
      %dma_wait3A_194 = tpu.memref_squeeze %dma_wait3A_193 : memref<1x1x128xi32, #tpu.memory_space<vmem>> -> memref<128xi32, #tpu.memory_space<vmem>>
      %dma_wait3A_195 = arith.constant 0 : i32
      %dma_wait3A_196 = arith.constant 0 : i32
      %dma_wait3A_197 = tpu.memref_slice %arg9[%dma_wait3A_195, %dma_wait3A_196] : memref<10240x64xf32, #tpu.memory_space<vmem_shared>> -> memref<10240x64xf32, #tpu.memory_space<vmem_shared>>
      %dma_wait3A_198 = tpu.memref_slice %arg19[%dma_wait3A_191] : memref<4x!tpu.dma_semaphore, #tpu.memory_space<semaphore_mem>> -> memref<1x!tpu.dma_semaphore, #tpu.memory_space<semaphore_mem>>
      %dma_wait3A_199 = tpu.memref_squeeze %dma_wait3A_198 : memref<1x!tpu.dma_semaphore, #tpu.memory_space<semaphore_mem>> -> memref<!tpu.dma_semaphore, #tpu.memory_space<semaphore_mem>>
      tpu.wait_indirect_dma semaphore(%dma_wait3A_199 : memref<!tpu.dma_semaphore, #tpu.memory_space<semaphore_mem>>) src(%arg15 : memref<128x64xf32, #tpu.memory_space<vmem>>) dst(%dma_wait3A_197 : memref<10240x64xf32, #tpu.memory_space<vmem_shared>>)
      %barrier3A_200 = arith.constant 0 : index
      tpu.barrier barrier_id(%barrier3A_200)
      %add3A_201 = arith.constant 0 : i32
      %add3A_202 = arith.addi %mul3A_0, %add3A_201 : i32
      %dma_start3A_203 = arith.constant 0 : i32
      %dma_start3A_204 = arith.constant 0 : i32
      %dma_start3A_205 = tpu.memref_slice %arg9[%add3A_202, %dma_start3A_204] : memref<10240x64xf32, #tpu.memory_space<vmem_shared>> -> memref<128x64xf32, #tpu.memory_space<vmem_shared>>
      %dma_start3A_206 = tpu.memref_slice %arg18[%dma_start3A_203] : memref<4x!tpu.dma_semaphore, #tpu.memory_space<semaphore_mem>> -> memref<1x!tpu.dma_semaphore, #tpu.memory_space<semaphore_mem>>
      %dma_start3A_207 = tpu.memref_squeeze %dma_start3A_206 : memref<1x!tpu.dma_semaphore, #tpu.memory_space<semaphore_mem>> -> memref<!tpu.dma_semaphore, #tpu.memory_space<semaphore_mem>>
      %dma_start3A_208 = arith.constant 0 : i32
      %dma_start3A_209 = tpu.memref_slice %arg9[%add3A_202, %dma_start3A_208] : memref<10240x64xf32, #tpu.memory_space<vmem_shared>> -> memref<128x64xf32, #tpu.memory_space<vmem_shared>>
      tpu.enqueue_dma source(%dma_start3A_209 : memref<128x64xf32, #tpu.memory_space<vmem_shared>>) target(%arg12 : memref<128x64xf32, #tpu.memory_space<vmem>>) target_semaphore(%dma_start3A_207 : memref<!tpu.dma_semaphore, #tpu.memory_space<semaphore_mem>>)
      %add3A_210 = arith.addi %mul3A_2, %mul3A_0 : i32
      %add3A_211 = arith.constant 0 : i32
      %add3A_212 = arith.addi %add3A_210, %add3A_211 : i32
      %dma_start3A_213 = arith.constant 2 : i32
      %dma_start3A_214 = arith.constant 0 : i32
      %dma_start3A_215 = tpu.memref_slice %arg3[%add3A_212, %dma_start3A_214] : memref<20480x64xf32, #tpu.memory_space<hbm>> -> memref<128x64xf32, #tpu.memory_space<hbm>>
      %dma_start3A_216 = tpu.memref_slice %arg18[%dma_start3A_213] : memref<4x!tpu.dma_semaphore, #tpu.memory_space<semaphore_mem>> -> memref<1x!tpu.dma_semaphore, #tpu.memory_space<semaphore_mem>>
      %dma_start3A_217 = tpu.memref_squeeze %dma_start3A_216 : memref<1x!tpu.dma_semaphore, #tpu.memory_space<semaphore_mem>> -> memref<!tpu.dma_semaphore, #tpu.memory_space<semaphore_mem>>
      %dma_start3A_218 = arith.constant 0 : i32
      %dma_start3A_219 = tpu.memref_slice %arg3[%add3A_212, %dma_start3A_218] : memref<20480x64xf32, #tpu.memory_space<hbm>> -> memref<128x64xf32, #tpu.memory_space<hbm>>
      tpu.enqueue_dma source(%dma_start3A_219 : memref<128x64xf32, #tpu.memory_space<hbm>>) target(%arg13 : memref<128x64xf32, #tpu.memory_space<vmem>>) target_semaphore(%dma_start3A_217 : memref<!tpu.dma_semaphore, #tpu.memory_space<semaphore_mem>>)
      %add3A_220 = arith.constant 128 : i32
      %add3A_221 = arith.addi %mul3A_0, %add3A_220 : i32
      %dma_start3A_222 = arith.constant 1 : i32
      %dma_start3A_223 = arith.constant 0 : i32
      %dma_start3A_224 = tpu.memref_slice %arg9[%add3A_221, %dma_start3A_223] : memref<10240x64xf32, #tpu.memory_space<vmem_shared>> -> memref<128x64xf32, #tpu.memory_space<vmem_shared>>
      %dma_start3A_225 = tpu.memref_slice %arg18[%dma_start3A_222] : memref<4x!tpu.dma_semaphore, #tpu.memory_space<semaphore_mem>> -> memref<1x!tpu.dma_semaphore, #tpu.memory_space<semaphore_mem>>
      %dma_start3A_226 = tpu.memref_squeeze %dma_start3A_225 : memref<1x!tpu.dma_semaphore, #tpu.memory_space<semaphore_mem>> -> memref<!tpu.dma_semaphore, #tpu.memory_space<semaphore_mem>>
      %dma_start3A_227 = arith.constant 0 : i32
      %dma_start3A_228 = tpu.memref_slice %arg9[%add3A_221, %dma_start3A_227] : memref<10240x64xf32, #tpu.memory_space<vmem_shared>> -> memref<128x64xf32, #tpu.memory_space<vmem_shared>>
      tpu.enqueue_dma source(%dma_start3A_228 : memref<128x64xf32, #tpu.memory_space<vmem_shared>>) target(%arg14 : memref<128x64xf32, #tpu.memory_space<vmem>>) target_semaphore(%dma_start3A_226 : memref<!tpu.dma_semaphore, #tpu.memory_space<semaphore_mem>>)
      %add3A_229 = arith.addi %mul3A_2, %mul3A_0 : i32
      %add3A_230 = arith.constant 128 : i32
      %add3A_231 = arith.addi %add3A_229, %add3A_230 : i32
      %dma_start3A_232 = arith.constant 3 : i32
      %dma_start3A_233 = arith.constant 0 : i32
      %dma_start3A_234 = tpu.memref_slice %arg3[%add3A_231, %dma_start3A_233] : memref<20480x64xf32, #tpu.memory_space<hbm>> -> memref<128x64xf32, #tpu.memory_space<hbm>>
      %dma_start3A_235 = tpu.memref_slice %arg18[%dma_start3A_232] : memref<4x!tpu.dma_semaphore, #tpu.memory_space<semaphore_mem>> -> memref<1x!tpu.dma_semaphore, #tpu.memory_space<semaphore_mem>>
      %dma_start3A_236 = tpu.memref_squeeze %dma_start3A_235 : memref<1x!tpu.dma_semaphore, #tpu.memory_space<semaphore_mem>> -> memref<!tpu.dma_semaphore, #tpu.memory_space<semaphore_mem>>
      %dma_start3A_237 = arith.constant 0 : i32
      %dma_start3A_238 = tpu.memref_slice %arg3[%add3A_231, %dma_start3A_237] : memref<20480x64xf32, #tpu.memory_space<hbm>> -> memref<128x64xf32, #tpu.memory_space<hbm>>
      tpu.enqueue_dma source(%dma_start3A_238 : memref<128x64xf32, #tpu.memory_space<hbm>>) target(%arg15 : memref<128x64xf32, #tpu.memory_space<vmem>>) target_semaphore(%dma_start3A_236 : memref<!tpu.dma_semaphore, #tpu.memory_space<semaphore_mem>>)
      %add3A_239 = arith.constant 0 : i32
      %add3A_240 = arith.addi %mul3A_0, %add3A_239 : i32
      %dma_wait3A_241 = arith.constant 0 : i32
      %dma_wait3A_242 = arith.constant 0 : i32
      %dma_wait3A_243 = tpu.memref_slice %arg9[%add3A_240, %dma_wait3A_242] : memref<10240x64xf32, #tpu.memory_space<vmem_shared>> -> memref<128x64xf32, #tpu.memory_space<vmem_shared>>
      %dma_wait3A_244 = tpu.memref_slice %arg18[%dma_wait3A_241] : memref<4x!tpu.dma_semaphore, #tpu.memory_space<semaphore_mem>> -> memref<1x!tpu.dma_semaphore, #tpu.memory_space<semaphore_mem>>
      %dma_wait3A_245 = tpu.memref_squeeze %dma_wait3A_244 : memref<1x!tpu.dma_semaphore, #tpu.memory_space<semaphore_mem>> -> memref<!tpu.dma_semaphore, #tpu.memory_space<semaphore_mem>>
      %dma_wait3A_246 = arith.constant 0 : i32
      %dma_wait3A_247 = tpu.memref_slice %arg9[%add3A_240, %dma_wait3A_246] : memref<10240x64xf32, #tpu.memory_space<vmem_shared>> -> memref<128x64xf32, #tpu.memory_space<vmem_shared>>
      tpu.wait_dma2 semaphore(%dma_wait3A_245 : memref<!tpu.dma_semaphore, #tpu.memory_space<semaphore_mem>>) src(%dma_wait3A_247 : memref<128x64xf32, #tpu.memory_space<vmem_shared>>) dst(%arg12 : memref<128x64xf32, #tpu.memory_space<vmem>>)
      %add3A_248 = arith.addi %mul3A_2, %mul3A_0 : i32
      %add3A_249 = arith.constant 0 : i32
      %add3A_250 = arith.addi %add3A_248, %add3A_249 : i32
      %dma_wait3A_251 = arith.constant 2 : i32
      %dma_wait3A_252 = arith.constant 0 : i32
      %dma_wait3A_253 = tpu.memref_slice %arg3[%add3A_250, %dma_wait3A_252] : memref<20480x64xf32, #tpu.memory_space<hbm>> -> memref<128x64xf32, #tpu.memory_space<hbm>>
      %dma_wait3A_254 = tpu.memref_slice %arg18[%dma_wait3A_251] : memref<4x!tpu.dma_semaphore, #tpu.memory_space<semaphore_mem>> -> memref<1x!tpu.dma_semaphore, #tpu.memory_space<semaphore_mem>>
      %dma_wait3A_255 = tpu.memref_squeeze %dma_wait3A_254 : memref<1x!tpu.dma_semaphore, #tpu.memory_space<semaphore_mem>> -> memref<!tpu.dma_semaphore, #tpu.memory_space<semaphore_mem>>
      %dma_wait3A_256 = arith.constant 0 : i32
      %dma_wait3A_257 = tpu.memref_slice %arg3[%add3A_250, %dma_wait3A_256] : memref<20480x64xf32, #tpu.memory_space<hbm>> -> memref<128x64xf32, #tpu.memory_space<hbm>>
      tpu.wait_dma2 semaphore(%dma_wait3A_255 : memref<!tpu.dma_semaphore, #tpu.memory_space<semaphore_mem>>) src(%dma_wait3A_257 : memref<128x64xf32, #tpu.memory_space<hbm>>) dst(%arg13 : memref<128x64xf32, #tpu.memory_space<vmem>>)
      %scan3A_258 = arith.constant 0 : i32
      %scan3A_259 = arith.constant 0 : i32
      %scan3A_260 = arith.constant 128 : i32
      %scan3A_261 = arith.addi %scan3A_259, %scan3A_260 : i32
      %scan3A_262 = arith.constant 1 : i32
      %scan3A_263 = scf.for %scan3A_608 = %scan3A_259 to %scan3A_261 step %scan3A_262 iter_args(%scan3A_609 = %scan3A_258) -> (i32)  : i32 {
        %add3A_610 = arith.constant 0 : i32
        %add3A_611 = arith.addi %add3A_610, %scan3A_608 : i32
        %get3A = arith.index_cast %add3A_611 : i32 to index
        %get3A_612 = arith.constant 0 : index
        %get3A_613 = tpu.vector_load %arg16[%get3A, %get3A_612] {strides = array<i32>} : memref<640x16xf32, #tpu.memory_space<vmem>>, vector<1x16xf32>,
        %get3A_614 = vector.shape_cast %get3A_613 : vector<1x16xf32> to vector<16xf32>
        %get3A_615 = arith.index_cast %scan3A_608 : i32 to index
        %get3A_616 = arith.constant 0 : index
        %get3A_617 = tpu.vector_load %arg12[%get3A_615, %get3A_616] {strides = array<i32>} : memref<128x64xf32, #tpu.memory_space<vmem>>, vector<1x16xf32>,
        %get3A_618 = vector.shape_cast %get3A_617 : vector<1x16xf32> to vector<16xf32>
        %mul3A_619 = arith.mulf %get3A_614, %get3A_618 : vector<16xf32>
        %get3A_620 = arith.index_cast %scan3A_608 : i32 to index
        %get3A_621 = arith.constant 0 : index
        %get3A_622 = tpu.vector_load %arg13[%get3A_620, %get3A_621] {strides = array<i32>} : memref<128x64xf32, #tpu.memory_space<vmem>>, vector<1x16xf32>,
        %get3A_623 = vector.shape_cast %get3A_622 : vector<1x16xf32> to vector<16xf32>
        %mul3A_624 = arith.constant 1.000000e-01 : f32
        %mul3A_625 = vector.broadcast %mul3A_624 : f32 to vector<16xf32>
        %mul3A_626 = arith.mulf %mul3A_625, %get3A_623 : vector<16xf32>
        %add3A_627 = arith.addf %mul3A_619, %mul3A_626 : vector<16xf32>
        %swap3A = arith.index_cast %scan3A_608 : i32 to index
        %swap3A_628 = arith.constant 0 : index
        %swap3A_629 = tpu.vector_load %arg12[%swap3A, %swap3A_628] {strides = array<i32>} : memref<128x64xf32, #tpu.memory_space<vmem>>, vector<1x16xf32>,
        %swap3A_630 = vector.shape_cast %swap3A_629 : vector<1x16xf32> to vector<16xf32>
        %swap3A_631 = vector.shape_cast %add3A_627 : vector<16xf32> to vector<1x16xf32>
        tpu.vector_store %arg12[%swap3A, %swap3A_628], %swap3A_631 {strides = array<i32>} : memref<128x64xf32, #tpu.memory_space<vmem>>, vector<1x16xf32>,
        %get3A_632 = arith.index_cast %scan3A_608 : i32 to index
        %get3A_633 = arith.constant 16 : index
        %get3A_634 = tpu.vector_load %arg12[%get3A_632, %get3A_633] {strides = array<i32>} : memref<128x64xf32, #tpu.memory_space<vmem>>, vector<1x16xf32>,
        %get3A_635 = vector.shape_cast %get3A_634 : vector<1x16xf32> to vector<16xf32>
        %mul3A_636 = arith.mulf %get3A_614, %get3A_635 : vector<16xf32>
        %get3A_637 = arith.index_cast %scan3A_608 : i32 to index
        %get3A_638 = arith.constant 16 : index
        %get3A_639 = tpu.vector_load %arg13[%get3A_637, %get3A_638] {strides = array<i32>} : memref<128x64xf32, #tpu.memory_space<vmem>>, vector<1x16xf32>,
        %get3A_640 = vector.shape_cast %get3A_639 : vector<1x16xf32> to vector<16xf32>
        %mul3A_641 = arith.constant 1.000000e-01 : f32
        %mul3A_642 = vector.broadcast %mul3A_641 : f32 to vector<16xf32>
        %mul3A_643 = arith.mulf %mul3A_642, %get3A_640 : vector<16xf32>
        %add3A_644 = arith.addf %mul3A_636, %mul3A_643 : vector<16xf32>
        %swap3A_645 = arith.index_cast %scan3A_608 : i32 to index
        %swap3A_646 = arith.constant 16 : index
        %swap3A_647 = tpu.vector_load %arg12[%swap3A_645, %swap3A_646] {strides = array<i32>} : memref<128x64xf32, #tpu.memory_space<vmem>>, vector<1x16xf32>,
        %swap3A_648 = vector.shape_cast %swap3A_647 : vector<1x16xf32> to vector<16xf32>
        %swap3A_649 = vector.shape_cast %add3A_644 : vector<16xf32> to vector<1x16xf32>
        tpu.vector_store %arg12[%swap3A_645, %swap3A_646], %swap3A_649 {strides = array<i32>} : memref<128x64xf32, #tpu.memory_space<vmem>>, vector<1x16xf32>,
        %get3A_650 = arith.index_cast %scan3A_608 : i32 to index
        %get3A_651 = arith.constant 32 : index
        %get3A_652 = tpu.vector_load %arg12[%get3A_650, %get3A_651] {strides = array<i32>} : memref<128x64xf32, #tpu.memory_space<vmem>>, vector<1x16xf32>,
        %get3A_653 = vector.shape_cast %get3A_652 : vector<1x16xf32> to vector<16xf32>
        %mul3A_654 = arith.mulf %get3A_614, %get3A_653 : vector<16xf32>
        %get3A_655 = arith.index_cast %scan3A_608 : i32 to index
        %get3A_656 = arith.constant 32 : index
        %get3A_657 = tpu.vector_load %arg13[%get3A_655, %get3A_656] {strides = array<i32>} : memref<128x64xf32, #tpu.memory_space<vmem>>, vector<1x16xf32>,
        %get3A_658 = vector.shape_cast %get3A_657 : vector<1x16xf32> to vector<16xf32>
        %mul3A_659 = arith.constant 1.000000e-01 : f32
        %mul3A_660 = vector.broadcast %mul3A_659 : f32 to vector<16xf32>
        %mul3A_661 = arith.mulf %mul3A_660, %get3A_658 : vector<16xf32>
        %add3A_662 = arith.addf %mul3A_654, %mul3A_661 : vector<16xf32>
        %swap3A_663 = arith.index_cast %scan3A_608 : i32 to index
        %swap3A_664 = arith.constant 32 : index
        %swap3A_665 = tpu.vector_load %arg12[%swap3A_663, %swap3A_664] {strides = array<i32>} : memref<128x64xf32, #tpu.memory_space<vmem>>, vector<1x16xf32>,
        %swap3A_666 = vector.shape_cast %swap3A_665 : vector<1x16xf32> to vector<16xf32>
        %swap3A_667 = vector.shape_cast %add3A_662 : vector<16xf32> to vector<1x16xf32>
        tpu.vector_store %arg12[%swap3A_663, %swap3A_664], %swap3A_667 {strides = array<i32>} : memref<128x64xf32, #tpu.memory_space<vmem>>, vector<1x16xf32>,
        %get3A_668 = arith.index_cast %scan3A_608 : i32 to index
        %get3A_669 = arith.constant 48 : index
        %get3A_670 = tpu.vector_load %arg12[%get3A_668, %get3A_669] {strides = array<i32>} : memref<128x64xf32, #tpu.memory_space<vmem>>, vector<1x16xf32>,
        %get3A_671 = vector.shape_cast %get3A_670 : vector<1x16xf32> to vector<16xf32>
        %mul3A_672 = arith.mulf %get3A_614, %get3A_671 : vector<16xf32>
        %get3A_673 = arith.index_cast %scan3A_608 : i32 to index
        %get3A_674 = arith.constant 48 : index
        %get3A_675 = tpu.vector_load %arg13[%get3A_673, %get3A_674] {strides = array<i32>} : memref<128x64xf32, #tpu.memory_space<vmem>>, vector<1x16xf32>,
        %get3A_676 = vector.shape_cast %get3A_675 : vector<1x16xf32> to vector<16xf32>
        %mul3A_677 = arith.constant 1.000000e-01 : f32
        %mul3A_678 = vector.broadcast %mul3A_677 : f32 to vector<16xf32>
        %mul3A_679 = arith.mulf %mul3A_678, %get3A_676 : vector<16xf32>
        %add3A_680 = arith.addf %mul3A_672, %mul3A_679 : vector<16xf32>
        %swap3A_681 = arith.index_cast %scan3A_608 : i32 to index
        %swap3A_682 = arith.constant 48 : index
        %swap3A_683 = tpu.vector_load %arg12[%swap3A_681, %swap3A_682] {strides = array<i32>} : memref<128x64xf32, #tpu.memory_space<vmem>>, vector<1x16xf32>,
        %swap3A_684 = vector.shape_cast %swap3A_683 : vector<1x16xf32> to vector<16xf32>
        %swap3A_685 = vector.shape_cast %add3A_680 : vector<16xf32> to vector<1x16xf32>
        tpu.vector_store %arg12[%swap3A_681, %swap3A_682], %swap3A_685 {strides = array<i32>} : memref<128x64xf32, #tpu.memory_space<vmem>>, vector<1x16xf32>,
        %scan3A_686 = arith.constant 0 : i32
        scf.yield %scan3A_686 : i32
      }
      %scan3A_264 = arith.constant 128 : i32
      %add3A_265 = arith.constant 0 : i32
      %add3A_266 = arith.addi %mul3A_0, %add3A_265 : i32
      %dma_start3A_267 = arith.constant 0 : i32
      %dma_start3A_268 = arith.constant 0 : i32
      %dma_start3A_269 = tpu.memref_slice %arg9[%add3A_266, %dma_start3A_268] : memref<10240x64xf32, #tpu.memory_space<vmem_shared>> -> memref<128x64xf32, #tpu.memory_space<vmem_shared>>
      %dma_start3A_270 = tpu.memref_slice %arg19[%dma_start3A_267] : memref<4x!tpu.dma_semaphore, #tpu.memory_space<semaphore_mem>> -> memref<1x!tpu.dma_semaphore, #tpu.memory_space<semaphore_mem>>
      %dma_start3A_271 = tpu.memref_squeeze %dma_start3A_270 : memref<1x!tpu.dma_semaphore, #tpu.memory_space<semaphore_mem>> -> memref<!tpu.dma_semaphore, #tpu.memory_space<semaphore_mem>>
      %dma_start3A_272 = arith.constant 0 : i32
      %dma_start3A_273 = tpu.memref_slice %arg9[%add3A_266, %dma_start3A_272] : memref<10240x64xf32, #tpu.memory_space<vmem_shared>> -> memref<128x64xf32, #tpu.memory_space<vmem_shared>>
      tpu.enqueue_dma source(%arg12 : memref<128x64xf32, #tpu.memory_space<vmem>>) target(%dma_start3A_273 : memref<128x64xf32, #tpu.memory_space<vmem_shared>>) target_semaphore(%dma_start3A_271 : memref<!tpu.dma_semaphore, #tpu.memory_space<semaphore_mem>>)
      %add3A_274 = arith.constant 0 : i32
      %add3A_275 = arith.addi %mul3A_0, %add3A_274 : i32
      %dma_start3A_276 = arith.constant 0 : i32
      %dma_start3A_277 = arith.constant 0 : i32
      %dma_start3A_278 = tpu.memref_slice %arg8[%add3A_275, %dma_start3A_277] : memref<10240x64xf32, #tpu.memory_space<vmem_shared>> -> memref<128x64xf32, #tpu.memory_space<vmem_shared>>
      %dma_start3A_279 = tpu.memref_slice %arg19[%dma_start3A_276] : memref<4x!tpu.dma_semaphore, #tpu.memory_space<semaphore_mem>> -> memref<1x!tpu.dma_semaphore, #tpu.memory_space<semaphore_mem>>
      %dma_start3A_280 = tpu.memref_squeeze %dma_start3A_279 : memref<1x!tpu.dma_semaphore, #tpu.memory_space<semaphore_mem>> -> memref<!tpu.dma_semaphore, #tpu.memory_space<semaphore_mem>>
      %dma_start3A_281 = arith.constant 0 : i32
      %dma_start3A_282 = tpu.memref_slice %arg8[%add3A_275, %dma_start3A_281] : memref<10240x64xf32, #tpu.memory_space<vmem_shared>> -> memref<128x64xf32, #tpu.memory_space<vmem_shared>>
      tpu.enqueue_dma source(%arg12 : memref<128x64xf32, #tpu.memory_space<vmem>>) target(%dma_start3A_282 : memref<128x64xf32, #tpu.memory_space<vmem_shared>>) target_semaphore(%dma_start3A_280 : memref<!tpu.dma_semaphore, #tpu.memory_space<semaphore_mem>>)
      %add3A_283 = arith.constant 0 : i32
      %add3A_284 = arith.addi %mul3A_0, %add3A_283 : i32
      %dma_wait3A_285 = arith.constant 0 : i32
      %dma_wait3A_286 = arith.constant 0 : i32
      %dma_wait3A_287 = tpu.memref_slice %arg9[%add3A_284, %dma_wait3A_286] : memref<10240x64xf32, #tpu.memory_space<vmem_shared>> -> memref<128x64xf32, #tpu.memory_space<vmem_shared>>
      %dma_wait3A_288 = tpu.memref_slice %arg19[%dma_wait3A_285] : memref<4x!tpu.dma_semaphore, #tpu.memory_space<semaphore_mem>> -> memref<1x!tpu.dma_semaphore, #tpu.memory_space<semaphore_mem>>
      %dma_wait3A_289 = tpu.memref_squeeze %dma_wait3A_288 : memref<1x!tpu.dma_semaphore, #tpu.memory_space<semaphore_mem>> -> memref<!tpu.dma_semaphore, #tpu.memory_space<semaphore_mem>>
      %dma_wait3A_290 = arith.constant 0 : i32
      %dma_wait3A_291 = tpu.memref_slice %arg9[%add3A_284, %dma_wait3A_290] : memref<10240x64xf32, #tpu.memory_space<vmem_shared>> -> memref<128x64xf32, #tpu.memory_space<vmem_shared>>
      tpu.wait_dma2 semaphore(%dma_wait3A_289 : memref<!tpu.dma_semaphore, #tpu.memory_space<semaphore_mem>>) src(%arg12 : memref<128x64xf32, #tpu.memory_space<vmem>>) dst(%dma_wait3A_291 : memref<128x64xf32, #tpu.memory_space<vmem_shared>>)
      %add3A_292 = arith.constant 0 : i32
      %add3A_293 = arith.addi %mul3A_0, %add3A_292 : i32
      %dma_wait3A_294 = arith.constant 0 : i32
      %dma_wait3A_295 = arith.constant 0 : i32
      %dma_wait3A_296 = tpu.memref_slice %arg8[%add3A_293, %dma_wait3A_295] : memref<10240x64xf32, #tpu.memory_space<vmem_shared>> -> memref<128x64xf32, #tpu.memory_space<vmem_shared>>
      %dma_wait3A_297 = tpu.memref_slice %arg19[%dma_wait3A_294] : memref<4x!tpu.dma_semaphore, #tpu.memory_space<semaphore_mem>> -> memref<1x!tpu.dma_semaphore, #tpu.memory_space<semaphore_mem>>
      %dma_wait3A_298 = tpu.memref_squeeze %dma_wait3A_297 : memref<1x!tpu.dma_semaphore, #tpu.memory_space<semaphore_mem>> -> memref<!tpu.dma_semaphore, #tpu.memory_space<semaphore_mem>>
      %dma_wait3A_299 = arith.constant 0 : i32
      %dma_wait3A_300 = tpu.memref_slice %arg8[%add3A_293, %dma_wait3A_299] : memref<10240x64xf32, #tpu.memory_space<vmem_shared>> -> memref<128x64xf32, #tpu.memory_space<vmem_shared>>
      tpu.wait_dma2 semaphore(%dma_wait3A_298 : memref<!tpu.dma_semaphore, #tpu.memory_space<semaphore_mem>>) src(%arg12 : memref<128x64xf32, #tpu.memory_space<vmem>>) dst(%dma_wait3A_300 : memref<128x64xf32, #tpu.memory_space<vmem_shared>>)
      %add3A_301 = arith.constant 256 : i32
      %add3A_302 = arith.addi %mul3A_0, %add3A_301 : i32
      %dma_start3A_303 = arith.constant 0 : i32
      %dma_start3A_304 = arith.constant 0 : i32
      %dma_start3A_305 = tpu.memref_slice %arg9[%add3A_302, %dma_start3A_304] : memref<10240x64xf32, #tpu.memory_space<vmem_shared>> -> memref<128x64xf32, #tpu.memory_space<vmem_shared>>
      %dma_start3A_306 = tpu.memref_slice %arg18[%dma_start3A_303] : memref<4x!tpu.dma_semaphore, #tpu.memory_space<semaphore_mem>> -> memref<1x!tpu.dma_semaphore, #tpu.memory_space<semaphore_mem>>
      %dma_start3A_307 = tpu.memref_squeeze %dma_start3A_306 : memref<1x!tpu.dma_semaphore, #tpu.memory_space<semaphore_mem>> -> memref<!tpu.dma_semaphore, #tpu.memory_space<semaphore_mem>>
      %dma_start3A_308 = arith.constant 0 : i32
      %dma_start3A_309 = tpu.memref_slice %arg9[%add3A_302, %dma_start3A_308] : memref<10240x64xf32, #tpu.memory_space<vmem_shared>> -> memref<128x64xf32, #tpu.memory_space<vmem_shared>>
      tpu.enqueue_dma source(%dma_start3A_309 : memref<128x64xf32, #tpu.memory_space<vmem_shared>>) target(%arg12 : memref<128x64xf32, #tpu.memory_space<vmem>>) target_semaphore(%dma_start3A_307 : memref<!tpu.dma_semaphore, #tpu.memory_space<semaphore_mem>>)
      %add3A_310 = arith.addi %mul3A_2, %mul3A_0 : i32
      %add3A_311 = arith.constant 256 : i32
      %add3A_312 = arith.addi %add3A_310, %add3A_311 : i32
      %dma_start3A_313 = arith.constant 2 : i32
      %dma_start3A_314 = arith.constant 0 : i32
      %dma_start3A_315 = tpu.memref_slice %arg3[%add3A_312, %dma_start3A_314] : memref<20480x64xf32, #tpu.memory_space<hbm>> -> memref<128x64xf32, #tpu.memory_space<hbm>>
      %dma_start3A_316 = tpu.memref_slice %arg18[%dma_start3A_313] : memref<4x!tpu.dma_semaphore, #tpu.memory_space<semaphore_mem>> -> memref<1x!tpu.dma_semaphore, #tpu.memory_space<semaphore_mem>>
      %dma_start3A_317 = tpu.memref_squeeze %dma_start3A_316 : memref<1x!tpu.dma_semaphore, #tpu.memory_space<semaphore_mem>> -> memref<!tpu.dma_semaphore, #tpu.memory_space<semaphore_mem>>
      %dma_start3A_318 = arith.constant 0 : i32
      %dma_start3A_319 = tpu.memref_slice %arg3[%add3A_312, %dma_start3A_318] : memref<20480x64xf32, #tpu.memory_space<hbm>> -> memref<128x64xf32, #tpu.memory_space<hbm>>
      tpu.enqueue_dma source(%dma_start3A_319 : memref<128x64xf32, #tpu.memory_space<hbm>>) target(%arg13 : memref<128x64xf32, #tpu.memory_space<vmem>>) target_semaphore(%dma_start3A_317 : memref<!tpu.dma_semaphore, #tpu.memory_space<semaphore_mem>>)
      %add3A_320 = arith.constant 128 : i32
      %add3A_321 = arith.addi %mul3A_0, %add3A_320 : i32
      %dma_wait3A_322 = arith.constant 1 : i32
      %dma_wait3A_323 = arith.constant 0 : i32
      %dma_wait3A_324 = tpu.memref_slice %arg9[%add3A_321, %dma_wait3A_323] : memref<10240x64xf32, #tpu.memory_space<vmem_shared>> -> memref<128x64xf32, #tpu.memory_space<vmem_shared>>
      %dma_wait3A_325 = tpu.memref_slice %arg18[%dma_wait3A_322] : memref<4x!tpu.dma_semaphore, #tpu.memory_space<semaphore_mem>> -> memref<1x!tpu.dma_semaphore, #tpu.memory_space<semaphore_mem>>
      %dma_wait3A_326 = tpu.memref_squeeze %dma_wait3A_325 : memref<1x!tpu.dma_semaphore, #tpu.memory_space<semaphore_mem>> -> memref<!tpu.dma_semaphore, #tpu.memory_space<semaphore_mem>>
      %dma_wait3A_327 = arith.constant 0 : i32
      %dma_wait3A_328 = tpu.memref_slice %arg9[%add3A_321, %dma_wait3A_327] : memref<10240x64xf32, #tpu.memory_space<vmem_shared>> -> memref<128x64xf32, #tpu.memory_space<vmem_shared>>
      tpu.wait_dma2 semaphore(%dma_wait3A_326 : memref<!tpu.dma_semaphore, #tpu.memory_space<semaphore_mem>>) src(%dma_wait3A_328 : memref<128x64xf32, #tpu.memory_space<vmem_shared>>) dst(%arg14 : memref<128x64xf32, #tpu.memory_space<vmem>>)
      %add3A_329 = arith.addi %mul3A_2, %mul3A_0 : i32
      %add3A_330 = arith.constant 128 : i32
      %add3A_331 = arith.addi %add3A_329, %add3A_330 : i32
      %dma_wait3A_332 = arith.constant 3 : i32
      %dma_wait3A_333 = arith.constant 0 : i32
      %dma_wait3A_334 = tpu.memref_slice %arg3[%add3A_331, %dma_wait3A_333] : memref<20480x64xf32, #tpu.memory_space<hbm>> -> memref<128x64xf32, #tpu.memory_space<hbm>>
      %dma_wait3A_335 = tpu.memref_slice %arg18[%dma_wait3A_332] : memref<4x!tpu.dma_semaphore, #tpu.memory_space<semaphore_mem>> -> memref<1x!tpu.dma_semaphore, #tpu.memory_space<semaphore_mem>>
      %dma_wait3A_336 = tpu.memref_squeeze %dma_wait3A_335 : memref<1x!tpu.dma_semaphore, #tpu.memory_space<semaphore_mem>> -> memref<!tpu.dma_semaphore, #tpu.memory_space<semaphore_mem>>
      %dma_wait3A_337 = arith.constant 0 : i32
      %dma_wait3A_338 = tpu.memref_slice %arg3[%add3A_331, %dma_wait3A_337] : memref<20480x64xf32, #tpu.memory_space<hbm>> -> memref<128x64xf32, #tpu.memory_space<hbm>>
      tpu.wait_dma2 semaphore(%dma_wait3A_336 : memref<!tpu.dma_semaphore, #tpu.memory_space<semaphore_mem>>) src(%dma_wait3A_338 : memref<128x64xf32, #tpu.memory_space<hbm>>) dst(%arg15 : memref<128x64xf32, #tpu.memory_space<vmem>>)
      %scan3A_339 = arith.constant 0 : i32
      %scan3A_340 = arith.constant 0 : i32
      %scan3A_341 = arith.constant 128 : i32
      %scan3A_342 = arith.addi %scan3A_340, %scan3A_341 : i32
      %scan3A_343 = arith.constant 1 : i32
      %scan3A_344 = scf.for %scan3A_608 = %scan3A_340 to %scan3A_342 step %scan3A_343 iter_args(%scan3A_609 = %scan3A_339) -> (i32)  : i32 {
        %add3A_610 = arith.constant 128 : i32
        %add3A_611 = arith.addi %add3A_610, %scan3A_608 : i32
        %get3A = arith.index_cast %add3A_611 : i32 to index
        %get3A_612 = arith.constant 0 : index
        %get3A_613 = tpu.vector_load %arg16[%get3A, %get3A_612] {strides = array<i32>} : memref<640x16xf32, #tpu.memory_space<vmem>>, vector<1x16xf32>,
        %get3A_614 = vector.shape_cast %get3A_613 : vector<1x16xf32> to vector<16xf32>
        %get3A_615 = arith.index_cast %scan3A_608 : i32 to index
        %get3A_616 = arith.constant 0 : index
        %get3A_617 = tpu.vector_load %arg14[%get3A_615, %get3A_616] {strides = array<i32>} : memref<128x64xf32, #tpu.memory_space<vmem>>, vector<1x16xf32>,
        %get3A_618 = vector.shape_cast %get3A_617 : vector<1x16xf32> to vector<16xf32>
        %mul3A_619 = arith.mulf %get3A_614, %get3A_618 : vector<16xf32>
        %get3A_620 = arith.index_cast %scan3A_608 : i32 to index
        %get3A_621 = arith.constant 0 : index
        %get3A_622 = tpu.vector_load %arg15[%get3A_620, %get3A_621] {strides = array<i32>} : memref<128x64xf32, #tpu.memory_space<vmem>>, vector<1x16xf32>,
        %get3A_623 = vector.shape_cast %get3A_622 : vector<1x16xf32> to vector<16xf32>
        %mul3A_624 = arith.constant 1.000000e-01 : f32
        %mul3A_625 = vector.broadcast %mul3A_624 : f32 to vector<16xf32>
        %mul3A_626 = arith.mulf %mul3A_625, %get3A_623 : vector<16xf32>
        %add3A_627 = arith.addf %mul3A_619, %mul3A_626 : vector<16xf32>
        %swap3A = arith.index_cast %scan3A_608 : i32 to index
        %swap3A_628 = arith.constant 0 : index
        %swap3A_629 = tpu.vector_load %arg14[%swap3A, %swap3A_628] {strides = array<i32>} : memref<128x64xf32, #tpu.memory_space<vmem>>, vector<1x16xf32>,
        %swap3A_630 = vector.shape_cast %swap3A_629 : vector<1x16xf32> to vector<16xf32>
        %swap3A_631 = vector.shape_cast %add3A_627 : vector<16xf32> to vector<1x16xf32>
        tpu.vector_store %arg14[%swap3A, %swap3A_628], %swap3A_631 {strides = array<i32>} : memref<128x64xf32, #tpu.memory_space<vmem>>, vector<1x16xf32>,
        %get3A_632 = arith.index_cast %scan3A_608 : i32 to index
        %get3A_633 = arith.constant 16 : index
        %get3A_634 = tpu.vector_load %arg14[%get3A_632, %get3A_633] {strides = array<i32>} : memref<128x64xf32, #tpu.memory_space<vmem>>, vector<1x16xf32>,
        %get3A_635 = vector.shape_cast %get3A_634 : vector<1x16xf32> to vector<16xf32>
        %mul3A_636 = arith.mulf %get3A_614, %get3A_635 : vector<16xf32>
        %get3A_637 = arith.index_cast %scan3A_608 : i32 to index
        %get3A_638 = arith.constant 16 : index
        %get3A_639 = tpu.vector_load %arg15[%get3A_637, %get3A_638] {strides = array<i32>} : memref<128x64xf32, #tpu.memory_space<vmem>>, vector<1x16xf32>,
        %get3A_640 = vector.shape_cast %get3A_639 : vector<1x16xf32> to vector<16xf32>
        %mul3A_641 = arith.constant 1.000000e-01 : f32
        %mul3A_642 = vector.broadcast %mul3A_641 : f32 to vector<16xf32>
        %mul3A_643 = arith.mulf %mul3A_642, %get3A_640 : vector<16xf32>
        %add3A_644 = arith.addf %mul3A_636, %mul3A_643 : vector<16xf32>
        %swap3A_645 = arith.index_cast %scan3A_608 : i32 to index
        %swap3A_646 = arith.constant 16 : index
        %swap3A_647 = tpu.vector_load %arg14[%swap3A_645, %swap3A_646] {strides = array<i32>} : memref<128x64xf32, #tpu.memory_space<vmem>>, vector<1x16xf32>,
        %swap3A_648 = vector.shape_cast %swap3A_647 : vector<1x16xf32> to vector<16xf32>
        %swap3A_649 = vector.shape_cast %add3A_644 : vector<16xf32> to vector<1x16xf32>
        tpu.vector_store %arg14[%swap3A_645, %swap3A_646], %swap3A_649 {strides = array<i32>} : memref<128x64xf32, #tpu.memory_space<vmem>>, vector<1x16xf32>,
        %get3A_650 = arith.index_cast %scan3A_608 : i32 to index
        %get3A_651 = arith.constant 32 : index
        %get3A_652 = tpu.vector_load %arg14[%get3A_650, %get3A_651] {strides = array<i32>} : memref<128x64xf32, #tpu.memory_space<vmem>>, vector<1x16xf32>,
        %get3A_653 = vector.shape_cast %get3A_652 : vector<1x16xf32> to vector<16xf32>
        %mul3A_654 = arith.mulf %get3A_614, %get3A_653 : vector<16xf32>
        %get3A_655 = arith.index_cast %scan3A_608 : i32 to index
        %get3A_656 = arith.constant 32 : index
        %get3A_657 = tpu.vector_load %arg15[%get3A_655, %get3A_656] {strides = array<i32>} : memref<128x64xf32, #tpu.memory_space<vmem>>, vector<1x16xf32>,
        %get3A_658 = vector.shape_cast %get3A_657 : vector<1x16xf32> to vector<16xf32>
        %mul3A_659 = arith.constant 1.000000e-01 : f32
        %mul3A_660 = vector.broadcast %mul3A_659 : f32 to vector<16xf32>
        %mul3A_661 = arith.mulf %mul3A_660, %get3A_658 : vector<16xf32>
        %add3A_662 = arith.addf %mul3A_654, %mul3A_661 : vector<16xf32>
        %swap3A_663 = arith.index_cast %scan3A_608 : i32 to index
        %swap3A_664 = arith.constant 32 : index
        %swap3A_665 = tpu.vector_load %arg14[%swap3A_663, %swap3A_664] {strides = array<i32>} : memref<128x64xf32, #tpu.memory_space<vmem>>, vector<1x16xf32>,
        %swap3A_666 = vector.shape_cast %swap3A_665 : vector<1x16xf32> to vector<16xf32>
        %swap3A_667 = vector.shape_cast %add3A_662 : vector<16xf32> to vector<1x16xf32>
        tpu.vector_store %arg14[%swap3A_663, %swap3A_664], %swap3A_667 {strides = array<i32>} : memref<128x64xf32, #tpu.memory_space<vmem>>, vector<1x16xf32>,
        %get3A_668 = arith.index_cast %scan3A_608 : i32 to index
        %get3A_669 = arith.constant 48 : index
        %get3A_670 = tpu.vector_load %arg14[%get3A_668, %get3A_669] {strides = array<i32>} : memref<128x64xf32, #tpu.memory_space<vmem>>, vector<1x16xf32>,
        %get3A_671 = vector.shape_cast %get3A_670 : vector<1x16xf32> to vector<16xf32>
        %mul3A_672 = arith.mulf %get3A_614, %get3A_671 : vector<16xf32>
        %get3A_673 = arith.index_cast %scan3A_608 : i32 to index
        %get3A_674 = arith.constant 48 : index
        %get3A_675 = tpu.vector_load %arg15[%get3A_673, %get3A_674] {strides = array<i32>} : memref<128x64xf32, #tpu.memory_space<vmem>>, vector<1x16xf32>,
        %get3A_676 = vector.shape_cast %get3A_675 : vector<1x16xf32> to vector<16xf32>
        %mul3A_677 = arith.constant 1.000000e-01 : f32
        %mul3A_678 = vector.broadcast %mul3A_677 : f32 to vector<16xf32>
        %mul3A_679 = arith.mulf %mul3A_678, %get3A_676 : vector<16xf32>
        %add3A_680 = arith.addf %mul3A_672, %mul3A_679 : vector<16xf32>
        %swap3A_681 = arith.index_cast %scan3A_608 : i32 to index
        %swap3A_682 = arith.constant 48 : index
        %swap3A_683 = tpu.vector_load %arg14[%swap3A_681, %swap3A_682] {strides = array<i32>} : memref<128x64xf32, #tpu.memory_space<vmem>>, vector<1x16xf32>,
        %swap3A_684 = vector.shape_cast %swap3A_683 : vector<1x16xf32> to vector<16xf32>
        %swap3A_685 = vector.shape_cast %add3A_680 : vector<16xf32> to vector<1x16xf32>
        tpu.vector_store %arg14[%swap3A_681, %swap3A_682], %swap3A_685 {strides = array<i32>} : memref<128x64xf32, #tpu.memory_space<vmem>>, vector<1x16xf32>,
        %scan3A_686 = arith.constant 0 : i32
        scf.yield %scan3A_686 : i32
      }
      %scan3A_345 = arith.constant 128 : i32
      %add3A_346 = arith.constant 128 : i32
      %add3A_347 = arith.addi %mul3A_0, %add3A_346 : i32
      %dma_start3A_348 = arith.constant 1 : i32
      %dma_start3A_349 = arith.constant 0 : i32
      %dma_start3A_350 = tpu.memref_slice %arg9[%add3A_347, %dma_start3A_349] : memref<10240x64xf32, #tpu.memory_space<vmem_shared>> -> memref<128x64xf32, #tpu.memory_space<vmem_shared>>
      %dma_start3A_351 = tpu.memref_slice %arg19[%dma_start3A_348] : memref<4x!tpu.dma_semaphore, #tpu.memory_space<semaphore_mem>> -> memref<1x!tpu.dma_semaphore, #tpu.memory_space<semaphore_mem>>
      %dma_start3A_352 = tpu.memref_squeeze %dma_start3A_351 : memref<1x!tpu.dma_semaphore, #tpu.memory_space<semaphore_mem>> -> memref<!tpu.dma_semaphore, #tpu.memory_space<semaphore_mem>>
      %dma_start3A_353 = arith.constant 0 : i32
      %dma_start3A_354 = tpu.memref_slice %arg9[%add3A_347, %dma_start3A_353] : memref<10240x64xf32, #tpu.memory_space<vmem_shared>> -> memref<128x64xf32, #tpu.memory_space<vmem_shared>>
      tpu.enqueue_dma source(%arg14 : memref<128x64xf32, #tpu.memory_space<vmem>>) target(%dma_start3A_354 : memref<128x64xf32, #tpu.memory_space<vmem_shared>>) target_semaphore(%dma_start3A_352 : memref<!tpu.dma_semaphore, #tpu.memory_space<semaphore_mem>>)
      %add3A_355 = arith.constant 128 : i32
      %add3A_356 = arith.addi %mul3A_0, %add3A_355 : i32
      %dma_start3A_357 = arith.constant 1 : i32
      %dma_start3A_358 = arith.constant 0 : i32
      %dma_start3A_359 = tpu.memref_slice %arg8[%add3A_356, %dma_start3A_358] : memref<10240x64xf32, #tpu.memory_space<vmem_shared>> -> memref<128x64xf32, #tpu.memory_space<vmem_shared>>
      %dma_start3A_360 = tpu.memref_slice %arg19[%dma_start3A_357] : memref<4x!tpu.dma_semaphore, #tpu.memory_space<semaphore_mem>> -> memref<1x!tpu.dma_semaphore, #tpu.memory_space<semaphore_mem>>
      %dma_start3A_361 = tpu.memref_squeeze %dma_start3A_360 : memref<1x!tpu.dma_semaphore, #tpu.memory_space<semaphore_mem>> -> memref<!tpu.dma_semaphore, #tpu.memory_space<semaphore_mem>>
      %dma_start3A_362 = arith.constant 0 : i32
      %dma_start3A_363 = tpu.memref_slice %arg8[%add3A_356, %dma_start3A_362] : memref<10240x64xf32, #tpu.memory_space<vmem_shared>> -> memref<128x64xf32, #tpu.memory_space<vmem_shared>>
      tpu.enqueue_dma source(%arg14 : memref<128x64xf32, #tpu.memory_space<vmem>>) target(%dma_start3A_363 : memref<128x64xf32, #tpu.memory_space<vmem_shared>>) target_semaphore(%dma_start3A_361 : memref<!tpu.dma_semaphore, #tpu.memory_space<semaphore_mem>>)
      %add3A_364 = arith.constant 128 : i32
      %add3A_365 = arith.addi %mul3A_0, %add3A_364 : i32
      %dma_wait3A_366 = arith.constant 1 : i32
      %dma_wait3A_367 = arith.constant 0 : i32
      %dma_wait3A_368 = tpu.memref_slice %arg9[%add3A_365, %dma_wait3A_367] : memref<10240x64xf32, #tpu.memory_space<vmem_shared>> -> memref<128x64xf32, #tpu.memory_space<vmem_shared>>
      %dma_wait3A_369 = tpu.memref_slice %arg19[%dma_wait3A_366] : memref<4x!tpu.dma_semaphore, #tpu.memory_space<semaphore_mem>> -> memref<1x!tpu.dma_semaphore, #tpu.memory_space<semaphore_mem>>
      %dma_wait3A_370 = tpu.memref_squeeze %dma_wait3A_369 : memref<1x!tpu.dma_semaphore, #tpu.memory_space<semaphore_mem>> -> memref<!tpu.dma_semaphore, #tpu.memory_space<semaphore_mem>>
      %dma_wait3A_371 = arith.constant 0 : i32
      %dma_wait3A_372 = tpu.memref_slice %arg9[%add3A_365, %dma_wait3A_371] : memref<10240x64xf32, #tpu.memory_space<vmem_shared>> -> memref<128x64xf32, #tpu.memory_space<vmem_shared>>
      tpu.wait_dma2 semaphore(%dma_wait3A_370 : memref<!tpu.dma_semaphore, #tpu.memory_space<semaphore_mem>>) src(%arg14 : memref<128x64xf32, #tpu.memory_space<vmem>>) dst(%dma_wait3A_372 : memref<128x64xf32, #tpu.memory_space<vmem_shared>>)
      %add3A_373 = arith.constant 128 : i32
      %add3A_374 = arith.addi %mul3A_0, %add3A_373 : i32
      %dma_wait3A_375 = arith.constant 1 : i32
      %dma_wait3A_376 = arith.constant 0 : i32
      %dma_wait3A_377 = tpu.memref_slice %arg8[%add3A_374, %dma_wait3A_376] : memref<10240x64xf32, #tpu.memory_space<vmem_shared>> -> memref<128x64xf32, #tpu.memory_space<vmem_shared>>
      %dma_wait3A_378 = tpu.memref_slice %arg19[%dma_wait3A_375] : memref<4x!tpu.dma_semaphore, #tpu.memory_space<semaphore_mem>> -> memref<1x!tpu.dma_semaphore, #tpu.memory_space<semaphore_mem>>
      %dma_wait3A_379 = tpu.memref_squeeze %dma_wait3A_378 : memref<1x!tpu.dma_semaphore, #tpu.memory_space<semaphore_mem>> -> memref<!tpu.dma_semaphore, #tpu.memory_space<semaphore_mem>>
      %dma_wait3A_380 = arith.constant 0 : i32
      %dma_wait3A_381 = tpu.memref_slice %arg8[%add3A_374, %dma_wait3A_380] : memref<10240x64xf32, #tpu.memory_space<vmem_shared>> -> memref<128x64xf32, #tpu.memory_space<vmem_shared>>
      tpu.wait_dma2 semaphore(%dma_wait3A_379 : memref<!tpu.dma_semaphore, #tpu.memory_space<semaphore_mem>>) src(%arg14 : memref<128x64xf32, #tpu.memory_space<vmem>>) dst(%dma_wait3A_381 : memref<128x64xf32, #tpu.memory_space<vmem_shared>>)
      %add3A_382 = arith.constant 384 : i32
      %add3A_383 = arith.addi %mul3A_0, %add3A_382 : i32
      %dma_start3A_384 = arith.constant 1 : i32
      %dma_start3A_385 = arith.constant 0 : i32
      %dma_start3A_386 = tpu.memref_slice %arg9[%add3A_383, %dma_start3A_385] : memref<10240x64xf32, #tpu.memory_space<vmem_shared>> -> memref<128x64xf32, #tpu.memory_space<vmem_shared>>
      %dma_start3A_387 = tpu.memref_slice %arg18[%dma_start3A_384] : memref<4x!tpu.dma_semaphore, #tpu.memory_space<semaphore_mem>> -> memref<1x!tpu.dma_semaphore, #tpu.memory_space<semaphore_mem>>
      %dma_start3A_388 = tpu.memref_squeeze %dma_start3A_387 : memref<1x!tpu.dma_semaphore, #tpu.memory_space<semaphore_mem>> -> memref<!tpu.dma_semaphore, #tpu.memory_space<semaphore_mem>>
      %dma_start3A_389 = arith.constant 0 : i32
      %dma_start3A_390 = tpu.memref_slice %arg9[%add3A_383, %dma_start3A_389] : memref<10240x64xf32, #tpu.memory_space<vmem_shared>> -> memref<128x64xf32, #tpu.memory_space<vmem_shared>>
      tpu.enqueue_dma source(%dma_start3A_390 : memref<128x64xf32, #tpu.memory_space<vmem_shared>>) target(%arg14 : memref<128x64xf32, #tpu.memory_space<vmem>>) target_semaphore(%dma_start3A_388 : memref<!tpu.dma_semaphore, #tpu.memory_space<semaphore_mem>>)
      %add3A_391 = arith.addi %mul3A_2, %mul3A_0 : i32
      %add3A_392 = arith.constant 384 : i32
      %add3A_393 = arith.addi %add3A_391, %add3A_392 : i32
      %dma_start3A_394 = arith.constant 3 : i32
      %dma_start3A_395 = arith.constant 0 : i32
      %dma_start3A_396 = tpu.memref_slice %arg3[%add3A_393, %dma_start3A_395] : memref<20480x64xf32, #tpu.memory_space<hbm>> -> memref<128x64xf32, #tpu.memory_space<hbm>>
      %dma_start3A_397 = tpu.memref_slice %arg18[%dma_start3A_394] : memref<4x!tpu.dma_semaphore, #tpu.memory_space<semaphore_mem>> -> memref<1x!tpu.dma_semaphore, #tpu.memory_space<semaphore_mem>>
      %dma_start3A_398 = tpu.memref_squeeze %dma_start3A_397 : memref<1x!tpu.dma_semaphore, #tpu.memory_space<semaphore_mem>> -> memref<!tpu.dma_semaphore, #tpu.memory_space<semaphore_mem>>
      %dma_start3A_399 = arith.constant 0 : i32
      %dma_start3A_400 = tpu.memref_slice %arg3[%add3A_393, %dma_start3A_399] : memref<20480x64xf32, #tpu.memory_space<hbm>> -> memref<128x64xf32, #tpu.memory_space<hbm>>
      tpu.enqueue_dma source(%dma_start3A_400 : memref<128x64xf32, #tpu.memory_space<hbm>>) target(%arg15 : memref<128x64xf32, #tpu.memory_space<vmem>>) target_semaphore(%dma_start3A_398 : memref<!tpu.dma_semaphore, #tpu.memory_space<semaphore_mem>>)
      %add3A_401 = arith.constant 256 : i32
      %add3A_402 = arith.addi %mul3A_0, %add3A_401 : i32
      %dma_wait3A_403 = arith.constant 0 : i32
      %dma_wait3A_404 = arith.constant 0 : i32
      %dma_wait3A_405 = tpu.memref_slice %arg9[%add3A_402, %dma_wait3A_404] : memref<10240x64xf32, #tpu.memory_space<vmem_shared>> -> memref<128x64xf32, #tpu.memory_space<vmem_shared>>
      %dma_wait3A_406 = tpu.memref_slice %arg18[%dma_wait3A_403] : memref<4x!tpu.dma_semaphore, #tpu.memory_space<semaphore_mem>> -> memref<1x!tpu.dma_semaphore, #tpu.memory_space<semaphore_mem>>
      %dma_wait3A_407 = tpu.memref_squeeze %dma_wait3A_406 : memref<1x!tpu.dma_semaphore, #tpu.memory_space<semaphore_mem>> -> memref<!tpu.dma_semaphore, #tpu.memory_space<semaphore_mem>>
      %dma_wait3A_408 = arith.constant 0 : i32
      %dma_wait3A_409 = tpu.memref_slice %arg9[%add3A_402, %dma_wait3A_408] : memref<10240x64xf32, #tpu.memory_space<vmem_shared>> -> memref<128x64xf32, #tpu.memory_space<vmem_shared>>
      tpu.wait_dma2 semaphore(%dma_wait3A_407 : memref<!tpu.dma_semaphore, #tpu.memory_space<semaphore_mem>>) src(%dma_wait3A_409 : memref<128x64xf32, #tpu.memory_space<vmem_shared>>) dst(%arg12 : memref<128x64xf32, #tpu.memory_space<vmem>>)
      %add3A_410 = arith.addi %mul3A_2, %mul3A_0 : i32
      %add3A_411 = arith.constant 256 : i32
      %add3A_412 = arith.addi %add3A_410, %add3A_411 : i32
      %dma_wait3A_413 = arith.constant 2 : i32
      %dma_wait3A_414 = arith.constant 0 : i32
      %dma_wait3A_415 = tpu.memref_slice %arg3[%add3A_412, %dma_wait3A_414] : memref<20480x64xf32, #tpu.memory_space<hbm>> -> memref<128x64xf32, #tpu.memory_space<hbm>>
      %dma_wait3A_416 = tpu.memref_slice %arg18[%dma_wait3A_413] : memref<4x!tpu.dma_semaphore, #tpu.memory_space<semaphore_mem>> -> memref<1x!tpu.dma_semaphore, #tpu.memory_space<semaphore_mem>>
      %dma_wait3A_417 = tpu.memref_squeeze %dma_wait3A_416 : memref<1x!tpu.dma_semaphore, #tpu.memory_space<semaphore_mem>> -> memref<!tpu.dma_semaphore, #tpu.memory_space<semaphore_mem>>
      %dma_wait3A_418 = arith.constant 0 : i32
      %dma_wait3A_419 = tpu.memref_slice %arg3[%add3A_412, %dma_wait3A_418] : memref<20480x64xf32, #tpu.memory_space<hbm>> -> memref<128x64xf32, #tpu.memory_space<hbm>>
      tpu.wait_dma2 semaphore(%dma_wait3A_417 : memref<!tpu.dma_semaphore, #tpu.memory_space<semaphore_mem>>) src(%dma_wait3A_419 : memref<128x64xf32, #tpu.memory_space<hbm>>) dst(%arg13 : memref<128x64xf32, #tpu.memory_space<vmem>>)
      %scan3A_420 = arith.constant 0 : i32
      %scan3A_421 = arith.constant 0 : i32
      %scan3A_422 = arith.constant 128 : i32
      %scan3A_423 = arith.addi %scan3A_421, %scan3A_422 : i32
      %scan3A_424 = arith.constant 1 : i32
      %scan3A_425 = scf.for %scan3A_608 = %scan3A_421 to %scan3A_423 step %scan3A_424 iter_args(%scan3A_609 = %scan3A_420) -> (i32)  : i32 {
        %add3A_610 = arith.constant 256 : i32
        %add3A_611 = arith.addi %add3A_610, %scan3A_608 : i32
        %get3A = arith.index_cast %add3A_611 : i32 to index
        %get3A_612 = arith.constant 0 : index
        %get3A_613 = tpu.vector_load %arg16[%get3A, %get3A_612] {strides = array<i32>} : memref<640x16xf32, #tpu.memory_space<vmem>>, vector<1x16xf32>,
        %get3A_614 = vector.shape_cast %get3A_613 : vector<1x16xf32> to vector<16xf32>
        %get3A_615 = arith.index_cast %scan3A_608 : i32 to index
        %get3A_616 = arith.constant 0 : index
        %get3A_617 = tpu.vector_load %arg12[%get3A_615, %get3A_616] {strides = array<i32>} : memref<128x64xf32, #tpu.memory_space<vmem>>, vector<1x16xf32>,
        %get3A_618 = vector.shape_cast %get3A_617 : vector<1x16xf32> to vector<16xf32>
        %mul3A_619 = arith.mulf %get3A_614, %get3A_618 : vector<16xf32>
        %get3A_620 = arith.index_cast %scan3A_608 : i32 to index
        %get3A_621 = arith.constant 0 : index
        %get3A_622 = tpu.vector_load %arg13[%get3A_620, %get3A_621] {strides = array<i32>} : memref<128x64xf32, #tpu.memory_space<vmem>>, vector<1x16xf32>,
        %get3A_623 = vector.shape_cast %get3A_622 : vector<1x16xf32> to vector<16xf32>
        %mul3A_624 = arith.constant 1.000000e-01 : f32
        %mul3A_625 = vector.broadcast %mul3A_624 : f32 to vector<16xf32>
        %mul3A_626 = arith.mulf %mul3A_625, %get3A_623 : vector<16xf32>
        %add3A_627 = arith.addf %mul3A_619, %mul3A_626 : vector<16xf32>
        %swap3A = arith.index_cast %scan3A_608 : i32 to index
        %swap3A_628 = arith.constant 0 : index
        %swap3A_629 = tpu.vector_load %arg12[%swap3A, %swap3A_628] {strides = array<i32>} : memref<128x64xf32, #tpu.memory_space<vmem>>, vector<1x16xf32>,
        %swap3A_630 = vector.shape_cast %swap3A_629 : vector<1x16xf32> to vector<16xf32>
        %swap3A_631 = vector.shape_cast %add3A_627 : vector<16xf32> to vector<1x16xf32>
        tpu.vector_store %arg12[%swap3A, %swap3A_628], %swap3A_631 {strides = array<i32>} : memref<128x64xf32, #tpu.memory_space<vmem>>, vector<1x16xf32>,
        %get3A_632 = arith.index_cast %scan3A_608 : i32 to index
        %get3A_633 = arith.constant 16 : index
        %get3A_634 = tpu.vector_load %arg12[%get3A_632, %get3A_633] {strides = array<i32>} : memref<128x64xf32, #tpu.memory_space<vmem>>, vector<1x16xf32>,
        %get3A_635 = vector.shape_cast %get3A_634 : vector<1x16xf32> to vector<16xf32>
        %mul3A_636 = arith.mulf %get3A_614, %get3A_635 : vector<16xf32>
        %get3A_637 = arith.index_cast %scan3A_608 : i32 to index
        %get3A_638 = arith.constant 16 : index
        %get3A_639 = tpu.vector_load %arg13[%get3A_637, %get3A_638] {strides = array<i32>} : memref<128x64xf32, #tpu.memory_space<vmem>>, vector<1x16xf32>,
        %get3A_640 = vector.shape_cast %get3A_639 : vector<1x16xf32> to vector<16xf32>
        %mul3A_641 = arith.constant 1.000000e-01 : f32
        %mul3A_642 = vector.broadcast %mul3A_641 : f32 to vector<16xf32>
        %mul3A_643 = arith.mulf %mul3A_642, %get3A_640 : vector<16xf32>
        %add3A_644 = arith.addf %mul3A_636, %mul3A_643 : vector<16xf32>
        %swap3A_645 = arith.index_cast %scan3A_608 : i32 to index
        %swap3A_646 = arith.constant 16 : index
        %swap3A_647 = tpu.vector_load %arg12[%swap3A_645, %swap3A_646] {strides = array<i32>} : memref<128x64xf32, #tpu.memory_space<vmem>>, vector<1x16xf32>,
        %swap3A_648 = vector.shape_cast %swap3A_647 : vector<1x16xf32> to vector<16xf32>
        %swap3A_649 = vector.shape_cast %add3A_644 : vector<16xf32> to vector<1x16xf32>
        tpu.vector_store %arg12[%swap3A_645, %swap3A_646], %swap3A_649 {strides = array<i32>} : memref<128x64xf32, #tpu.memory_space<vmem>>, vector<1x16xf32>,
        %get3A_650 = arith.index_cast %scan3A_608 : i32 to index
        %get3A_651 = arith.constant 32 : index
        %get3A_652 = tpu.vector_load %arg12[%get3A_650, %get3A_651] {strides = array<i32>} : memref<128x64xf32, #tpu.memory_space<vmem>>, vector<1x16xf32>,
        %get3A_653 = vector.shape_cast %get3A_652 : vector<1x16xf32> to vector<16xf32>
        %mul3A_654 = arith.mulf %get3A_614, %get3A_653 : vector<16xf32>
        %get3A_655 = arith.index_cast %scan3A_608 : i32 to index
        %get3A_656 = arith.constant 32 : index
        %get3A_657 = tpu.vector_load %arg13[%get3A_655, %get3A_656] {strides = array<i32>} : memref<128x64xf32, #tpu.memory_space<vmem>>, vector<1x16xf32>,
        %get3A_658 = vector.shape_cast %get3A_657 : vector<1x16xf32> to vector<16xf32>
        %mul3A_659 = arith.constant 1.000000e-01 : f32
        %mul3A_660 = vector.broadcast %mul3A_659 : f32 to vector<16xf32>
        %mul3A_661 = arith.mulf %mul3A_660, %get3A_658 : vector<16xf32>
        %add3A_662 = arith.addf %mul3A_654, %mul3A_661 : vector<16xf32>
        %swap3A_663 = arith.index_cast %scan3A_608 : i32 to index
        %swap3A_664 = arith.constant 32 : index
        %swap3A_665 = tpu.vector_load %arg12[%swap3A_663, %swap3A_664] {strides = array<i32>} : memref<128x64xf32, #tpu.memory_space<vmem>>, vector<1x16xf32>,
        %swap3A_666 = vector.shape_cast %swap3A_665 : vector<1x16xf32> to vector<16xf32>
        %swap3A_667 = vector.shape_cast %add3A_662 : vector<16xf32> to vector<1x16xf32>
        tpu.vector_store %arg12[%swap3A_663, %swap3A_664], %swap3A_667 {strides = array<i32>} : memref<128x64xf32, #tpu.memory_space<vmem>>, vector<1x16xf32>,
        %get3A_668 = arith.index_cast %scan3A_608 : i32 to index
        %get3A_669 = arith.constant 48 : index
        %get3A_670 = tpu.vector_load %arg12[%get3A_668, %get3A_669] {strides = array<i32>} : memref<128x64xf32, #tpu.memory_space<vmem>>, vector<1x16xf32>,
        %get3A_671 = vector.shape_cast %get3A_670 : vector<1x16xf32> to vector<16xf32>
        %mul3A_672 = arith.mulf %get3A_614, %get3A_671 : vector<16xf32>
        %get3A_673 = arith.index_cast %scan3A_608 : i32 to index
        %get3A_674 = arith.constant 48 : index
        %get3A_675 = tpu.vector_load %arg13[%get3A_673, %get3A_674] {strides = array<i32>} : memref<128x64xf32, #tpu.memory_space<vmem>>, vector<1x16xf32>,
        %get3A_676 = vector.shape_cast %get3A_675 : vector<1x16xf32> to vector<16xf32>
        %mul3A_677 = arith.constant 1.000000e-01 : f32
        %mul3A_678 = vector.broadcast %mul3A_677 : f32 to vector<16xf32>
        %mul3A_679 = arith.mulf %mul3A_678, %get3A_676 : vector<16xf32>
        %add3A_680 = arith.addf %mul3A_672, %mul3A_679 : vector<16xf32>
        %swap3A_681 = arith.index_cast %scan3A_608 : i32 to index
        %swap3A_682 = arith.constant 48 : index
        %swap3A_683 = tpu.vector_load %arg12[%swap3A_681, %swap3A_682] {strides = array<i32>} : memref<128x64xf32, #tpu.memory_space<vmem>>, vector<1x16xf32>,
        %swap3A_684 = vector.shape_cast %swap3A_683 : vector<1x16xf32> to vector<16xf32>
        %swap3A_685 = vector.shape_cast %add3A_680 : vector<16xf32> to vector<1x16xf32>
        tpu.vector_store %arg12[%swap3A_681, %swap3A_682], %swap3A_685 {strides = array<i32>} : memref<128x64xf32, #tpu.memory_space<vmem>>, vector<1x16xf32>,
        %scan3A_686 = arith.constant 0 : i32
        scf.yield %scan3A_686 : i32
      }
      %scan3A_426 = arith.constant 128 : i32
      %add3A_427 = arith.constant 256 : i32
      %add3A_428 = arith.addi %mul3A_0, %add3A_427 : i32
      %dma_start3A_429 = arith.constant 0 : i32
      %dma_start3A_430 = arith.constant 0 : i32
      %dma_start3A_431 = tpu.memref_slice %arg9[%add3A_428, %dma_start3A_430] : memref<10240x64xf32, #tpu.memory_space<vmem_shared>> -> memref<128x64xf32, #tpu.memory_space<vmem_shared>>
      %dma_start3A_432 = tpu.memref_slice %arg19[%dma_start3A_429] : memref<4x!tpu.dma_semaphore, #tpu.memory_space<semaphore_mem>> -> memref<1x!tpu.dma_semaphore, #tpu.memory_space<semaphore_mem>>
      %dma_start3A_433 = tpu.memref_squeeze %dma_start3A_432 : memref<1x!tpu.dma_semaphore, #tpu.memory_space<semaphore_mem>> -> memref<!tpu.dma_semaphore, #tpu.memory_space<semaphore_mem>>
      %dma_start3A_434 = arith.constant 0 : i32
      %dma_start3A_435 = tpu.memref_slice %arg9[%add3A_428, %dma_start3A_434] : memref<10240x64xf32, #tpu.memory_space<vmem_shared>> -> memref<128x64xf32, #tpu.memory_space<vmem_shared>>
      tpu.enqueue_dma source(%arg12 : memref<128x64xf32, #tpu.memory_space<vmem>>) target(%dma_start3A_435 : memref<128x64xf32, #tpu.memory_space<vmem_shared>>) target_semaphore(%dma_start3A_433 : memref<!tpu.dma_semaphore, #tpu.memory_space<semaphore_mem>>)
      %add3A_436 = arith.constant 256 : i32
      %add3A_437 = arith.addi %mul3A_0, %add3A_436 : i32
      %dma_start3A_438 = arith.constant 0 : i32
      %dma_start3A_439 = arith.constant 0 : i32
      %dma_start3A_440 = tpu.memref_slice %arg8[%add3A_437, %dma_start3A_439] : memref<10240x64xf32, #tpu.memory_space<vmem_shared>> -> memref<128x64xf32, #tpu.memory_space<vmem_shared>>
      %dma_start3A_441 = tpu.memref_slice %arg19[%dma_start3A_438] : memref<4x!tpu.dma_semaphore, #tpu.memory_space<semaphore_mem>> -> memref<1x!tpu.dma_semaphore, #tpu.memory_space<semaphore_mem>>
      %dma_start3A_442 = tpu.memref_squeeze %dma_start3A_441 : memref<1x!tpu.dma_semaphore, #tpu.memory_space<semaphore_mem>> -> memref<!tpu.dma_semaphore, #tpu.memory_space<semaphore_mem>>
      %dma_start3A_443 = arith.constant 0 : i32
      %dma_start3A_444 = tpu.memref_slice %arg8[%add3A_437, %dma_start3A_443] : memref<10240x64xf32, #tpu.memory_space<vmem_shared>> -> memref<128x64xf32, #tpu.memory_space<vmem_shared>>
      tpu.enqueue_dma source(%arg12 : memref<128x64xf32, #tpu.memory_space<vmem>>) target(%dma_start3A_444 : memref<128x64xf32, #tpu.memory_space<vmem_shared>>) target_semaphore(%dma_start3A_442 : memref<!tpu.dma_semaphore, #tpu.memory_space<semaphore_mem>>)
      %add3A_445 = arith.constant 256 : i32
      %add3A_446 = arith.addi %mul3A_0, %add3A_445 : i32
      %dma_wait3A_447 = arith.constant 0 : i32
      %dma_wait3A_448 = arith.constant 0 : i32
      %dma_wait3A_449 = tpu.memref_slice %arg9[%add3A_446, %dma_wait3A_448] : memref<10240x64xf32, #tpu.memory_space<vmem_shared>> -> memref<128x64xf32, #tpu.memory_space<vmem_shared>>
      %dma_wait3A_450 = tpu.memref_slice %arg19[%dma_wait3A_447] : memref<4x!tpu.dma_semaphore, #tpu.memory_space<semaphore_mem>> -> memref<1x!tpu.dma_semaphore, #tpu.memory_space<semaphore_mem>>
      %dma_wait3A_451 = tpu.memref_squeeze %dma_wait3A_450 : memref<1x!tpu.dma_semaphore, #tpu.memory_space<semaphore_mem>> -> memref<!tpu.dma_semaphore, #tpu.memory_space<semaphore_mem>>
      %dma_wait3A_452 = arith.constant 0 : i32
      %dma_wait3A_453 = tpu.memref_slice %arg9[%add3A_446, %dma_wait3A_452] : memref<10240x64xf32, #tpu.memory_space<vmem_shared>> -> memref<128x64xf32, #tpu.memory_space<vmem_shared>>
      tpu.wait_dma2 semaphore(%dma_wait3A_451 : memref<!tpu.dma_semaphore, #tpu.memory_space<semaphore_mem>>) src(%arg12 : memref<128x64xf32, #tpu.memory_space<vmem>>) dst(%dma_wait3A_453 : memref<128x64xf32, #tpu.memory_space<vmem_shared>>)
      %add3A_454 = arith.constant 256 : i32
      %add3A_455 = arith.addi %mul3A_0, %add3A_454 : i32
      %dma_wait3A_456 = arith.constant 0 : i32
      %dma_wait3A_457 = arith.constant 0 : i32
      %dma_wait3A_458 = tpu.memref_slice %arg8[%add3A_455, %dma_wait3A_457] : memref<10240x64xf32, #tpu.memory_space<vmem_shared>> -> memref<128x64xf32, #tpu.memory_space<vmem_shared>>
      %dma_wait3A_459 = tpu.memref_slice %arg19[%dma_wait3A_456] : memref<4x!tpu.dma_semaphore, #tpu.memory_space<semaphore_mem>> -> memref<1x!tpu.dma_semaphore, #tpu.memory_space<semaphore_mem>>
      %dma_wait3A_460 = tpu.memref_squeeze %dma_wait3A_459 : memref<1x!tpu.dma_semaphore, #tpu.memory_space<semaphore_mem>> -> memref<!tpu.dma_semaphore, #tpu.memory_space<semaphore_mem>>
      %dma_wait3A_461 = arith.constant 0 : i32
      %dma_wait3A_462 = tpu.memref_slice %arg8[%add3A_455, %dma_wait3A_461] : memref<10240x64xf32, #tpu.memory_space<vmem_shared>> -> memref<128x64xf32, #tpu.memory_space<vmem_shared>>
      tpu.wait_dma2 semaphore(%dma_wait3A_460 : memref<!tpu.dma_semaphore, #tpu.memory_space<semaphore_mem>>) src(%arg12 : memref<128x64xf32, #tpu.memory_space<vmem>>) dst(%dma_wait3A_462 : memref<128x64xf32, #tpu.memory_space<vmem_shared>>)
      %add3A_463 = arith.constant 512 : i32
      %add3A_464 = arith.addi %mul3A_0, %add3A_463 : i32
      %dma_start3A_465 = arith.constant 0 : i32
      %dma_start3A_466 = arith.constant 0 : i32
      %dma_start3A_467 = tpu.memref_slice %arg9[%add3A_464, %dma_start3A_466] : memref<10240x64xf32, #tpu.memory_space<vmem_shared>> -> memref<128x64xf32, #tpu.memory_space<vmem_shared>>
      %dma_start3A_468 = tpu.memref_slice %arg18[%dma_start3A_465] : memref<4x!tpu.dma_semaphore, #tpu.memory_space<semaphore_mem>> -> memref<1x!tpu.dma_semaphore, #tpu.memory_space<semaphore_mem>>
      %dma_start3A_469 = tpu.memref_squeeze %dma_start3A_468 : memref<1x!tpu.dma_semaphore, #tpu.memory_space<semaphore_mem>> -> memref<!tpu.dma_semaphore, #tpu.memory_space<semaphore_mem>>
      %dma_start3A_470 = arith.constant 0 : i32
      %dma_start3A_471 = tpu.memref_slice %arg9[%add3A_464, %dma_start3A_470] : memref<10240x64xf32, #tpu.memory_space<vmem_shared>> -> memref<128x64xf32, #tpu.memory_space<vmem_shared>>
      tpu.enqueue_dma source(%dma_start3A_471 : memref<128x64xf32, #tpu.memory_space<vmem_shared>>) target(%arg12 : memref<128x64xf32, #tpu.memory_space<vmem>>) target_semaphore(%dma_start3A_469 : memref<!tpu.dma_semaphore, #tpu.memory_space<semaphore_mem>>)
      %add3A_472 = arith.addi %mul3A_2, %mul3A_0 : i32
      %add3A_473 = arith.constant 512 : i32
      %add3A_474 = arith.addi %add3A_472, %add3A_473 : i32
      %dma_start3A_475 = arith.constant 2 : i32
      %dma_start3A_476 = arith.constant 0 : i32
      %dma_start3A_477 = tpu.memref_slice %arg3[%add3A_474, %dma_start3A_476] : memref<20480x64xf32, #tpu.memory_space<hbm>> -> memref<128x64xf32, #tpu.memory_space<hbm>>
      %dma_start3A_478 = tpu.memref_slice %arg18[%dma_start3A_475] : memref<4x!tpu.dma_semaphore, #tpu.memory_space<semaphore_mem>> -> memref<1x!tpu.dma_semaphore, #tpu.memory_space<semaphore_mem>>
      %dma_start3A_479 = tpu.memref_squeeze %dma_start3A_478 : memref<1x!tpu.dma_semaphore, #tpu.memory_space<semaphore_mem>> -> memref<!tpu.dma_semaphore, #tpu.memory_space<semaphore_mem>>
      %dma_start3A_480 = arith.constant 0 : i32
      %dma_start3A_481 = tpu.memref_slice %arg3[%add3A_474, %dma_start3A_480] : memref<20480x64xf32, #tpu.memory_space<hbm>> -> memref<128x64xf32, #tpu.memory_space<hbm>>
      tpu.enqueue_dma source(%dma_start3A_481 : memref<128x64xf32, #tpu.memory_space<hbm>>) target(%arg13 : memref<128x64xf32, #tpu.memory_space<vmem>>) target_semaphore(%dma_start3A_479 : memref<!tpu.dma_semaphore, #tpu.memory_space<semaphore_mem>>)
      %add3A_482 = arith.constant 384 : i32
      %add3A_483 = arith.addi %mul3A_0, %add3A_482 : i32
      %dma_wait3A_484 = arith.constant 1 : i32
      %dma_wait3A_485 = arith.constant 0 : i32
      %dma_wait3A_486 = tpu.memref_slice %arg9[%add3A_483, %dma_wait3A_485] : memref<10240x64xf32, #tpu.memory_space<vmem_shared>> -> memref<128x64xf32, #tpu.memory_space<vmem_shared>>
      %dma_wait3A_487 = tpu.memref_slice %arg18[%dma_wait3A_484] : memref<4x!tpu.dma_semaphore, #tpu.memory_space<semaphore_mem>> -> memref<1x!tpu.dma_semaphore, #tpu.memory_space<semaphore_mem>>
      %dma_wait3A_488 = tpu.memref_squeeze %dma_wait3A_487 : memref<1x!tpu.dma_semaphore, #tpu.memory_space<semaphore_mem>> -> memref<!tpu.dma_semaphore, #tpu.memory_space<semaphore_mem>>
      %dma_wait3A_489 = arith.constant 0 : i32
      %dma_wait3A_490 = tpu.memref_slice %arg9[%add3A_483, %dma_wait3A_489] : memref<10240x64xf32, #tpu.memory_space<vmem_shared>> -> memref<128x64xf32, #tpu.memory_space<vmem_shared>>
      tpu.wait_dma2 semaphore(%dma_wait3A_488 : memref<!tpu.dma_semaphore, #tpu.memory_space<semaphore_mem>>) src(%dma_wait3A_490 : memref<128x64xf32, #tpu.memory_space<vmem_shared>>) dst(%arg14 : memref<128x64xf32, #tpu.memory_space<vmem>>)
      %add3A_491 = arith.addi %mul3A_2, %mul3A_0 : i32
      %add3A_492 = arith.constant 384 : i32
      %add3A_493 = arith.addi %add3A_491, %add3A_492 : i32
      %dma_wait3A_494 = arith.constant 3 : i32
      %dma_wait3A_495 = arith.constant 0 : i32
      %dma_wait3A_496 = tpu.memref_slice %arg3[%add3A_493, %dma_wait3A_495] : memref<20480x64xf32, #tpu.memory_space<hbm>> -> memref<128x64xf32, #tpu.memory_space<hbm>>
      %dma_wait3A_497 = tpu.memref_slice %arg18[%dma_wait3A_494] : memref<4x!tpu.dma_semaphore, #tpu.memory_space<semaphore_mem>> -> memref<1x!tpu.dma_semaphore, #tpu.memory_space<semaphore_mem>>
      %dma_wait3A_498 = tpu.memref_squeeze %dma_wait3A_497 : memref<1x!tpu.dma_semaphore, #tpu.memory_space<semaphore_mem>> -> memref<!tpu.dma_semaphore, #tpu.memory_space<semaphore_mem>>
      %dma_wait3A_499 = arith.constant 0 : i32
      %dma_wait3A_500 = tpu.memref_slice %arg3[%add3A_493, %dma_wait3A_499] : memref<20480x64xf32, #tpu.memory_space<hbm>> -> memref<128x64xf32, #tpu.memory_space<hbm>>
      tpu.wait_dma2 semaphore(%dma_wait3A_498 : memref<!tpu.dma_semaphore, #tpu.memory_space<semaphore_mem>>) src(%dma_wait3A_500 : memref<128x64xf32, #tpu.memory_space<hbm>>) dst(%arg15 : memref<128x64xf32, #tpu.memory_space<vmem>>)
      %scan3A_501 = arith.constant 0 : i32
      %scan3A_502 = arith.constant 0 : i32
      %scan3A_503 = arith.constant 128 : i32
      %scan3A_504 = arith.addi %scan3A_502, %scan3A_503 : i32
      %scan3A_505 = arith.constant 1 : i32
      %scan3A_506 = scf.for %scan3A_608 = %scan3A_502 to %scan3A_504 step %scan3A_505 iter_args(%scan3A_609 = %scan3A_501) -> (i32)  : i32 {
        %add3A_610 = arith.constant 384 : i32
        %add3A_611 = arith.addi %add3A_610, %scan3A_608 : i32
        %get3A = arith.index_cast %add3A_611 : i32 to index
        %get3A_612 = arith.constant 0 : index
        %get3A_613 = tpu.vector_load %arg16[%get3A, %get3A_612] {strides = array<i32>} : memref<640x16xf32, #tpu.memory_space<vmem>>, vector<1x16xf32>,
        %get3A_614 = vector.shape_cast %get3A_613 : vector<1x16xf32> to vector<16xf32>
        %get3A_615 = arith.index_cast %scan3A_608 : i32 to index
        %get3A_616 = arith.constant 0 : index
        %get3A_617 = tpu.vector_load %arg14[%get3A_615, %get3A_616] {strides = array<i32>} : memref<128x64xf32, #tpu.memory_space<vmem>>, vector<1x16xf32>,
        %get3A_618 = vector.shape_cast %get3A_617 : vector<1x16xf32> to vector<16xf32>
        %mul3A_619 = arith.mulf %get3A_614, %get3A_618 : vector<16xf32>
        %get3A_620 = arith.index_cast %scan3A_608 : i32 to index
        %get3A_621 = arith.constant 0 : index
        %get3A_622 = tpu.vector_load %arg15[%get3A_620, %get3A_621] {strides = array<i32>} : memref<128x64xf32, #tpu.memory_space<vmem>>, vector<1x16xf32>,
        %get3A_623 = vector.shape_cast %get3A_622 : vector<1x16xf32> to vector<16xf32>
        %mul3A_624 = arith.constant 1.000000e-01 : f32
        %mul3A_625 = vector.broadcast %mul3A_624 : f32 to vector<16xf32>
        %mul3A_626 = arith.mulf %mul3A_625, %get3A_623 : vector<16xf32>
        %add3A_627 = arith.addf %mul3A_619, %mul3A_626 : vector<16xf32>
        %swap3A = arith.index_cast %scan3A_608 : i32 to index
        %swap3A_628 = arith.constant 0 : index
        %swap3A_629 = tpu.vector_load %arg14[%swap3A, %swap3A_628] {strides = array<i32>} : memref<128x64xf32, #tpu.memory_space<vmem>>, vector<1x16xf32>,
        %swap3A_630 = vector.shape_cast %swap3A_629 : vector<1x16xf32> to vector<16xf32>
        %swap3A_631 = vector.shape_cast %add3A_627 : vector<16xf32> to vector<1x16xf32>
        tpu.vector_store %arg14[%swap3A, %swap3A_628], %swap3A_631 {strides = array<i32>} : memref<128x64xf32, #tpu.memory_space<vmem>>, vector<1x16xf32>,
        %get3A_632 = arith.index_cast %scan3A_608 : i32 to index
        %get3A_633 = arith.constant 16 : index
        %get3A_634 = tpu.vector_load %arg14[%get3A_632, %get3A_633] {strides = array<i32>} : memref<128x64xf32, #tpu.memory_space<vmem>>, vector<1x16xf32>,
        %get3A_635 = vector.shape_cast %get3A_634 : vector<1x16xf32> to vector<16xf32>
        %mul3A_636 = arith.mulf %get3A_614, %get3A_635 : vector<16xf32>
        %get3A_637 = arith.index_cast %scan3A_608 : i32 to index
        %get3A_638 = arith.constant 16 : index
        %get3A_639 = tpu.vector_load %arg15[%get3A_637, %get3A_638] {strides = array<i32>} : memref<128x64xf32, #tpu.memory_space<vmem>>, vector<1x16xf32>,
        %get3A_640 = vector.shape_cast %get3A_639 : vector<1x16xf32> to vector<16xf32>
        %mul3A_641 = arith.constant 1.000000e-01 : f32
        %mul3A_642 = vector.broadcast %mul3A_641 : f32 to vector<16xf32>
        %mul3A_643 = arith.mulf %mul3A_642, %get3A_640 : vector<16xf32>
        %add3A_644 = arith.addf %mul3A_636, %mul3A_643 : vector<16xf32>
        %swap3A_645 = arith.index_cast %scan3A_608 : i32 to index
        %swap3A_646 = arith.constant 16 : index
        %swap3A_647 = tpu.vector_load %arg14[%swap3A_645, %swap3A_646] {strides = array<i32>} : memref<128x64xf32, #tpu.memory_space<vmem>>, vector<1x16xf32>,
        %swap3A_648 = vector.shape_cast %swap3A_647 : vector<1x16xf32> to vector<16xf32>
        %swap3A_649 = vector.shape_cast %add3A_644 : vector<16xf32> to vector<1x16xf32>
        tpu.vector_store %arg14[%swap3A_645, %swap3A_646], %swap3A_649 {strides = array<i32>} : memref<128x64xf32, #tpu.memory_space<vmem>>, vector<1x16xf32>,
        %get3A_650 = arith.index_cast %scan3A_608 : i32 to index
        %get3A_651 = arith.constant 32 : index
        %get3A_652 = tpu.vector_load %arg14[%get3A_650, %get3A_651] {strides = array<i32>} : memref<128x64xf32, #tpu.memory_space<vmem>>, vector<1x16xf32>,
        %get3A_653 = vector.shape_cast %get3A_652 : vector<1x16xf32> to vector<16xf32>
        %mul3A_654 = arith.mulf %get3A_614, %get3A_653 : vector<16xf32>
        %get3A_655 = arith.index_cast %scan3A_608 : i32 to index
        %get3A_656 = arith.constant 32 : index
        %get3A_657 = tpu.vector_load %arg15[%get3A_655, %get3A_656] {strides = array<i32>} : memref<128x64xf32, #tpu.memory_space<vmem>>, vector<1x16xf32>,
        %get3A_658 = vector.shape_cast %get3A_657 : vector<1x16xf32> to vector<16xf32>
        %mul3A_659 = arith.constant 1.000000e-01 : f32
        %mul3A_660 = vector.broadcast %mul3A_659 : f32 to vector<16xf32>
        %mul3A_661 = arith.mulf %mul3A_660, %get3A_658 : vector<16xf32>
        %add3A_662 = arith.addf %mul3A_654, %mul3A_661 : vector<16xf32>
        %swap3A_663 = arith.index_cast %scan3A_608 : i32 to index
        %swap3A_664 = arith.constant 32 : index
        %swap3A_665 = tpu.vector_load %arg14[%swap3A_663, %swap3A_664] {strides = array<i32>} : memref<128x64xf32, #tpu.memory_space<vmem>>, vector<1x16xf32>,
        %swap3A_666 = vector.shape_cast %swap3A_665 : vector<1x16xf32> to vector<16xf32>
        %swap3A_667 = vector.shape_cast %add3A_662 : vector<16xf32> to vector<1x16xf32>
        tpu.vector_store %arg14[%swap3A_663, %swap3A_664], %swap3A_667 {strides = array<i32>} : memref<128x64xf32, #tpu.memory_space<vmem>>, vector<1x16xf32>,
        %get3A_668 = arith.index_cast %scan3A_608 : i32 to index
        %get3A_669 = arith.constant 48 : index
        %get3A_670 = tpu.vector_load %arg14[%get3A_668, %get3A_669] {strides = array<i32>} : memref<128x64xf32, #tpu.memory_space<vmem>>, vector<1x16xf32>,
        %get3A_671 = vector.shape_cast %get3A_670 : vector<1x16xf32> to vector<16xf32>
        %mul3A_672 = arith.mulf %get3A_614, %get3A_671 : vector<16xf32>
        %get3A_673 = arith.index_cast %scan3A_608 : i32 to index
        %get3A_674 = arith.constant 48 : index
        %get3A_675 = tpu.vector_load %arg15[%get3A_673, %get3A_674] {strides = array<i32>} : memref<128x64xf32, #tpu.memory_space<vmem>>, vector<1x16xf32>,
        %get3A_676 = vector.shape_cast %get3A_675 : vector<1x16xf32> to vector<16xf32>
        %mul3A_677 = arith.constant 1.000000e-01 : f32
        %mul3A_678 = vector.broadcast %mul3A_677 : f32 to vector<16xf32>
        %mul3A_679 = arith.mulf %mul3A_678, %get3A_676 : vector<16xf32>
        %add3A_680 = arith.addf %mul3A_672, %mul3A_679 : vector<16xf32>
        %swap3A_681 = arith.index_cast %scan3A_608 : i32 to index
        %swap3A_682 = arith.constant 48 : index
        %swap3A_683 = tpu.vector_load %arg14[%swap3A_681, %swap3A_682] {strides = array<i32>} : memref<128x64xf32, #tpu.memory_space<vmem>>, vector<1x16xf32>,
        %swap3A_684 = vector.shape_cast %swap3A_683 : vector<1x16xf32> to vector<16xf32>
        %swap3A_685 = vector.shape_cast %add3A_680 : vector<16xf32> to vector<1x16xf32>
        tpu.vector_store %arg14[%swap3A_681, %swap3A_682], %swap3A_685 {strides = array<i32>} : memref<128x64xf32, #tpu.memory_space<vmem>>, vector<1x16xf32>,
        %scan3A_686 = arith.constant 0 : i32
        scf.yield %scan3A_686 : i32
      }
      %scan3A_507 = arith.constant 128 : i32
      %add3A_508 = arith.constant 384 : i32
      %add3A_509 = arith.addi %mul3A_0, %add3A_508 : i32
      %dma_start3A_510 = arith.constant 1 : i32
      %dma_start3A_511 = arith.constant 0 : i32
      %dma_start3A_512 = tpu.memref_slice %arg9[%add3A_509, %dma_start3A_511] : memref<10240x64xf32, #tpu.memory_space<vmem_shared>> -> memref<128x64xf32, #tpu.memory_space<vmem_shared>>
      %dma_start3A_513 = tpu.memref_slice %arg19[%dma_start3A_510] : memref<4x!tpu.dma_semaphore, #tpu.memory_space<semaphore_mem>> -> memref<1x!tpu.dma_semaphore, #tpu.memory_space<semaphore_mem>>
      %dma_start3A_514 = tpu.memref_squeeze %dma_start3A_513 : memref<1x!tpu.dma_semaphore, #tpu.memory_space<semaphore_mem>> -> memref<!tpu.dma_semaphore, #tpu.memory_space<semaphore_mem>>
      %dma_start3A_515 = arith.constant 0 : i32
      %dma_start3A_516 = tpu.memref_slice %arg9[%add3A_509, %dma_start3A_515] : memref<10240x64xf32, #tpu.memory_space<vmem_shared>> -> memref<128x64xf32, #tpu.memory_space<vmem_shared>>
      tpu.enqueue_dma source(%arg14 : memref<128x64xf32, #tpu.memory_space<vmem>>) target(%dma_start3A_516 : memref<128x64xf32, #tpu.memory_space<vmem_shared>>) target_semaphore(%dma_start3A_514 : memref<!tpu.dma_semaphore, #tpu.memory_space<semaphore_mem>>)
      %add3A_517 = arith.constant 384 : i32
      %add3A_518 = arith.addi %mul3A_0, %add3A_517 : i32
      %dma_start3A_519 = arith.constant 1 : i32
      %dma_start3A_520 = arith.constant 0 : i32
      %dma_start3A_521 = tpu.memref_slice %arg8[%add3A_518, %dma_start3A_520] : memref<10240x64xf32, #tpu.memory_space<vmem_shared>> -> memref<128x64xf32, #tpu.memory_space<vmem_shared>>
      %dma_start3A_522 = tpu.memref_slice %arg19[%dma_start3A_519] : memref<4x!tpu.dma_semaphore, #tpu.memory_space<semaphore_mem>> -> memref<1x!tpu.dma_semaphore, #tpu.memory_space<semaphore_mem>>
      %dma_start3A_523 = tpu.memref_squeeze %dma_start3A_522 : memref<1x!tpu.dma_semaphore, #tpu.memory_space<semaphore_mem>> -> memref<!tpu.dma_semaphore, #tpu.memory_space<semaphore_mem>>
      %dma_start3A_524 = arith.constant 0 : i32
      %dma_start3A_525 = tpu.memref_slice %arg8[%add3A_518, %dma_start3A_524] : memref<10240x64xf32, #tpu.memory_space<vmem_shared>> -> memref<128x64xf32, #tpu.memory_space<vmem_shared>>
      tpu.enqueue_dma source(%arg14 : memref<128x64xf32, #tpu.memory_space<vmem>>) target(%dma_start3A_525 : memref<128x64xf32, #tpu.memory_space<vmem_shared>>) target_semaphore(%dma_start3A_523 : memref<!tpu.dma_semaphore, #tpu.memory_space<semaphore_mem>>)
      %add3A_526 = arith.constant 512 : i32
      %add3A_527 = arith.addi %mul3A_0, %add3A_526 : i32
      %dma_wait3A_528 = arith.constant 0 : i32
      %dma_wait3A_529 = arith.constant 0 : i32
      %dma_wait3A_530 = tpu.memref_slice %arg9[%add3A_527, %dma_wait3A_529] : memref<10240x64xf32, #tpu.memory_space<vmem_shared>> -> memref<128x64xf32, #tpu.memory_space<vmem_shared>>
      %dma_wait3A_531 = tpu.memref_slice %arg18[%dma_wait3A_528] : memref<4x!tpu.dma_semaphore, #tpu.memory_space<semaphore_mem>> -> memref<1x!tpu.dma_semaphore, #tpu.memory_space<semaphore_mem>>
      %dma_wait3A_532 = tpu.memref_squeeze %dma_wait3A_531 : memref<1x!tpu.dma_semaphore, #tpu.memory_space<semaphore_mem>> -> memref<!tpu.dma_semaphore, #tpu.memory_space<semaphore_mem>>
      %dma_wait3A_533 = arith.constant 0 : i32
      %dma_wait3A_534 = tpu.memref_slice %arg9[%add3A_527, %dma_wait3A_533] : memref<10240x64xf32, #tpu.memory_space<vmem_shared>> -> memref<128x64xf32, #tpu.memory_space<vmem_shared>>
      tpu.wait_dma2 semaphore(%dma_wait3A_532 : memref<!tpu.dma_semaphore, #tpu.memory_space<semaphore_mem>>) src(%dma_wait3A_534 : memref<128x64xf32, #tpu.memory_space<vmem_shared>>) dst(%arg12 : memref<128x64xf32, #tpu.memory_space<vmem>>)
      %add3A_535 = arith.addi %mul3A_2, %mul3A_0 : i32
      %add3A_536 = arith.constant 512 : i32
      %add3A_537 = arith.addi %add3A_535, %add3A_536 : i32
      %dma_wait3A_538 = arith.constant 2 : i32
      %dma_wait3A_539 = arith.constant 0 : i32
      %dma_wait3A_540 = tpu.memref_slice %arg3[%add3A_537, %dma_wait3A_539] : memref<20480x64xf32, #tpu.memory_space<hbm>> -> memref<128x64xf32, #tpu.memory_space<hbm>>
      %dma_wait3A_541 = tpu.memref_slice %arg18[%dma_wait3A_538] : memref<4x!tpu.dma_semaphore, #tpu.memory_space<semaphore_mem>> -> memref<1x!tpu.dma_semaphore, #tpu.memory_space<semaphore_mem>>
      %dma_wait3A_542 = tpu.memref_squeeze %dma_wait3A_541 : memref<1x!tpu.dma_semaphore, #tpu.memory_space<semaphore_mem>> -> memref<!tpu.dma_semaphore, #tpu.memory_space<semaphore_mem>>
      %dma_wait3A_543 = arith.constant 0 : i32
      %dma_wait3A_544 = tpu.memref_slice %arg3[%add3A_537, %dma_wait3A_543] : memref<20480x64xf32, #tpu.memory_space<hbm>> -> memref<128x64xf32, #tpu.memory_space<hbm>>
      tpu.wait_dma2 semaphore(%dma_wait3A_542 : memref<!tpu.dma_semaphore, #tpu.memory_space<semaphore_mem>>) src(%dma_wait3A_544 : memref<128x64xf32, #tpu.memory_space<hbm>>) dst(%arg13 : memref<128x64xf32, #tpu.memory_space<vmem>>)
      %scan3A_545 = arith.constant 0 : i32
      %scan3A_546 = arith.constant 0 : i32
      %scan3A_547 = arith.constant 128 : i32
      %scan3A_548 = arith.addi %scan3A_546, %scan3A_547 : i32
      %scan3A_549 = arith.constant 1 : i32
      %scan3A_550 = scf.for %scan3A_608 = %scan3A_546 to %scan3A_548 step %scan3A_549 iter_args(%scan3A_609 = %scan3A_545) -> (i32)  : i32 {
        %add3A_610 = arith.constant 512 : i32
        %add3A_611 = arith.addi %add3A_610, %scan3A_608 : i32
        %get3A = arith.index_cast %add3A_611 : i32 to index
        %get3A_612 = arith.constant 0 : index
        %get3A_613 = tpu.vector_load %arg16[%get3A, %get3A_612] {strides = array<i32>} : memref<640x16xf32, #tpu.memory_space<vmem>>, vector<1x16xf32>,
        %get3A_614 = vector.shape_cast %get3A_613 : vector<1x16xf32> to vector<16xf32>
        %get3A_615 = arith.index_cast %scan3A_608 : i32 to index
        %get3A_616 = arith.constant 0 : index
        %get3A_617 = tpu.vector_load %arg12[%get3A_615, %get3A_616] {strides = array<i32>} : memref<128x64xf32, #tpu.memory_space<vmem>>, vector<1x16xf32>,
        %get3A_618 = vector.shape_cast %get3A_617 : vector<1x16xf32> to vector<16xf32>
        %mul3A_619 = arith.mulf %get3A_614, %get3A_618 : vector<16xf32>
        %get3A_620 = arith.index_cast %scan3A_608 : i32 to index
        %get3A_621 = arith.constant 0 : index
        %get3A_622 = tpu.vector_load %arg13[%get3A_620, %get3A_621] {strides = array<i32>} : memref<128x64xf32, #tpu.memory_space<vmem>>, vector<1x16xf32>,
        %get3A_623 = vector.shape_cast %get3A_622 : vector<1x16xf32> to vector<16xf32>
        %mul3A_624 = arith.constant 1.000000e-01 : f32
        %mul3A_625 = vector.broadcast %mul3A_624 : f32 to vector<16xf32>
        %mul3A_626 = arith.mulf %mul3A_625, %get3A_623 : vector<16xf32>
        %add3A_627 = arith.addf %mul3A_619, %mul3A_626 : vector<16xf32>
        %swap3A = arith.index_cast %scan3A_608 : i32 to index
        %swap3A_628 = arith.constant 0 : index
        %swap3A_629 = tpu.vector_load %arg12[%swap3A, %swap3A_628] {strides = array<i32>} : memref<128x64xf32, #tpu.memory_space<vmem>>, vector<1x16xf32>,
        %swap3A_630 = vector.shape_cast %swap3A_629 : vector<1x16xf32> to vector<16xf32>
        %swap3A_631 = vector.shape_cast %add3A_627 : vector<16xf32> to vector<1x16xf32>
        tpu.vector_store %arg12[%swap3A, %swap3A_628], %swap3A_631 {strides = array<i32>} : memref<128x64xf32, #tpu.memory_space<vmem>>, vector<1x16xf32>,
        %get3A_632 = arith.index_cast %scan3A_608 : i32 to index
        %get3A_633 = arith.constant 16 : index
        %get3A_634 = tpu.vector_load %arg12[%get3A_632, %get3A_633] {strides = array<i32>} : memref<128x64xf32, #tpu.memory_space<vmem>>, vector<1x16xf32>,
        %get3A_635 = vector.shape_cast %get3A_634 : vector<1x16xf32> to vector<16xf32>
        %mul3A_636 = arith.mulf %get3A_614, %get3A_635 : vector<16xf32>
        %get3A_637 = arith.index_cast %scan3A_608 : i32 to index
        %get3A_638 = arith.constant 16 : index
        %get3A_639 = tpu.vector_load %arg13[%get3A_637, %get3A_638] {strides = array<i32>} : memref<128x64xf32, #tpu.memory_space<vmem>>, vector<1x16xf32>,
        %get3A_640 = vector.shape_cast %get3A_639 : vector<1x16xf32> to vector<16xf32>
        %mul3A_641 = arith.constant 1.000000e-01 : f32
        %mul3A_642 = vector.broadcast %mul3A_641 : f32 to vector<16xf32>
        %mul3A_643 = arith.mulf %mul3A_642, %get3A_640 : vector<16xf32>
        %add3A_644 = arith.addf %mul3A_636, %mul3A_643 : vector<16xf32>
        %swap3A_645 = arith.index_cast %scan3A_608 : i32 to index
        %swap3A_646 = arith.constant 16 : index
        %swap3A_647 = tpu.vector_load %arg12[%swap3A_645, %swap3A_646] {strides = array<i32>} : memref<128x64xf32, #tpu.memory_space<vmem>>, vector<1x16xf32>,
        %swap3A_648 = vector.shape_cast %swap3A_647 : vector<1x16xf32> to vector<16xf32>
        %swap3A_649 = vector.shape_cast %add3A_644 : vector<16xf32> to vector<1x16xf32>
        tpu.vector_store %arg12[%swap3A_645, %swap3A_646], %swap3A_649 {strides = array<i32>} : memref<128x64xf32, #tpu.memory_space<vmem>>, vector<1x16xf32>,
        %get3A_650 = arith.index_cast %scan3A_608 : i32 to index
        %get3A_651 = arith.constant 32 : index
        %get3A_652 = tpu.vector_load %arg12[%get3A_650, %get3A_651] {strides = array<i32>} : memref<128x64xf32, #tpu.memory_space<vmem>>, vector<1x16xf32>,
        %get3A_653 = vector.shape_cast %get3A_652 : vector<1x16xf32> to vector<16xf32>
        %mul3A_654 = arith.mulf %get3A_614, %get3A_653 : vector<16xf32>
        %get3A_655 = arith.index_cast %scan3A_608 : i32 to index
        %get3A_656 = arith.constant 32 : index
        %get3A_657 = tpu.vector_load %arg13[%get3A_655, %get3A_656] {strides = array<i32>} : memref<128x64xf32, #tpu.memory_space<vmem>>, vector<1x16xf32>,
        %get3A_658 = vector.shape_cast %get3A_657 : vector<1x16xf32> to vector<16xf32>
        %mul3A_659 = arith.constant 1.000000e-01 : f32
        %mul3A_660 = vector.broadcast %mul3A_659 : f32 to vector<16xf32>
        %mul3A_661 = arith.mulf %mul3A_660, %get3A_658 : vector<16xf32>
        %add3A_662 = arith.addf %mul3A_654, %mul3A_661 : vector<16xf32>
        %swap3A_663 = arith.index_cast %scan3A_608 : i32 to index
        %swap3A_664 = arith.constant 32 : index
        %swap3A_665 = tpu.vector_load %arg12[%swap3A_663, %swap3A_664] {strides = array<i32>} : memref<128x64xf32, #tpu.memory_space<vmem>>, vector<1x16xf32>,
        %swap3A_666 = vector.shape_cast %swap3A_665 : vector<1x16xf32> to vector<16xf32>
        %swap3A_667 = vector.shape_cast %add3A_662 : vector<16xf32> to vector<1x16xf32>
        tpu.vector_store %arg12[%swap3A_663, %swap3A_664], %swap3A_667 {strides = array<i32>} : memref<128x64xf32, #tpu.memory_space<vmem>>, vector<1x16xf32>,
        %get3A_668 = arith.index_cast %scan3A_608 : i32 to index
        %get3A_669 = arith.constant 48 : index
        %get3A_670 = tpu.vector_load %arg12[%get3A_668, %get3A_669] {strides = array<i32>} : memref<128x64xf32, #tpu.memory_space<vmem>>, vector<1x16xf32>,
        %get3A_671 = vector.shape_cast %get3A_670 : vector<1x16xf32> to vector<16xf32>
        %mul3A_672 = arith.mulf %get3A_614, %get3A_671 : vector<16xf32>
        %get3A_673 = arith.index_cast %scan3A_608 : i32 to index
        %get3A_674 = arith.constant 48 : index
        %get3A_675 = tpu.vector_load %arg13[%get3A_673, %get3A_674] {strides = array<i32>} : memref<128x64xf32, #tpu.memory_space<vmem>>, vector<1x16xf32>,
        %get3A_676 = vector.shape_cast %get3A_675 : vector<1x16xf32> to vector<16xf32>
        %mul3A_677 = arith.constant 1.000000e-01 : f32
        %mul3A_678 = vector.broadcast %mul3A_677 : f32 to vector<16xf32>
        %mul3A_679 = arith.mulf %mul3A_678, %get3A_676 : vector<16xf32>
        %add3A_680 = arith.addf %mul3A_672, %mul3A_679 : vector<16xf32>
        %swap3A_681 = arith.index_cast %scan3A_608 : i32 to index
        %swap3A_682 = arith.constant 48 : index
        %swap3A_683 = tpu.vector_load %arg12[%swap3A_681, %swap3A_682] {strides = array<i32>} : memref<128x64xf32, #tpu.memory_space<vmem>>, vector<1x16xf32>,
        %swap3A_684 = vector.shape_cast %swap3A_683 : vector<1x16xf32> to vector<16xf32>
        %swap3A_685 = vector.shape_cast %add3A_680 : vector<16xf32> to vector<1x16xf32>
        tpu.vector_store %arg12[%swap3A_681, %swap3A_682], %swap3A_685 {strides = array<i32>} : memref<128x64xf32, #tpu.memory_space<vmem>>, vector<1x16xf32>,
        %scan3A_686 = arith.constant 0 : i32
        scf.yield %scan3A_686 : i32
      }
      %scan3A_551 = arith.constant 128 : i32
      %add3A_552 = arith.constant 512 : i32
      %add3A_553 = arith.addi %mul3A_0, %add3A_552 : i32
      %dma_start3A_554 = arith.constant 0 : i32
      %dma_start3A_555 = arith.constant 0 : i32
      %dma_start3A_556 = tpu.memref_slice %arg9[%add3A_553, %dma_start3A_555] : memref<10240x64xf32, #tpu.memory_space<vmem_shared>> -> memref<128x64xf32, #tpu.memory_space<vmem_shared>>
      %dma_start3A_557 = tpu.memref_slice %arg19[%dma_start3A_554] : memref<4x!tpu.dma_semaphore, #tpu.memory_space<semaphore_mem>> -> memref<1x!tpu.dma_semaphore, #tpu.memory_space<semaphore_mem>>
      %dma_start3A_558 = tpu.memref_squeeze %dma_start3A_557 : memref<1x!tpu.dma_semaphore, #tpu.memory_space<semaphore_mem>> -> memref<!tpu.dma_semaphore, #tpu.memory_space<semaphore_mem>>
      %dma_start3A_559 = arith.constant 0 : i32
      %dma_start3A_560 = tpu.memref_slice %arg9[%add3A_553, %dma_start3A_559] : memref<10240x64xf32, #tpu.memory_space<vmem_shared>> -> memref<128x64xf32, #tpu.memory_space<vmem_shared>>
      tpu.enqueue_dma source(%arg12 : memref<128x64xf32, #tpu.memory_space<vmem>>) target(%dma_start3A_560 : memref<128x64xf32, #tpu.memory_space<vmem_shared>>) target_semaphore(%dma_start3A_558 : memref<!tpu.dma_semaphore, #tpu.memory_space<semaphore_mem>>)
      %add3A_561 = arith.constant 512 : i32
      %add3A_562 = arith.addi %mul3A_0, %add3A_561 : i32
      %dma_start3A_563 = arith.constant 0 : i32
      %dma_start3A_564 = arith.constant 0 : i32
      %dma_start3A_565 = tpu.memref_slice %arg8[%add3A_562, %dma_start3A_564] : memref<10240x64xf32, #tpu.memory_space<vmem_shared>> -> memref<128x64xf32, #tpu.memory_space<vmem_shared>>
      %dma_start3A_566 = tpu.memref_slice %arg19[%dma_start3A_563] : memref<4x!tpu.dma_semaphore, #tpu.memory_space<semaphore_mem>> -> memref<1x!tpu.dma_semaphore, #tpu.memory_space<semaphore_mem>>
      %dma_start3A_567 = tpu.memref_squeeze %dma_start3A_566 : memref<1x!tpu.dma_semaphore, #tpu.memory_space<semaphore_mem>> -> memref<!tpu.dma_semaphore, #tpu.memory_space<semaphore_mem>>
      %dma_start3A_568 = arith.constant 0 : i32
      %dma_start3A_569 = tpu.memref_slice %arg8[%add3A_562, %dma_start3A_568] : memref<10240x64xf32, #tpu.memory_space<vmem_shared>> -> memref<128x64xf32, #tpu.memory_space<vmem_shared>>
      tpu.enqueue_dma source(%arg12 : memref<128x64xf32, #tpu.memory_space<vmem>>) target(%dma_start3A_569 : memref<128x64xf32, #tpu.memory_space<vmem_shared>>) target_semaphore(%dma_start3A_567 : memref<!tpu.dma_semaphore, #tpu.memory_space<semaphore_mem>>)
      %add3A_570 = arith.constant 384 : i32
      %add3A_571 = arith.addi %mul3A_0, %add3A_570 : i32
      %dma_wait3A_572 = arith.constant 1 : i32
      %dma_wait3A_573 = arith.constant 0 : i32
      %dma_wait3A_574 = tpu.memref_slice %arg9[%add3A_571, %dma_wait3A_573] : memref<10240x64xf32, #tpu.memory_space<vmem_shared>> -> memref<128x64xf32, #tpu.memory_space<vmem_shared>>
      %dma_wait3A_575 = tpu.memref_slice %arg19[%dma_wait3A_572] : memref<4x!tpu.dma_semaphore, #tpu.memory_space<semaphore_mem>> -> memref<1x!tpu.dma_semaphore, #tpu.memory_space<semaphore_mem>>
      %dma_wait3A_576 = tpu.memref_squeeze %dma_wait3A_575 : memref<1x!tpu.dma_semaphore, #tpu.memory_space<semaphore_mem>> -> memref<!tpu.dma_semaphore, #tpu.memory_space<semaphore_mem>>
      %dma_wait3A_577 = arith.constant 0 : i32
      %dma_wait3A_578 = tpu.memref_slice %arg9[%add3A_571, %dma_wait3A_577] : memref<10240x64xf32, #tpu.memory_space<vmem_shared>> -> memref<128x64xf32, #tpu.memory_space<vmem_shared>>
      tpu.wait_dma2 semaphore(%dma_wait3A_576 : memref<!tpu.dma_semaphore, #tpu.memory_space<semaphore_mem>>) src(%arg14 : memref<128x64xf32, #tpu.memory_space<vmem>>) dst(%dma_wait3A_578 : memref<128x64xf32, #tpu.memory_space<vmem_shared>>)
      %add3A_579 = arith.constant 384 : i32
      %add3A_580 = arith.addi %mul3A_0, %add3A_579 : i32
      %dma_wait3A_581 = arith.constant 1 : i32
      %dma_wait3A_582 = arith.constant 0 : i32
      %dma_wait3A_583 = tpu.memref_slice %arg8[%add3A_580, %dma_wait3A_582] : memref<10240x64xf32, #tpu.memory_space<vmem_shared>> -> memref<128x64xf32, #tpu.memory_space<vmem_shared>>
      %dma_wait3A_584 = tpu.memref_slice %arg19[%dma_wait3A_581] : memref<4x!tpu.dma_semaphore, #tpu.memory_space<semaphore_mem>> -> memref<1x!tpu.dma_semaphore, #tpu.memory_space<semaphore_mem>>
      %dma_wait3A_585 = tpu.memref_squeeze %dma_wait3A_584 : memref<1x!tpu.dma_semaphore, #tpu.memory_space<semaphore_mem>> -> memref<!tpu.dma_semaphore, #tpu.memory_space<semaphore_mem>>
      %dma_wait3A_586 = arith.constant 0 : i32
      %dma_wait3A_587 = tpu.memref_slice %arg8[%add3A_580, %dma_wait3A_586] : memref<10240x64xf32, #tpu.memory_space<vmem_shared>> -> memref<128x64xf32, #tpu.memory_space<vmem_shared>>
      tpu.wait_dma2 semaphore(%dma_wait3A_585 : memref<!tpu.dma_semaphore, #tpu.memory_space<semaphore_mem>>) src(%arg14 : memref<128x64xf32, #tpu.memory_space<vmem>>) dst(%dma_wait3A_587 : memref<128x64xf32, #tpu.memory_space<vmem_shared>>)
      %add3A_588 = arith.constant 512 : i32
      %add3A_589 = arith.addi %mul3A_0, %add3A_588 : i32
      %dma_wait3A_590 = arith.constant 0 : i32
      %dma_wait3A_591 = arith.constant 0 : i32
      %dma_wait3A_592 = tpu.memref_slice %arg9[%add3A_589, %dma_wait3A_591] : memref<10240x64xf32, #tpu.memory_space<vmem_shared>> -> memref<128x64xf32, #tpu.memory_space<vmem_shared>>
      %dma_wait3A_593 = tpu.memref_slice %arg19[%dma_wait3A_590] : memref<4x!tpu.dma_semaphore, #tpu.memory_space<semaphore_mem>> -> memref<1x!tpu.dma_semaphore, #tpu.memory_space<semaphore_mem>>
      %dma_wait3A_594 = tpu.memref_squeeze %dma_wait3A_593 : memref<1x!tpu.dma_semaphore, #tpu.memory_space<semaphore_mem>> -> memref<!tpu.dma_semaphore, #tpu.memory_space<semaphore_mem>>
      %dma_wait3A_595 = arith.constant 0 : i32
      %dma_wait3A_596 = tpu.memref_slice %arg9[%add3A_589, %dma_wait3A_595] : memref<10240x64xf32, #tpu.memory_space<vmem_shared>> -> memref<128x64xf32, #tpu.memory_space<vmem_shared>>
      tpu.wait_dma2 semaphore(%dma_wait3A_594 : memref<!tpu.dma_semaphore, #tpu.memory_space<semaphore_mem>>) src(%arg12 : memref<128x64xf32, #tpu.memory_space<vmem>>) dst(%dma_wait3A_596 : memref<128x64xf32, #tpu.memory_space<vmem_shared>>)
      %add3A_597 = arith.constant 512 : i32
      %add3A_598 = arith.addi %mul3A_0, %add3A_597 : i32
      %dma_wait3A_599 = arith.constant 0 : i32
      %dma_wait3A_600 = arith.constant 0 : i32
      %dma_wait3A_601 = tpu.memref_slice %arg8[%add3A_598, %dma_wait3A_600] : memref<10240x64xf32, #tpu.memory_space<vmem_shared>> -> memref<128x64xf32, #tpu.memory_space<vmem_shared>>
      %dma_wait3A_602 = tpu.memref_slice %arg19[%dma_wait3A_599] : memref<4x!tpu.dma_semaphore, #tpu.memory_space<semaphore_mem>> -> memref<1x!tpu.dma_semaphore, #tpu.memory_space<semaphore_mem>>
      %dma_wait3A_603 = tpu.memref_squeeze %dma_wait3A_602 : memref<1x!tpu.dma_semaphore, #tpu.memory_space<semaphore_mem>> -> memref<!tpu.dma_semaphore, #tpu.memory_space<semaphore_mem>>
      %dma_wait3A_604 = arith.constant 0 : i32
      %dma_wait3A_605 = tpu.memref_slice %arg8[%add3A_598, %dma_wait3A_604] : memref<10240x64xf32, #tpu.memory_space<vmem_shared>> -> memref<128x64xf32, #tpu.memory_space<vmem_shared>>
      tpu.wait_dma2 semaphore(%dma_wait3A_603 : memref<!tpu.dma_semaphore, #tpu.memory_space<semaphore_mem>>) src(%arg12 : memref<128x64xf32, #tpu.memory_space<vmem>>) dst(%dma_wait3A_605 : memref<128x64xf32, #tpu.memory_space<vmem_shared>>)
      %barrier3A_606 = arith.constant 0 : index
      tpu.barrier barrier_id(%barrier3A_606)
      %scan3A_607 = arith.constant 0 : i32
      scf.yield %scan3A_607 : i32
    }
    %scan3A_9 = arith.constant 10 : i32
    %add3A_10 = arith.addi %mul3A_2, %mul3A_0 : i32
    "tpu.region"() ({
      %run_scoped3A = tpu.sem_alloc : memref<!tpu.dma_semaphore, #tpu.memory_space<semaphore_mem>>
      %dma_start3A = arith.constant 0 : i32
      %dma_start3A_11 = tpu.memref_slice %arg7[%add3A_10, %dma_start3A] : memref<20480x64xf32, #tpu.memory_space<hbm>> -> memref<640x64xf32, #tpu.memory_space<hbm>>
      %dma_start3A_12 = arith.constant 0 : i32
      %dma_start3A_13 = tpu.memref_slice %arg8[%mul3A_0, %dma_start3A_12] : memref<10240x64xf32, #tpu.memory_space<vmem_shared>> -> memref<640x64xf32, #tpu.memory_space<vmem_shared>>
      tpu.enqueue_dma source(%dma_start3A_13 : memref<640x64xf32, #tpu.memory_space<vmem_shared>>) target(%dma_start3A_11 : memref<640x64xf32, #tpu.memory_space<hbm>>) target_semaphore(%run_scoped3A : memref<!tpu.dma_semaphore, #tpu.memory_space<semaphore_mem>>)
      %dma_wait3A = arith.constant 0 : i32
      %dma_wait3A_14 = tpu.memref_slice %arg7[%add3A_10, %dma_wait3A] : memref<20480x64xf32, #tpu.memory_space<hbm>> -> memref<640x64xf32, #tpu.memory_space<hbm>>
      %dma_wait3A_15 = arith.constant 0 : i32
      %dma_wait3A_16 = tpu.memref_slice %arg8[%mul3A_0, %dma_wait3A_15] : memref<10240x64xf32, #tpu.memory_space<vmem_shared>> -> memref<640x64xf32, #tpu.memory_space<vmem_shared>>
      tpu.wait_dma2 semaphore(%run_scoped3A : memref<!tpu.dma_semaphore, #tpu.memory_space<semaphore_mem>>) src(%dma_wait3A_16 : memref<640x64xf32, #tpu.memory_space<vmem_shared>>) dst(%dma_wait3A_14 : memref<640x64xf32, #tpu.memory_space<hbm>>)
      tpu.yield
    }) : () -> ()
    return
  }
}

module attributes {stable_mosaic.version = 14 : i64} {
  func.func @_prep_body(%arg0: i32, %arg1: memref<1000x128xf32, #tpu.memory_space<vmem>>, %arg2: memref<256x128xf32, #tpu.memory_space<vmem>>, %arg3: memref<1x256xf32, #tpu.memory_space<vmem>>, %arg4: memref<128x256xf32, #tpu.memory_space<vmem>>, %arg5: memref<1x128xf32, #tpu.memory_space<vmem>>, %arg6: memref<1000x1xf32, #tpu.memory_space<vmem>>, %arg7: memref<1000x64xf32, #tpu.memory_space<vmem>>, %arg8: memref<1000x64xf32, #tpu.memory_space<vmem>>, %arg9: memref<1000x16xf32, #tpu.memory_space<vmem>>, %arg10: memref<1000x1xf32, #tpu.memory_space<vmem>>) attributes {dimension_semantics = [#tpu.dimension_semantics<arbitrary>], iteration_bounds = array<i64: 10>, scalar_prefetch = 0 : i64, scratch_operands = 0 : i64, tpu.core_type = #tpu.core_type<tc>, window_params = [{transform_indices = @transform_0, window_bounds = array<i64: 1000, 128>}, {pipeline_mode = #tpu.pipeline_mode<synchronous>, transform_indices = @transform_1, window_bounds = array<i64: 256, 128>}, {pipeline_mode = #tpu.pipeline_mode<synchronous>, transform_indices = @transform_2, window_bounds = array<i64: 1, 256>}, {pipeline_mode = #tpu.pipeline_mode<synchronous>, transform_indices = @transform_3, window_bounds = array<i64: 128, 256>}, {pipeline_mode = #tpu.pipeline_mode<synchronous>, transform_indices = @transform_4, window_bounds = array<i64: 1, 128>}, {transform_indices = @transform_5, window_bounds = array<i64: 1000, 1>}, {transform_indices = @transform_6, window_bounds = array<i64: 1000, 64>}, {transform_indices = @transform_7, window_bounds = array<i64: 1000, 64>}, {transform_indices = @transform_8, window_bounds = array<i64: 1000, 16>}, {transform_indices = @transform_9, window_bounds = array<i64: 1000, 1>}]} {
    %get3A = arith.constant 0 : index
    %get3A_0 = arith.constant 0 : index
    %get3A_1 = vector.load %arg1[%get3A, %get3A_0] : memref<1000x128xf32, #tpu.memory_space<vmem>>, vector<1000x128xf32>
    %get3A_2 = arith.constant 0 : index
    %get3A_3 = arith.constant 0 : index
    %get3A_4 = vector.load %arg2[%get3A_2, %get3A_3] : memref<256x128xf32, #tpu.memory_space<vmem>>, vector<256x128xf32>
    %dot_general3A = arith.constant dense<0.000000e+00> : vector<1000x256xf32>
    %dot_general3A_5 = tpu.matmul %get3A_1, %get3A_4, %dot_general3A {dimension_numbers = #tpu.dot_dimension_numbers<[1], [1], [0], [0], [0, 0, 1, 0], [], []>, transpose_lhs_hint = false} : vector<1000x128xf32>, vector<256x128xf32>, vector<1000x256xf32> -> vector<1000x256xf32>
    %get3A_6 = arith.constant 0 : index
    %get3A_7 = arith.constant 0 : index
    %get3A_8 = vector.load %arg3[%get3A_6, %get3A_7] : memref<1x256xf32, #tpu.memory_space<vmem>>, vector<1x256xf32>
    %add3A = vector.broadcast %get3A_8 : vector<1x256xf32> to vector<1000x256xf32>
    %add3A_9 = arith.addf %dot_general3A_5, %add3A : vector<1000x256xf32>
    %max3A = arith.constant 0.000000e+00 : f32
    %max3A_10 = vector.broadcast %max3A : f32 to vector<1000x256xf32>
    %max3A_11 = arith.maximumf %add3A_9, %max3A_10 : vector<1000x256xf32>
    %get3A_12 = arith.constant 0 : index
    %get3A_13 = arith.constant 0 : index
    %get3A_14 = vector.load %arg4[%get3A_12, %get3A_13] : memref<128x256xf32, #tpu.memory_space<vmem>>, vector<128x256xf32>
    %dot_general3A_15 = arith.constant dense<0.000000e+00> : vector<1000x128xf32>
    %dot_general3A_16 = tpu.matmul %max3A_11, %get3A_14, %dot_general3A_15 {dimension_numbers = #tpu.dot_dimension_numbers<[1], [1], [0], [0], [0, 0, 1, 0], [], []>, transpose_lhs_hint = false} : vector<1000x256xf32>, vector<128x256xf32>, vector<1000x128xf32> -> vector<1000x128xf32>
    %get3A_17 = arith.constant 0 : index
    %get3A_18 = arith.constant 0 : index
    %get3A_19 = vector.load %arg5[%get3A_17, %get3A_18] : memref<1x128xf32, #tpu.memory_space<vmem>>, vector<1x128xf32>
    %add3A_20 = vector.broadcast %get3A_19 : vector<1x128xf32> to vector<1000x128xf32>
    %add3A_21 = arith.addf %dot_general3A_16, %add3A_20 : vector<1000x128xf32>
    %get3A_22 = arith.constant 0 : index
    %get3A_23 = arith.constant 0 : index
    %get3A_24 = vector.load %arg6[%get3A_22, %get3A_23] : memref<1000x1xf32, #tpu.memory_space<vmem>>, vector<1000x1xf32>
    %rsqrt3A = math.rsqrt %get3A_24 : vector<1000x1xf32>
    %mul3A = vector.broadcast %rsqrt3A : vector<1000x1xf32> to vector<1000x128xf32>
    %mul3A_25 = arith.mulf %add3A_21, %mul3A : vector<1000x128xf32>
    %slice3A = vector.extract_strided_slice %mul3A_25 {offsets = [0, 0], sizes = [1000, 64], strides = [1, 1]} : vector<1000x128xf32> to vector<1000x64xf32>
    %swap3A = arith.constant 0 : index
    %swap3A_26 = arith.constant 0 : index
    %swap3A_27 = vector.load %arg7[%swap3A, %swap3A_26] : memref<1000x64xf32, #tpu.memory_space<vmem>>, vector<1000x64xf32>
    tpu.vector_store %arg7[%swap3A, %swap3A_26], %slice3A {strides = array<i32>} : memref<1000x64xf32, #tpu.memory_space<vmem>>, vector<1000x64xf32>,
    %slice3A_28 = vector.extract_strided_slice %mul3A_25 {offsets = [0, 64], sizes = [1000, 64], strides = [1, 1]} : vector<1000x128xf32> to vector<1000x64xf32>
    %swap3A_29 = arith.constant 0 : index
    %swap3A_30 = arith.constant 0 : index
    %swap3A_31 = vector.load %arg8[%swap3A_29, %swap3A_30] : memref<1000x64xf32, #tpu.memory_space<vmem>>, vector<1000x64xf32>
    tpu.vector_store %arg8[%swap3A_29, %swap3A_30], %slice3A_28 {strides = array<i32>} : memref<1000x64xf32, #tpu.memory_space<vmem>>, vector<1000x64xf32>,
    %div3A = arith.constant 0.899999976 : f32
    %div3A_32 = vector.broadcast %div3A : f32 to vector<1000x1xf32>
    %div3A_33 = arith.divf %div3A_32, %get3A_24 : vector<1000x1xf32>
    %broadcast_in_dim3A = vector.shape_cast %div3A_33 : vector<1000x1xf32> to vector<1000x1xf32>
    %broadcast_in_dim3A_34 = vector.broadcast %broadcast_in_dim3A : vector<1000x1xf32> to vector<1000x16xf32>
    %swap3A_35 = arith.constant 0 : index
    %swap3A_36 = arith.constant 0 : index
    %swap3A_37 = vector.load %arg9[%swap3A_35, %swap3A_36] : memref<1000x16xf32, #tpu.memory_space<vmem>>, vector<1000x16xf32>
    tpu.vector_store %arg9[%swap3A_35, %swap3A_36], %broadcast_in_dim3A_34 {strides = array<i32>} : memref<1000x16xf32, #tpu.memory_space<vmem>>, vector<1000x16xf32>,
    %mul3A_38 = arith.mulf %get3A_24, %rsqrt3A : vector<1000x1xf32>
    %swap3A_39 = arith.constant 0 : index
    %swap3A_40 = arith.constant 0 : index
    %swap3A_41 = vector.load %arg10[%swap3A_39, %swap3A_40] : memref<1000x1xf32, #tpu.memory_space<vmem>>, vector<1000x1xf32>
    tpu.vector_store %arg10[%swap3A_39, %swap3A_40], %mul3A_38 {strides = array<i32>} : memref<1000x1xf32, #tpu.memory_space<vmem>>, vector<1000x1xf32>,
    return
  }
  func.func @transform_0(%arg0: i32) -> (i32, i32) {
    %c0_i32 = arith.constant 0 : i32
    %c0_i32_0 = arith.constant 0 : i32
    return %arg0, %c0_i32 : i32, i32
  }
  func.func @transform_1(%arg0: i32) -> (i32, i32) {
    %c0_i32 = arith.constant 0 : i32
    %c0_i32_0 = arith.constant 0 : i32
    %c0_i32_1 = arith.constant 0 : i32
    return %c0_i32, %c0_i32_0 : i32, i32
  }
  func.func @transform_2(%arg0: i32) -> (i32, i32) {
    %c0_i32 = arith.constant 0 : i32
    %c0_i32_0 = arith.constant 0 : i32
    %c0_i32_1 = arith.constant 0 : i32
    return %c0_i32, %c0_i32_0 : i32, i32
  }
  func.func @transform_3(%arg0: i32) -> (i32, i32) {
    %c0_i32 = arith.constant 0 : i32
    %c0_i32_0 = arith.constant 0 : i32
    %c0_i32_1 = arith.constant 0 : i32
    return %c0_i32, %c0_i32_0 : i32, i32
  }
  func.func @transform_4(%arg0: i32) -> (i32, i32) {
    %c0_i32 = arith.constant 0 : i32
    %c0_i32_0 = arith.constant 0 : i32
    %c0_i32_1 = arith.constant 0 : i32
    return %c0_i32, %c0_i32_0 : i32, i32
  }
  func.func @transform_5(%arg0: i32) -> (i32, i32) {
    %c0_i32 = arith.constant 0 : i32
    %c0_i32_0 = arith.constant 0 : i32
    return %arg0, %c0_i32 : i32, i32
  }
  func.func @transform_6(%arg0: i32) -> (i32, i32) {
    %c0_i32 = arith.constant 0 : i32
    %c0_i32_0 = arith.constant 0 : i32
    return %arg0, %c0_i32 : i32, i32
  }
  func.func @transform_7(%arg0: i32) -> (i32, i32) {
    %c0_i32 = arith.constant 0 : i32
    %c0_i32_0 = arith.constant 0 : i32
    return %arg0, %c0_i32 : i32, i32
  }
  func.func @transform_8(%arg0: i32) -> (i32, i32) {
    %c0_i32 = arith.constant 0 : i32
    %c0_i32_0 = arith.constant 0 : i32
    return %arg0, %c0_i32 : i32, i32
  }
  func.func @transform_9(%arg0: i32) -> (i32, i32) {
    %c0_i32 = arith.constant 0 : i32
    %c0_i32_0 = arith.constant 0 : i32
    return %arg0, %c0_i32 : i32, i32
  }
}

module attributes {stable_mosaic.version = 14 : i64} {
  func.func @_final_body(%arg0: i32, %arg1: memref<1000x64xf32, #tpu.memory_space<vmem>>, %arg2: memref<1000x64xf32, #tpu.memory_space<vmem>>, %arg3: memref<1000x1xf32, #tpu.memory_space<vmem>>, %arg4: memref<1000x128xf32, #tpu.memory_space<vmem>>) attributes {dimension_semantics = [#tpu.dimension_semantics<arbitrary>], iteration_bounds = array<i64: 10>, scalar_prefetch = 0 : i64, scratch_operands = 0 : i64, tpu.core_type = #tpu.core_type<tc>, window_params = [{transform_indices = @transform_0, window_bounds = array<i64: 1000, 64>}, {transform_indices = @transform_1, window_bounds = array<i64: 1000, 64>}, {transform_indices = @transform_2, window_bounds = array<i64: 1000, 1>}, {transform_indices = @transform_3, window_bounds = array<i64: 1000, 128>}]} {
    %get3A = arith.constant 0 : index
    %get3A_0 = arith.constant 0 : index
    %get3A_1 = vector.load %arg1[%get3A, %get3A_0] : memref<1000x64xf32, #tpu.memory_space<vmem>>, vector<1000x64xf32>
    %get3A_2 = arith.constant 0 : index
    %get3A_3 = arith.constant 0 : index
    %get3A_4 = vector.load %arg2[%get3A_2, %get3A_3] : memref<1000x64xf32, #tpu.memory_space<vmem>>, vector<1000x64xf32>
    %concatenate3A = tpu.concatenate %get3A_1, %get3A_4 in 1 : vector<1000x64xf32>, vector<1000x64xf32> -> vector<1000x128xf32>
    %get3A_5 = arith.constant 0 : index
    %get3A_6 = arith.constant 0 : index
    %get3A_7 = vector.load %arg3[%get3A_5, %get3A_6] : memref<1000x1xf32, #tpu.memory_space<vmem>>, vector<1000x1xf32>
    %mul3A = vector.broadcast %get3A_7 : vector<1000x1xf32> to vector<1000x128xf32>
    %mul3A_8 = arith.mulf %concatenate3A, %mul3A : vector<1000x128xf32>
    %reduce_max3A = arith.constant dense<0xFF800000> : vector<1000xf32>
    %reduce_max3A_9 = vector.multi_reduction <maximumf>, %mul3A_8, %reduce_max3A [1] : vector<1000x128xf32> to vector<1000xf32>
    %broadcast_in_dim3A = vector.shape_cast %reduce_max3A_9 : vector<1000xf32> to vector<1000x1xf32>
    %sub3A = vector.broadcast %broadcast_in_dim3A : vector<1000x1xf32> to vector<1000x128xf32>
    %sub3A_10 = arith.subf %mul3A_8, %sub3A : vector<1000x128xf32>
    %exp3A = math.exp %sub3A_10 : vector<1000x128xf32>
    %reduce_sum3A = arith.constant dense<0.000000e+00> : vector<1000xf32>
    %reduce_sum3A_11 = vector.multi_reduction <add>, %exp3A, %reduce_sum3A [1] : vector<1000x128xf32> to vector<1000xf32>
    %broadcast_in_dim3A_12 = vector.shape_cast %reduce_sum3A_11 : vector<1000xf32> to vector<1000x1xf32>
    %log3A = math.log %broadcast_in_dim3A_12 : vector<1000x1xf32>
    %add3A = arith.addf %log3A, %broadcast_in_dim3A : vector<1000x1xf32>
    %sub3A_13 = vector.broadcast %add3A : vector<1000x1xf32> to vector<1000x128xf32>
    %sub3A_14 = arith.subf %mul3A_8, %sub3A_13 : vector<1000x128xf32>
    %swap3A = arith.constant 0 : index
    %swap3A_15 = arith.constant 0 : index
    %swap3A_16 = vector.load %arg4[%swap3A, %swap3A_15] : memref<1000x128xf32, #tpu.memory_space<vmem>>, vector<1000x128xf32>
    tpu.vector_store %arg4[%swap3A, %swap3A_15], %sub3A_14 {strides = array<i32>} : memref<1000x128xf32, #tpu.memory_space<vmem>>, vector<1000x128xf32>,
    return
  }
  func.func @transform_0(%arg0: i32) -> (i32, i32) {
    %c0_i32 = arith.constant 0 : i32
    %c0_i32_0 = arith.constant 0 : i32
    return %arg0, %c0_i32 : i32, i32
  }
  func.func @transform_1(%arg0: i32) -> (i32, i32) {
    %c0_i32 = arith.constant 0 : i32
    %c0_i32_0 = arith.constant 0 : i32
    return %arg0, %c0_i32 : i32, i32
  }
  func.func @transform_2(%arg0: i32) -> (i32, i32) {
    %c0_i32 = arith.constant 0 : i32
    %c0_i32_0 = arith.constant 0 : i32
    return %arg0, %c0_i32 : i32, i32
  }
  func.func @transform_3(%arg0: i32) -> (i32, i32) {
    %c0_i32 = arith.constant 0 : i32
    %c0_i32_0 = arith.constant 0 : i32
    return %arg0, %c0_i32 : i32, i32
  }
}

</mosaic_0001>

<sc_bundles>
// kernel: kernel.6.cloned.1.call-start
scs
__scs_entry_jumppad:
0x0: {  	(pc) =	sbr.rel $0x88, $3  }
0x1: {  	(tag) =	ssettag $0x0;
	lr =	simm.s32 $0x1  }
0x2: {  	[smem:$0x3F9B] =	sst lr;
	_ =	strace $0xD0000000  }
0x3: {  	_ = 	snop  }
0x4: {  	_ = 	snop  }
0x5: {  	_ = 	snop  }
0x6: {  	_ = 	snop  }
0x7: {  	_ = 	snop  }
__scs_overlays_trampoline_lowered:
0x8: {  	[smem:$0x3FAA] =	sst s0  }
0x9: {  	[smem:$0x3FAB] =	sst s1  }
0xa: {  	[smem:$0x3FAC] =	sst s2  }
0xb: {  	[smem:$0x3FAD] =	sst s3  }
0xc: {  	[smem:$0x3FAE] =	sst s4  }
0xd: {  	[smem:$0x3FAF] =	sst s5  }
0xe: {  	[smem:$0x3FB0] =	sst s6  }
0xf: {  	[smem:$0x3FB1] =	sst s7  }
0x10: {  	[smem:$0x3FB2] =	sst s8  }
0x11: {  	[smem:$0x3FB3] =	sst s9;
	s0 =	simm.s32 @!p0 $0x0  }
0x12: {  	s1 =	sld [smem:$0x3F99];
	s0 =	simm.s32 @p0 $0x1  }
0x13: {  	[smem:$0x3FB4] =	sst s0;
	s0 =	simm.s32 @!p1 $0x0  }
0x14: {  	s2 =	sld [smem:$0x3F98];
	s0 =	simm.s32 @p1 $0x1  }
0x15: {  	[smem:$0x3FB5] =	sst s0;
	s0 =	simm.s32 @!p2 $0x0  }
0x16: {  	s3 =	sld [smem:$0x3FDB];
	s0 =	simm.s32 @p2 $0x1  }
0x17: {  	s4 =	simm.s32 $0x1BF5;
	[smem:$0x3FB7] =	sst s0  }
0x18: {  	s0 =	sld [smem:$0x3F9A];
	_ =	swait.ge [sflag:s4], $0x0  }
0x19: {  	s7 =	sld [smem:$0x3F9B]  }
0x1a: {  	s8 =	sadd.s32 $0xFFFFE003, lr  }
0x1b: {  	s9 =	sadd.s32 $0xFFFFFEF7, lr;
	s5 =	simm.s32 $0xFFFFFFFF;
	p2 =	slt.u32 s8, $0xFFFFF086  }
0x1c: {  	p1 =	slt.u32 s9, $0xF7A;
	s5 =	simm.s32 @!p2 $0x0  }
0x1d: {  	s5 =	simm.s32 @p1 $0x1;
	p0 =	seq.s32 s7, s2  }
0x1e: {  	s7 =	smul.u32 @!p0 $0xF7A, s2;
	p2 =	seq.s32 @!p0 s5, $0x0  }
0x1f: {  	s9 =	smul.u32 $0xF7A, s1;
	s8 =	simm.s32 @!p0 $0x1BF5;
	p2 =	por !p2, p0  }
0x20: {  	[sflag:s8] =	ssyncset.s32 @!p0 $0xFFFFF086;
	s6 =	sadd.s32 @!p0 s3, s7;
	s7 =	simm.s32 @!p0 $0x108  }
0x21: {  	s3 =	sadd.s32 s3, s9;
	s6 =	sadd.s32 @!p0 $0x88, s6;
	s7 =	simm.s32 @p2 $0x1082  }
0x22: {  	[simem:s7], [sflag:s8] =	dma.local @!p0 [hbm:s6], $0xF7A  }
0x23: {  	s9 =	sor.u32 $0xD0000000, s2;
	s6 =	simm.s32 $0x108;
	_ =	swait.ge @!p0 [sflag:s8], $0x0  }
0x24: {  	s3 =	sadd.s32 $0x88, s3;
	s6 =	simm.s32 @!p1 $0x1082;
	[sflag:s4] =	ssyncset.s32 $0xFFFFF086  }
0x25: {  	[simem:s6], [sflag:s4] =	dma.local [hbm:s3], $0xF7A  }
0x26: {  	[smem:$0x3F9B] =	sst s1;
	(tag) =	ssettag s2;
	_ =	strace s9  }
0x27: {  	s1 =	sld [smem:$0x3FAB]  }
0x28: {  	s2 =	sld [smem:$0x3FAC]  }
0x29: {  	s4 =	sld [smem:$0x3FAE]  }
0x2a: {  	p0 =	seq.s32 s5, $0x0;
	s5 =	sld [smem:$0x3FAF]  }
0x2b: {  	s6 =	sld [smem:$0x3FB0]  }
0x2c: {  	s7 =	sld [smem:$0x3FB1]  }
0x2d: {  	s3 =	simm.s32 $0x108;
	s8 =	sld [smem:$0x3FB2]  }
0x2e: {  	s3 =	simm.s32 @!p0 $0x1082;
	s9 =	sld [smem:$0x3FB3]  }
0x2f: {  	lr =	sadd.s32 s0, s3;
	s0 =	sld [smem:$0x3FAA]  }
0x30: {  	s3 =	sld [smem:$0x3FAD]  }
0x31: {  	[smem:$0x3FB6] =	sst s10  }
0x32: {  	s10 =	sld [smem:$0x3FB4];
	_ =	sdelay $0x3  }
0x33: {  	p0 =	seq.s32 s10, $0x1;
	s10 =	sld [smem:$0x3FB6];
	_ =	sdelay $0x3  }
0x34: {  	[smem:$0x3FB6] =	sst s10  }
0x35: {  	s10 =	sld [smem:$0x3FB5];
	_ =	sdelay $0x3  }
0x36: {  	p1 =	seq.s32 s10, $0x1;
	s10 =	sld [smem:$0x3FB6];
	_ =	sdelay $0x3  }
0x37: {  	[smem:$0x3FB6] =	sst s10  }
0x38: {  	s10 =	sld [smem:$0x3FB7]  }
0x39: {  	_ = 	snop;
	(pc) =	sbr.ind lr, $3  }
0x3a: {  	_ = 	snop  }
0x3b: {  	_ = 	snop  }
0x3c: {  	p2 =	seq.s32 s10, $0x1;
	s10 =	sld [smem:$0x3FB6]  }
0x3d: {  	_ =	shalt  }
0x3e: {  	_ =	shalt  }
0x3f: {  	_ =	shalt  }
0x40: {  	_ =	shalt  }
0x41: {  	_ =	shalt  }
0x42: {  	_ =	shalt  }
0x43: {  	_ =	shalt  }
0x44: {  	_ =	shalt  }
0x45: {  	_ =	shalt  }
0x46: {  	_ =	shalt  }
0x47: {  	_ =	shalt  }
0x48: {  	_ =	shalt  }
0x49: {  	_ =	shalt  }
0x4a: {  	_ =	shalt  }
0x4b: {  	_ =	shalt  }
0x4c: {  	_ =	shalt  }
0x4d: {  	_ =	shalt  }
0x4e: {  	_ =	shalt  }
0x4f: {  	_ =	shalt  }
0x50: {  	_ =	shalt  }
0x51: {  	_ =	shalt  }
0x52: {  	_ =	shalt  }
0x53: {  	_ =	shalt  }
0x54: {  	_ =	shalt  }
0x55: {  	_ =	shalt  }
0x56: {  	_ =	shalt  }
0x57: {  	_ =	shalt  }
0x58: {  	_ =	shalt  }
0x59: {  	_ =	shalt  }
0x5a: {  	_ =	shalt  }
0x5b: {  	_ =	shalt  }
0x5c: {  	_ =	shalt  }
0x5d: {  	_ =	shalt  }
0x5e: {  	_ =	shalt  }
0x5f: {  	_ =	shalt  }
0x60: {  	_ =	shalt  }
0x61: {  	_ =	shalt  }
0x62: {  	_ =	shalt  }
0x63: {  	_ =	shalt  }
0x64: {  	_ =	shalt  }
0x65: {  	_ =	shalt  }
0x66: {  	_ =	shalt  }
0x67: {  	_ =	shalt  }
0x68: {  	_ =	shalt  }
0x69: {  	_ =	shalt  }
0x6a: {  	_ =	shalt  }
0x6b: {  	_ =	shalt  }
0x6c: {  	_ =	shalt  }
0x6d: {  	_ =	shalt  }
0x6e: {  	_ =	shalt  }
0x6f: {  	_ =	shalt  }
0x70: {  	_ =	shalt  }
0x71: {  	_ =	shalt  }
0x72: {  	_ =	shalt  }
0x73: {  	_ =	shalt  }
0x74: {  	_ =	shalt  }
0x75: {  	_ =	shalt  }
0x76: {  	_ =	shalt  }
0x77: {  	_ =	shalt  }
0x78: {  	_ =	shalt  }
0x79: {  	_ =	shalt  }
0x7a: {  	_ =	shalt  }
0x7b: {  	_ =	shalt  }
0x7c: {  	_ =	shalt  }
0x7d: {  	_ =	shalt  }
0x7e: {  	_ =	shalt  }
0x7f: {  	_ =	shalt  }
0x80: {  	_ =	shalt  }
0x81: {  	_ =	shalt  }
0x82: {  	_ =	shalt  }
0x83: {  	_ =	shalt  }
0x84: {  	_ =	shalt  }
0x85: {  	_ =	shalt  }
0x86: {  	_ =	shalt  }
0x87: {  	_ =	shalt  }
.Lfunc_end0:
.L_simem_size_0:
called_computation_lowered:
.L_overlay_start_0:
0x88: {  	s2 =	sld [smem:$0x3FD9]  }
0x89: {  	s3 =	sld [smem:$0x3FFE];
	_ =	sdelay $0x1  }
0x8a: {  	s1 =	srdreg.scid  }
0x8b: {  	s0 =	sand.u32 $0x1, s1  }
0x8c: {  	s17 =	sshll.u32 s0, $0xA;
	s2 =	sadd.s32 s3, s2  }
0x8d: {  	s2 =	sadd.s32 s2, s17  }
0x8e: {  	[smem:$0x3FC2] =	sst s2  }
0x8f: {  	_ = 	snop  }
0x90: {  	s2 =	sld [smem:$0x3FD0];
	(tm) =	ssettm $0x1  }
0x91: {  	s18 =	sld [smem:$0x3FFB];
	_ =	sdelay $0x3  }
0x92: {  	_ =	strace s18  }
0x93: {  	s3 =	sld [smem:$0x3FFC];
	_ =	sdelay $0x3  }
0x94: {  	_ =	strace s3  }
0x95: {  	s3 =	sld [smem:$0x3FFD];
	_ =	sdelay $0x3  }
0x96: {  	_ =	strace s3  }
0x97: {  	_ =	strace $0x8FFFFFFF  }
0x98: {  	s19 =	sld [smem:$0x3FDB];
	_ =	sdelay $0x1  }
0x99: {  	s4 =	simm.s32 $_scs_section_size  }
0x9a: {  	s5 =	simm.s32 $_size__tile_overlayer_lowered;
	s6 =	simm.s32 $_tile_overlayer_lowered  }
0x9b: {  	s22 =	simm.s32 $0x1BFF;
	s21 =	sshll.u32 s6, $0x1;
	s3 =	sadd.s32 s4, s19  }
0x9c: {  	s7 =	simm.s32 $0x0;
	s20 =	sshll.u32 s5, $0x1;
	s5 =	sadd.s32 s21, s3  }
0x9d: {  	[timem:s7], [sflag:s22] =	dma.local [hbm:s5], s20  }
0x9e: {  	_ =	swait.ge [sflag:s22], s20  }
0x9f: {  	s4 =	ssub.s32 $0x0, s20;
	[sflag:s22] =	ssyncset.done $0x0  }
0xa0: {  	[sflag:s22] =	ssyncadd.s32 s4;
	_ =	sdelay $0x1  }
0xa1: {  	s23 =	simm.s32 $0x1B8B  }
0xa2: {  	_ =	swait.ge [sflag:s23], $0x1  }
0xa3: {  	[sflag:s23] =	ssyncset.done $0x0  }
0xa4: {  	s25 =	simm.s32 $0x1B8E;
	s24 =	sld [smem:$0x3FFE];
	[sflag:s23] =	ssyncadd.s32 $0xFFFFFFFF  }
0xa5: {  	s26 =	simm.s32 $execute0_lowered;
	[smem:$0x3FD2] =	sst s25  }
0xa6: {  	s5 =	sshll.u32 s26, $0x1;
	_ =	strace $0x80000046;
	[dreg:$0x1] =	wrdreg $0xFFFFFFFF  }
0xa7: {  	s28 =	simm.s32 $_size_execute0_lowered;
	s3 =	sadd.s32 s3, s5;
	[dreg:$0x0] =	wrdreg $0x0  }
0xa8: {  	s5 =	sshll.u32 s28, $0x1;
	[dreg:$0x2] =	wrdreg s3  }
0xa9: {  	[dreg:$0x3] =	wrdreg s5  }
0xaa: {  	[dreg:$0x4] =	wrdreg $0xC0  }
0xab: {  	_ =	task [dreg:s7], $0x5FFFF  }
0xac: {  	[dreg:$0x1] =	wrdreg $0xFFFFFFFF  }
0xad: {  	[dreg:$0x0] =	wrdreg $0x60  }
0xae: {  	[dreg:$0x2] =	wrdreg s24  }
0xaf: {  	[dreg:$0x3] =	wrdreg s2  }
0xb0: {  	[dreg:$0x4] =	wrdreg $0x0  }
0xb1: {  	[dreg:$0x5] =	wrdreg $0xA0000  }
0xb2: {  	[dreg:$0x6] =	wrdreg $0x9  }
0xb3: {  	_ =	task.clear_ibuf [dreg:s7], $0x7FFFF;
	_ =	strace $0x90000046  }
0xb4: {  	s29 =	simm.s32 $0x9;
	_ =	strace $0x80000048  }
0xb5: {  	_ =	swait.ge [sflag:s29], $0x1  }
0xb6: {  	[sflag:s29] =	ssyncadd.s32 $0xFFFFFFFF  }
0xb7: {  	_ =	strace $0x90000048  }
0xb8: {  	_ =	sfence  }
0xb9: {  	s30 =	sld [smem:$0x0];
	_ =	sdelay $0x2  }
0xba: {  	s31 =	sshll.u32 s1, $0xD;
	s1 =	sshrl.u32 s1, $0x2  }
0xbb: {  	s3 =	sand.u32 $0x4000, s31;
	s1 =	sadd.s32 s1, s30  }
0xbc: {  	s0 =	sor.u32 s3, s0;
	s1 =	sshll.u32 s1, $0x11  }
0xbd: {  	s0 =	sor.u32 s1, s0  }
0xbe: {  	s0 =	sadd.s32 $0x8F2B, s0  }
0xbf: {  	[sflag:s0] =	ssyncadd.remote.s32 $0x1  }
0xc0: {  	_ =	sfence.sel $0xFFFF  }
0xc1: {  	[dreg:$0x0] =	wrdreg $0xFFFFFFFF;
	(pc) =	sbr.abs _section_cstart, $3  }
0xc2: {  	[dreg:$0x1] =	wrdreg $0xFFFFFFFF  }
0xc3: {  	_ =	task.clear_ibuf [dreg:s7], $0x2FFFF;
	_ =	strace $0x9FFFFFFF  }
0xc4: {  	(tm) =	ssettm $0x7FFFFFFF  }
0xc5: {  	_ =	shalt  }
tec
execute0_lowered:
.L_overlay_start_1:
0x0: {  	(tag) =	ssettag $0x1  }
0x1: {  	s0 =	rddreg [dreg:$0x0]  }
0x2: {  	s1 =	rddreg [dreg:$0x1]  }
0x3: {  	s2 =	rddreg [dreg:$0x2]  }
0x4: {  	s3 =	rddreg [dreg:$0x3];
	s12 =	stileid.u32  }
0x5: {  	s5 =	srdreg.scid;
	s4 =	simm.s32 $0x0;
	s6 =	smul.u32 $0x280, s12  }
0x6: {  	s29 =	simm.s32 $0x18600;
	s30 =	simm.s32 $0x4;
	s10 =	smul.u32 $0x500, s12  }
0x7: {  	s5 =	sand.u32 $0x1, s5;
	[smem:$0x7FF] =	sst s4;
	s11 =	smul.u32 $0x5000, s12  }
0x8: {  	s8 =	sadd.s32 $0xAC00, s0;
	s9 =	sadd.s32 $0xC00, s0;
	s26 =	smul.u32 $0xA00, s12  }
0x9: {  	s14 =	sshll.u32 s12, $0x6;
	s7 =	smul.u32 $0x2800, s5;
	s5 =	ssub.s32 $0x2, s5  }
0xa: {  	_ =	strace $0x80000047;
	s17 =	sor.u32 $0x1C0D, s14;
	s13 =	sshrl.u32 s5, $0x1  }
0xb: {  	s1 =	sadd.s32 s1, s10;
	s15 =	sshrl.u32 s11, $0x3;
	[dreg:$0x6] =	wrdreg s17  }
0xc: {  	s6 =	sadd.s32 s6, s7;
	[dreg:$0x7] =	wrdreg s1;
	s18 =	sadd.s32 s8, s15  }
0xd: {  	s19 =	sadd.s32 s9, s15;
	s20 =	sor.u32 $0x10, s15;
	[dreg:$0x8] =	wrdreg s18  }
0xe: {  	s22 =	sor.u32 $0x20, s15;
	[dreg:$0x9] =	wrdreg s19;
	s21 =	sadd.s32 s8, s20  }
0xf: {  	s1 =	sor.u32 $0x30, s15;
	s23 =	sadd.s32 s8, s22;
	[dreg:$0xa] =	wrdreg s21  }
0x10: {  	s7 =	smul.u32 $0xA000, s12;
	s24 =	sadd.s32 s8, s1;
	[dreg:$0xc] =	wrdreg s23  }
0x11: {  	s6 =	sshll.u32 s6, $0x3;
	s1 =	sadd.s32 s9, s1;
	[dreg:$0xe] =	wrdreg s24  }
0x12: {  	s0 =	sadd.s32 s6, s0;
	s6 =	sadd.s32 s9, s20;
	[dreg:$0xf] =	wrdreg s1  }
0x13: {  	s5 =	ssub.s32 s5, s13;
	s16 =	sadd.s32 s7, s2;
	[dreg:$0xb] =	wrdreg s6  }
0x14: {  	s28 =	sadd.s32 $0x4000, s7;
	s6 =	sadd.s32 s9, s22;
	[dreg:$0x5] =	wrdreg s16  }
0x15: {  	s11 =	sadd.s32 $0x6000, s7;
	s1 =	sadd.s32 s28, s2;
	[dreg:$0xd] =	wrdreg s6  }
0x16: {  	s12 =	sadd.s32 $0x8000, s7;
	s13 =	sadd.s32 s11, s3;
	[dreg:$0x13] =	wrdreg s1  }
0x17: {  	s31 =	simm.s32 $0x1A600;
	s14 =	sadd.s32 s12, s3;
	[dreg:$0x15] =	wrdreg s13  }
0x18: {  	s10 =	simm.s32 $0x14000;
	s15 =	sadd.s32 $0x14C00, s0;
	[dreg:$0x17] =	wrdreg s14  }
0x19: {  	s19 =	sadd.s32 s26, s9;
	s18 =	sadd.s32 $0x3CC00, s0;
	[dreg:$0x19] =	wrdreg s15  }
0x1a: {  	s25 =	sadd.s32 $0x2000, s7;
	s21 =	sadd.s32 $0x3D000, s0;
	[dreg:$0x1a] =	wrdreg s18  }
0x1b: {  	s20 =	sadd.s32 s26, s8;
	s24 =	sadd.s32 $0x3D400, s0;
	[dreg:$0x1b] =	wrdreg s21  }
0x1c: {  	s8 =	simm.s32 $0x9;
	s26 =	sadd.s32 $0x3DC00, s0;
	[dreg:$0x1c] =	wrdreg s24  }
0x1d: {  	s23 =	sadd.s32 s28, s3;
	s28 =	smax.u32 s5, $0x1;
	[dreg:$0x1e] =	wrdreg s26  }
0x1e: {  	s22 =	sadd.s32 s25, s3;
	s9 =	sadd.s32 s7, s3;
	[smem:$0x7FD] =	sst s28  }
0x1f: {  	s7 =	simm.s32 $0x8;
	s6 =	sadd.s32 s25, s2;
	[dreg:$0x10] =	wrdreg s22  }
0x20: {  	s1 =	sadd.s32 s12, s2;
	s25 =	sadd.s32 $0x3D800, s0;
	[dreg:$0x11] =	wrdreg s23  }
0x21: {  	s0 =	sadd.s32 $0x64C00, s0;
	s12 =	simm.s32 $0x14100;
	[dreg:$0x14] =	wrdreg s9  }
0x22: {  	s13 =	simm.s32 $0x14180;
	s14 =	simm.s32 $0x1;
	[dreg:$0x12] =	wrdreg s6  }
0x23: {  	s15 =	simm.s32 $0x80;
	s18 =	simm.s32 $0x14600;
	[dreg:$0x18] =	wrdreg s1  }
0x24: {  	s21 =	simm.s32 $0x2;
	s24 =	simm.s32 $0x16600;
	[dreg:$0x1d] =	wrdreg s25  }
0x25: {  	s26 =	simm.s32 $0x3;
	s6 =	sadd.s32 s11, s2;
	[dreg:$0x1f] =	wrdreg s0  }
0x26: {  	s25 =	simm.s32 $0xD;
	s11 =	simm.s32 $0x14080;
	s0 =	simm.s32 $0x5  }
0x27: {  	s1 =	simm.s32 $0x7;
	[dreg:$0x16] =	wrdreg s6;
	s6 =	simm.s32 $0x0  }
.LBB2_1:
0x28: {  	[smem:$0x7FB] =	sst s6  }
0x29: {  	s23 =	sshrl.u32 s16, $0x3;
	s5 =	rddreg [dreg:$0x19]  }
0x2a: {  	[smem:$0x7FC] =	sst s23  }
0x2b: {  	[spmem:s23], [sflag:s17] =	dma.local [hbm:s5], $0x1400  }
0x2c: {  	_ =	swait.ge [sflag:s25], $0x1400  }
0x2d: {  	[sflag:s25] =	ssyncset.done $0x0  }
0x2e: {  	s16 =	sshrl.u32 s9, $0x3;
	[sflag:s25] =	ssyncadd.s32 $0xFFFFEC00  }
0x2f: {  	[spmem:s16], [sflag:s17] =	dma.local [hbm:s5], $0x1400  }
0x30: {  	_ =	swait.ge [sflag:s25], $0x1400  }
0x31: {  	[sflag:s25] =	ssyncset.done $0x0  }
0x32: {  	s23 =	simm.s32 $0x1C600;
	s22 =	rddreg [dreg:$0x7];
	[sflag:s25] =	ssyncadd.s32 $0xFFFFEC00  }
0x33: {  	[tilespmem:s23], [sflag:$0xD] =	stream.linear.gather [hbm4b:s22+s4], $0x2800, $0x38;
	[tilespmem:$0x1EE00] =	vst v63  }
0x34: {  	_ =	swait.ge [sflag:s25], $0x2800  }
0x35: {  	[sflag:s25] =	ssyncset.done $0x0  }
0x36: {  	[sflag:s25] =	ssyncadd.s32 $0xFFFFD800  }
0x37: {  	[bflag:$0x0] =	sbarrier.arrive $0xFFFF  }
0x38: {  	s9 =	rddreg [dreg:$0x8]  }
0x39: {  	[tilespmem:s10], [sflag:$0x1] =	stream.linear.gather [hbm4b:s9+s4], $0x80, $0x38;
	[tilespmem:$0x1EE00] =	vst v63  }
0x3a: {  	s17 =	simm.s32 $0x14200;
	s16 =	rddreg [dreg:$0x9]  }
0x3b: {  	[tilespmem:s17], [sflag:$0x1] =	stream.linear.gather [hbm4b:s16+s4], $0x80, $0x38;
	[tilespmem:$0x1EE00] =	vst v63  }
0x3c: {  	s22 =	rddreg [dreg:$0xa]  }
0x3d: {  	[tilespmem:s11], [sflag:$0x2] =	stream.linear.gather [hbm4b:s22+s4], $0x80, $0x38;
	[tilespmem:$0x1EE00] =	vst v63  }
0x3e: {  	s25 =	simm.s32 $0x14300;
	s23 =	rddreg [dreg:$0xb]  }
0x3f: {  	[tilespmem:s25], [sflag:$0x2] =	stream.linear.gather [hbm4b:s23+s4], $0x80, $0x38;
	[tilespmem:$0x1EE00] =	vst v63  }
0x40: {  	s9 =	rddreg [dreg:$0xc]  }
0x41: {  	[tilespmem:s12], [sflag:$0x3] =	stream.linear.gather [hbm4b:s9+s4], $0x80, $0x38;
	[tilespmem:$0x1EE00] =	vst v63  }
0x42: {  	s16 =	rddreg [dreg:$0xd];
	s17 =	simm.s32 $0x14400  }
0x43: {  	[tilespmem:s17], [sflag:$0x3] =	stream.linear.gather [hbm4b:s16+s4], $0x80, $0x38;
	[tilespmem:$0x1EE00] =	vst v63  }
0x44: {  	s22 =	rddreg [dreg:$0xe]  }
0x45: {  	[tilespmem:s13], [sflag:$0x4] =	stream.linear.gather [hbm4b:s22+s4], $0x80, $0x38;
	[tilespmem:$0x1EE00] =	vst v63  }
0x46: {  	s23 =	rddreg [dreg:$0xf];
	s25 =	simm.s32 $0x14500  }
0x47: {  	[tilespmem:s25], [sflag:$0x4] =	stream.linear.gather [hbm4b:s23+s4], $0x80, $0x38;
	[tilespmem:$0x1EE00] =	vst v63  }
0x48: {  	s28 =	simm.s32 $0x0;
	s25 =	simm.s32 $0x0  }
.LBB2_2:
0x49: {  	p0 =	seq.s32 s28, $0x0  }
0x4a: {  	s6 =	simm.s32 @!p0 $0x9  }
0x4b: {  	_ =	swait.ge @!p0 [sflag:s6], $0x2000  }
0x4c: {  	[sflag:s6] =	ssyncset.done @!p0 $0x0  }
0x4d: {  	[sflag:s6] =	ssyncadd.s32 @!p0 $0xFFFFE000  }
0x4e: {  	_ =	swait.ge [sflag:s14], $0x80  }
0x4f: {  	[sflag:s14] =	ssyncset.done $0x0  }
0x50: {  	[sflag:s14] =	ssyncadd.s32 $0xFFFFFF80  }
0x51: {  	_ =	swait.ge [sflag:s14], $0x80  }
0x52: {  	[sflag:s14] =	ssyncset.done $0x0  }
0x53: {  	s6 =	simm.s32 @!p0 $0xA;
	[sflag:s14] =	ssyncadd.s32 $0xFFFFFF80  }
0x54: {  	[tilespmem:s18], [sflag:$0x5] =	stream.indirect.gather [spmem:s2], $0x40, s10, s15, $0xb8;
	[tilespmem:$0x1EE00] =	vst v63  }
0x55: {  	_ =	swait.ge @!p0 [sflag:s6], $0x2000  }
0x56: {  	[sflag:s6] =	ssyncset.done @!p0 $0x0  }
0x57: {  	[sflag:s6] =	ssyncadd.s32 @!p0 $0xFFFFE000  }
0x58: {  	_ =	swait.ge [sflag:s21], $0x80  }
0x59: {  	[sflag:s21] =	ssyncset.done $0x0  }
0x5a: {  	[sflag:s21] =	ssyncadd.s32 $0xFFFFFF80  }
0x5b: {  	_ =	swait.ge [sflag:s21], $0x80  }
0x5c: {  	[sflag:s21] =	ssyncset.done $0x0  }
0x5d: {  	s6 =	simm.s32 @!p0 $0xB;
	[sflag:s21] =	ssyncadd.s32 $0xFFFFFF80  }
0x5e: {  	[tilespmem:s24], [sflag:$0x6] =	stream.indirect.gather [spmem:s2], $0x40, s11, s15, $0xb8;
	[tilespmem:$0x1EE00] =	vst v63  }
0x5f: {  	_ =	swait.ge @!p0 [sflag:s6], $0x2000  }
0x60: {  	[sflag:s6] =	ssyncset.done @!p0 $0x0  }
0x61: {  	[sflag:s6] =	ssyncadd.s32 @!p0 $0xFFFFE000  }
0x62: {  	_ =	swait.ge [sflag:s26], $0x80  }
0x63: {  	[sflag:s26] =	ssyncset.done $0x0  }
0x64: {  	[sflag:s26] =	ssyncadd.s32 $0xFFFFFF80  }
0x65: {  	_ =	swait.ge [sflag:s26], $0x80  }
0x66: {  	[sflag:s26] =	ssyncset.done $0x0  }
0x67: {  	s6 =	simm.s32 @!p0 $0xC;
	[sflag:s26] =	ssyncadd.s32 $0xFFFFFF80  }
0x68: {  	[tilespmem:s29], [sflag:$0x7] =	stream.indirect.gather [spmem:s2], $0x40, s12, s15, $0xb8;
	[tilespmem:$0x1EE00] =	vst v63  }
0x69: {  	_ =	swait.ge @!p0 [sflag:s6], $0x2000  }
0x6a: {  	[sflag:s6] =	ssyncset.done @!p0 $0x0  }
0x6b: {  	[sflag:s6] =	ssyncadd.s32 @!p0 $0xFFFFE000  }
0x6c: {  	_ =	swait.ge [sflag:s30], $0x80  }
0x6d: {  	[sflag:s30] =	ssyncset.done $0x0  }
0x6e: {  	[sflag:s30] =	ssyncadd.s32 $0xFFFFFF80  }
0x6f: {  	_ =	swait.ge [sflag:s30], $0x80  }
0x70: {  	[sflag:s30] =	ssyncset.done $0x0  }
0x71: {  	[sflag:s30] =	ssyncadd.s32 $0xFFFFFF80  }
0x72: {  	[tilespmem:s31], [sflag:$0x8] =	stream.indirect.gather [spmem:s2], $0x40, s13, s15, $0xb8;
	[tilespmem:$0x1EE00] =	vst v63  }
0x73: {  	_ =	swait.ge [sflag:s0], $0x2000  }
0x74: {  	s6 =	sand.u32 $0x80, s25;
	[sflag:s0] =	ssyncset.done $0x0  }
0x75: {  	p0 =	seq.s32 s28, $0x9C0;
	s22 =	sor.u32 $0x14200, s6;
	[sflag:s0] =	ssyncadd.s32 $0xFFFFE000  }
0x76: {  	[spmem:s3] =	stream.indirect.scatter.add.f32 [tilespmem:s18], [sflag:$0x9], $0x40, s22, s15, $0xb8;
	[tilespmem:$0x1EE00] =	vst v63  }
0x77: {  	s22 =	simm.s32 @p0 $0x6  }
0x78: {  	_ =	swait.ge @p0 [sflag:s22], $0x2000  }
0x79: {  	s16 =	sor.u32 $0x14300, s6;
	[sflag:s22] =	ssyncset.done @p0 $0x0  }
0x7a: {  	s23 =	simm.s32 @p0 $0x16600;
	[sflag:s22] =	ssyncadd.s32 @p0 $0xFFFFE000;
	s22 =	simm.s32 @p0 $0x80  }
0x7b: {  	[spmem:s3] =	stream.indirect.scatter.add.f32 @p0 [tilespmem:s23], [sflag:$0xA], $0x40, s16, s22, $0xb8;
	[tilespmem:$0x1EE00] =	vst v63  }
0x7c: {  	s22 =	sadd.s32 @!p0 s28, s20  }
0x7d: {  	s9 =	simm.s32 @!p0 $0x0;
	s17 =	simm.s32 @!p0 $0x14000;
	s23 =	sadd.s32 @!p0 $0x40, s22  }
0x7e: {  	[tilespmem:s17], [sflag:$0x1] =	stream.linear.gather @!p0 [hbm4b:s23+s9], $0x80, $0x38;
	[tilespmem:$0x1EE00] =	vst v63  }
0x7f: {  	s17 =	sadd.s32 @!p0 s28, s19  }
0x80: {  	s23 =	ssub.s32 @!p0 $0x14280, s6;
	s5 =	sadd.s32 @!p0 $0x40, s17  }
0x81: {  	[tilespmem:s23], [sflag:$0x1] =	stream.linear.gather @!p0 [hbm4b:s5+s9], $0x80, $0x38;
	[tilespmem:$0x1EE00] =	vst v63  }
0x82: {  	s5 =	simm.s32 @!p0 $0x6  }
0x83: {  	_ =	swait.ge @!p0 [sflag:s5], $0x2000  }
0x84: {  	[sflag:s5] =	ssyncset.done @!p0 $0x0  }
0x85: {  	s23 =	simm.s32 @!p0 $0x16600;
	[sflag:s5] =	ssyncadd.s32 @!p0 $0xFFFFE000;
	s5 =	simm.s32 @!p0 $0x80  }
0x86: {  	[spmem:s3] =	stream.indirect.scatter.add.f32 @!p0 [tilespmem:s23], [sflag:$0xA], $0x40, s16, s5, $0xb8;
	[tilespmem:$0x1EE00] =	vst v63  }
0x87: {  	s5 =	sadd.s32 @!p0 $0x50, s22;
	s16 =	simm.s32 @!p0 $0x14080  }
0x88: {  	[tilespmem:s16], [sflag:$0x2] =	stream.linear.gather @!p0 [hbm4b:s5+s9], $0x80, $0x38;
	[tilespmem:$0x1EE00] =	vst v63  }
0x89: {  	s5 =	ssub.s32 @!p0 $0x14380, s6;
	s16 =	sadd.s32 @!p0 $0x50, s17  }
0x8a: {  	[tilespmem:s5], [sflag:$0x2] =	stream.linear.gather @!p0 [hbm4b:s16+s9], $0x80, $0x38;
	[tilespmem:$0x1EE00] =	vst v63  }
.Ltmp0:
0x8b: {  	_ = 	snop;
	(pc) =	sbr.rel @p0 .LBB2_4-.Ltmp0, $4  }
0x8c: {  	_ =	swait.ge [sflag:s1], $0x2000  }
0x8d: {  	[sflag:s1] =	ssyncset.done $0x0  }
0x8e: {  	s23 =	sor.u32 $0x14400, s6;
	s22 =	sor.u32 $0x14500, s6;
	[sflag:s1] =	ssyncadd.s32 $0xFFFFE000  }
0x8f: {  	[spmem:s3] =	stream.indirect.scatter.add.f32 [tilespmem:s29], [sflag:$0xB], $0x40, s23, s15, $0xb8;
	[tilespmem:$0x1EE00] =	vst v63  }
0x90: {  	s5 =	sadd.s32 s28, s20  }
0x91: {  	s23 =	sadd.s32 s28, s19;
	s9 =	sadd.s32 $0x60, s5  }
0x92: {  	[tilespmem:s12], [sflag:$0x3] =	stream.linear.gather [hbm4b:s9+s4], $0x80, $0x38;
	[tilespmem:$0x1EE00] =	vst v63  }
0x93: {  	s16 =	ssub.s32 $0x14480, s6;
	s17 =	sadd.s32 $0x60, s23  }
0x94: {  	[tilespmem:s16], [sflag:$0x3] =	stream.linear.gather [hbm4b:s17+s4], $0x80, $0x38;
	[tilespmem:$0x1EE00] =	vst v63  }
0x95: {  	_ =	swait.ge [sflag:s7], $0x2000  }
0x96: {  	[sflag:s7] =	ssyncset.done $0x0  }
0x97: {  	[sflag:s7] =	ssyncadd.s32 $0xFFFFE000  }
0x98: {  	[spmem:s3] =	stream.indirect.scatter.add.f32 [tilespmem:s31], [sflag:$0xC], $0x40, s22, s15, $0xb8;
	[tilespmem:$0x1EE00] =	vst v63  }
.Ltmp1:
0x99: {  	_ = 	snop;
	(pc) =	sbr.rel .LBB2_2-.Ltmp1, $4  }
0x9a: {  	s28 =	sadd.s32 $0x40, s28;
	s5 =	sadd.s32 $0x70, s5  }
0x9b: {  	[tilespmem:s13], [sflag:$0x4] =	stream.linear.gather [hbm4b:s5+s4], $0x80, $0x38;
	[tilespmem:$0x1EE00] =	vst v63  }
0x9c: {  	s25 =	sadd.s32 $0x80, s25;
	s23 =	sadd.s32 $0x70, s23;
	s22 =	ssub.s32 $0x14580, s6  }
0x9d: {  	[tilespmem:s22], [sflag:$0x4] =	stream.linear.gather [hbm4b:s23+s4], $0x80, $0x38;
	[tilespmem:$0x1EE00] =	vst v63  }
.LBB2_4:
0x9e: {  	_ =	swait.ge [sflag:s7], $0x2000  }
0x9f: {  	[sflag:s7] =	ssyncset.done $0x0  }
0xa0: {  	[sflag:s7] =	ssyncadd.s32 $0xFFFFE000  }
0xa1: {  	[spmem:s3] =	stream.indirect.scatter.add.f32 [tilespmem:s31], [sflag:$0xC], $0x40, s22, s15, $0xb8;
	[tilespmem:$0x1EE00] =	vst v63  }
0xa2: {  	_ =	swait.ge [sflag:s8], $0x2000  }
0xa3: {  	[sflag:s8] =	ssyncset.done $0x0  }
0xa4: {  	s5 =	simm.s32 $0xA;
	[sflag:s8] =	ssyncadd.s32 $0xFFFFE000  }
0xa5: {  	_ =	swait.ge [sflag:s5], $0x2000  }
0xa6: {  	[sflag:s5] =	ssyncset.done $0x0  }
0xa7: {  	s17 =	simm.s32 $0xB;
	[sflag:s5] =	ssyncadd.s32 $0xFFFFE000  }
0xa8: {  	_ =	swait.ge [sflag:s17], $0x2000  }
0xa9: {  	[sflag:s17] =	ssyncset.done $0x0  }
0xaa: {  	s22 =	simm.s32 $0xC;
	[sflag:s17] =	ssyncadd.s32 $0xFFFFE000  }
0xab: {  	_ =	swait.ge [sflag:s22], $0x2000  }
0xac: {  	[sflag:s22] =	ssyncset.done $0x0  }
0xad: {  	[sflag:s22] =	ssyncadd.s32 $0xFFFFE000  }
0xae: {  	[bflag:$0x0] =	sbarrier.arrive $0xFFFF  }
0xaf: {  	s9 =	rddreg [dreg:$0x14]  }
0xb0: {  	[tilespmem:s18], [sflag:$0x5] =	stream.linear.gather [spmem:s9], $0x2000, $0x38;
	[tilespmem:$0x1EE00] =	vst v63  }
0xb1: {  	s23 =	simm.s32 $0x0;
	s6 =	rddreg [dreg:$0x1a]  }
0xb2: {  	[tilespmem:s24], [sflag:$0x7] =	stream.linear.gather [hbm4b:s6+s23], $0x2000, $0x38;
	[tilespmem:$0x1EE00] =	vst v63  }
0xb3: {  	s22 =	rddreg [dreg:$0x10]  }
0xb4: {  	[tilespmem:s29], [sflag:$0x6] =	stream.linear.gather [spmem:s22], $0x2000, $0x38;
	[tilespmem:$0x1EE00] =	vst v63  }
0xb5: {  	s25 =	rddreg [dreg:$0x1b]  }
0xb6: {  	[tilespmem:s31], [sflag:$0x8] =	stream.linear.gather [hbm4b:s25+s23], $0x2000, $0x38;
	[tilespmem:$0x1EE00] =	vst v63  }
0xb7: {  	_ =	swait.ge [sflag:s0], $0x2000  }
0xb8: {  	[sflag:s0] =	ssyncset.done $0x0  }
0xb9: {  	[sflag:s0] =	ssyncadd.s32 $0xFFFFE000  }
0xba: {  	_ =	swait.ge [sflag:s1], $0x2000  }
0xbb: {  	[sflag:s1] =	ssyncset.done $0x0  }
0xbc: {  	s25 =	simm.s32 $0x0;
	[sflag:s1] =	ssyncadd.s32 $0xFFFFE000  }
0xbd: {  	v1 =	vld [tilespmem:s25+$0x16630]  }
0xbe: {  	v0 =	vld [tilespmem:s25+$0x16620]  }
0xbf: {  	v3 =	vld [tilespmem:s25+$0x16610]  }
0xc0: {  	v4 =	vld [tilespmem:s25+$0x14610]  }
0xc1: {  	v2 =	vld [tilespmem:s25+$0x14630]  }
0xc2: {  	s6 =	simm.s32 $0x1C600;
	v6 =	vld [tilespmem:s25+$0x16600]  }
0xc3: {  	v5 =	vld [tilespmem:s6+$0x0]  }
0xc4: {  	v7 =	vld [tilespmem:s25+$0x14620]  }
0xc5: {  	s28 =	simm.s32 $0x100;
	s23 =	rddreg [dreg:$0x11];
	v8 =	vld [tilespmem:s25+$0x14600];
	v1 =	vmul.f32 $1.000000010e-01, v1  }
.LBB2_5:
0xc6: {  	p0 =	sne.s32 s28, $0x7F00  }
0xc7: {  	s6 =	sadd.s32 $0x10, s6;
	s5 =	smov.u32 s28;
	s28 =	sadd.s32 $0x100, s28  }
0xc8: {  	v3 =	vmul.f32 $1.000000010e-01, v3;
	v9 =	vmul.f32 $1.000000010e-01, v0  }
0xc9: {  	v6 =	vmul.f32 $1.000000010e-01, v6;
	v0 =	vmul.f32 v4, v5  }
0xca: {  	s5 =	sshra.s32 s5, $0x2;
	v2 =	vmul.f32 v2, v5;
	v4 =	vmul.f32 v7, v5  }
0xcb: {  	v7 =	vld [tilespmem:s5+$0x16630];
	v5 =	vmul.f32 v8, v5;
	v8 =	vadd.f32 v3, v0  }
0xcc: {  	v1 =	vadd.f32 v1, v2;
	v0 =	vld [tilespmem:s5+$0x16620];
	v9 =	vadd.f32 v9, v4  }
0xcd: {  	v3 =	vld [tilespmem:s5+$0x16610];
	v5 =	vadd.f32 v6, v5;
	[tilespmem:s25+$0x14610] =	vst v8  }
0xce: {  	v4 =	vld [tilespmem:s5+$0x14610];
	[tilespmem:s25+$0x14630] =	vst v1  }
.Ltmp2:
0xcf: {  	v2 =	vld [tilespmem:s5+$0x14630];
	[tilespmem:s25+$0x14600] =	vst v5;
	(pc) =	sbr.rel @p0 .LBB2_5-.Ltmp2, $4  }
0xd0: {  	v6 =	vld [tilespmem:s5+$0x16600];
	v1 =	vmul.f32 $1.000000010e-01, v7;
	[tilespmem:s25+$0x14620] =	vst v9;
	s25 =	smov.u32 s5  }
0xd1: {  	v5 =	vld [tilespmem:s6+$0x0]  }
0xd2: {  	v7 =	vld [tilespmem:s25+$0x14620]  }
0xd3: {  	v8 =	vld [tilespmem:s25+$0x14600]  }
0xd4: {  	_ =	sdelay $0x1  }
0xd5: {  	v3 =	vmul.f32 $1.000000010e-01, v3;
	v4 =	vmul.f32 v4, v5  }
0xd6: {  	v2 =	vmul.f32 v2, v5  }
0xd7: {  	v6 =	vmul.f32 $1.000000010e-01, v6;
	v8 =	vmul.f32 v8, v5;
	v3 =	vadd.f32 v3, v4  }
0xd8: {  	v0 =	vmul.f32 $1.000000010e-01, v0;
	v4 =	vmul.f32 v7, v5;
	v1 =	vadd.f32 v1, v2  }
0xd9: {  	v2 =	vadd.f32 v6, v8;
	[tilespmem:s25+$0x14610] =	vst v3  }
0xda: {  	v0 =	vadd.f32 v0, v4;
	[tilespmem:s25+$0x14630] =	vst v1  }
0xdb: {  	[tilespmem:s25+$0x14600] =	vst v2  }
0xdc: {  	[tilespmem:s25+$0x14620] =	vst v0  }
0xdd: {  	[spmem:s9] =	stream.linear.scatter [tilespmem:s18], [sflag:$0x9], $0x2000, $0x38;
	[tilespmem:$0x1EE00] =	vst v63  }
0xde: {  	s16 =	rddreg [dreg:$0x5]  }
0xdf: {  	[spmem:s16] =	stream.linear.scatter [tilespmem:s18], [sflag:$0x9], $0x2000, $0x38;
	[tilespmem:$0x1EE00] =	vst v63  }
0xe0: {  	_ =	swait.ge [sflag:s8], $0x2000  }
0xe1: {  	[sflag:s8] =	ssyncset.done $0x0  }
0xe2: {  	[sflag:s8] =	ssyncadd.s32 $0xFFFFE000  }
0xe3: {  	_ =	swait.ge [sflag:s8], $0x2000  }
0xe4: {  	[sflag:s8] =	ssyncset.done $0x0  }
0xe5: {  	[sflag:s8] =	ssyncadd.s32 $0xFFFFE000  }
0xe6: {  	[tilespmem:s18], [sflag:$0x5] =	stream.linear.gather [spmem:s23], $0x2000, $0x38;
	[tilespmem:$0x1EE00] =	vst v63  }
0xe7: {  	s5 =	simm.s32 $0x0;
	s25 =	simm.s32 $0x6;
	s6 =	rddreg [dreg:$0x1c]  }
0xe8: {  	[tilespmem:s24], [sflag:$0x7] =	stream.linear.gather [hbm4b:s6+s5], $0x2000, $0x38;
	[tilespmem:$0x1EE00] =	vst v63  }
0xe9: {  	_ =	swait.ge [sflag:s25], $0x2000  }
0xea: {  	[sflag:s25] =	ssyncset.done $0x0  }
0xeb: {  	[sflag:s25] =	ssyncadd.s32 $0xFFFFE000  }
0xec: {  	_ =	swait.ge [sflag:s7], $0x2000  }
0xed: {  	[sflag:s7] =	ssyncset.done $0x0  }
0xee: {  	s25 =	simm.s32 $0x0;
	[sflag:s7] =	ssyncadd.s32 $0xFFFFE000  }
0xef: {  	v1 =	vld [tilespmem:s25+$0x1A630]  }
0xf0: {  	v0 =	vld [tilespmem:s25+$0x1A620]  }
0xf1: {  	v3 =	vld [tilespmem:s25+$0x1A610]  }
0xf2: {  	v4 =	vld [tilespmem:s25+$0x18610]  }
0xf3: {  	v2 =	vld [tilespmem:s25+$0x18630]  }
0xf4: {  	s6 =	simm.s32 $0x1CE00;
	v6 =	vld [tilespmem:s25+$0x1A600]  }
0xf5: {  	v5 =	vld [tilespmem:s6+$0x0]  }
0xf6: {  	v7 =	vld [tilespmem:s25+$0x18620]  }
0xf7: {  	s28 =	simm.s32 $0x100;
	s17 =	rddreg [dreg:$0x6];
	v8 =	vld [tilespmem:s25+$0x18600];
	v1 =	vmul.f32 $1.000000010e-01, v1  }
.LBB2_7:
0xf8: {  	p0 =	sne.s32 s28, $0x7F00  }
0xf9: {  	s6 =	sadd.s32 $0x10, s6;
	s5 =	smov.u32 s28;
	s28 =	sadd.s32 $0x100, s28  }
0xfa: {  	v3 =	vmul.f32 $1.000000010e-01, v3;
	v9 =	vmul.f32 $1.000000010e-01, v0  }
0xfb: {  	v6 =	vmul.f32 $1.000000010e-01, v6;
	v0 =	vmul.f32 v4, v5  }
0xfc: {  	s5 =	sshra.s32 s5, $0x2;
	v2 =	vmul.f32 v2, v5;
	v4 =	vmul.f32 v7, v5  }
0xfd: {  	v7 =	vld [tilespmem:s5+$0x1A630];
	v5 =	vmul.f32 v8, v5;
	v8 =	vadd.f32 v3, v0  }
0xfe: {  	v1 =	vadd.f32 v1, v2;
	v0 =	vld [tilespmem:s5+$0x1A620];
	v9 =	vadd.f32 v9, v4  }
0xff: {  	v3 =	vld [tilespmem:s5+$0x1A610];
	v5 =	vadd.f32 v6, v5;
	[tilespmem:s25+$0x18610] =	vst v8  }
0x100: {  	v4 =	vld [tilespmem:s5+$0x18610];
	[tilespmem:s25+$0x18630] =	vst v1  }
.Ltmp3:
0x101: {  	v2 =	vld [tilespmem:s5+$0x18630];
	[tilespmem:s25+$0x18600] =	vst v5;
	(pc) =	sbr.rel @p0 .LBB2_7-.Ltmp3, $4  }
0x102: {  	v6 =	vld [tilespmem:s5+$0x1A600];
	v1 =	vmul.f32 $1.000000010e-01, v7;
	[tilespmem:s25+$0x18620] =	vst v9;
	s25 =	smov.u32 s5  }
0x103: {  	v5 =	vld [tilespmem:s6+$0x0]  }
0x104: {  	v7 =	vld [tilespmem:s25+$0x18620]  }
0x105: {  	v8 =	vld [tilespmem:s25+$0x18600]  }
0x106: {  	_ =	sdelay $0x1  }
0x107: {  	v3 =	vmul.f32 $1.000000010e-01, v3;
	v4 =	vmul.f32 v4, v5  }
0x108: {  	v2 =	vmul.f32 v2, v5  }
0x109: {  	v6 =	vmul.f32 $1.000000010e-01, v6;
	v8 =	vmul.f32 v8, v5;
	v3 =	vadd.f32 v3, v4  }
0x10a: {  	v0 =	vmul.f32 $1.000000010e-01, v0;
	v4 =	vmul.f32 v7, v5;
	v1 =	vadd.f32 v1, v2  }
0x10b: {  	v2 =	vadd.f32 v6, v8;
	[tilespmem:s25+$0x18610] =	vst v3  }
0x10c: {  	v0 =	vadd.f32 v0, v4;
	[tilespmem:s25+$0x18630] =	vst v1  }
0x10d: {  	[tilespmem:s25+$0x18600] =	vst v2  }
0x10e: {  	[tilespmem:s25+$0x18620] =	vst v0  }
0x10f: {  	[spmem:s22] =	stream.linear.scatter [tilespmem:s29], [sflag:$0xA], $0x2000, $0x38;
	[tilespmem:$0x1EE00] =	vst v63  }
0x110: {  	s5 =	rddreg [dreg:$0x12];
	s6 =	simm.s32 $0xA  }
0x111: {  	[spmem:s5] =	stream.linear.scatter [tilespmem:s29], [sflag:$0xA], $0x2000, $0x38;
	[tilespmem:$0x1EE00] =	vst v63  }
0x112: {  	_ =	swait.ge [sflag:s6], $0x2000  }
0x113: {  	[sflag:s6] =	ssyncset.done $0x0  }
0x114: {  	[sflag:s6] =	ssyncadd.s32 $0xFFFFE000  }
0x115: {  	_ =	swait.ge [sflag:s6], $0x2000  }
0x116: {  	[sflag:s6] =	ssyncset.done $0x0  }
0x117: {  	s22 =	rddreg [dreg:$0x15];
	[sflag:s6] =	ssyncadd.s32 $0xFFFFE000  }
0x118: {  	[tilespmem:s29], [sflag:$0x6] =	stream.linear.gather [spmem:s22], $0x2000, $0x38;
	[tilespmem:$0x1EE00] =	vst v63  }
0x119: {  	s25 =	simm.s32 $0x0;
	s6 =	rddreg [dreg:$0x1d]  }
0x11a: {  	[tilespmem:s31], [sflag:$0x8] =	stream.linear.gather [hbm4b:s6+s25], $0x2000, $0x38;
	[tilespmem:$0x1EE00] =	vst v63  }
0x11b: {  	_ =	swait.ge [sflag:s0], $0x2000  }
0x11c: {  	[sflag:s0] =	ssyncset.done $0x0  }
0x11d: {  	[sflag:s0] =	ssyncadd.s32 $0xFFFFE000  }
0x11e: {  	_ =	swait.ge [sflag:s1], $0x2000  }
0x11f: {  	[sflag:s1] =	ssyncset.done $0x0  }
0x120: {  	s25 =	simm.s32 $0x0;
	[sflag:s1] =	ssyncadd.s32 $0xFFFFE000  }
0x121: {  	v1 =	vld [tilespmem:s25+$0x16630]  }
0x122: {  	v0 =	vld [tilespmem:s25+$0x16620]  }
0x123: {  	v3 =	vld [tilespmem:s25+$0x16610]  }
0x124: {  	v4 =	vld [tilespmem:s25+$0x14610]  }
0x125: {  	v2 =	vld [tilespmem:s25+$0x14630]  }
0x126: {  	s6 =	simm.s32 $0x1D600;
	v6 =	vld [tilespmem:s25+$0x16600]  }
0x127: {  	v5 =	vld [tilespmem:s6+$0x0]  }
0x128: {  	v7 =	vld [tilespmem:s25+$0x14620]  }
0x129: {  	s28 =	simm.s32 $0x100;
	v8 =	vld [tilespmem:s25+$0x14600];
	v1 =	vmul.f32 $1.000000010e-01, v1  }
.LBB2_9:
0x12a: {  	p0 =	sne.s32 s28, $0x7F00  }
0x12b: {  	s6 =	sadd.s32 $0x10, s6;
	s5 =	smov.u32 s28;
	s28 =	sadd.s32 $0x100, s28  }
0x12c: {  	v3 =	vmul.f32 $1.000000010e-01, v3;
	v9 =	vmul.f32 $1.000000010e-01, v0  }
0x12d: {  	v6 =	vmul.f32 $1.000000010e-01, v6;
	v0 =	vmul.f32 v4, v5  }
0x12e: {  	s5 =	sshra.s32 s5, $0x2;
	v2 =	vmul.f32 v2, v5;
	v4 =	vmul.f32 v7, v5  }
0x12f: {  	v7 =	vld [tilespmem:s5+$0x16630];
	v5 =	vmul.f32 v8, v5;
	v8 =	vadd.f32 v3, v0  }
0x130: {  	v1 =	vadd.f32 v1, v2;
	v0 =	vld [tilespmem:s5+$0x16620];
	v9 =	vadd.f32 v9, v4  }
0x131: {  	v3 =	vld [tilespmem:s5+$0x16610];
	v5 =	vadd.f32 v6, v5;
	[tilespmem:s25+$0x14610] =	vst v8  }
0x132: {  	v4 =	vld [tilespmem:s5+$0x14610];
	[tilespmem:s25+$0x14630] =	vst v1  }
.Ltmp4:
0x133: {  	v2 =	vld [tilespmem:s5+$0x14630];
	[tilespmem:s25+$0x14600] =	vst v5;
	(pc) =	sbr.rel @p0 .LBB2_9-.Ltmp4, $4  }
0x134: {  	v6 =	vld [tilespmem:s5+$0x16600];
	v1 =	vmul.f32 $1.000000010e-01, v7;
	[tilespmem:s25+$0x14620] =	vst v9;
	s25 =	smov.u32 s5  }
0x135: {  	v5 =	vld [tilespmem:s6+$0x0]  }
0x136: {  	v7 =	vld [tilespmem:s25+$0x14620]  }
0x137: {  	v8 =	vld [tilespmem:s25+$0x14600]  }
0x138: {  	_ =	sdelay $0x1  }
0x139: {  	v3 =	vmul.f32 $1.000000010e-01, v3;
	v4 =	vmul.f32 v4, v5  }
0x13a: {  	v2 =	vmul.f32 v2, v5  }
0x13b: {  	v6 =	vmul.f32 $1.000000010e-01, v6;
	v8 =	vmul.f32 v8, v5;
	v3 =	vadd.f32 v3, v4  }
0x13c: {  	v0 =	vmul.f32 $1.000000010e-01, v0;
	v4 =	vmul.f32 v7, v5;
	v1 =	vadd.f32 v1, v2  }
0x13d: {  	v2 =	vadd.f32 v6, v8;
	[tilespmem:s25+$0x14610] =	vst v3  }
0x13e: {  	v0 =	vadd.f32 v0, v4;
	[tilespmem:s25+$0x14630] =	vst v1  }
0x13f: {  	[tilespmem:s25+$0x14600] =	vst v2  }
0x140: {  	[tilespmem:s25+$0x14620] =	vst v0  }
0x141: {  	[spmem:s23] =	stream.linear.scatter [tilespmem:s18], [sflag:$0x9], $0x2000, $0x38;
	[tilespmem:$0x1EE00] =	vst v63  }
0x142: {  	s5 =	rddreg [dreg:$0x13]  }
0x143: {  	[spmem:s5] =	stream.linear.scatter [tilespmem:s18], [sflag:$0x9], $0x2000, $0x38;
	[tilespmem:$0x1EE00] =	vst v63  }
0x144: {  	_ =	swait.ge [sflag:s8], $0x2000  }
0x145: {  	[sflag:s8] =	ssyncset.done $0x0  }
0x146: {  	[sflag:s8] =	ssyncadd.s32 $0xFFFFE000  }
0x147: {  	_ =	swait.ge [sflag:s8], $0x2000  }
0x148: {  	[sflag:s8] =	ssyncset.done $0x0  }
0x149: {  	s22 =	rddreg [dreg:$0x17];
	[sflag:s8] =	ssyncadd.s32 $0xFFFFE000  }
0x14a: {  	[tilespmem:s18], [sflag:$0x5] =	stream.linear.gather [spmem:s22], $0x2000, $0x38;
	[tilespmem:$0x1EE00] =	vst v63  }
0x14b: {  	s25 =	simm.s32 $0x6;
	s23 =	simm.s32 $0x0;
	s6 =	rddreg [dreg:$0x1e]  }
0x14c: {  	[tilespmem:s24], [sflag:$0x7] =	stream.linear.gather [hbm4b:s6+s23], $0x2000, $0x38;
	[tilespmem:$0x1EE00] =	vst v63  }
0x14d: {  	_ =	swait.ge [sflag:s25], $0x2000  }
0x14e: {  	[sflag:s25] =	ssyncset.done $0x0  }
0x14f: {  	[sflag:s25] =	ssyncadd.s32 $0xFFFFE000  }
0x150: {  	_ =	swait.ge [sflag:s7], $0x2000  }
0x151: {  	[sflag:s7] =	ssyncset.done $0x0  }
0x152: {  	s25 =	simm.s32 $0x0;
	[sflag:s7] =	ssyncadd.s32 $0xFFFFE000  }
0x153: {  	v1 =	vld [tilespmem:s25+$0x1A630]  }
0x154: {  	v0 =	vld [tilespmem:s25+$0x1A620]  }
0x155: {  	v3 =	vld [tilespmem:s25+$0x1A610]  }
0x156: {  	v4 =	vld [tilespmem:s25+$0x18610]  }
0x157: {  	v2 =	vld [tilespmem:s25+$0x18630]  }
0x158: {  	s6 =	simm.s32 $0x1DE00;
	v6 =	vld [tilespmem:s25+$0x1A600]  }
0x159: {  	v5 =	vld [tilespmem:s6+$0x0]  }
0x15a: {  	v7 =	vld [tilespmem:s25+$0x18620]  }
0x15b: {  	s28 =	simm.s32 $0x100;
	v8 =	vld [tilespmem:s25+$0x18600];
	v1 =	vmul.f32 $1.000000010e-01, v1  }
.LBB2_11:
0x15c: {  	p0 =	sne.s32 s28, $0x7F00  }
0x15d: {  	s6 =	sadd.s32 $0x10, s6;
	s5 =	smov.u32 s28;
	s28 =	sadd.s32 $0x100, s28  }
0x15e: {  	v3 =	vmul.f32 $1.000000010e-01, v3;
	v9 =	vmul.f32 $1.000000010e-01, v0  }
0x15f: {  	v6 =	vmul.f32 $1.000000010e-01, v6;
	v0 =	vmul.f32 v4, v5  }
0x160: {  	s5 =	sshra.s32 s5, $0x2;
	v2 =	vmul.f32 v2, v5;
	v4 =	vmul.f32 v7, v5  }
0x161: {  	v7 =	vld [tilespmem:s5+$0x1A630];
	v5 =	vmul.f32 v8, v5;
	v8 =	vadd.f32 v3, v0  }
0x162: {  	v1 =	vadd.f32 v1, v2;
	v0 =	vld [tilespmem:s5+$0x1A620];
	v9 =	vadd.f32 v9, v4  }
0x163: {  	v3 =	vld [tilespmem:s5+$0x1A610];
	v5 =	vadd.f32 v6, v5;
	[tilespmem:s25+$0x18610] =	vst v8  }
0x164: {  	v4 =	vld [tilespmem:s5+$0x18610];
	[tilespmem:s25+$0x18630] =	vst v1  }
.Ltmp5:
0x165: {  	v2 =	vld [tilespmem:s5+$0x18630];
	[tilespmem:s25+$0x18600] =	vst v5;
	(pc) =	sbr.rel @p0 .LBB2_11-.Ltmp5, $4  }
0x166: {  	v6 =	vld [tilespmem:s5+$0x1A600];
	v1 =	vmul.f32 $1.000000010e-01, v7;
	[tilespmem:s25+$0x18620] =	vst v9;
	s25 =	smov.u32 s5  }
0x167: {  	v5 =	vld [tilespmem:s6+$0x0]  }
0x168: {  	v7 =	vld [tilespmem:s25+$0x18620]  }
0x169: {  	v8 =	vld [tilespmem:s25+$0x18600]  }
0x16a: {  	_ =	sdelay $0x1  }
0x16b: {  	v3 =	vmul.f32 $1.000000010e-01, v3;
	v4 =	vmul.f32 v4, v5  }
0x16c: {  	v2 =	vmul.f32 v2, v5  }
0x16d: {  	v6 =	vmul.f32 $1.000000010e-01, v6;
	v8 =	vmul.f32 v8, v5;
	v3 =	vadd.f32 v3, v4  }
0x16e: {  	v0 =	vmul.f32 $1.000000010e-01, v0;
	v4 =	vmul.f32 v7, v5;
	v1 =	vadd.f32 v1, v2  }
0x16f: {  	v2 =	vadd.f32 v6, v8;
	[tilespmem:s25+$0x18610] =	vst v3  }
0x170: {  	v0 =	vadd.f32 v0, v4;
	[tilespmem:s25+$0x18630] =	vst v1  }
0x171: {  	[tilespmem:s25+$0x18600] =	vst v2  }
0x172: {  	s5 =	rddreg [dreg:$0x15];
	[tilespmem:s25+$0x18620] =	vst v0  }
0x173: {  	[spmem:s5] =	stream.linear.scatter [tilespmem:s29], [sflag:$0xA], $0x2000, $0x38;
	[tilespmem:$0x1EE00] =	vst v63  }
0x174: {  	s25 =	rddreg [dreg:$0x16]  }
0x175: {  	[spmem:s25] =	stream.linear.scatter [tilespmem:s29], [sflag:$0xA], $0x2000, $0x38;
	[tilespmem:$0x1EE00] =	vst v63  }
0x176: {  	_ =	swait.ge [sflag:s0], $0x2000  }
0x177: {  	[sflag:s0] =	ssyncset.done $0x0  }
0x178: {  	[sflag:s0] =	ssyncadd.s32 $0xFFFFE000  }
0x179: {  	_ =	swait.ge [sflag:s1], $0x2000  }
0x17a: {  	[sflag:s1] =	ssyncset.done $0x0  }
0x17b: {  	s25 =	simm.s32 $0x0;
	[sflag:s1] =	ssyncadd.s32 $0xFFFFE000  }
0x17c: {  	v1 =	vld [tilespmem:s25+$0x16630]  }
0x17d: {  	v0 =	vld [tilespmem:s25+$0x16620]  }
0x17e: {  	v3 =	vld [tilespmem:s25+$0x16610]  }
0x17f: {  	v4 =	vld [tilespmem:s25+$0x14610]  }
0x180: {  	v2 =	vld [tilespmem:s25+$0x14630]  }
0x181: {  	s6 =	simm.s32 $0x1E600;
	v6 =	vld [tilespmem:s25+$0x16600]  }
0x182: {  	v5 =	vld [tilespmem:s6+$0x0]  }
0x183: {  	v7 =	vld [tilespmem:s25+$0x14620]  }
0x184: {  	s28 =	simm.s32 $0x100;
	v8 =	vld [tilespmem:s25+$0x14600];
	v1 =	vmul.f32 $1.000000010e-01, v1  }
.LBB2_13:
0x185: {  	p0 =	sne.s32 s28, $0x7F00  }
0x186: {  	s6 =	sadd.s32 $0x10, s6;
	s5 =	smov.u32 s28;
	s28 =	sadd.s32 $0x100, s28  }
0x187: {  	v3 =	vmul.f32 $1.000000010e-01, v3;
	v9 =	vmul.f32 $1.000000010e-01, v0  }
0x188: {  	v6 =	vmul.f32 $1.000000010e-01, v6;
	v0 =	vmul.f32 v4, v5  }
0x189: {  	s5 =	sshra.s32 s5, $0x2;
	v2 =	vmul.f32 v2, v5;
	v4 =	vmul.f32 v7, v5  }
0x18a: {  	v7 =	vld [tilespmem:s5+$0x16630];
	v5 =	vmul.f32 v8, v5;
	v8 =	vadd.f32 v3, v0  }
0x18b: {  	v1 =	vadd.f32 v1, v2;
	v0 =	vld [tilespmem:s5+$0x16620];
	v9 =	vadd.f32 v9, v4  }
0x18c: {  	v3 =	vld [tilespmem:s5+$0x16610];
	v5 =	vadd.f32 v6, v5;
	[tilespmem:s25+$0x14610] =	vst v8  }
0x18d: {  	v4 =	vld [tilespmem:s5+$0x14610];
	[tilespmem:s25+$0x14630] =	vst v1  }
.Ltmp6:
0x18e: {  	v2 =	vld [tilespmem:s5+$0x14630];
	[tilespmem:s25+$0x14600] =	vst v5;
	(pc) =	sbr.rel @p0 .LBB2_13-.Ltmp6, $4  }
0x18f: {  	v6 =	vld [tilespmem:s5+$0x16600];
	v1 =	vmul.f32 $1.000000010e-01, v7;
	[tilespmem:s25+$0x14620] =	vst v9;
	s25 =	smov.u32 s5  }
0x190: {  	v5 =	vld [tilespmem:s6+$0x0]  }
0x191: {  	v7 =	vld [tilespmem:s25+$0x14620]  }
0x192: {  	v8 =	vld [tilespmem:s25+$0x14600]  }
0x193: {  	_ =	sdelay $0x1  }
0x194: {  	v3 =	vmul.f32 $1.000000010e-01, v3;
	v4 =	vmul.f32 v4, v5  }
0x195: {  	v2 =	vmul.f32 v2, v5  }
0x196: {  	v0 =	vmul.f32 $1.000000010e-01, v0;
	v62 =	vmul.f32 v7, v5;
	v3 =	vadd.f32 v3, v4  }
0x197: {  	v6 =	vmul.f32 $1.000000010e-01, v6;
	v8 =	vmul.f32 v8, v5;
	v1 =	vadd.f32 v1, v2  }
0x198: {  	v0 =	vadd.f32 v0, v62;
	[tilespmem:s25+$0x14610] =	vst v3  }
0x199: {  	v63 =	vadd.f32 v6, v8;
	[tilespmem:s25+$0x14630] =	vst v1  }
0x19a: {  	[tilespmem:s25+$0x14620] =	vst v0  }
0x19b: {  	s5 =	rddreg [dreg:$0x17];
	[tilespmem:s25+$0x14600] =	vst v63  }
0x19c: {  	[spmem:s5] =	stream.linear.scatter [tilespmem:s18], [sflag:$0x9], $0x2000, $0x38;
	[tilespmem:$0x1EE00] =	vst v63  }
0x19d: {  	s28 =	rddreg [dreg:$0x18];
	s6 =	simm.s32 $0xA  }
0x19e: {  	[spmem:s28] =	stream.linear.scatter [tilespmem:s18], [sflag:$0x9], $0x2000, $0x38;
	[tilespmem:$0x1EE00] =	vst v63  }
0x19f: {  	_ =	swait.ge [sflag:s6], $0x2000  }
0x1a0: {  	[sflag:s6] =	ssyncset.done $0x0  }
0x1a1: {  	[sflag:s6] =	ssyncadd.s32 $0xFFFFE000  }
0x1a2: {  	_ =	swait.ge [sflag:s6], $0x2000  }
0x1a3: {  	[sflag:s6] =	ssyncset.done $0x0  }
0x1a4: {  	[sflag:s6] =	ssyncadd.s32 $0xFFFFE000  }
0x1a5: {  	_ =	swait.ge [sflag:s8], $0x2000  }
0x1a6: {  	[sflag:s8] =	ssyncset.done $0x0  }
0x1a7: {  	[sflag:s8] =	ssyncadd.s32 $0xFFFFE000  }
0x1a8: {  	_ =	swait.ge [sflag:s8], $0x2000  }
0x1a9: {  	[sflag:s8] =	ssyncset.done $0x0  }
0x1aa: {  	[sflag:s8] =	ssyncadd.s32 $0xFFFFE000  }
0x1ab: {  	[bflag:$0x0] =	sbarrier.arrive $0xFFFF  }
0x1ac: {  	s6 =	sld [smem:$0x7FC];
	_ =	sdelay $0x1  }
0x1ad: {  	s25 =	simm.s32 $0xD;
	s22 =	rddreg [dreg:$0x1f]  }
0x1ae: {  	[hbm:s22], [sflag:s17] =	dma.local [spmem:s6], $0x1400  }
0x1af: {  	_ =	swait.ge [sflag:s25], $0x1400  }
0x1b0: {  	s23 =	sld [smem:$0x7FB]  }
0x1b1: {  	s28 =	sld [smem:$0x7FD];
	_ =	sdelay $0x1  }
0x1b2: {  	s6 =	sadd.s32 $0x1, s23  }
0x1b3: {  	p0 =	sne.s32 s6, s28  }
.Ltmp7:
0x1b4: {  	_ = 	snop;
	(pc) =	sbr.rel @p0 .LBB2_1-.Ltmp7, $3  }
0x1b5: {  	_ =	sdelay $0x1  }
0x1b6: {  	[sflag:s25] =	ssyncset.done $0x0  }
0x1b7: {  	[sflag:s25] =	ssyncadd.s32 $0xFFFFEC00  }
0x1b8: {  	_ =	sfence.sel $0x180000  }
0x1b9: {  	[bflag:$0x0] =	sbarrier.arrive $0xFFFF  }
0x1ba: {  	_ =	strace $0x90000047  }
0x1bb: {  	s0 =	stileid.u32;
	[bflag:$0x2] =	sbarrier.arrive $0xFFFF  }
0x1bc: {  	p0 =	sne.s32 s0, $0x0;
	s0 =	rddreg [dreg:$0x4]  }
0x1bd: {  	s0 =	sadd.s32 @!p0 $0x100000, s0  }
0x1be: {  	[sflag:s0] =	ssyncadd.tile.s32 @!p0 $0x1;
	_ =	shalt  }
.Lfunc_end2:
_tile_overlayer_lowered:
.L_overlay_start_2:
0x1bf: {  	(tag) =	ssettag $0x2  }
0x1c0: {  	s0 =	rddreg [dreg:$0x0];
	s2 =	stileid.u32  }
0x1c1: {  	s1 =	rddreg [dreg:$0x1];
	p0 =	sne.s32 s2, $0x0  }
0x1c2: {  	s3 =	rddreg [dreg:$0x2];
	[bflag:$0x3] =	sbarrier.arrive $0xFFFF;
	s2 =	simm.s32 @!p0 $0x1C0D  }
0x1c3: {  	[timem:s3], [sflag:s2] =	dma.local @!p0 [hbm:s0], s1  }
0x1c4: {  	s0 =	simm.s32 @!p0 $0xD  }
0x1c5: {  	_ =	swait.ge @!p0 [sflag:s0], s1  }
0x1c6: {  	s1 =	ssub.s32 @!p0 $0x0, s1;
	[sflag:s0] =	ssyncset.done @!p0 $0x0  }
0x1c7: {  	[sflag:s0] =	ssyncadd.s32 @!p0 s1  }
0x1c8: {  	[bflag:$0x3] =	sbarrier.arrive $0xFFFF  }
0x1c9: {  	_ =	shalt  }

// kernel: kernel.9.cloned.1.call-start
scs
__scs_entry_jumppad:
0x0: {  	(pc) =	sbr.rel $0x88, $3  }
0x1: {  	(tag) =	ssettag $0x0;
	lr =	simm.s32 $0x1  }
0x2: {  	[smem:$0x3F9B] =	sst lr;
	_ =	strace $0xD0000000  }
0x3: {  	_ = 	snop  }
0x4: {  	_ = 	snop  }
0x5: {  	_ = 	snop  }
0x6: {  	_ = 	snop  }
0x7: {  	_ = 	snop  }
__scs_overlays_trampoline_lowered:
0x8: {  	[smem:$0x3FAA] =	sst s0  }
0x9: {  	[smem:$0x3FAB] =	sst s1  }
0xa: {  	[smem:$0x3FAC] =	sst s2  }
0xb: {  	[smem:$0x3FAD] =	sst s3  }
0xc: {  	[smem:$0x3FAE] =	sst s4  }
0xd: {  	[smem:$0x3FAF] =	sst s5  }
0xe: {  	[smem:$0x3FB0] =	sst s6  }
0xf: {  	[smem:$0x3FB1] =	sst s7  }
0x10: {  	[smem:$0x3FB2] =	sst s8  }
0x11: {  	[smem:$0x3FB3] =	sst s9;
	s0 =	simm.s32 @!p0 $0x0  }
0x12: {  	s1 =	sld [smem:$0x3F99];
	s0 =	simm.s32 @p0 $0x1  }
0x13: {  	[smem:$0x3FB4] =	sst s0;
	s0 =	simm.s32 @!p1 $0x0  }
0x14: {  	s2 =	sld [smem:$0x3F98];
	s0 =	simm.s32 @p1 $0x1  }
0x15: {  	[smem:$0x3FB5] =	sst s0;
	s0 =	simm.s32 @!p2 $0x0  }
0x16: {  	s3 =	sld [smem:$0x3FDB];
	s0 =	simm.s32 @p2 $0x1  }
0x17: {  	s4 =	simm.s32 $0x1BF5;
	[smem:$0x3FB7] =	sst s0  }
0x18: {  	s0 =	sld [smem:$0x3F9A];
	_ =	swait.ge [sflag:s4], $0x0  }
0x19: {  	s7 =	sld [smem:$0x3F9B]  }
0x1a: {  	s8 =	sadd.s32 $0xFFFFE003, lr  }
0x1b: {  	s9 =	sadd.s32 $0xFFFFFEF7, lr;
	s5 =	simm.s32 $0xFFFFFFFF;
	p2 =	slt.u32 s8, $0xFFFFF086  }
0x1c: {  	p1 =	slt.u32 s9, $0xF7A;
	s5 =	simm.s32 @!p2 $0x0  }
0x1d: {  	s5 =	simm.s32 @p1 $0x1;
	p0 =	seq.s32 s7, s2  }
0x1e: {  	s7 =	smul.u32 @!p0 $0xF7A, s2;
	p2 =	seq.s32 @!p0 s5, $0x0  }
0x1f: {  	s9 =	smul.u32 $0xF7A, s1;
	s8 =	simm.s32 @!p0 $0x1BF5;
	p2 =	por !p2, p0  }
0x20: {  	[sflag:s8] =	ssyncset.s32 @!p0 $0xFFFFF086;
	s6 =	sadd.s32 @!p0 s3, s7;
	s7 =	simm.s32 @!p0 $0x108  }
0x21: {  	s3 =	sadd.s32 s3, s9;
	s6 =	sadd.s32 @!p0 $0x88, s6;
	s7 =	simm.s32 @p2 $0x1082  }
0x22: {  	[simem:s7], [sflag:s8] =	dma.local @!p0 [hbm:s6], $0xF7A  }
0x23: {  	s9 =	sor.u32 $0xD0000000, s2;
	s6 =	simm.s32 $0x108;
	_ =	swait.ge @!p0 [sflag:s8], $0x0  }
0x24: {  	s3 =	sadd.s32 $0x88, s3;
	s6 =	simm.s32 @!p1 $0x1082;
	[sflag:s4] =	ssyncset.s32 $0xFFFFF086  }
0x25: {  	[simem:s6], [sflag:s4] =	dma.local [hbm:s3], $0xF7A  }
0x26: {  	[smem:$0x3F9B] =	sst s1;
	(tag) =	ssettag s2;
	_ =	strace s9  }
0x27: {  	s1 =	sld [smem:$0x3FAB]  }
0x28: {  	s2 =	sld [smem:$0x3FAC]  }
0x29: {  	s4 =	sld [smem:$0x3FAE]  }
0x2a: {  	p0 =	seq.s32 s5, $0x0;
	s5 =	sld [smem:$0x3FAF]  }
0x2b: {  	s6 =	sld [smem:$0x3FB0]  }
0x2c: {  	s7 =	sld [smem:$0x3FB1]  }
0x2d: {  	s3 =	simm.s32 $0x108;
	s8 =	sld [smem:$0x3FB2]  }
0x2e: {  	s3 =	simm.s32 @!p0 $0x1082;
	s9 =	sld [smem:$0x3FB3]  }
0x2f: {  	lr =	sadd.s32 s0, s3;
	s0 =	sld [smem:$0x3FAA]  }
0x30: {  	s3 =	sld [smem:$0x3FAD]  }
0x31: {  	[smem:$0x3FB6] =	sst s10  }
0x32: {  	s10 =	sld [smem:$0x3FB4];
	_ =	sdelay $0x3  }
0x33: {  	p0 =	seq.s32 s10, $0x1;
	s10 =	sld [smem:$0x3FB6];
	_ =	sdelay $0x3  }
0x34: {  	[smem:$0x3FB6] =	sst s10  }
0x35: {  	s10 =	sld [smem:$0x3FB5];
	_ =	sdelay $0x3  }
0x36: {  	p1 =	seq.s32 s10, $0x1;
	s10 =	sld [smem:$0x3FB6];
	_ =	sdelay $0x3  }
0x37: {  	[smem:$0x3FB6] =	sst s10  }
0x38: {  	s10 =	sld [smem:$0x3FB7]  }
0x39: {  	_ = 	snop;
	(pc) =	sbr.ind lr, $3  }
0x3a: {  	_ = 	snop  }
0x3b: {  	_ = 	snop  }
0x3c: {  	p2 =	seq.s32 s10, $0x1;
	s10 =	sld [smem:$0x3FB6]  }
0x3d: {  	_ =	shalt  }
0x3e: {  	_ =	shalt  }
0x3f: {  	_ =	shalt  }
0x40: {  	_ =	shalt  }
0x41: {  	_ =	shalt  }
0x42: {  	_ =	shalt  }
0x43: {  	_ =	shalt  }
0x44: {  	_ =	shalt  }
0x45: {  	_ =	shalt  }
0x46: {  	_ =	shalt  }
0x47: {  	_ =	shalt  }
0x48: {  	_ =	shalt  }
0x49: {  	_ =	shalt  }
0x4a: {  	_ =	shalt  }
0x4b: {  	_ =	shalt  }
0x4c: {  	_ =	shalt  }
0x4d: {  	_ =	shalt  }
0x4e: {  	_ =	shalt  }
0x4f: {  	_ =	shalt  }
0x50: {  	_ =	shalt  }
0x51: {  	_ =	shalt  }
0x52: {  	_ =	shalt  }
0x53: {  	_ =	shalt  }
0x54: {  	_ =	shalt  }
0x55: {  	_ =	shalt  }
0x56: {  	_ =	shalt  }
0x57: {  	_ =	shalt  }
0x58: {  	_ =	shalt  }
0x59: {  	_ =	shalt  }
0x5a: {  	_ =	shalt  }
0x5b: {  	_ =	shalt  }
0x5c: {  	_ =	shalt  }
0x5d: {  	_ =	shalt  }
0x5e: {  	_ =	shalt  }
0x5f: {  	_ =	shalt  }
0x60: {  	_ =	shalt  }
0x61: {  	_ =	shalt  }
0x62: {  	_ =	shalt  }
0x63: {  	_ =	shalt  }
0x64: {  	_ =	shalt  }
0x65: {  	_ =	shalt  }
0x66: {  	_ =	shalt  }
0x67: {  	_ =	shalt  }
0x68: {  	_ =	shalt  }
0x69: {  	_ =	shalt  }
0x6a: {  	_ =	shalt  }
0x6b: {  	_ =	shalt  }
0x6c: {  	_ =	shalt  }
0x6d: {  	_ =	shalt  }
0x6e: {  	_ =	shalt  }
0x6f: {  	_ =	shalt  }
0x70: {  	_ =	shalt  }
0x71: {  	_ =	shalt  }
0x72: {  	_ =	shalt  }
0x73: {  	_ =	shalt  }
0x74: {  	_ =	shalt  }
0x75: {  	_ =	shalt  }
0x76: {  	_ =	shalt  }
0x77: {  	_ =	shalt  }
0x78: {  	_ =	shalt  }
0x79: {  	_ =	shalt  }
0x7a: {  	_ =	shalt  }
0x7b: {  	_ =	shalt  }
0x7c: {  	_ =	shalt  }
0x7d: {  	_ =	shalt  }
0x7e: {  	_ =	shalt  }
0x7f: {  	_ =	shalt  }
0x80: {  	_ =	shalt  }
0x81: {  	_ =	shalt  }
0x82: {  	_ =	shalt  }
0x83: {  	_ =	shalt  }
0x84: {  	_ =	shalt  }
0x85: {  	_ =	shalt  }
0x86: {  	_ =	shalt  }
0x87: {  	_ =	shalt  }
.Lfunc_end0:
.L_simem_size_0:
called_computation.1_lowered:
.L_overlay_start_0:
0x88: {  	s2 =	sld [smem:$0x3FD9]  }
0x89: {  	s3 =	sld [smem:$0x3FFE];
	_ =	sdelay $0x1  }
0x8a: {  	s1 =	srdreg.scid  }
0x8b: {  	s0 =	sand.u32 $0x1, s1  }
0x8c: {  	s17 =	sshll.u32 s0, $0xA;
	s2 =	sadd.s32 s3, s2  }
0x8d: {  	s2 =	sadd.s32 s2, s17  }
0x8e: {  	[smem:$0x3FC2] =	sst s2  }
0x8f: {  	_ = 	snop  }
0x90: {  	s2 =	sld [smem:$0x3FD0];
	(tm) =	ssettm $0x1  }
0x91: {  	s18 =	sld [smem:$0x3FFB];
	_ =	sdelay $0x3  }
0x92: {  	_ =	strace s18  }
0x93: {  	s3 =	sld [smem:$0x3FFC];
	_ =	sdelay $0x3  }
0x94: {  	_ =	strace s3  }
0x95: {  	s3 =	sld [smem:$0x3FFD];
	_ =	sdelay $0x3  }
0x96: {  	_ =	strace s3  }
0x97: {  	_ =	strace $0x8FFFFFFF  }
0x98: {  	s19 =	sld [smem:$0x3FDB];
	_ =	sdelay $0x1  }
0x99: {  	s4 =	simm.s32 $_scs_section_size  }
0x9a: {  	s5 =	simm.s32 $_size__tile_overlayer_lowered;
	s6 =	simm.s32 $_tile_overlayer_lowered  }
0x9b: {  	s22 =	simm.s32 $0x1BFF;
	s21 =	sshll.u32 s6, $0x1;
	s3 =	sadd.s32 s4, s19  }
0x9c: {  	s7 =	simm.s32 $0x0;
	s20 =	sshll.u32 s5, $0x1;
	s5 =	sadd.s32 s21, s3  }
0x9d: {  	[timem:s7], [sflag:s22] =	dma.local [hbm:s5], s20  }
0x9e: {  	_ =	swait.ge [sflag:s22], s20  }
0x9f: {  	s4 =	ssub.s32 $0x0, s20;
	[sflag:s22] =	ssyncset.done $0x0  }
0xa0: {  	[sflag:s22] =	ssyncadd.s32 s4;
	_ =	sdelay $0x1  }
0xa1: {  	s23 =	simm.s32 $0x1B8B  }
0xa2: {  	_ =	swait.ge [sflag:s23], $0x1  }
0xa3: {  	[sflag:s23] =	ssyncset.done $0x0  }
0xa4: {  	s25 =	simm.s32 $0x1B8E;
	s24 =	sld [smem:$0x3FFE];
	[sflag:s23] =	ssyncadd.s32 $0xFFFFFFFF  }
0xa5: {  	s26 =	simm.s32 $execute0_lowered;
	[smem:$0x3FD2] =	sst s25  }
0xa6: {  	s5 =	sshll.u32 s26, $0x1;
	_ =	strace $0x80000049;
	[dreg:$0x1] =	wrdreg $0xFFFFFFFF  }
0xa7: {  	s28 =	simm.s32 $_size_execute0_lowered;
	s3 =	sadd.s32 s3, s5;
	[dreg:$0x0] =	wrdreg $0x0  }
0xa8: {  	s5 =	sshll.u32 s28, $0x1;
	[dreg:$0x2] =	wrdreg s3  }
0xa9: {  	[dreg:$0x3] =	wrdreg s5  }
0xaa: {  	[dreg:$0x4] =	wrdreg $0xC0  }
0xab: {  	_ =	task [dreg:s7], $0x5FFFF  }
0xac: {  	[dreg:$0x1] =	wrdreg $0xFFFFFFFF  }
0xad: {  	[dreg:$0x0] =	wrdreg $0x60  }
0xae: {  	[dreg:$0x2] =	wrdreg s24  }
0xaf: {  	[dreg:$0x3] =	wrdreg s2  }
0xb0: {  	[dreg:$0x4] =	wrdreg $0x0  }
0xb1: {  	[dreg:$0x5] =	wrdreg $0xA0000  }
0xb2: {  	[dreg:$0x6] =	wrdreg $0x9  }
0xb3: {  	_ =	task.clear_ibuf [dreg:s7], $0x7FFFF;
	_ =	strace $0x90000049  }
0xb4: {  	s29 =	simm.s32 $0x9;
	_ =	strace $0x8000004B  }
0xb5: {  	_ =	swait.ge [sflag:s29], $0x1  }
0xb6: {  	[sflag:s29] =	ssyncadd.s32 $0xFFFFFFFF  }
0xb7: {  	_ =	strace $0x9000004B  }
0xb8: {  	_ =	sfence  }
0xb9: {  	s30 =	sld [smem:$0x0];
	_ =	sdelay $0x2  }
0xba: {  	s31 =	sshll.u32 s1, $0xD;
	s1 =	sshrl.u32 s1, $0x2  }
0xbb: {  	s3 =	sand.u32 $0x4000, s31;
	s1 =	sadd.s32 s1, s30  }
0xbc: {  	s0 =	sor.u32 s3, s0;
	s1 =	sshll.u32 s1, $0x11  }
0xbd: {  	s0 =	sor.u32 s1, s0  }
0xbe: {  	s0 =	sadd.s32 $0x8F2B, s0  }
0xbf: {  	[sflag:s0] =	ssyncadd.remote.s32 $0x1  }
0xc0: {  	_ =	sfence.sel $0xFFFF  }
0xc1: {  	[dreg:$0x0] =	wrdreg $0xFFFFFFFF;
	(pc) =	sbr.abs _section_cstart, $3  }
0xc2: {  	[dreg:$0x1] =	wrdreg $0xFFFFFFFF  }
0xc3: {  	_ =	task.clear_ibuf [dreg:s7], $0x2FFFF;
	_ =	strace $0x9FFFFFFF  }
0xc4: {  	(tm) =	ssettm $0x7FFFFFFF  }
0xc5: {  	_ =	shalt  }
tec
execute0_lowered:
.L_overlay_start_1:
0x0: {  	(tag) =	ssettag $0x1  }
0x1: {  	s0 =	rddreg [dreg:$0x0]  }
0x2: {  	s1 =	rddreg [dreg:$0x1]  }
0x3: {  	s2 =	rddreg [dreg:$0x2];
	s12 =	stileid.u32  }
0x4: {  	s3 =	rddreg [dreg:$0x3];
	s6 =	smul.u32 $0x280, s12  }
0x5: {  	s5 =	srdreg.scid;
	s4 =	simm.s32 $0x0;
	s15 =	smul.u32 $0xA000, s12  }
0x6: {  	s29 =	simm.s32 $0x9;
	s5 =	sand.u32 $0x1, s5;
	s10 =	smul.u32 $0x5000, s12  }
0x7: {  	[smem:$0x7FF] =	sst s4;
	s8 =	sadd.s32 $0xAC00, s0;
	s11 =	smul.u32 $0x500, s12  }
0x8: {  	s9 =	sadd.s32 $0xC00, s0;
	s17 =	sshll.u32 s12, $0x6;
	s28 =	smul.u32 $0xA00, s12  }
0x9: {  	s7 =	smul.u32 $0x2800, s5;
	_ =	strace $0x8000004A;
	s5 =	ssub.s32 $0x2, s5  }
0xa: {  	s17 =	sor.u32 $0x1C0D, s17;
	s16 =	sshrl.u32 s5, $0x1;
	s13 =	sadd.s32 s15, s2  }
0xb: {  	s18 =	sshrl.u32 s10, $0x3;
	s23 =	sadd.s32 s15, s3;
	[dreg:$0x6] =	wrdreg s17  }
0xc: {  	s1 =	sadd.s32 s1, s11;
	s31 =	sadd.s32 $0x2000, s15;
	[dreg:$0x5] =	wrdreg s13  }
0xd: {  	s12 =	sadd.s32 $0x4000, s15;
	s14 =	sadd.s32 $0x6000, s15;
	[dreg:$0x8] =	wrdreg s1  }
0xe: {  	s15 =	sadd.s32 $0x8000, s15;
	s19 =	sadd.s32 s8, s18;
	[dreg:$0x7] =	wrdreg s23  }
0xf: {  	s6 =	sadd.s32 s6, s7;
	s20 =	sadd.s32 s9, s18;
	[dreg:$0x9] =	wrdreg s19  }
0x10: {  	s5 =	ssub.s32 s5, s16;
	s11 =	sadd.s32 s31, s3;
	[dreg:$0xa] =	wrdreg s20  }
0x11: {  	s21 =	sor.u32 $0x10, s18;
	s13 =	sadd.s32 s12, s2;
	[dreg:$0x11] =	wrdreg s11  }
0x12: {  	s10 =	sor.u32 $0x20, s18;
	s16 =	sadd.s32 s15, s2;
	[dreg:$0x14] =	wrdreg s13  }
0x13: {  	s26 =	sor.u32 $0x30, s18;
	s22 =	sadd.s32 s8, s21;
	[dreg:$0x18] =	wrdreg s16  }
0x14: {  	s18 =	sadd.s32 s28, s9;
	s1 =	sadd.s32 s9, s21;
	[dreg:$0xb] =	wrdreg s22  }
0x15: {  	s7 =	simm.s32 $0x0;
	s24 =	sadd.s32 s8, s10;
	[dreg:$0xc] =	wrdreg s1  }
0x16: {  	s6 =	sshll.u32 s6, $0x3;
	s25 =	sadd.s32 s9, s10;
	[dreg:$0xd] =	wrdreg s24  }
0x17: {  	s30 =	sadd.s32 s8, s26;
	s19 =	sadd.s32 s28, s8;
	[dreg:$0xe] =	wrdreg s25  }
0x18: {  	s28 =	sadd.s32 s14, s3;
	s8 =	simm.s32 $0x14000;
	[dreg:$0xf] =	wrdreg s30  }
0x19: {  	s10 =	simm.s32 $0x1;
	s1 =	sadd.s32 s9, s26;
	[dreg:$0x15] =	wrdreg s28  }
0x1a: {  	s11 =	simm.s32 $0x80;
	s25 =	sadd.s32 s12, s3;
	[dreg:$0x10] =	wrdreg s1  }
0x1b: {  	s13 =	simm.s32 $0x2;
	s30 =	sadd.s32 s15, s3;
	[dreg:$0x12] =	wrdreg s25  }
0x1c: {  	s0 =	sadd.s32 s6, s0;
	s1 =	sadd.s32 s31, s2;
	[dreg:$0x17] =	wrdreg s30  }
0x1d: {  	s16 =	simm.s32 $0x18600;
	s20 =	sadd.s32 $0x14C00, s0;
	[dreg:$0x13] =	wrdreg s1  }
0x1e: {  	s6 =	simm.s32 $0x14100;
	s21 =	sadd.s32 $0x15000, s0;
	[dreg:$0x19] =	wrdreg s20  }
0x1f: {  	s9 =	simm.s32 $0x14180;
	s22 =	sadd.s32 $0x15400, s0;
	[dreg:$0x1a] =	wrdreg s21  }
0x20: {  	s12 =	simm.s32 $0x14600;
	s24 =	sadd.s32 $0x15800, s0;
	[dreg:$0x1b] =	wrdreg s22  }
0x21: {  	s15 =	simm.s32 $0x3;
	s26 =	sadd.s32 $0x15C00, s0;
	[dreg:$0x1c] =	wrdreg s24  }
0x22: {  	s0 =	sadd.s32 $0x3CC00, s0;
	s31 =	smax.u32 s5, $0x1;
	[dreg:$0x1d] =	wrdreg s26  }
0x23: {  	s5 =	simm.s32 $0x4;
	s1 =	sadd.s32 s14, s2;
	[dreg:$0x1e] =	wrdreg s0  }
0x24: {  	[dreg:$0x1f] =	wrdreg s31;
	s20 =	simm.s32 $0xD;
	s14 =	simm.s32 $0x16600  }
0x25: {  	s21 =	simm.s32 $0x1A600;
	s22 =	simm.s32 $0x5;
	s24 =	simm.s32 $0x7  }
0x26: {  	s26 =	simm.s32 $0x8;
	[dreg:$0x16] =	wrdreg s1;
	s1 =	simm.s32 $0x14080  }
.LBB2_1:
0x27: {  	[smem:$0x7FC] =	sst s7  }
0x28: {  	s0 =	rddreg [dreg:$0x5]  }
0x29: {  	s25 =	rddreg [dreg:$0x19];
	s0 =	sshrl.u32 s0, $0x3  }
0x2a: {  	[smem:$0x7FD] =	sst s0  }
0x2b: {  	[spmem:s0], [sflag:s17] =	dma.local [hbm:s25], $0x1400  }
0x2c: {  	_ =	swait.ge [sflag:s20], $0x1400  }
0x2d: {  	[sflag:s20] =	ssyncset.done $0x0  }
0x2e: {  	s28 =	sshrl.u32 s23, $0x3;
	[sflag:s20] =	ssyncadd.s32 $0xFFFFEC00  }
0x2f: {  	[spmem:s28], [sflag:s17] =	dma.local [hbm:s25], $0x1400  }
0x30: {  	_ =	swait.ge [sflag:s20], $0x1400  }
0x31: {  	[sflag:s20] =	ssyncset.done $0x0  }
0x32: {  	s31 =	simm.s32 $0x1C600;
	s30 =	rddreg [dreg:$0x8];
	[sflag:s20] =	ssyncadd.s32 $0xFFFFEC00  }
0x33: {  	[tilespmem:s31], [sflag:$0xD] =	stream.linear.gather [hbm4b:s30+s4], $0x2800, $0x38;
	[tilespmem:$0x1EE00] =	vst v63  }
0x34: {  	_ =	swait.ge [sflag:s20], $0x2800  }
0x35: {  	[sflag:s20] =	ssyncset.done $0x0  }
0x36: {  	[sflag:s20] =	ssyncadd.s32 $0xFFFFD800  }
0x37: {  	s0 =	simm.s32 $0x0;
	[bflag:$0x0] =	sbarrier.arrive $0xFFFF  }
.LBB2_2:
0x38: {  	[smem:$0x7FB] =	sst s0  }
0x39: {  	s0 =	simm.s32 $0x0;
	s7 =	rddreg [dreg:$0x9]  }
0x3a: {  	[tilespmem:s8], [sflag:$0x1] =	stream.linear.gather [hbm4b:s7+s0], $0x80, $0x38;
	[tilespmem:$0x1EE00] =	vst v63  }
0x3b: {  	s25 =	rddreg [dreg:$0xa];
	s17 =	simm.s32 $0x14200  }
0x3c: {  	[tilespmem:s17], [sflag:$0x1] =	stream.linear.gather [hbm4b:s25+s0], $0x80, $0x38;
	[tilespmem:$0x1EE00] =	vst v63  }
0x3d: {  	s28 =	rddreg [dreg:$0xb]  }
0x3e: {  	[tilespmem:s1], [sflag:$0x2] =	stream.linear.gather [hbm4b:s28+s0], $0x80, $0x38;
	[tilespmem:$0x1EE00] =	vst v63  }
0x3f: {  	s30 =	rddreg [dreg:$0xc];
	s31 =	simm.s32 $0x14300  }
0x40: {  	[tilespmem:s31], [sflag:$0x2] =	stream.linear.gather [hbm4b:s30+s0], $0x80, $0x38;
	[tilespmem:$0x1EE00] =	vst v63  }
0x41: {  	s20 =	rddreg [dreg:$0xd]  }
0x42: {  	[tilespmem:s6], [sflag:$0x3] =	stream.linear.gather [hbm4b:s20+s0], $0x80, $0x38;
	[tilespmem:$0x1EE00] =	vst v63  }
0x43: {  	s23 =	rddreg [dreg:$0xe];
	s25 =	simm.s32 $0x14400  }
0x44: {  	[tilespmem:s25], [sflag:$0x3] =	stream.linear.gather [hbm4b:s23+s0], $0x80, $0x38;
	[tilespmem:$0x1EE00] =	vst v63  }
0x45: {  	s28 =	rddreg [dreg:$0xf]  }
0x46: {  	[tilespmem:s9], [sflag:$0x4] =	stream.linear.gather [hbm4b:s28+s0], $0x80, $0x38;
	[tilespmem:$0x1EE00] =	vst v63  }
0x47: {  	s7 =	simm.s32 $0x0;
	s30 =	rddreg [dreg:$0x10];
	s31 =	simm.s32 $0x14500  }
0x48: {  	[tilespmem:s31], [sflag:$0x4] =	stream.linear.gather [hbm4b:s30+s0], $0x80, $0x38;
	[tilespmem:$0x1EE00] =	vst v63  }
.LBB2_3:
0x49: {  	p0 =	seq.s32 s7, $0x0  }
0x4a: {  	s17 =	simm.s32 @!p0 $0x9  }
0x4b: {  	_ =	swait.ge @!p0 [sflag:s17], $0x2000  }
0x4c: {  	[sflag:s17] =	ssyncset.done @!p0 $0x0  }
0x4d: {  	[sflag:s17] =	ssyncadd.s32 @!p0 $0xFFFFE000  }
0x4e: {  	_ =	swait.ge [sflag:s10], $0x80  }
0x4f: {  	[sflag:s10] =	ssyncset.done $0x0  }
0x50: {  	[sflag:s10] =	ssyncadd.s32 $0xFFFFFF80  }
0x51: {  	_ =	swait.ge [sflag:s10], $0x80  }
0x52: {  	[sflag:s10] =	ssyncset.done $0x0  }
0x53: {  	s17 =	simm.s32 @!p0 $0xA;
	[sflag:s10] =	ssyncadd.s32 $0xFFFFFF80  }
0x54: {  	[tilespmem:s12], [sflag:$0x5] =	stream.indirect.gather [spmem:s2], $0x40, s8, s11, $0xb8;
	[tilespmem:$0x1EE00] =	vst v63  }
0x55: {  	_ =	swait.ge @!p0 [sflag:s17], $0x2000  }
0x56: {  	[sflag:s17] =	ssyncset.done @!p0 $0x0  }
0x57: {  	[sflag:s17] =	ssyncadd.s32 @!p0 $0xFFFFE000  }
0x58: {  	_ =	swait.ge [sflag:s13], $0x80  }
0x59: {  	[sflag:s13] =	ssyncset.done $0x0  }
0x5a: {  	[sflag:s13] =	ssyncadd.s32 $0xFFFFFF80  }
0x5b: {  	_ =	swait.ge [sflag:s13], $0x80  }
0x5c: {  	[sflag:s13] =	ssyncset.done $0x0  }
0x5d: {  	s17 =	simm.s32 @!p0 $0xB;
	[sflag:s13] =	ssyncadd.s32 $0xFFFFFF80  }
0x5e: {  	[tilespmem:s14], [sflag:$0x6] =	stream.indirect.gather [spmem:s2], $0x40, s1, s11, $0xb8;
	[tilespmem:$0x1EE00] =	vst v63  }
0x5f: {  	_ =	swait.ge @!p0 [sflag:s17], $0x2000  }
0x60: {  	[sflag:s17] =	ssyncset.done @!p0 $0x0  }
0x61: {  	[sflag:s17] =	ssyncadd.s32 @!p0 $0xFFFFE000  }
0x62: {  	_ =	swait.ge [sflag:s15], $0x80  }
0x63: {  	[sflag:s15] =	ssyncset.done $0x0  }
0x64: {  	[sflag:s15] =	ssyncadd.s32 $0xFFFFFF80  }
0x65: {  	_ =	swait.ge [sflag:s15], $0x80  }
0x66: {  	[sflag:s15] =	ssyncset.done $0x0  }
0x67: {  	s17 =	simm.s32 @!p0 $0xC;
	[sflag:s15] =	ssyncadd.s32 $0xFFFFFF80  }
0x68: {  	[tilespmem:s16], [sflag:$0x7] =	stream.indirect.gather [spmem:s2], $0x40, s6, s11, $0xb8;
	[tilespmem:$0x1EE00] =	vst v63  }
0x69: {  	_ =	swait.ge @!p0 [sflag:s17], $0x2000  }
0x6a: {  	[sflag:s17] =	ssyncset.done @!p0 $0x0  }
0x6b: {  	[sflag:s17] =	ssyncadd.s32 @!p0 $0xFFFFE000  }
0x6c: {  	_ =	swait.ge [sflag:s5], $0x80  }
0x6d: {  	[sflag:s5] =	ssyncset.done $0x0  }
0x6e: {  	[sflag:s5] =	ssyncadd.s32 $0xFFFFFF80  }
0x6f: {  	_ =	swait.ge [sflag:s5], $0x80  }
0x70: {  	[sflag:s5] =	ssyncset.done $0x0  }
0x71: {  	[sflag:s5] =	ssyncadd.s32 $0xFFFFFF80  }
0x72: {  	[tilespmem:s21], [sflag:$0x8] =	stream.indirect.gather [spmem:s2], $0x40, s9, s11, $0xb8;
	[tilespmem:$0x1EE00] =	vst v63  }
0x73: {  	_ =	swait.ge [sflag:s22], $0x2000  }
0x74: {  	s17 =	sand.u32 $0x80, s0;
	[sflag:s22] =	ssyncset.done $0x0  }
0x75: {  	p0 =	seq.s32 s7, $0x9C0;
	s20 =	sor.u32 $0x14200, s17;
	[sflag:s22] =	ssyncadd.s32 $0xFFFFE000  }
0x76: {  	[spmem:s3] =	stream.indirect.scatter.add.f32 [tilespmem:s12], [sflag:$0x9], $0x40, s20, s11, $0xb8;
	[tilespmem:$0x1EE00] =	vst v63  }
0x77: {  	s20 =	simm.s32 @p0 $0x6  }
0x78: {  	_ =	swait.ge @p0 [sflag:s20], $0x2000  }
0x79: {  	s23 =	sor.u32 $0x14300, s17;
	[sflag:s20] =	ssyncset.done @p0 $0x0  }
0x7a: {  	s25 =	simm.s32 @p0 $0x16600;
	[sflag:s20] =	ssyncadd.s32 @p0 $0xFFFFE000;
	s20 =	simm.s32 @p0 $0x80  }
0x7b: {  	[spmem:s3] =	stream.indirect.scatter.add.f32 @p0 [tilespmem:s25], [sflag:$0xA], $0x40, s23, s20, $0xb8;
	[tilespmem:$0x1EE00] =	vst v63  }
0x7c: {  	s20 =	sadd.s32 @!p0 s7, s19  }
0x7d: {  	s28 =	simm.s32 @!p0 $0x0;
	s31 =	simm.s32 @!p0 $0x14000;
	s25 =	sadd.s32 @!p0 $0x40, s20  }
0x7e: {  	[tilespmem:s31], [sflag:$0x1] =	stream.linear.gather @!p0 [hbm4b:s25+s28], $0x80, $0x38;
	[tilespmem:$0x1EE00] =	vst v63  }
0x7f: {  	s25 =	sadd.s32 @!p0 s7, s18  }
0x80: {  	s31 =	ssub.s32 @!p0 $0x14280, s17;
	s30 =	sadd.s32 @!p0 $0x40, s25  }
0x81: {  	[tilespmem:s31], [sflag:$0x1] =	stream.linear.gather @!p0 [hbm4b:s30+s28], $0x80, $0x38;
	[tilespmem:$0x1EE00] =	vst v63  }
0x82: {  	s30 =	simm.s32 @!p0 $0x6  }
0x83: {  	_ =	swait.ge @!p0 [sflag:s30], $0x2000  }
0x84: {  	[sflag:s30] =	ssyncset.done @!p0 $0x0  }
0x85: {  	s31 =	simm.s32 @!p0 $0x16600;
	[sflag:s30] =	ssyncadd.s32 @!p0 $0xFFFFE000;
	s30 =	simm.s32 @!p0 $0x80  }
0x86: {  	[spmem:s3] =	stream.indirect.scatter.add.f32 @!p0 [tilespmem:s31], [sflag:$0xA], $0x40, s23, s30, $0xb8;
	[tilespmem:$0x1EE00] =	vst v63  }
0x87: {  	s20 =	sadd.s32 @!p0 $0x50, s20;
	s23 =	simm.s32 @!p0 $0x14080  }
0x88: {  	[tilespmem:s23], [sflag:$0x2] =	stream.linear.gather @!p0 [hbm4b:s20+s28], $0x80, $0x38;
	[tilespmem:$0x1EE00] =	vst v63  }
0x89: {  	s20 =	ssub.s32 @!p0 $0x14380, s17;
	s23 =	sadd.s32 @!p0 $0x50, s25  }
0x8a: {  	[tilespmem:s20], [sflag:$0x2] =	stream.linear.gather @!p0 [hbm4b:s23+s28], $0x80, $0x38;
	[tilespmem:$0x1EE00] =	vst v63  }
.Ltmp0:
0x8b: {  	_ = 	snop;
	(pc) =	sbr.rel @p0 .LBB2_5-.Ltmp0, $4  }
0x8c: {  	_ =	swait.ge [sflag:s24], $0x2000  }
0x8d: {  	[sflag:s24] =	ssyncset.done $0x0  }
0x8e: {  	s31 =	sor.u32 $0x14400, s17;
	s20 =	sor.u32 $0x14500, s17;
	[sflag:s24] =	ssyncadd.s32 $0xFFFFE000  }
0x8f: {  	[spmem:s3] =	stream.indirect.scatter.add.f32 [tilespmem:s16], [sflag:$0xB], $0x40, s31, s11, $0xb8;
	[tilespmem:$0x1EE00] =	vst v63  }
0x90: {  	s23 =	sadd.s32 s7, s19  }
0x91: {  	s31 =	sadd.s32 s7, s18;
	s25 =	sadd.s32 $0x60, s23  }
0x92: {  	[tilespmem:s6], [sflag:$0x3] =	stream.linear.gather [hbm4b:s25+s4], $0x80, $0x38;
	[tilespmem:$0x1EE00] =	vst v63  }
0x93: {  	s28 =	ssub.s32 $0x14480, s17;
	s30 =	sadd.s32 $0x60, s31  }
0x94: {  	[tilespmem:s28], [sflag:$0x3] =	stream.linear.gather [hbm4b:s30+s4], $0x80, $0x38;
	[tilespmem:$0x1EE00] =	vst v63  }
0x95: {  	_ =	swait.ge [sflag:s26], $0x2000  }
0x96: {  	[sflag:s26] =	ssyncset.done $0x0  }
0x97: {  	[sflag:s26] =	ssyncadd.s32 $0xFFFFE000  }
0x98: {  	[spmem:s3] =	stream.indirect.scatter.add.f32 [tilespmem:s21], [sflag:$0xC], $0x40, s20, s11, $0xb8;
	[tilespmem:$0x1EE00] =	vst v63  }
.Ltmp1:
0x99: {  	_ = 	snop;
	(pc) =	sbr.rel .LBB2_3-.Ltmp1, $4  }
0x9a: {  	s7 =	sadd.s32 $0x40, s7;
	s28 =	sadd.s32 $0x70, s23  }
0x9b: {  	[tilespmem:s9], [sflag:$0x4] =	stream.linear.gather [hbm4b:s28+s4], $0x80, $0x38;
	[tilespmem:$0x1EE00] =	vst v63  }
0x9c: {  	s0 =	sadd.s32 $0x80, s0;
	s31 =	sadd.s32 $0x70, s31;
	s30 =	ssub.s32 $0x14580, s17  }
0x9d: {  	[tilespmem:s30], [sflag:$0x4] =	stream.linear.gather [hbm4b:s31+s4], $0x80, $0x38;
	[tilespmem:$0x1EE00] =	vst v63  }
.LBB2_5:
0x9e: {  	_ =	swait.ge [sflag:s26], $0x2000  }
0x9f: {  	[sflag:s26] =	ssyncset.done $0x0  }
0xa0: {  	[sflag:s26] =	ssyncadd.s32 $0xFFFFE000  }
0xa1: {  	[spmem:s3] =	stream.indirect.scatter.add.f32 [tilespmem:s21], [sflag:$0xC], $0x40, s20, s11, $0xb8;
	[tilespmem:$0x1EE00] =	vst v63  }
0xa2: {  	_ =	swait.ge [sflag:s29], $0x2000  }
0xa3: {  	[sflag:s29] =	ssyncset.done $0x0  }
0xa4: {  	s31 =	simm.s32 $0xA;
	[sflag:s29] =	ssyncadd.s32 $0xFFFFE000  }
0xa5: {  	_ =	swait.ge [sflag:s31], $0x2000  }
0xa6: {  	[sflag:s31] =	ssyncset.done $0x0  }
0xa7: {  	s0 =	simm.s32 $0xB;
	[sflag:s31] =	ssyncadd.s32 $0xFFFFE000  }
0xa8: {  	_ =	swait.ge [sflag:s0], $0x2000  }
0xa9: {  	[sflag:s0] =	ssyncset.done $0x0  }
0xaa: {  	s23 =	simm.s32 $0xC;
	[sflag:s0] =	ssyncadd.s32 $0xFFFFE000  }
0xab: {  	_ =	swait.ge [sflag:s23], $0x2000  }
0xac: {  	[sflag:s23] =	ssyncset.done $0x0  }
0xad: {  	[sflag:s23] =	ssyncadd.s32 $0xFFFFE000  }
0xae: {  	[bflag:$0x0] =	sbarrier.arrive $0xFFFF  }
0xaf: {  	s23 =	rddreg [dreg:$0x7]  }
0xb0: {  	[tilespmem:s12], [sflag:$0x5] =	stream.linear.gather [spmem:s23], $0x2000, $0x38;
	[tilespmem:$0x1EE00] =	vst v63  }
0xb1: {  	s25 =	simm.s32 $0x0;
	s7 =	rddreg [dreg:$0x19]  }
0xb2: {  	[tilespmem:s14], [sflag:$0x7] =	stream.linear.gather [hbm4b:s7+s25], $0x2000, $0x38;
	[tilespmem:$0x1EE00] =	vst v63  }
0xb3: {  	s28 =	rddreg [dreg:$0x11]  }
0xb4: {  	[tilespmem:s16], [sflag:$0x6] =	stream.linear.gather [spmem:s28], $0x2000, $0x38;
	[tilespmem:$0x1EE00] =	vst v63  }
0xb5: {  	s30 =	rddreg [dreg:$0x1a]  }
0xb6: {  	[tilespmem:s21], [sflag:$0x8] =	stream.linear.gather [hbm4b:s30+s25], $0x2000, $0x38;
	[tilespmem:$0x1EE00] =	vst v63  }
0xb7: {  	_ =	swait.ge [sflag:s22], $0x2000  }
0xb8: {  	[sflag:s22] =	ssyncset.done $0x0  }
0xb9: {  	[sflag:s22] =	ssyncadd.s32 $0xFFFFE000  }
0xba: {  	_ =	swait.ge [sflag:s24], $0x2000  }
0xbb: {  	[sflag:s24] =	ssyncset.done $0x0  }
0xbc: {  	s0 =	simm.s32 $0x0;
	[sflag:s24] =	ssyncadd.s32 $0xFFFFE000  }
0xbd: {  	v1 =	vld [tilespmem:s0+$0x16630]  }
0xbe: {  	v0 =	vld [tilespmem:s0+$0x16620]  }
0xbf: {  	v3 =	vld [tilespmem:s0+$0x16610]  }
0xc0: {  	v4 =	vld [tilespmem:s0+$0x14610]  }
0xc1: {  	v2 =	vld [tilespmem:s0+$0x14630]  }
0xc2: {  	s7 =	simm.s32 $0x1C600;
	v6 =	vld [tilespmem:s0+$0x16600]  }
0xc3: {  	v5 =	vld [tilespmem:s7+$0x0]  }
0xc4: {  	v7 =	vld [tilespmem:s0+$0x14620]  }
0xc5: {  	s17 =	simm.s32 $0x100;
	v8 =	vld [tilespmem:s0+$0x14600];
	v1 =	vmul.f32 $1.000000010e-01, v1  }
.LBB2_6:
0xc6: {  	p0 =	sne.s32 s17, $0x7F00  }
0xc7: {  	s7 =	sadd.s32 $0x10, s7;
	s20 =	smov.u32 s17;
	s17 =	sadd.s32 $0x100, s17  }
0xc8: {  	v3 =	vmul.f32 $1.000000010e-01, v3;
	v9 =	vmul.f32 $1.000000010e-01, v0  }
0xc9: {  	v6 =	vmul.f32 $1.000000010e-01, v6;
	v0 =	vmul.f32 v4, v5  }
0xca: {  	s20 =	sshra.s32 s20, $0x2;
	v2 =	vmul.f32 v2, v5;
	v4 =	vmul.f32 v7, v5  }
0xcb: {  	v7 =	vld [tilespmem:s20+$0x16630];
	v5 =	vmul.f32 v8, v5;
	v8 =	vadd.f32 v3, v0  }
0xcc: {  	v1 =	vadd.f32 v1, v2;
	v0 =	vld [tilespmem:s20+$0x16620];
	v9 =	vadd.f32 v9, v4  }
0xcd: {  	v3 =	vld [tilespmem:s20+$0x16610];
	v5 =	vadd.f32 v6, v5;
	[tilespmem:s0+$0x14610] =	vst v8  }
0xce: {  	v4 =	vld [tilespmem:s20+$0x14610];
	[tilespmem:s0+$0x14630] =	vst v1  }
.Ltmp2:
0xcf: {  	v2 =	vld [tilespmem:s20+$0x14630];
	[tilespmem:s0+$0x14600] =	vst v5;
	(pc) =	sbr.rel @p0 .LBB2_6-.Ltmp2, $4  }
0xd0: {  	v6 =	vld [tilespmem:s20+$0x16600];
	v1 =	vmul.f32 $1.000000010e-01, v7;
	[tilespmem:s0+$0x14620] =	vst v9;
	s0 =	smov.u32 s20  }
0xd1: {  	v5 =	vld [tilespmem:s7+$0x0]  }
0xd2: {  	v7 =	vld [tilespmem:s0+$0x14620]  }
0xd3: {  	v8 =	vld [tilespmem:s0+$0x14600]  }
0xd4: {  	_ =	sdelay $0x1  }
0xd5: {  	v3 =	vmul.f32 $1.000000010e-01, v3;
	v4 =	vmul.f32 v4, v5  }
0xd6: {  	v2 =	vmul.f32 v2, v5  }
0xd7: {  	v6 =	vmul.f32 $1.000000010e-01, v6;
	v8 =	vmul.f32 v8, v5;
	v3 =	vadd.f32 v3, v4  }
0xd8: {  	v0 =	vmul.f32 $1.000000010e-01, v0;
	v4 =	vmul.f32 v7, v5;
	v1 =	vadd.f32 v1, v2  }
0xd9: {  	v2 =	vadd.f32 v6, v8;
	[tilespmem:s0+$0x14610] =	vst v3  }
0xda: {  	v0 =	vadd.f32 v0, v4;
	[tilespmem:s0+$0x14630] =	vst v1  }
0xdb: {  	[tilespmem:s0+$0x14600] =	vst v2  }
0xdc: {  	[tilespmem:s0+$0x14620] =	vst v0  }
0xdd: {  	[spmem:s23] =	stream.linear.scatter [tilespmem:s12], [sflag:$0x9], $0x2000, $0x38;
	[tilespmem:$0x1EE00] =	vst v63  }
0xde: {  	s7 =	rddreg [dreg:$0x5]  }
0xdf: {  	[spmem:s7] =	stream.linear.scatter [tilespmem:s12], [sflag:$0x9], $0x2000, $0x38;
	[tilespmem:$0x1EE00] =	vst v63  }
0xe0: {  	_ =	swait.ge [sflag:s29], $0x2000  }
0xe1: {  	[sflag:s29] =	ssyncset.done $0x0  }
0xe2: {  	[sflag:s29] =	ssyncadd.s32 $0xFFFFE000  }
0xe3: {  	_ =	swait.ge [sflag:s29], $0x2000  }
0xe4: {  	[sflag:s29] =	ssyncset.done $0x0  }
0xe5: {  	s25 =	rddreg [dreg:$0x12];
	[sflag:s29] =	ssyncadd.s32 $0xFFFFE000  }
0xe6: {  	[tilespmem:s12], [sflag:$0x5] =	stream.linear.gather [spmem:s25], $0x2000, $0x38;
	[tilespmem:$0x1EE00] =	vst v63  }
0xe7: {  	s17 =	simm.s32 $0x0;
	s20 =	simm.s32 $0x6;
	s7 =	rddreg [dreg:$0x1b]  }
0xe8: {  	[tilespmem:s14], [sflag:$0x7] =	stream.linear.gather [hbm4b:s7+s17], $0x2000, $0x38;
	[tilespmem:$0x1EE00] =	vst v63  }
0xe9: {  	_ =	swait.ge [sflag:s20], $0x2000  }
0xea: {  	[sflag:s20] =	ssyncset.done $0x0  }
0xeb: {  	[sflag:s20] =	ssyncadd.s32 $0xFFFFE000  }
0xec: {  	_ =	swait.ge [sflag:s26], $0x2000  }
0xed: {  	[sflag:s26] =	ssyncset.done $0x0  }
0xee: {  	s0 =	simm.s32 $0x0;
	[sflag:s26] =	ssyncadd.s32 $0xFFFFE000  }
0xef: {  	v1 =	vld [tilespmem:s0+$0x1A630]  }
0xf0: {  	v0 =	vld [tilespmem:s0+$0x1A620]  }
0xf1: {  	v3 =	vld [tilespmem:s0+$0x1A610]  }
0xf2: {  	v4 =	vld [tilespmem:s0+$0x18610]  }
0xf3: {  	v2 =	vld [tilespmem:s0+$0x18630]  }
0xf4: {  	s7 =	simm.s32 $0x1CE00;
	v6 =	vld [tilespmem:s0+$0x1A600]  }
0xf5: {  	v5 =	vld [tilespmem:s7+$0x0]  }
0xf6: {  	s28 =	rddreg [dreg:$0x15];
	v7 =	vld [tilespmem:s0+$0x18620]  }
0xf7: {  	s17 =	simm.s32 $0x100;
	s30 =	rddreg [dreg:$0x17];
	v8 =	vld [tilespmem:s0+$0x18600];
	v1 =	vmul.f32 $1.000000010e-01, v1  }
.LBB2_8:
0xf8: {  	p0 =	sne.s32 s17, $0x7F00  }
0xf9: {  	s7 =	sadd.s32 $0x10, s7;
	s20 =	smov.u32 s17;
	s17 =	sadd.s32 $0x100, s17  }
0xfa: {  	v3 =	vmul.f32 $1.000000010e-01, v3;
	v9 =	vmul.f32 $1.000000010e-01, v0  }
0xfb: {  	v6 =	vmul.f32 $1.000000010e-01, v6;
	v0 =	vmul.f32 v4, v5  }
0xfc: {  	s20 =	sshra.s32 s20, $0x2;
	v2 =	vmul.f32 v2, v5;
	v4 =	vmul.f32 v7, v5  }
0xfd: {  	v7 =	vld [tilespmem:s20+$0x1A630];
	v5 =	vmul.f32 v8, v5;
	v8 =	vadd.f32 v3, v0  }
0xfe: {  	v1 =	vadd.f32 v1, v2;
	v0 =	vld [tilespmem:s20+$0x1A620];
	v9 =	vadd.f32 v9, v4  }
0xff: {  	v3 =	vld [tilespmem:s20+$0x1A610];
	v5 =	vadd.f32 v6, v5;
	[tilespmem:s0+$0x18610] =	vst v8  }
0x100: {  	v4 =	vld [tilespmem:s20+$0x18610];
	[tilespmem:s0+$0x18630] =	vst v1  }
.Ltmp3:
0x101: {  	v2 =	vld [tilespmem:s20+$0x18630];
	[tilespmem:s0+$0x18600] =	vst v5;
	(pc) =	sbr.rel @p0 .LBB2_8-.Ltmp3, $4  }
0x102: {  	v6 =	vld [tilespmem:s20+$0x1A600];
	v1 =	vmul.f32 $1.000000010e-01, v7;
	[tilespmem:s0+$0x18620] =	vst v9;
	s0 =	smov.u32 s20  }
0x103: {  	v5 =	vld [tilespmem:s7+$0x0]  }
0x104: {  	v7 =	vld [tilespmem:s0+$0x18620]  }
0x105: {  	v8 =	vld [tilespmem:s0+$0x18600]  }
0x106: {  	_ =	sdelay $0x1  }
0x107: {  	v3 =	vmul.f32 $1.000000010e-01, v3;
	v4 =	vmul.f32 v4, v5  }
0x108: {  	v2 =	vmul.f32 v2, v5  }
0x109: {  	v6 =	vmul.f32 $1.000000010e-01, v6;
	v8 =	vmul.f32 v8, v5;
	v3 =	vadd.f32 v3, v4  }
0x10a: {  	v0 =	vmul.f32 $1.000000010e-01, v0;
	v4 =	vmul.f32 v7, v5;
	v1 =	vadd.f32 v1, v2  }
0x10b: {  	v2 =	vadd.f32 v6, v8;
	[tilespmem:s0+$0x18610] =	vst v3  }
0x10c: {  	v0 =	vadd.f32 v0, v4;
	[tilespmem:s0+$0x18630] =	vst v1  }
0x10d: {  	[tilespmem:s0+$0x18600] =	vst v2  }
0x10e: {  	s7 =	rddreg [dreg:$0x11];
	[tilespmem:s0+$0x18620] =	vst v0  }
0x10f: {  	[spmem:s7] =	stream.linear.scatter [tilespmem:s16], [sflag:$0xA], $0x2000, $0x38;
	[tilespmem:$0x1EE00] =	vst v63  }
0x110: {  	s17 =	rddreg [dreg:$0x13]  }
0x111: {  	[spmem:s17] =	stream.linear.scatter [tilespmem:s16], [sflag:$0xA], $0x2000, $0x38;
	[tilespmem:$0x1EE00] =	vst v63  }
0x112: {  	_ =	swait.ge [sflag:s31], $0x2000  }
0x113: {  	[sflag:s31] =	ssyncset.done $0x0  }
0x114: {  	[sflag:s31] =	ssyncadd.s32 $0xFFFFE000  }
0x115: {  	_ =	swait.ge [sflag:s31], $0x2000  }
0x116: {  	[sflag:s31] =	ssyncset.done $0x0  }
0x117: {  	[sflag:s31] =	ssyncadd.s32 $0xFFFFE000  }
0x118: {  	[tilespmem:s16], [sflag:$0x6] =	stream.linear.gather [spmem:s28], $0x2000, $0x38;
	[tilespmem:$0x1EE00] =	vst v63  }
0x119: {  	s20 =	simm.s32 $0x0;
	s7 =	rddreg [dreg:$0x1c]  }
0x11a: {  	[tilespmem:s21], [sflag:$0x8] =	stream.linear.gather [hbm4b:s7+s20], $0x2000, $0x38;
	[tilespmem:$0x1EE00] =	vst v63  }
0x11b: {  	_ =	swait.ge [sflag:s22], $0x2000  }
0x11c: {  	[sflag:s22] =	ssyncset.done $0x0  }
0x11d: {  	[sflag:s22] =	ssyncadd.s32 $0xFFFFE000  }
0x11e: {  	_ =	swait.ge [sflag:s24], $0x2000  }
0x11f: {  	[sflag:s24] =	ssyncset.done $0x0  }
0x120: {  	s0 =	simm.s32 $0x0;
	[sflag:s24] =	ssyncadd.s32 $0xFFFFE000  }
0x121: {  	v1 =	vld [tilespmem:s0+$0x16630]  }
0x122: {  	v0 =	vld [tilespmem:s0+$0x16620]  }
0x123: {  	v3 =	vld [tilespmem:s0+$0x16610]  }
0x124: {  	v4 =	vld [tilespmem:s0+$0x14610]  }
0x125: {  	v2 =	vld [tilespmem:s0+$0x14630]  }
0x126: {  	s7 =	simm.s32 $0x1D600;
	v6 =	vld [tilespmem:s0+$0x16600]  }
0x127: {  	v5 =	vld [tilespmem:s7+$0x0]  }
0x128: {  	v7 =	vld [tilespmem:s0+$0x14620]  }
0x129: {  	s17 =	simm.s32 $0x100;
	v8 =	vld [tilespmem:s0+$0x14600];
	v1 =	vmul.f32 $1.000000010e-01, v1  }
.LBB2_10:
0x12a: {  	p0 =	sne.s32 s17, $0x7F00  }
0x12b: {  	s7 =	sadd.s32 $0x10, s7;
	s20 =	smov.u32 s17;
	s17 =	sadd.s32 $0x100, s17  }
0x12c: {  	v3 =	vmul.f32 $1.000000010e-01, v3;
	v9 =	vmul.f32 $1.000000010e-01, v0  }
0x12d: {  	v6 =	vmul.f32 $1.000000010e-01, v6;
	v0 =	vmul.f32 v4, v5  }
0x12e: {  	s20 =	sshra.s32 s20, $0x2;
	v2 =	vmul.f32 v2, v5;
	v4 =	vmul.f32 v7, v5  }
0x12f: {  	v7 =	vld [tilespmem:s20+$0x16630];
	v5 =	vmul.f32 v8, v5;
	v8 =	vadd.f32 v3, v0  }
0x130: {  	v1 =	vadd.f32 v1, v2;
	v0 =	vld [tilespmem:s20+$0x16620];
	v9 =	vadd.f32 v9, v4  }
0x131: {  	v3 =	vld [tilespmem:s20+$0x16610];
	v5 =	vadd.f32 v6, v5;
	[tilespmem:s0+$0x14610] =	vst v8  }
0x132: {  	v4 =	vld [tilespmem:s20+$0x14610];
	[tilespmem:s0+$0x14630] =	vst v1  }
.Ltmp4:
0x133: {  	v2 =	vld [tilespmem:s20+$0x14630];
	[tilespmem:s0+$0x14600] =	vst v5;
	(pc) =	sbr.rel @p0 .LBB2_10-.Ltmp4, $4  }
0x134: {  	v6 =	vld [tilespmem:s20+$0x16600];
	v1 =	vmul.f32 $1.000000010e-01, v7;
	[tilespmem:s0+$0x14620] =	vst v9;
	s0 =	smov.u32 s20  }
0x135: {  	v5 =	vld [tilespmem:s7+$0x0]  }
0x136: {  	v7 =	vld [tilespmem:s0+$0x14620]  }
0x137: {  	v8 =	vld [tilespmem:s0+$0x14600]  }
0x138: {  	_ =	sdelay $0x1  }
0x139: {  	v3 =	vmul.f32 $1.000000010e-01, v3;
	v4 =	vmul.f32 v4, v5  }
0x13a: {  	v2 =	vmul.f32 v2, v5  }
0x13b: {  	v6 =	vmul.f32 $1.000000010e-01, v6;
	v8 =	vmul.f32 v8, v5;
	v3 =	vadd.f32 v3, v4  }
0x13c: {  	v0 =	vmul.f32 $1.000000010e-01, v0;
	v4 =	vmul.f32 v7, v5;
	v1 =	vadd.f32 v1, v2  }
0x13d: {  	v2 =	vadd.f32 v6, v8;
	[tilespmem:s0+$0x14610] =	vst v3  }
0x13e: {  	v0 =	vadd.f32 v0, v4;
	[tilespmem:s0+$0x14630] =	vst v1  }
0x13f: {  	[tilespmem:s0+$0x14600] =	vst v2  }
0x140: {  	[tilespmem:s0+$0x14620] =	vst v0  }
0x141: {  	[spmem:s25] =	stream.linear.scatter [tilespmem:s12], [sflag:$0x9], $0x2000, $0x38;
	[tilespmem:$0x1EE00] =	vst v63  }
0x142: {  	s17 =	rddreg [dreg:$0x14]  }
0x143: {  	[spmem:s17] =	stream.linear.scatter [tilespmem:s12], [sflag:$0x9], $0x2000, $0x38;
	[tilespmem:$0x1EE00] =	vst v63  }
0x144: {  	_ =	swait.ge [sflag:s29], $0x2000  }
0x145: {  	[sflag:s29] =	ssyncset.done $0x0  }
0x146: {  	[sflag:s29] =	ssyncadd.s32 $0xFFFFE000  }
0x147: {  	_ =	swait.ge [sflag:s29], $0x2000  }
0x148: {  	[sflag:s29] =	ssyncset.done $0x0  }
0x149: {  	[sflag:s29] =	ssyncadd.s32 $0xFFFFE000  }
0x14a: {  	[tilespmem:s12], [sflag:$0x5] =	stream.linear.gather [spmem:s30], $0x2000, $0x38;
	[tilespmem:$0x1EE00] =	vst v63  }
0x14b: {  	s20 =	simm.s32 $0x0;
	s25 =	simm.s32 $0x6;
	s7 =	rddreg [dreg:$0x1d]  }
0x14c: {  	[tilespmem:s14], [sflag:$0x7] =	stream.linear.gather [hbm4b:s7+s20], $0x2000, $0x38;
	[tilespmem:$0x1EE00] =	vst v63  }
0x14d: {  	_ =	swait.ge [sflag:s25], $0x2000  }
0x14e: {  	[sflag:s25] =	ssyncset.done $0x0  }
0x14f: {  	[sflag:s25] =	ssyncadd.s32 $0xFFFFE000  }
0x150: {  	_ =	swait.ge [sflag:s26], $0x2000  }
0x151: {  	[sflag:s26] =	ssyncset.done $0x0  }
0x152: {  	s0 =	simm.s32 $0x0;
	[sflag:s26] =	ssyncadd.s32 $0xFFFFE000  }
0x153: {  	v1 =	vld [tilespmem:s0+$0x1A630]  }
0x154: {  	v0 =	vld [tilespmem:s0+$0x1A620]  }
0x155: {  	v3 =	vld [tilespmem:s0+$0x1A610]  }
0x156: {  	v4 =	vld [tilespmem:s0+$0x18610]  }
0x157: {  	v2 =	vld [tilespmem:s0+$0x18630]  }
0x158: {  	s7 =	simm.s32 $0x1DE00;
	v6 =	vld [tilespmem:s0+$0x1A600]  }
0x159: {  	v5 =	vld [tilespmem:s7+$0x0]  }
0x15a: {  	v7 =	vld [tilespmem:s0+$0x18620]  }
0x15b: {  	s17 =	simm.s32 $0x100;
	v8 =	vld [tilespmem:s0+$0x18600];
	v1 =	vmul.f32 $1.000000010e-01, v1  }
.LBB2_12:
0x15c: {  	p0 =	sne.s32 s17, $0x7F00  }
0x15d: {  	s7 =	sadd.s32 $0x10, s7;
	s20 =	smov.u32 s17;
	s17 =	sadd.s32 $0x100, s17  }
0x15e: {  	v3 =	vmul.f32 $1.000000010e-01, v3;
	v9 =	vmul.f32 $1.000000010e-01, v0  }
0x15f: {  	v6 =	vmul.f32 $1.000000010e-01, v6;
	v0 =	vmul.f32 v4, v5  }
0x160: {  	s20 =	sshra.s32 s20, $0x2;
	v2 =	vmul.f32 v2, v5;
	v4 =	vmul.f32 v7, v5  }
0x161: {  	v7 =	vld [tilespmem:s20+$0x1A630];
	v5 =	vmul.f32 v8, v5;
	v8 =	vadd.f32 v3, v0  }
0x162: {  	v1 =	vadd.f32 v1, v2;
	v0 =	vld [tilespmem:s20+$0x1A620];
	v9 =	vadd.f32 v9, v4  }
0x163: {  	v3 =	vld [tilespmem:s20+$0x1A610];
	v5 =	vadd.f32 v6, v5;
	[tilespmem:s0+$0x18610] =	vst v8  }
0x164: {  	v4 =	vld [tilespmem:s20+$0x18610];
	[tilespmem:s0+$0x18630] =	vst v1  }
.Ltmp5:
0x165: {  	v2 =	vld [tilespmem:s20+$0x18630];
	[tilespmem:s0+$0x18600] =	vst v5;
	(pc) =	sbr.rel @p0 .LBB2_12-.Ltmp5, $4  }
0x166: {  	v6 =	vld [tilespmem:s20+$0x1A600];
	v1 =	vmul.f32 $1.000000010e-01, v7;
	[tilespmem:s0+$0x18620] =	vst v9;
	s0 =	smov.u32 s20  }
0x167: {  	v5 =	vld [tilespmem:s7+$0x0]  }
0x168: {  	v7 =	vld [tilespmem:s0+$0x18620]  }
0x169: {  	v8 =	vld [tilespmem:s0+$0x18600]  }
0x16a: {  	_ =	sdelay $0x1  }
0x16b: {  	v3 =	vmul.f32 $1.000000010e-01, v3;
	v4 =	vmul.f32 v4, v5  }
0x16c: {  	v2 =	vmul.f32 v2, v5  }
0x16d: {  	v6 =	vmul.f32 $1.000000010e-01, v6;
	v8 =	vmul.f32 v8, v5;
	v3 =	vadd.f32 v3, v4  }
0x16e: {  	v0 =	vmul.f32 $1.000000010e-01, v0;
	v4 =	vmul.f32 v7, v5;
	v1 =	vadd.f32 v1, v2  }
0x16f: {  	v2 =	vadd.f32 v6, v8;
	[tilespmem:s0+$0x18610] =	vst v3  }
0x170: {  	v0 =	vadd.f32 v0, v4;
	[tilespmem:s0+$0x18630] =	vst v1  }
0x171: {  	[tilespmem:s0+$0x18600] =	vst v2  }
0x172: {  	[tilespmem:s0+$0x18620] =	vst v0  }
0x173: {  	[spmem:s28] =	stream.linear.scatter [tilespmem:s16], [sflag:$0xA], $0x2000, $0x38;
	[tilespmem:$0x1EE00] =	vst v63  }
0x174: {  	s28 =	rddreg [dreg:$0x16]  }
0x175: {  	[spmem:s28] =	stream.linear.scatter [tilespmem:s16], [sflag:$0xA], $0x2000, $0x38;
	[tilespmem:$0x1EE00] =	vst v63  }
0x176: {  	_ =	swait.ge [sflag:s22], $0x2000  }
0x177: {  	[sflag:s22] =	ssyncset.done $0x0  }
0x178: {  	[sflag:s22] =	ssyncadd.s32 $0xFFFFE000  }
0x179: {  	_ =	swait.ge [sflag:s24], $0x2000  }
0x17a: {  	[sflag:s24] =	ssyncset.done $0x0  }
0x17b: {  	s0 =	simm.s32 $0x0;
	[sflag:s24] =	ssyncadd.s32 $0xFFFFE000  }
0x17c: {  	v1 =	vld [tilespmem:s0+$0x16630]  }
0x17d: {  	v0 =	vld [tilespmem:s0+$0x16620]  }
0x17e: {  	v3 =	vld [tilespmem:s0+$0x16610]  }
0x17f: {  	v4 =	vld [tilespmem:s0+$0x14610]  }
0x180: {  	v2 =	vld [tilespmem:s0+$0x14630]  }
0x181: {  	s7 =	simm.s32 $0x1E600;
	v6 =	vld [tilespmem:s0+$0x16600]  }
0x182: {  	v5 =	vld [tilespmem:s7+$0x0]  }
0x183: {  	v7 =	vld [tilespmem:s0+$0x14620]  }
0x184: {  	s17 =	simm.s32 $0x100;
	v8 =	vld [tilespmem:s0+$0x14600];
	v1 =	vmul.f32 $1.000000010e-01, v1  }
.LBB2_14:
0x185: {  	p0 =	sne.s32 s17, $0x7F00  }
0x186: {  	s7 =	sadd.s32 $0x10, s7;
	s20 =	smov.u32 s17;
	s17 =	sadd.s32 $0x100, s17  }
0x187: {  	v3 =	vmul.f32 $1.000000010e-01, v3;
	v9 =	vmul.f32 $1.000000010e-01, v0  }
0x188: {  	v6 =	vmul.f32 $1.000000010e-01, v6;
	v0 =	vmul.f32 v4, v5  }
0x189: {  	s20 =	sshra.s32 s20, $0x2;
	v2 =	vmul.f32 v2, v5;
	v4 =	vmul.f32 v7, v5  }
0x18a: {  	v7 =	vld [tilespmem:s20+$0x16630];
	v5 =	vmul.f32 v8, v5;
	v8 =	vadd.f32 v3, v0  }
0x18b: {  	v1 =	vadd.f32 v1, v2;
	v0 =	vld [tilespmem:s20+$0x16620];
	v9 =	vadd.f32 v9, v4  }
0x18c: {  	v3 =	vld [tilespmem:s20+$0x16610];
	v5 =	vadd.f32 v6, v5;
	[tilespmem:s0+$0x14610] =	vst v8  }
0x18d: {  	v4 =	vld [tilespmem:s20+$0x14610];
	[tilespmem:s0+$0x14630] =	vst v1  }
.Ltmp6:
0x18e: {  	v2 =	vld [tilespmem:s20+$0x14630];
	[tilespmem:s0+$0x14600] =	vst v5;
	(pc) =	sbr.rel @p0 .LBB2_14-.Ltmp6, $4  }
0x18f: {  	v6 =	vld [tilespmem:s20+$0x16600];
	v1 =	vmul.f32 $1.000000010e-01, v7;
	[tilespmem:s0+$0x14620] =	vst v9;
	s0 =	smov.u32 s20  }
0x190: {  	v5 =	vld [tilespmem:s7+$0x0]  }
0x191: {  	v7 =	vld [tilespmem:s0+$0x14620]  }
0x192: {  	v8 =	vld [tilespmem:s0+$0x14600]  }
0x193: {  	_ =	sdelay $0x1  }
0x194: {  	v3 =	vmul.f32 $1.000000010e-01, v3;
	v4 =	vmul.f32 v4, v5  }
0x195: {  	v2 =	vmul.f32 v2, v5  }
0x196: {  	v0 =	vmul.f32 $1.000000010e-01, v0;
	v62 =	vmul.f32 v7, v5;
	v3 =	vadd.f32 v3, v4  }
0x197: {  	v6 =	vmul.f32 $1.000000010e-01, v6;
	v8 =	vmul.f32 v8, v5;
	v1 =	vadd.f32 v1, v2  }
0x198: {  	v0 =	vadd.f32 v0, v62;
	[tilespmem:s0+$0x14610] =	vst v3  }
0x199: {  	v63 =	vadd.f32 v6, v8;
	[tilespmem:s0+$0x14630] =	vst v1  }
0x19a: {  	[tilespmem:s0+$0x14620] =	vst v0  }
0x19b: {  	[tilespmem:s0+$0x14600] =	vst v63  }
0x19c: {  	[spmem:s30] =	stream.linear.scatter [tilespmem:s12], [sflag:$0x9], $0x2000, $0x38;
	[tilespmem:$0x1EE00] =	vst v63  }
0x19d: {  	s30 =	rddreg [dreg:$0x18]  }
0x19e: {  	[spmem:s30] =	stream.linear.scatter [tilespmem:s12], [sflag:$0x9], $0x2000, $0x38;
	[tilespmem:$0x1EE00] =	vst v63  }
0x19f: {  	_ =	swait.ge [sflag:s31], $0x2000  }
0x1a0: {  	[sflag:s31] =	ssyncset.done $0x0  }
0x1a1: {  	[sflag:s31] =	ssyncadd.s32 $0xFFFFE000  }
0x1a2: {  	_ =	swait.ge [sflag:s31], $0x2000  }
0x1a3: {  	[sflag:s31] =	ssyncset.done $0x0  }
0x1a4: {  	[sflag:s31] =	ssyncadd.s32 $0xFFFFE000  }
0x1a5: {  	_ =	swait.ge [sflag:s29], $0x2000  }
0x1a6: {  	[sflag:s29] =	ssyncset.done $0x0  }
0x1a7: {  	[sflag:s29] =	ssyncadd.s32 $0xFFFFE000  }
0x1a8: {  	_ =	swait.ge [sflag:s29], $0x2000  }
0x1a9: {  	s31 =	sld [smem:$0x7FB];
	_ =	sdelay $0x2  }
0x1aa: {  	s0 =	sadd.s32 $0x1, s31  }
0x1ab: {  	p0 =	sne.s32 s0, $0xA  }
.Ltmp7:
0x1ac: {  	_ = 	snop;
	(pc) =	sbr.rel @p0 .LBB2_2-.Ltmp7, $3  }
0x1ad: {  	[sflag:s29] =	ssyncset.done $0x0  }
0x1ae: {  	[sflag:s29] =	ssyncadd.s32 $0xFFFFE000  }
0x1af: {  	[bflag:$0x0] =	sbarrier.arrive $0xFFFF;
	_ =	sdelay $0x1  }
0x1b0: {  	s7 =	sld [smem:$0x7FD]  }
0x1b1: {  	s17 =	rddreg [dreg:$0x6]  }
0x1b2: {  	s0 =	rddreg [dreg:$0x1e];
	s20 =	simm.s32 $0xD  }
0x1b3: {  	[hbm:s0], [sflag:s17] =	dma.local [spmem:s7], $0x1400  }
0x1b4: {  	_ =	swait.ge [sflag:s20], $0x1400  }
0x1b5: {  	s30 =	sld [smem:$0x7FC];
	_ =	sdelay $0x2  }
0x1b6: {  	s31 =	rddreg [dreg:$0x1f];
	s7 =	sadd.s32 $0x1, s30  }
0x1b7: {  	p0 =	sne.s32 s7, s31  }
.Ltmp8:
0x1b8: {  	_ = 	snop;
	(pc) =	sbr.rel @p0 .LBB2_1-.Ltmp8, $3  }
0x1b9: {  	_ =	sdelay $0x1  }
0x1ba: {  	[sflag:s20] =	ssyncset.done $0x0  }
0x1bb: {  	[sflag:s20] =	ssyncadd.s32 $0xFFFFEC00  }
0x1bc: {  	_ =	sfence.sel $0x180000  }
0x1bd: {  	[bflag:$0x0] =	sbarrier.arrive $0xFFFF  }
0x1be: {  	_ =	strace $0x9000004A  }
0x1bf: {  	s0 =	stileid.u32;
	[bflag:$0x2] =	sbarrier.arrive $0xFFFF  }
0x1c0: {  	p0 =	sne.s32 s0, $0x0;
	s0 =	rddreg [dreg:$0x4]  }
0x1c1: {  	s0 =	sadd.s32 @!p0 $0x100000, s0  }
0x1c2: {  	[sflag:s0] =	ssyncadd.tile.s32 @!p0 $0x1;
	_ =	shalt  }
.Lfunc_end2:
_tile_overlayer_lowered:
.L_overlay_start_2:
0x1c3: {  	(tag) =	ssettag $0x2  }
0x1c4: {  	s0 =	rddreg [dreg:$0x0];
	s2 =	stileid.u32  }
0x1c5: {  	s1 =	rddreg [dreg:$0x1];
	p0 =	sne.s32 s2, $0x0  }
0x1c6: {  	s3 =	rddreg [dreg:$0x2];
	[bflag:$0x3] =	sbarrier.arrive $0xFFFF;
	s2 =	simm.s32 @!p0 $0x1C0D  }
0x1c7: {  	[timem:s3], [sflag:s2] =	dma.local @!p0 [hbm:s0], s1  }
0x1c8: {  	s0 =	simm.s32 @!p0 $0xD  }
0x1c9: {  	_ =	swait.ge @!p0 [sflag:s0], s1  }
0x1ca: {  	s1 =	ssub.s32 @!p0 $0x0, s1;
	[sflag:s0] =	ssyncset.done @!p0 $0x0  }
0x1cb: {  	[sflag:s0] =	ssyncadd.s32 @!p0 s1  }
0x1cc: {  	[bflag:$0x3] =	sbarrier.arrive $0xFFFF  }
0x1cd: {  	_ =	shalt  }

</sc_bundles>
